<compile_context>
chip_gen: v7x
topology: tpu7x:2x2x1
jax: 0.10.2.dev20260603
libtpu: 0.0.44.dev20260713+nightly
codegen_flags: <defaults>
</compile_context>

<pallas_src>
import functools

import jax
import jax.numpy as jnp
from jax import lax
from jax.experimental import pallas as pl
from jax.experimental.pallas import tpu as pltpu
from jax.experimental.pallas import tpu_sc as plsc

NUM_CORES = 2
NUM_SUBCORES = 16
LANES = 16
BLK = 128


def _make_kernel(batch, seq, vocab, dim):
    dpad = (dim + BLK - 1) // BLK * BLK
    spad = (seq + 7) // 8 * 8
    n_bb = batch // BLK
    n_vb = dpad // BLK
    assert n_bb * n_vb == 64
    tail = dim - (n_vb - 1) * BLK

    mesh = plsc.VectorSubcoreMesh(core_axis_name="c", subcore_axis_name="s")

    @functools.partial(
        pl.kernel,
        mesh=mesh,
        compiler_params=pltpu.CompilerParams(
            use_tc_tiling_on_sc=True, needs_layout_passes=False),
        out_type=jax.ShapeDtypeStruct((seq, dim, batch), jnp.float32),
        scratch_types=[
            pltpu.VMEM((spad, BLK), jnp.int32),
            pltpu.VMEM((BLK, 2 * BLK), jnp.float32),
            pltpu.VMEM((BLK, 2 * BLK), jnp.float32),
            pltpu.VMEM((BLK, BLK), jnp.float32),
            pltpu.VMEM((BLK, BLK), jnp.float32),
            pltpu.SemaphoreType.DMA,
            pltpu.SemaphoreType.DMA,
            pltpu.SemaphoreType.DMA,
            pltpu.SemaphoreType.DMA,
        ],
    )
    def k(table_hbm, idxT_hbm, out_hbm, idx_v, G0, G1, X0, X1, g0, g1, s0, s1):
        wid = lax.axis_index("s") * NUM_CORES + lax.axis_index("c")
        bb = wid // 4
        vb0 = 2 * (wid % 4)
        bcol = pl.multiple_of(bb * BLK, BLK)
        last = vb0 + 1 == n_vb - 1
        G = (G0, G1)
        XT = (X0, X1)
        gsem = (g0, g1)
        ssem = (s0, s1)

        pltpu.sync_copy(idxT_hbm.at[:, pl.ds(bcol, BLK)], idx_v)

        def g_start(t, b):
            vcol = pl.multiple_of(vb0 * BLK, BLK)
            pltpu.async_copy(
                table_hbm.at[idx_v.at[t], pl.ds(vcol, 2 * BLK)], G[b], gsem[b])

        def g_wait(b):
            pltpu.make_async_copy(
                table_hbm.at[pl.ds(0, BLK), pl.ds(0, 2 * BLK)], G[b],
                gsem[b]).wait()

        def s_start0(t):
            vcol = pl.multiple_of(vb0 * BLK, BLK)
            pltpu.async_copy(
                XT[0], out_hbm.at[t, pl.ds(vcol, BLK), pl.ds(bcol, BLK)], ssem[0])

        def s_wait0():
            pltpu.make_async_copy(
                XT[0], out_hbm.at[0, pl.ds(0, BLK), pl.ds(0, BLK)], ssem[0]).wait()

        def s_start1(t):
            @pl.when(last)
            def _():
                pltpu.async_copy(
                    XT[1].at[pl.ds(0, tail)],
                    out_hbm.at[t, pl.ds((n_vb - 1) * BLK, tail), pl.ds(bcol, BLK)],
                    ssem[1])

            @pl.when(jnp.logical_not(last))
            def _():
                vcol = pl.multiple_of((vb0 + 1) * BLK, BLK)
                pltpu.async_copy(
                    XT[1], out_hbm.at[t, pl.ds(vcol, BLK), pl.ds(bcol, BLK)],
                    ssem[1])

        def s_wait1():
            @pl.when(last)
            def _():
                pltpu.make_async_copy(
                    XT[1].at[pl.ds(0, tail)],
                    out_hbm.at[0, pl.ds(0, tail), pl.ds(0, BLK)], ssem[1]).wait()

            @pl.when(jnp.logical_not(last))
            def _():
                pltpu.make_async_copy(
                    XT[1], out_hbm.at[0, pl.ds(0, BLK), pl.ds(0, BLK)],
                    ssem[1]).wait()

        iota = lax.iota(jnp.int32, LANES)
        colperm = [(iota + d) & (LANES - 1) for d in range(LANES)]

        def transpose(b, h):
            src = G[b]
            dst = XT[h]

            @plsc.parallel_loop(0, (BLK // LANES) ** 2, unroll=4)
            def _(i):
                rows = iota + lax.div(i, 8) * LANES
                v0 = lax.rem(i, 8) * LANES + h * BLK
                for d in range(LANES):
                    cols = colperm[d] + v0
                    vals = plsc.load_gather(src, [rows, cols])
                    plsc.store_scatter(dst, [cols - h * BLK, rows], vals)

        g_start(0, 0)

        @pl.loop(0, seq, step=2)
        def _(t):
            for off in (0, 1):
                tt = t + off
                b = off
                g_wait(b)

                @pl.when(tt + 1 < seq)
                def _():
                    g_start(tt + 1, 1 - b)

                @pl.when(tt >= 1)
                def _():
                    s_wait0()

                transpose(b, 0)
                s_start0(tt)

                @pl.when(tt >= 1)
                def _():
                    s_wait1()

                transpose(b, 1)
                s_start1(tt)

        s_wait0()
        s_wait1()

    return k


def kernel(token_indices, token_embedding_table):
    b, t = token_indices.shape
    v, d = token_embedding_table.shape
    idx_t = jnp.pad(token_indices.astype(jnp.int32).T, ((0, 6), (0, 0)))
    table_pad = jnp.pad(token_embedding_table, ((0, 0), (0, 24)))
    x = _make_kernel(b, t, v, d)(table_pad, idx_t)
    return jnp.transpose(x, (2, 0, 1))

# --- scband reference (transcript-rebuilt; emitter-appended) ---
"""Pipeline reference for scband-bigram-lm-68942815035727 (READ-ONLY COPY).

The authoritative reference and input builder live on the scoring server;
editing this copy changes nothing except your own understanding.
"""

import jax, jax.numpy as jnp
import numpy as np

VOCAB_SIZE = 1000
BATCH = 1024
SEQ = 50


def setup_inputs(seed: int = 0) -> dict:
    key = jax.random.key(seed)
    k_idx, k_table = jax.random.split(key)
    token_indices = jax.random.randint(k_idx, (BATCH, SEQ), 0, VOCAB_SIZE, dtype=jnp.int64 if jax.config.jax_enable_x64 else jnp.int32)
    # Embedding table: nn.Embedding(vocab_size, vocab_size) default init ~ N(0, 1)
    token_embedding_table = jax.random.normal(k_table, (VOCAB_SIZE, VOCAB_SIZE), dtype=jnp.float32)
    return {"token_indices": token_indices, "token_embedding_table": token_embedding_table}


def reference(token_indices, token_embedding_table):
    # BigramLM.forward: logits = embedding_table[token_indices] -> (B, T, V)
    return jnp.take(token_embedding_table, token_indices, axis=0)

if __name__ == "__main__":
    import jax
    _d = setup_inputs()
    print(jax.jit(kernel)(*tuple(_d.values())))

</pallas_src>

<mosaic_0001>
#map = affine_map<(d0, d1) -> (0, 0)>
#map1 = affine_map<(d0, d1) -> (0, 0, 0)>
module attributes {stable_mosaic.version = 14 : i64} {
  func.func @k(%arg0: i32, %arg1: i32, %arg2: memref<1000x1024xf32, #tpu.memory_space<hbm>>, %arg3: memref<56x1024xi32, #tpu.memory_space<hbm>>, %arg4: memref<50x1000x1024xf32, #tpu.memory_space<hbm>>, %arg5: memref<56x128xi32, #tpu.memory_space<vmem>>, %arg6: memref<128x256xf32, #tpu.memory_space<vmem>>, %arg7: memref<128x256xf32, #tpu.memory_space<vmem>>, %arg8: memref<128x128xf32, #tpu.memory_space<vmem>>, %arg9: memref<128x128xf32, #tpu.memory_space<vmem>>, %arg10: memref<!tpu.dma_semaphore, #tpu.memory_space<semaphore_mem>>, %arg11: memref<!tpu.dma_semaphore, #tpu.memory_space<semaphore_mem>>, %arg12: memref<!tpu.dma_semaphore, #tpu.memory_space<semaphore_mem>>, %arg13: memref<!tpu.dma_semaphore, #tpu.memory_space<semaphore_mem>>) attributes {dimension_semantics = [#tpu.dimension_semantics<core_parallel>, #tpu.dimension_semantics<subcore_parallel>], iteration_bounds = array<i64: 2, 16>, scalar_prefetch = 0 : i64, scratch_operands = 9 : i64, tpu.core_type = #tpu.core_type<sc_vector_subcore>, window_params = [{transform_indices = #map}, {transform_indices = #map}, {transform_indices = #map1}]} {
    %mul3A = arith.constant 2 : i32
    %mul3A_0 = arith.muli %arg1, %mul3A : i32
    %add3A = arith.addi %mul3A_0, %arg0 : i32
    %jit3A = arith.constant 4 : i32
    %div3A = arith.divsi %add3A, %jit3A : i32
    %sign3A = arith.constant 0 : i32
    %sign3A_1 = arith.cmpi sgt, %add3A, %sign3A : i32
    %sign3A_2 = arith.extui %sign3A_1 : i1 to i32
    %sign3A_3 = arith.constant 0 : i32
    %sign3A_4 = arith.cmpi slt, %add3A, %sign3A_3 : i32
    %sign3A_5 = arith.extui %sign3A_4 : i1 to i32
    %sign3A_6 = arith.subi %sign3A_2, %sign3A_5 : i32
    %sign3A_7 = arith.constant 0 : i32
    %sign3A_8 = arith.cmpi sgt, %jit3A, %sign3A_7 : i32
    %sign3A_9 = arith.extui %sign3A_8 : i1 to i32
    %sign3A_10 = arith.constant 0 : i32
    %sign3A_11 = arith.cmpi slt, %jit3A, %sign3A_10 : i32
    %sign3A_12 = arith.extui %sign3A_11 : i1 to i32
    %sign3A_13 = arith.subi %sign3A_9, %sign3A_12 : i32
    %ne3A = arith.cmpi ne, %sign3A_6, %sign3A_13 : i32
    %rem3A = arith.remsi %add3A, %jit3A : i32
    %ne3A_14 = arith.constant 0 : i32
    %ne3A_15 = arith.cmpi ne, %rem3A, %ne3A_14 : i32
    %and3A = arith.andi %ne3A, %ne3A_15 : i1
    %sub3A = arith.constant 1 : i32
    %sub3A_16 = arith.subi %div3A, %sub3A : i32
    %select_n3A = arith.select %and3A, %sub3A_16, %div3A : i32
    %jit3A_17 = arith.constant 4 : i32
    %eq3A = arith.constant 0 : i32
    %eq3A_18 = arith.cmpi eq, %jit3A_17, %eq3A : i32
    %jit3A_19 = arith.constant 1 : i32
    %select_n3A_20 = arith.select %eq3A_18, %jit3A_19, %jit3A_17 : i32
    %rem3A_21 = arith.remsi %add3A, %select_n3A_20 : i32
    %ne3A_22 = arith.constant 0 : i32
    %ne3A_23 = arith.cmpi ne, %rem3A_21, %ne3A_22 : i32
    %lt3A = arith.constant 0 : i32
    %lt3A_24 = arith.cmpi slt, %rem3A_21, %lt3A : i32
    %lt3A_25 = arith.constant 0 : i32
    %lt3A_26 = arith.cmpi slt, %select_n3A_20, %lt3A_25 : i32
    %ne3A_27 = arith.xori %lt3A_24, %lt3A_26 : i1
    %and3A_28 = arith.andi %ne3A_27, %ne3A_23 : i1
    %add3A_29 = arith.addi %rem3A_21, %select_n3A_20 : i32
    %select_n3A_30 = arith.select %and3A_28, %add3A_29, %rem3A_21 : i32
    %mul3A_31 = arith.constant 2 : i32
    %mul3A_32 = arith.muli %mul3A_31, %select_n3A_30 : i32
    %mul3A_33 = arith.constant 128 : i32
    %mul3A_34 = arith.muli %select_n3A, %mul3A_33 : i32
    %multiple_of3A = tpu.assume_multiple %mul3A_34, 128 : i32
    %add3A_35 = arith.constant 1 : i32
    %add3A_36 = arith.addi %mul3A_32, %add3A_35 : i32
    %eq3A_37 = arith.constant 7 : i32
    %eq3A_38 = arith.cmpi eq, %add3A_36, %eq3A_37 : i32
    "tpu.region"() ({
      %run_scoped3A = tpu.sem_alloc : memref<!tpu.dma_semaphore, #tpu.memory_space<semaphore_mem>>
      %dma_start3A_160 = arith.constant 0 : i32
      %dma_start3A_161 = tpu.memref_slice %arg3[%dma_start3A_160, %multiple_of3A] : memref<56x1024xi32, #tpu.memory_space<hbm>> -> memref<56x128xi32, #tpu.memory_space<hbm>>
      %dma_start3A_162 = arith.constant 0 : i32
      %dma_start3A_163 = tpu.memref_slice %arg3[%dma_start3A_162, %multiple_of3A] : memref<56x1024xi32, #tpu.memory_space<hbm>> -> memref<56x128xi32, #tpu.memory_space<hbm>>
      tpu.enqueue_dma source(%dma_start3A_163 : memref<56x128xi32, #tpu.memory_space<hbm>>) target(%arg5 : memref<56x128xi32, #tpu.memory_space<vmem>>) target_semaphore(%run_scoped3A : memref<!tpu.dma_semaphore, #tpu.memory_space<semaphore_mem>>)
      %dma_wait3A_164 = arith.constant 0 : i32
      %dma_wait3A_165 = tpu.memref_slice %arg3[%dma_wait3A_164, %multiple_of3A] : memref<56x1024xi32, #tpu.memory_space<hbm>> -> memref<56x128xi32, #tpu.memory_space<hbm>>
      %dma_wait3A_166 = arith.constant 0 : i32
      %dma_wait3A_167 = tpu.memref_slice %arg3[%dma_wait3A_166, %multiple_of3A] : memref<56x1024xi32, #tpu.memory_space<hbm>> -> memref<56x128xi32, #tpu.memory_space<hbm>>
      tpu.wait_dma2 semaphore(%run_scoped3A : memref<!tpu.dma_semaphore, #tpu.memory_space<semaphore_mem>>) src(%dma_wait3A_167 : memref<56x128xi32, #tpu.memory_space<hbm>>) dst(%arg5 : memref<56x128xi32, #tpu.memory_space<vmem>>)
      tpu.yield
    }) : () -> ()
    %iota3A = tpu.iota {dimensions = array<i32: 0>} : vector<16xi32>
    %add3A_39 = arith.constant 0 : i32
    %add3A_40 = vector.broadcast %add3A_39 : i32 to vector<16xi32>
    %add3A_41 = arith.addi %iota3A, %add3A_40 : vector<16xi32>
    %and3A_42 = arith.constant 15 : i32
    %and3A_43 = vector.broadcast %and3A_42 : i32 to vector<16xi32>
    %and3A_44 = arith.andi %add3A_41, %and3A_43 : vector<16xi32>
    %add3A_45 = arith.constant 1 : i32
    %add3A_46 = vector.broadcast %add3A_45 : i32 to vector<16xi32>
    %add3A_47 = arith.addi %iota3A, %add3A_46 : vector<16xi32>
    %and3A_48 = arith.constant 15 : i32
    %and3A_49 = vector.broadcast %and3A_48 : i32 to vector<16xi32>
    %and3A_50 = arith.andi %add3A_47, %and3A_49 : vector<16xi32>
    %add3A_51 = arith.constant 2 : i32
    %add3A_52 = vector.broadcast %add3A_51 : i32 to vector<16xi32>
    %add3A_53 = arith.addi %iota3A, %add3A_52 : vector<16xi32>
    %and3A_54 = arith.constant 15 : i32
    %and3A_55 = vector.broadcast %and3A_54 : i32 to vector<16xi32>
    %and3A_56 = arith.andi %add3A_53, %and3A_55 : vector<16xi32>
    %add3A_57 = arith.constant 3 : i32
    %add3A_58 = vector.broadcast %add3A_57 : i32 to vector<16xi32>
    %add3A_59 = arith.addi %iota3A, %add3A_58 : vector<16xi32>
    %and3A_60 = arith.constant 15 : i32
    %and3A_61 = vector.broadcast %and3A_60 : i32 to vector<16xi32>
    %and3A_62 = arith.andi %add3A_59, %and3A_61 : vector<16xi32>
    %add3A_63 = arith.constant 4 : i32
    %add3A_64 = vector.broadcast %add3A_63 : i32 to vector<16xi32>
    %add3A_65 = arith.addi %iota3A, %add3A_64 : vector<16xi32>
    %and3A_66 = arith.constant 15 : i32
    %and3A_67 = vector.broadcast %and3A_66 : i32 to vector<16xi32>
    %and3A_68 = arith.andi %add3A_65, %and3A_67 : vector<16xi32>
    %add3A_69 = arith.constant 5 : i32
    %add3A_70 = vector.broadcast %add3A_69 : i32 to vector<16xi32>
    %add3A_71 = arith.addi %iota3A, %add3A_70 : vector<16xi32>
    %and3A_72 = arith.constant 15 : i32
    %and3A_73 = vector.broadcast %and3A_72 : i32 to vector<16xi32>
    %and3A_74 = arith.andi %add3A_71, %and3A_73 : vector<16xi32>
    %add3A_75 = arith.constant 6 : i32
    %add3A_76 = vector.broadcast %add3A_75 : i32 to vector<16xi32>
    %add3A_77 = arith.addi %iota3A, %add3A_76 : vector<16xi32>
    %and3A_78 = arith.constant 15 : i32
    %and3A_79 = vector.broadcast %and3A_78 : i32 to vector<16xi32>
    %and3A_80 = arith.andi %add3A_77, %and3A_79 : vector<16xi32>
    %add3A_81 = arith.constant 7 : i32
    %add3A_82 = vector.broadcast %add3A_81 : i32 to vector<16xi32>
    %add3A_83 = arith.addi %iota3A, %add3A_82 : vector<16xi32>
    %and3A_84 = arith.constant 15 : i32
    %and3A_85 = vector.broadcast %and3A_84 : i32 to vector<16xi32>
    %and3A_86 = arith.andi %add3A_83, %and3A_85 : vector<16xi32>
    %add3A_87 = arith.constant 8 : i32
    %add3A_88 = vector.broadcast %add3A_87 : i32 to vector<16xi32>
    %add3A_89 = arith.addi %iota3A, %add3A_88 : vector<16xi32>
    %and3A_90 = arith.constant 15 : i32
    %and3A_91 = vector.broadcast %and3A_90 : i32 to vector<16xi32>
    %and3A_92 = arith.andi %add3A_89, %and3A_91 : vector<16xi32>
    %add3A_93 = arith.constant 9 : i32
    %add3A_94 = vector.broadcast %add3A_93 : i32 to vector<16xi32>
    %add3A_95 = arith.addi %iota3A, %add3A_94 : vector<16xi32>
    %and3A_96 = arith.constant 15 : i32
    %and3A_97 = vector.broadcast %and3A_96 : i32 to vector<16xi32>
    %and3A_98 = arith.andi %add3A_95, %and3A_97 : vector<16xi32>
    %add3A_99 = arith.constant 10 : i32
    %add3A_100 = vector.broadcast %add3A_99 : i32 to vector<16xi32>
    %add3A_101 = arith.addi %iota3A, %add3A_100 : vector<16xi32>
    %and3A_102 = arith.constant 15 : i32
    %and3A_103 = vector.broadcast %and3A_102 : i32 to vector<16xi32>
    %and3A_104 = arith.andi %add3A_101, %and3A_103 : vector<16xi32>
    %add3A_105 = arith.constant 11 : i32
    %add3A_106 = vector.broadcast %add3A_105 : i32 to vector<16xi32>
    %add3A_107 = arith.addi %iota3A, %add3A_106 : vector<16xi32>
    %and3A_108 = arith.constant 15 : i32
    %and3A_109 = vector.broadcast %and3A_108 : i32 to vector<16xi32>
    %and3A_110 = arith.andi %add3A_107, %and3A_109 : vector<16xi32>
    %add3A_111 = arith.constant 12 : i32
    %add3A_112 = vector.broadcast %add3A_111 : i32 to vector<16xi32>
    %add3A_113 = arith.addi %iota3A, %add3A_112 : vector<16xi32>
    %and3A_114 = arith.constant 15 : i32
    %and3A_115 = vector.broadcast %and3A_114 : i32 to vector<16xi32>
    %and3A_116 = arith.andi %add3A_113, %and3A_115 : vector<16xi32>
    %add3A_117 = arith.constant 13 : i32
    %add3A_118 = vector.broadcast %add3A_117 : i32 to vector<16xi32>
    %add3A_119 = arith.addi %iota3A, %add3A_118 : vector<16xi32>
    %and3A_120 = arith.constant 15 : i32
    %and3A_121 = vector.broadcast %and3A_120 : i32 to vector<16xi32>
    %and3A_122 = arith.andi %add3A_119, %and3A_121 : vector<16xi32>
    %add3A_123 = arith.constant 14 : i32
    %add3A_124 = vector.broadcast %add3A_123 : i32 to vector<16xi32>
    %add3A_125 = arith.addi %iota3A, %add3A_124 : vector<16xi32>
    %and3A_126 = arith.constant 15 : i32
    %and3A_127 = vector.broadcast %and3A_126 : i32 to vector<16xi32>
    %and3A_128 = arith.andi %add3A_125, %and3A_127 : vector<16xi32>
    %add3A_129 = arith.constant 15 : i32
    %add3A_130 = vector.broadcast %add3A_129 : i32 to vector<16xi32>
    %add3A_131 = arith.addi %iota3A, %add3A_130 : vector<16xi32>
    %and3A_132 = arith.constant 15 : i32
    %and3A_133 = vector.broadcast %and3A_132 : i32 to vector<16xi32>
    %and3A_134 = arith.andi %add3A_131, %and3A_133 : vector<16xi32>
    %mul3A_135 = arith.constant 128 : i32
    %mul3A_136 = arith.muli %mul3A_32, %mul3A_135 : i32
    %multiple_of3A_137 = tpu.assume_multiple %mul3A_136, 128 : i32
    %dma_start3A = arith.constant 0 : i32
    %dma_start3A_138 = arith.constant 0 : i32
    %dma_start3A_139 = tpu.memref_slice %arg5[%dma_start3A, %dma_start3A_138] : memref<56x128xi32, #tpu.memory_space<vmem>> -> memref<1x128xi32, #tpu.memory_space<vmem>>
    %dma_start3A_140 = tpu.memref_squeeze %dma_start3A_139 : memref<1x128xi32, #tpu.memory_space<vmem>> -> memref<128xi32, #tpu.memory_space<vmem>>
    %dma_start3A_141 = arith.constant 0 : i32
    %dma_start3A_142 = tpu.memref_slice %arg2[%dma_start3A_141, %multiple_of3A_137] : memref<1000x1024xf32, #tpu.memory_space<hbm>> -> memref<1000x256xf32, #tpu.memory_space<hbm>>
    tpu.enqueue_indirect_dma source(%dma_start3A_142 : memref<1000x256xf32, #tpu.memory_space<hbm>>) target(%arg6 : memref<128x256xf32, #tpu.memory_space<vmem>>) offsets(%dma_start3A_140 : memref<128xi32, #tpu.memory_space<vmem>>) semaphore(%arg10 : memref<!tpu.dma_semaphore, #tpu.memory_space<semaphore_mem>>)
    %scan3A = arith.constant 0 : i32
    %scan3A_143 = arith.constant 25 : i32
    %scan3A_144 = arith.addi %scan3A, %scan3A_143 : i32
    %scan3A_145 = arith.constant 1 : i32
    scf.for %scan3A_160 = %scan3A to %scan3A_144 step %scan3A_145  : i32 {
      %mul3A_161 = arith.constant 2 : i32
      %mul3A_162 = arith.muli %scan3A_160, %mul3A_161 : i32
      %add3A_163 = arith.constant 0 : i32
      %add3A_164 = arith.addi %add3A_163, %mul3A_162 : i32
      %add3A_165 = arith.constant 0 : i32
      %add3A_166 = arith.addi %add3A_164, %add3A_165 : i32
      %dma_wait3A_167 = arith.constant 0 : i32
      %dma_wait3A_168 = arith.constant 0 : i32
      %dma_wait3A_169 = tpu.memref_slice %arg2[%dma_wait3A_167, %dma_wait3A_168] : memref<1000x1024xf32, #tpu.memory_space<hbm>> -> memref<128x256xf32, #tpu.memory_space<hbm>>
      %dma_wait3A_170 = arith.constant 0 : i32
      %dma_wait3A_171 = arith.constant 0 : i32
      %dma_wait3A_172 = tpu.memref_slice %arg2[%dma_wait3A_170, %dma_wait3A_171] : memref<1000x1024xf32, #tpu.memory_space<hbm>> -> memref<128x256xf32, #tpu.memory_space<hbm>>
      tpu.wait_dma2 semaphore(%arg10 : memref<!tpu.dma_semaphore, #tpu.memory_space<semaphore_mem>>) src(%dma_wait3A_172 : memref<128x256xf32, #tpu.memory_space<hbm>>) dst(%arg6 : memref<128x256xf32, #tpu.memory_space<vmem>>)
      %add3A_173 = arith.constant 1 : i32
      %add3A_174 = arith.addi %add3A_166, %add3A_173 : i32
      %lt3A_175 = arith.constant 50 : i32
      %lt3A_176 = arith.cmpi slt, %add3A_174, %lt3A_175 : i32
      %convert_element_type3A_177 = arith.extui %lt3A_176 : i1 to i32
      %cond3A_178 = arith.constant 0 : i32
      %cond3A_179 = arith.cmpi ne, %convert_element_type3A_177, %cond3A_178 : i32
      scf.if %cond3A_179 {
        %add3A_255 = arith.constant 1 : i32
        %add3A_256 = arith.addi %add3A_166, %add3A_255 : i32
        %mul3A_257 = arith.constant 128 : i32
        %mul3A_258 = arith.muli %mul3A_32, %mul3A_257 : i32
        %multiple_of3A_259 = tpu.assume_multiple %mul3A_258, 128 : i32
        %dma_start3A_260 = arith.constant 0 : i32
        %dma_start3A_261 = tpu.memref_slice %arg5[%add3A_256, %dma_start3A_260] : memref<56x128xi32, #tpu.memory_space<vmem>> -> memref<1x128xi32, #tpu.memory_space<vmem>>
        %dma_start3A_262 = tpu.memref_squeeze %dma_start3A_261 : memref<1x128xi32, #tpu.memory_space<vmem>> -> memref<128xi32, #tpu.memory_space<vmem>>
        %dma_start3A_263 = arith.constant 0 : i32
        %dma_start3A_264 = tpu.memref_slice %arg2[%dma_start3A_263, %multiple_of3A_259] : memref<1000x1024xf32, #tpu.memory_space<hbm>> -> memref<1000x256xf32, #tpu.memory_space<hbm>>
        tpu.enqueue_indirect_dma source(%dma_start3A_264 : memref<1000x256xf32, #tpu.memory_space<hbm>>) target(%arg7 : memref<128x256xf32, #tpu.memory_space<vmem>>) offsets(%dma_start3A_262 : memref<128xi32, #tpu.memory_space<vmem>>) semaphore(%arg11 : memref<!tpu.dma_semaphore, #tpu.memory_space<semaphore_mem>>)
      } else {
      }
      %ge3A = arith.constant 1 : i32
      %ge3A_180 = arith.cmpi sge, %add3A_166, %ge3A : i32
      %convert_element_type3A_181 = arith.extui %ge3A_180 : i1 to i32
      %cond3A_182 = arith.constant 0 : i32
      %cond3A_183 = arith.cmpi ne, %convert_element_type3A_181, %cond3A_182 : i32
      scf.if %cond3A_183 {
        %dma_wait3A_255 = arith.constant 0 : i32
        %dma_wait3A_256 = arith.constant 0 : i32
        %dma_wait3A_257 = arith.constant 0 : i32
        %dma_wait3A_258 = tpu.memref_slice %arg4[%dma_wait3A_255, %dma_wait3A_256, %dma_wait3A_257] : memref<50x1000x1024xf32, #tpu.memory_space<hbm>> -> memref<1x128x128xf32, #tpu.memory_space<hbm>>
        %dma_wait3A_259 = tpu.memref_squeeze %dma_wait3A_258 : memref<1x128x128xf32, #tpu.memory_space<hbm>> -> memref<128x128xf32, #tpu.memory_space<hbm>>
        %dma_wait3A_260 = arith.constant 0 : i32
        %dma_wait3A_261 = arith.constant 0 : i32
        %dma_wait3A_262 = tpu.memref_slice %arg4[%dma_wait3A_255, %dma_wait3A_260, %dma_wait3A_261] : memref<50x1000x1024xf32, #tpu.memory_space<hbm>> -> memref<1x128x128xf32, #tpu.memory_space<hbm>>
        %dma_wait3A_263 = tpu.memref_squeeze %dma_wait3A_262 : memref<1x128x128xf32, #tpu.memory_space<hbm>> -> memref<128x128xf32, #tpu.memory_space<hbm>>
        tpu.wait_dma2 semaphore(%arg12 : memref<!tpu.dma_semaphore, #tpu.memory_space<semaphore_mem>>) src(%arg8 : memref<128x128xf32, #tpu.memory_space<vmem>>) dst(%dma_wait3A_263 : memref<128x128xf32, #tpu.memory_space<hbm>>)
      } else {
      }
      %parallel_loop3A = arith.constant 0 : i32
      %parallel_loop3A_184 = arith.constant 64 : i32
      %parallel_loop3A_185 = arith.constant 1 : i32
      scf.for %parallel_loop3A_255 = %parallel_loop3A to %parallel_loop3A_184 step %parallel_loop3A_185  : i32 {
        %parallel_loop3A_256 = arith.constant 8 : i32
        %parallel_loop3A_257 = arith.divsi %parallel_loop3A_255, %parallel_loop3A_256 : i32
        %parallel_loop3A_258 = arith.constant 16 : i32
        %parallel_loop3A_259 = arith.muli %parallel_loop3A_257, %parallel_loop3A_258 : i32
        %parallel_loop3A_260 = vector.broadcast %parallel_loop3A_259 : i32 to vector<16xi32>
        %parallel_loop3A_261 = arith.addi %iota3A, %parallel_loop3A_260 : vector<16xi32>
        %parallel_loop3A_262 = arith.constant 8 : i32
        %parallel_loop3A_263 = arith.remsi %parallel_loop3A_255, %parallel_loop3A_262 : i32
        %parallel_loop3A_264 = arith.constant 16 : i32
        %parallel_loop3A_265 = arith.muli %parallel_loop3A_263, %parallel_loop3A_264 : i32
        %parallel_loop3A_266 = arith.constant 0 : i32
        %parallel_loop3A_267 = arith.addi %parallel_loop3A_265, %parallel_loop3A_266 : i32
        %parallel_loop3A_268 = vector.broadcast %parallel_loop3A_267 : i32 to vector<16xi32>
        %parallel_loop3A_269 = arith.addi %and3A_44, %parallel_loop3A_268 : vector<16xi32>
        %parallel_loop3A_270 = tpu.vector_load_idx %arg6[%parallel_loop3A_261, %parallel_loop3A_269] : memref<128x256xf32, #tpu.memory_space<vmem>>[vector<16xi32>, vector<16xi32>], vector<16xf32>,
        %parallel_loop3A_271 = arith.constant 0 : i32
        %parallel_loop3A_272 = vector.broadcast %parallel_loop3A_271 : i32 to vector<16xi32>
        %parallel_loop3A_273 = arith.subi %parallel_loop3A_269, %parallel_loop3A_272 : vector<16xi32>
        tpu.vector_store_idx %arg8[%parallel_loop3A_273, %parallel_loop3A_261], %parallel_loop3A_270 : memref<128x128xf32, #tpu.memory_space<vmem>>[vector<16xi32>, vector<16xi32>], vector<16xf32>,
        %parallel_loop3A_274 = vector.broadcast %parallel_loop3A_267 : i32 to vector<16xi32>
        %parallel_loop3A_275 = arith.addi %and3A_50, %parallel_loop3A_274 : vector<16xi32>
        %parallel_loop3A_276 = tpu.vector_load_idx %arg6[%parallel_loop3A_261, %parallel_loop3A_275] : memref<128x256xf32, #tpu.memory_space<vmem>>[vector<16xi32>, vector<16xi32>], vector<16xf32>,
        %parallel_loop3A_277 = arith.constant 0 : i32
        %parallel_loop3A_278 = vector.broadcast %parallel_loop3A_277 : i32 to vector<16xi32>
        %parallel_loop3A_279 = arith.subi %parallel_loop3A_275, %parallel_loop3A_278 : vector<16xi32>
        tpu.vector_store_idx %arg8[%parallel_loop3A_279, %parallel_loop3A_261], %parallel_loop3A_276 : memref<128x128xf32, #tpu.memory_space<vmem>>[vector<16xi32>, vector<16xi32>], vector<16xf32>,
        %parallel_loop3A_280 = vector.broadcast %parallel_loop3A_267 : i32 to vector<16xi32>
        %parallel_loop3A_281 = arith.addi %and3A_56, %parallel_loop3A_280 : vector<16xi32>
        %parallel_loop3A_282 = tpu.vector_load_idx %arg6[%parallel_loop3A_261, %parallel_loop3A_281] : memref<128x256xf32, #tpu.memory_space<vmem>>[vector<16xi32>, vector<16xi32>], vector<16xf32>,
        %parallel_loop3A_283 = arith.constant 0 : i32
        %parallel_loop3A_284 = vector.broadcast %parallel_loop3A_283 : i32 to vector<16xi32>
        %parallel_loop3A_285 = arith.subi %parallel_loop3A_281, %parallel_loop3A_284 : vector<16xi32>
        tpu.vector_store_idx %arg8[%parallel_loop3A_285, %parallel_loop3A_261], %parallel_loop3A_282 : memref<128x128xf32, #tpu.memory_space<vmem>>[vector<16xi32>, vector<16xi32>], vector<16xf32>,
        %parallel_loop3A_286 = vector.broadcast %parallel_loop3A_267 : i32 to vector<16xi32>
        %parallel_loop3A_287 = arith.addi %and3A_62, %parallel_loop3A_286 : vector<16xi32>
        %parallel_loop3A_288 = tpu.vector_load_idx %arg6[%parallel_loop3A_261, %parallel_loop3A_287] : memref<128x256xf32, #tpu.memory_space<vmem>>[vector<16xi32>, vector<16xi32>], vector<16xf32>,
        %parallel_loop3A_289 = arith.constant 0 : i32
        %parallel_loop3A_290 = vector.broadcast %parallel_loop3A_289 : i32 to vector<16xi32>
        %parallel_loop3A_291 = arith.subi %parallel_loop3A_287, %parallel_loop3A_290 : vector<16xi32>
        tpu.vector_store_idx %arg8[%parallel_loop3A_291, %parallel_loop3A_261], %parallel_loop3A_288 : memref<128x128xf32, #tpu.memory_space<vmem>>[vector<16xi32>, vector<16xi32>], vector<16xf32>,
        %parallel_loop3A_292 = vector.broadcast %parallel_loop3A_267 : i32 to vector<16xi32>
        %parallel_loop3A_293 = arith.addi %and3A_68, %parallel_loop3A_292 : vector<16xi32>
        %parallel_loop3A_294 = tpu.vector_load_idx %arg6[%parallel_loop3A_261, %parallel_loop3A_293] : memref<128x256xf32, #tpu.memory_space<vmem>>[vector<16xi32>, vector<16xi32>], vector<16xf32>,
        %parallel_loop3A_295 = arith.constant 0 : i32
        %parallel_loop3A_296 = vector.broadcast %parallel_loop3A_295 : i32 to vector<16xi32>
        %parallel_loop3A_297 = arith.subi %parallel_loop3A_293, %parallel_loop3A_296 : vector<16xi32>
        tpu.vector_store_idx %arg8[%parallel_loop3A_297, %parallel_loop3A_261], %parallel_loop3A_294 : memref<128x128xf32, #tpu.memory_space<vmem>>[vector<16xi32>, vector<16xi32>], vector<16xf32>,
        %parallel_loop3A_298 = vector.broadcast %parallel_loop3A_267 : i32 to vector<16xi32>
        %parallel_loop3A_299 = arith.addi %and3A_74, %parallel_loop3A_298 : vector<16xi32>
        %parallel_loop3A_300 = tpu.vector_load_idx %arg6[%parallel_loop3A_261, %parallel_loop3A_299] : memref<128x256xf32, #tpu.memory_space<vmem>>[vector<16xi32>, vector<16xi32>], vector<16xf32>,
        %parallel_loop3A_301 = arith.constant 0 : i32
        %parallel_loop3A_302 = vector.broadcast %parallel_loop3A_301 : i32 to vector<16xi32>
        %parallel_loop3A_303 = arith.subi %parallel_loop3A_299, %parallel_loop3A_302 : vector<16xi32>
        tpu.vector_store_idx %arg8[%parallel_loop3A_303, %parallel_loop3A_261], %parallel_loop3A_300 : memref<128x128xf32, #tpu.memory_space<vmem>>[vector<16xi32>, vector<16xi32>], vector<16xf32>,
        %parallel_loop3A_304 = vector.broadcast %parallel_loop3A_267 : i32 to vector<16xi32>
        %parallel_loop3A_305 = arith.addi %and3A_80, %parallel_loop3A_304 : vector<16xi32>
        %parallel_loop3A_306 = tpu.vector_load_idx %arg6[%parallel_loop3A_261, %parallel_loop3A_305] : memref<128x256xf32, #tpu.memory_space<vmem>>[vector<16xi32>, vector<16xi32>], vector<16xf32>,
        %parallel_loop3A_307 = arith.constant 0 : i32
        %parallel_loop3A_308 = vector.broadcast %parallel_loop3A_307 : i32 to vector<16xi32>
        %parallel_loop3A_309 = arith.subi %parallel_loop3A_305, %parallel_loop3A_308 : vector<16xi32>
        tpu.vector_store_idx %arg8[%parallel_loop3A_309, %parallel_loop3A_261], %parallel_loop3A_306 : memref<128x128xf32, #tpu.memory_space<vmem>>[vector<16xi32>, vector<16xi32>], vector<16xf32>,
        %parallel_loop3A_310 = vector.broadcast %parallel_loop3A_267 : i32 to vector<16xi32>
        %parallel_loop3A_311 = arith.addi %and3A_86, %parallel_loop3A_310 : vector<16xi32>
        %parallel_loop3A_312 = tpu.vector_load_idx %arg6[%parallel_loop3A_261, %parallel_loop3A_311] : memref<128x256xf32, #tpu.memory_space<vmem>>[vector<16xi32>, vector<16xi32>], vector<16xf32>,
        %parallel_loop3A_313 = arith.constant 0 : i32
        %parallel_loop3A_314 = vector.broadcast %parallel_loop3A_313 : i32 to vector<16xi32>
        %parallel_loop3A_315 = arith.subi %parallel_loop3A_311, %parallel_loop3A_314 : vector<16xi32>
        tpu.vector_store_idx %arg8[%parallel_loop3A_315, %parallel_loop3A_261], %parallel_loop3A_312 : memref<128x128xf32, #tpu.memory_space<vmem>>[vector<16xi32>, vector<16xi32>], vector<16xf32>,
        %parallel_loop3A_316 = vector.broadcast %parallel_loop3A_267 : i32 to vector<16xi32>
        %parallel_loop3A_317 = arith.addi %and3A_92, %parallel_loop3A_316 : vector<16xi32>
        %parallel_loop3A_318 = tpu.vector_load_idx %arg6[%parallel_loop3A_261, %parallel_loop3A_317] : memref<128x256xf32, #tpu.memory_space<vmem>>[vector<16xi32>, vector<16xi32>], vector<16xf32>,
        %parallel_loop3A_319 = arith.constant 0 : i32
        %parallel_loop3A_320 = vector.broadcast %parallel_loop3A_319 : i32 to vector<16xi32>
        %parallel_loop3A_321 = arith.subi %parallel_loop3A_317, %parallel_loop3A_320 : vector<16xi32>
        tpu.vector_store_idx %arg8[%parallel_loop3A_321, %parallel_loop3A_261], %parallel_loop3A_318 : memref<128x128xf32, #tpu.memory_space<vmem>>[vector<16xi32>, vector<16xi32>], vector<16xf32>,
        %parallel_loop3A_322 = vector.broadcast %parallel_loop3A_267 : i32 to vector<16xi32>
        %parallel_loop3A_323 = arith.addi %and3A_98, %parallel_loop3A_322 : vector<16xi32>
        %parallel_loop3A_324 = tpu.vector_load_idx %arg6[%parallel_loop3A_261, %parallel_loop3A_323] : memref<128x256xf32, #tpu.memory_space<vmem>>[vector<16xi32>, vector<16xi32>], vector<16xf32>,
        %parallel_loop3A_325 = arith.constant 0 : i32
        %parallel_loop3A_326 = vector.broadcast %parallel_loop3A_325 : i32 to vector<16xi32>
        %parallel_loop3A_327 = arith.subi %parallel_loop3A_323, %parallel_loop3A_326 : vector<16xi32>
        tpu.vector_store_idx %arg8[%parallel_loop3A_327, %parallel_loop3A_261], %parallel_loop3A_324 : memref<128x128xf32, #tpu.memory_space<vmem>>[vector<16xi32>, vector<16xi32>], vector<16xf32>,
        %parallel_loop3A_328 = vector.broadcast %parallel_loop3A_267 : i32 to vector<16xi32>
        %parallel_loop3A_329 = arith.addi %and3A_104, %parallel_loop3A_328 : vector<16xi32>
        %parallel_loop3A_330 = tpu.vector_load_idx %arg6[%parallel_loop3A_261, %parallel_loop3A_329] : memref<128x256xf32, #tpu.memory_space<vmem>>[vector<16xi32>, vector<16xi32>], vector<16xf32>,
        %parallel_loop3A_331 = arith.constant 0 : i32
        %parallel_loop3A_332 = vector.broadcast %parallel_loop3A_331 : i32 to vector<16xi32>
        %parallel_loop3A_333 = arith.subi %parallel_loop3A_329, %parallel_loop3A_332 : vector<16xi32>
        tpu.vector_store_idx %arg8[%parallel_loop3A_333, %parallel_loop3A_261], %parallel_loop3A_330 : memref<128x128xf32, #tpu.memory_space<vmem>>[vector<16xi32>, vector<16xi32>], vector<16xf32>,
        %parallel_loop3A_334 = vector.broadcast %parallel_loop3A_267 : i32 to vector<16xi32>
        %parallel_loop3A_335 = arith.addi %and3A_110, %parallel_loop3A_334 : vector<16xi32>
        %parallel_loop3A_336 = tpu.vector_load_idx %arg6[%parallel_loop3A_261, %parallel_loop3A_335] : memref<128x256xf32, #tpu.memory_space<vmem>>[vector<16xi32>, vector<16xi32>], vector<16xf32>,
        %parallel_loop3A_337 = arith.constant 0 : i32
        %parallel_loop3A_338 = vector.broadcast %parallel_loop3A_337 : i32 to vector<16xi32>
        %parallel_loop3A_339 = arith.subi %parallel_loop3A_335, %parallel_loop3A_338 : vector<16xi32>
        tpu.vector_store_idx %arg8[%parallel_loop3A_339, %parallel_loop3A_261], %parallel_loop3A_336 : memref<128x128xf32, #tpu.memory_space<vmem>>[vector<16xi32>, vector<16xi32>], vector<16xf32>,
        %parallel_loop3A_340 = vector.broadcast %parallel_loop3A_267 : i32 to vector<16xi32>
        %parallel_loop3A_341 = arith.addi %and3A_116, %parallel_loop3A_340 : vector<16xi32>
        %parallel_loop3A_342 = tpu.vector_load_idx %arg6[%parallel_loop3A_261, %parallel_loop3A_341] : memref<128x256xf32, #tpu.memory_space<vmem>>[vector<16xi32>, vector<16xi32>], vector<16xf32>,
        %parallel_loop3A_343 = arith.constant 0 : i32
        %parallel_loop3A_344 = vector.broadcast %parallel_loop3A_343 : i32 to vector<16xi32>
        %parallel_loop3A_345 = arith.subi %parallel_loop3A_341, %parallel_loop3A_344 : vector<16xi32>
        tpu.vector_store_idx %arg8[%parallel_loop3A_345, %parallel_loop3A_261], %parallel_loop3A_342 : memref<128x128xf32, #tpu.memory_space<vmem>>[vector<16xi32>, vector<16xi32>], vector<16xf32>,
        %parallel_loop3A_346 = vector.broadcast %parallel_loop3A_267 : i32 to vector<16xi32>
        %parallel_loop3A_347 = arith.addi %and3A_122, %parallel_loop3A_346 : vector<16xi32>
        %parallel_loop3A_348 = tpu.vector_load_idx %arg6[%parallel_loop3A_261, %parallel_loop3A_347] : memref<128x256xf32, #tpu.memory_space<vmem>>[vector<16xi32>, vector<16xi32>], vector<16xf32>,
        %parallel_loop3A_349 = arith.constant 0 : i32
        %parallel_loop3A_350 = vector.broadcast %parallel_loop3A_349 : i32 to vector<16xi32>
        %parallel_loop3A_351 = arith.subi %parallel_loop3A_347, %parallel_loop3A_350 : vector<16xi32>
        tpu.vector_store_idx %arg8[%parallel_loop3A_351, %parallel_loop3A_261], %parallel_loop3A_348 : memref<128x128xf32, #tpu.memory_space<vmem>>[vector<16xi32>, vector<16xi32>], vector<16xf32>,
        %parallel_loop3A_352 = vector.broadcast %parallel_loop3A_267 : i32 to vector<16xi32>
        %parallel_loop3A_353 = arith.addi %and3A_128, %parallel_loop3A_352 : vector<16xi32>
        %parallel_loop3A_354 = tpu.vector_load_idx %arg6[%parallel_loop3A_261, %parallel_loop3A_353] : memref<128x256xf32, #tpu.memory_space<vmem>>[vector<16xi32>, vector<16xi32>], vector<16xf32>,
        %parallel_loop3A_355 = arith.constant 0 : i32
        %parallel_loop3A_356 = vector.broadcast %parallel_loop3A_355 : i32 to vector<16xi32>
        %parallel_loop3A_357 = arith.subi %parallel_loop3A_353, %parallel_loop3A_356 : vector<16xi32>
        tpu.vector_store_idx %arg8[%parallel_loop3A_357, %parallel_loop3A_261], %parallel_loop3A_354 : memref<128x128xf32, #tpu.memory_space<vmem>>[vector<16xi32>, vector<16xi32>], vector<16xf32>,
        %parallel_loop3A_358 = vector.broadcast %parallel_loop3A_267 : i32 to vector<16xi32>
        %parallel_loop3A_359 = arith.addi %and3A_134, %parallel_loop3A_358 : vector<16xi32>
        %parallel_loop3A_360 = tpu.vector_load_idx %arg6[%parallel_loop3A_261, %parallel_loop3A_359] : memref<128x256xf32, #tpu.memory_space<vmem>>[vector<16xi32>, vector<16xi32>], vector<16xf32>,
        %parallel_loop3A_361 = arith.constant 0 : i32
        %parallel_loop3A_362 = vector.broadcast %parallel_loop3A_361 : i32 to vector<16xi32>
        %parallel_loop3A_363 = arith.subi %parallel_loop3A_359, %parallel_loop3A_362 : vector<16xi32>
        tpu.vector_store_idx %arg8[%parallel_loop3A_363, %parallel_loop3A_261], %parallel_loop3A_360 : memref<128x128xf32, #tpu.memory_space<vmem>>[vector<16xi32>, vector<16xi32>], vector<16xf32>,
      } {sc.loop_unroll_factor = 4 : i64, sc.parallel_access}
      %mul3A_186 = arith.constant 128 : i32
      %mul3A_187 = arith.muli %mul3A_32, %mul3A_186 : i32
      %multiple_of3A_188 = tpu.assume_multiple %mul3A_187, 128 : i32
      %dma_start3A_189 = tpu.memref_slice %arg4[%add3A_166, %multiple_of3A_188, %multiple_of3A] : memref<50x1000x1024xf32, #tpu.memory_space<hbm>> -> memref<1x128x128xf32, #tpu.memory_space<hbm>>
      %dma_start3A_190 = tpu.memref_squeeze %dma_start3A_189 : memref<1x128x128xf32, #tpu.memory_space<hbm>> -> memref<128x128xf32, #tpu.memory_space<hbm>>
      %dma_start3A_191 = tpu.memref_slice %arg4[%add3A_166, %multiple_of3A_188, %multiple_of3A] : memref<50x1000x1024xf32, #tpu.memory_space<hbm>> -> memref<1x128x128xf32, #tpu.memory_space<hbm>>
      %dma_start3A_192 = tpu.memref_squeeze %dma_start3A_191 : memref<1x128x128xf32, #tpu.memory_space<hbm>> -> memref<128x128xf32, #tpu.memory_space<hbm>>
      tpu.enqueue_dma source(%arg8 : memref<128x128xf32, #tpu.memory_space<vmem>>) target(%dma_start3A_192 : memref<128x128xf32, #tpu.memory_space<hbm>>) target_semaphore(%arg12 : memref<!tpu.dma_semaphore, #tpu.memory_space<semaphore_mem>>)
      %ge3A_193 = arith.constant 1 : i32
      %ge3A_194 = arith.cmpi sge, %add3A_166, %ge3A_193 : i32
      %convert_element_type3A_195 = arith.extui %ge3A_194 : i1 to i32
      %cond3A_196 = arith.constant 0 : i32
      %cond3A_197 = arith.cmpi ne, %convert_element_type3A_195, %cond3A_196 : i32
      scf.if %cond3A_197 {
        %convert_element_type3A_255 = arith.extui %eq3A_38 : i1 to i32
        %cond3A_256 = arith.constant 0 : i32
        %cond3A_257 = arith.cmpi ne, %convert_element_type3A_255, %cond3A_256 : i32
        scf.if %cond3A_257 {
          %dma_wait3A_263 = arith.constant 0 : i32
          %dma_wait3A_264 = arith.constant 0 : i32
          %dma_wait3A_265 = arith.constant 0 : i32
          %dma_wait3A_266 = tpu.memref_slice %arg9[%dma_wait3A_264, %dma_wait3A_265] : memref<128x128xf32, #tpu.memory_space<vmem>> -> memref<104x128xf32, #tpu.memory_space<vmem>>
          %dma_wait3A_267 = arith.constant 0 : i32
          %dma_wait3A_268 = arith.constant 0 : i32
          %dma_wait3A_269 = tpu.memref_slice %arg4[%dma_wait3A_263, %dma_wait3A_267, %dma_wait3A_268] : memref<50x1000x1024xf32, #tpu.memory_space<hbm>> -> memref<1x104x128xf32, #tpu.memory_space<hbm>>
          %dma_wait3A_270 = tpu.memref_squeeze %dma_wait3A_269 : memref<1x104x128xf32, #tpu.memory_space<hbm>> -> memref<104x128xf32, #tpu.memory_space<hbm>>
          %dma_wait3A_271 = arith.constant 0 : i32
          %dma_wait3A_272 = arith.constant 0 : i32
          %dma_wait3A_273 = tpu.memref_slice %arg4[%dma_wait3A_263, %dma_wait3A_271, %dma_wait3A_272] : memref<50x1000x1024xf32, #tpu.memory_space<hbm>> -> memref<1x104x128xf32, #tpu.memory_space<hbm>>
          %dma_wait3A_274 = tpu.memref_squeeze %dma_wait3A_273 : memref<1x104x128xf32, #tpu.memory_space<hbm>> -> memref<104x128xf32, #tpu.memory_space<hbm>>
          %dma_wait3A_275 = arith.constant 0 : i32
          %dma_wait3A_276 = arith.constant 0 : i32
          %dma_wait3A_277 = tpu.memref_slice %arg9[%dma_wait3A_275, %dma_wait3A_276] : memref<128x128xf32, #tpu.memory_space<vmem>> -> memref<104x128xf32, #tpu.memory_space<vmem>>
          tpu.wait_dma2 semaphore(%arg13 : memref<!tpu.dma_semaphore, #tpu.memory_space<semaphore_mem>>) src(%dma_wait3A_277 : memref<104x128xf32, #tpu.memory_space<vmem>>) dst(%dma_wait3A_274 : memref<104x128xf32, #tpu.memory_space<hbm>>)
        } else {
        }
        %not3A_258 = arith.constant true
        %not3A_259 = arith.xori %eq3A_38, %not3A_258 : i1
        %convert_element_type3A_260 = arith.extui %not3A_259 : i1 to i32
        %cond3A_261 = arith.constant 0 : i32
        %cond3A_262 = arith.cmpi ne, %convert_element_type3A_260, %cond3A_261 : i32
        scf.if %cond3A_262 {
          %dma_wait3A_263 = arith.constant 0 : i32
          %dma_wait3A_264 = arith.constant 0 : i32
          %dma_wait3A_265 = arith.constant 0 : i32
          %dma_wait3A_266 = tpu.memref_slice %arg4[%dma_wait3A_263, %dma_wait3A_264, %dma_wait3A_265] : memref<50x1000x1024xf32, #tpu.memory_space<hbm>> -> memref<1x128x128xf32, #tpu.memory_space<hbm>>
          %dma_wait3A_267 = tpu.memref_squeeze %dma_wait3A_266 : memref<1x128x128xf32, #tpu.memory_space<hbm>> -> memref<128x128xf32, #tpu.memory_space<hbm>>
          %dma_wait3A_268 = arith.constant 0 : i32
          %dma_wait3A_269 = arith.constant 0 : i32
          %dma_wait3A_270 = tpu.memref_slice %arg4[%dma_wait3A_263, %dma_wait3A_268, %dma_wait3A_269] : memref<50x1000x1024xf32, #tpu.memory_space<hbm>> -> memref<1x128x128xf32, #tpu.memory_space<hbm>>
          %dma_wait3A_271 = tpu.memref_squeeze %dma_wait3A_270 : memref<1x128x128xf32, #tpu.memory_space<hbm>> -> memref<128x128xf32, #tpu.memory_space<hbm>>
          tpu.wait_dma2 semaphore(%arg13 : memref<!tpu.dma_semaphore, #tpu.memory_space<semaphore_mem>>) src(%arg9 : memref<128x128xf32, #tpu.memory_space<vmem>>) dst(%dma_wait3A_271 : memref<128x128xf32, #tpu.memory_space<hbm>>)
        } else {
        }
      } else {
      }
      %parallel_loop3A_198 = arith.constant 0 : i32
      %parallel_loop3A_199 = arith.constant 64 : i32
      %parallel_loop3A_200 = arith.constant 1 : i32
      scf.for %parallel_loop3A_255 = %parallel_loop3A_198 to %parallel_loop3A_199 step %parallel_loop3A_200  : i32 {
        %parallel_loop3A_256 = arith.constant 8 : i32
        %parallel_loop3A_257 = arith.divsi %parallel_loop3A_255, %parallel_loop3A_256 : i32
        %parallel_loop3A_258 = arith.constant 16 : i32
        %parallel_loop3A_259 = arith.muli %parallel_loop3A_257, %parallel_loop3A_258 : i32
        %parallel_loop3A_260 = vector.broadcast %parallel_loop3A_259 : i32 to vector<16xi32>
        %parallel_loop3A_261 = arith.addi %iota3A, %parallel_loop3A_260 : vector<16xi32>
        %parallel_loop3A_262 = arith.constant 8 : i32
        %parallel_loop3A_263 = arith.remsi %parallel_loop3A_255, %parallel_loop3A_262 : i32
        %parallel_loop3A_264 = arith.constant 16 : i32
        %parallel_loop3A_265 = arith.muli %parallel_loop3A_263, %parallel_loop3A_264 : i32
        %parallel_loop3A_266 = arith.constant 128 : i32
        %parallel_loop3A_267 = arith.addi %parallel_loop3A_265, %parallel_loop3A_266 : i32
        %parallel_loop3A_268 = vector.broadcast %parallel_loop3A_267 : i32 to vector<16xi32>
        %parallel_loop3A_269 = arith.addi %and3A_44, %parallel_loop3A_268 : vector<16xi32>
        %parallel_loop3A_270 = tpu.vector_load_idx %arg6[%parallel_loop3A_261, %parallel_loop3A_269] : memref<128x256xf32, #tpu.memory_space<vmem>>[vector<16xi32>, vector<16xi32>], vector<16xf32>,
        %parallel_loop3A_271 = arith.constant 128 : i32
        %parallel_loop3A_272 = vector.broadcast %parallel_loop3A_271 : i32 to vector<16xi32>
        %parallel_loop3A_273 = arith.subi %parallel_loop3A_269, %parallel_loop3A_272 : vector<16xi32>
        tpu.vector_store_idx %arg9[%parallel_loop3A_273, %parallel_loop3A_261], %parallel_loop3A_270 : memref<128x128xf32, #tpu.memory_space<vmem>>[vector<16xi32>, vector<16xi32>], vector<16xf32>,
        %parallel_loop3A_274 = vector.broadcast %parallel_loop3A_267 : i32 to vector<16xi32>
        %parallel_loop3A_275 = arith.addi %and3A_50, %parallel_loop3A_274 : vector<16xi32>
        %parallel_loop3A_276 = tpu.vector_load_idx %arg6[%parallel_loop3A_261, %parallel_loop3A_275] : memref<128x256xf32, #tpu.memory_space<vmem>>[vector<16xi32>, vector<16xi32>], vector<16xf32>,
        %parallel_loop3A_277 = arith.constant 128 : i32
        %parallel_loop3A_278 = vector.broadcast %parallel_loop3A_277 : i32 to vector<16xi32>
        %parallel_loop3A_279 = arith.subi %parallel_loop3A_275, %parallel_loop3A_278 : vector<16xi32>
        tpu.vector_store_idx %arg9[%parallel_loop3A_279, %parallel_loop3A_261], %parallel_loop3A_276 : memref<128x128xf32, #tpu.memory_space<vmem>>[vector<16xi32>, vector<16xi32>], vector<16xf32>,
        %parallel_loop3A_280 = vector.broadcast %parallel_loop3A_267 : i32 to vector<16xi32>
        %parallel_loop3A_281 = arith.addi %and3A_56, %parallel_loop3A_280 : vector<16xi32>
        %parallel_loop3A_282 = tpu.vector_load_idx %arg6[%parallel_loop3A_261, %parallel_loop3A_281] : memref<128x256xf32, #tpu.memory_space<vmem>>[vector<16xi32>, vector<16xi32>], vector<16xf32>,
        %parallel_loop3A_283 = arith.constant 128 : i32
        %parallel_loop3A_284 = vector.broadcast %parallel_loop3A_283 : i32 to vector<16xi32>
        %parallel_loop3A_285 = arith.subi %parallel_loop3A_281, %parallel_loop3A_284 : vector<16xi32>
        tpu.vector_store_idx %arg9[%parallel_loop3A_285, %parallel_loop3A_261], %parallel_loop3A_282 : memref<128x128xf32, #tpu.memory_space<vmem>>[vector<16xi32>, vector<16xi32>], vector<16xf32>,
        %parallel_loop3A_286 = vector.broadcast %parallel_loop3A_267 : i32 to vector<16xi32>
        %parallel_loop3A_287 = arith.addi %and3A_62, %parallel_loop3A_286 : vector<16xi32>
        %parallel_loop3A_288 = tpu.vector_load_idx %arg6[%parallel_loop3A_261, %parallel_loop3A_287] : memref<128x256xf32, #tpu.memory_space<vmem>>[vector<16xi32>, vector<16xi32>], vector<16xf32>,
        %parallel_loop3A_289 = arith.constant 128 : i32
        %parallel_loop3A_290 = vector.broadcast %parallel_loop3A_289 : i32 to vector<16xi32>
        %parallel_loop3A_291 = arith.subi %parallel_loop3A_287, %parallel_loop3A_290 : vector<16xi32>
        tpu.vector_store_idx %arg9[%parallel_loop3A_291, %parallel_loop3A_261], %parallel_loop3A_288 : memref<128x128xf32, #tpu.memory_space<vmem>>[vector<16xi32>, vector<16xi32>], vector<16xf32>,
        %parallel_loop3A_292 = vector.broadcast %parallel_loop3A_267 : i32 to vector<16xi32>
        %parallel_loop3A_293 = arith.addi %and3A_68, %parallel_loop3A_292 : vector<16xi32>
        %parallel_loop3A_294 = tpu.vector_load_idx %arg6[%parallel_loop3A_261, %parallel_loop3A_293] : memref<128x256xf32, #tpu.memory_space<vmem>>[vector<16xi32>, vector<16xi32>], vector<16xf32>,
        %parallel_loop3A_295 = arith.constant 128 : i32
        %parallel_loop3A_296 = vector.broadcast %parallel_loop3A_295 : i32 to vector<16xi32>
        %parallel_loop3A_297 = arith.subi %parallel_loop3A_293, %parallel_loop3A_296 : vector<16xi32>
        tpu.vector_store_idx %arg9[%parallel_loop3A_297, %parallel_loop3A_261], %parallel_loop3A_294 : memref<128x128xf32, #tpu.memory_space<vmem>>[vector<16xi32>, vector<16xi32>], vector<16xf32>,
        %parallel_loop3A_298 = vector.broadcast %parallel_loop3A_267 : i32 to vector<16xi32>
        %parallel_loop3A_299 = arith.addi %and3A_74, %parallel_loop3A_298 : vector<16xi32>
        %parallel_loop3A_300 = tpu.vector_load_idx %arg6[%parallel_loop3A_261, %parallel_loop3A_299] : memref<128x256xf32, #tpu.memory_space<vmem>>[vector<16xi32>, vector<16xi32>], vector<16xf32>,
        %parallel_loop3A_301 = arith.constant 128 : i32
        %parallel_loop3A_302 = vector.broadcast %parallel_loop3A_301 : i32 to vector<16xi32>
        %parallel_loop3A_303 = arith.subi %parallel_loop3A_299, %parallel_loop3A_302 : vector<16xi32>
        tpu.vector_store_idx %arg9[%parallel_loop3A_303, %parallel_loop3A_261], %parallel_loop3A_300 : memref<128x128xf32, #tpu.memory_space<vmem>>[vector<16xi32>, vector<16xi32>], vector<16xf32>,
        %parallel_loop3A_304 = vector.broadcast %parallel_loop3A_267 : i32 to vector<16xi32>
        %parallel_loop3A_305 = arith.addi %and3A_80, %parallel_loop3A_304 : vector<16xi32>
        %parallel_loop3A_306 = tpu.vector_load_idx %arg6[%parallel_loop3A_261, %parallel_loop3A_305] : memref<128x256xf32, #tpu.memory_space<vmem>>[vector<16xi32>, vector<16xi32>], vector<16xf32>,
        %parallel_loop3A_307 = arith.constant 128 : i32
        %parallel_loop3A_308 = vector.broadcast %parallel_loop3A_307 : i32 to vector<16xi32>
        %parallel_loop3A_309 = arith.subi %parallel_loop3A_305, %parallel_loop3A_308 : vector<16xi32>
        tpu.vector_store_idx %arg9[%parallel_loop3A_309, %parallel_loop3A_261], %parallel_loop3A_306 : memref<128x128xf32, #tpu.memory_space<vmem>>[vector<16xi32>, vector<16xi32>], vector<16xf32>,
        %parallel_loop3A_310 = vector.broadcast %parallel_loop3A_267 : i32 to vector<16xi32>
        %parallel_loop3A_311 = arith.addi %and3A_86, %parallel_loop3A_310 : vector<16xi32>
        %parallel_loop3A_312 = tpu.vector_load_idx %arg6[%parallel_loop3A_261, %parallel_loop3A_311] : memref<128x256xf32, #tpu.memory_space<vmem>>[vector<16xi32>, vector<16xi32>], vector<16xf32>,
        %parallel_loop3A_313 = arith.constant 128 : i32
        %parallel_loop3A_314 = vector.broadcast %parallel_loop3A_313 : i32 to vector<16xi32>
        %parallel_loop3A_315 = arith.subi %parallel_loop3A_311, %parallel_loop3A_314 : vector<16xi32>
        tpu.vector_store_idx %arg9[%parallel_loop3A_315, %parallel_loop3A_261], %parallel_loop3A_312 : memref<128x128xf32, #tpu.memory_space<vmem>>[vector<16xi32>, vector<16xi32>], vector<16xf32>,
        %parallel_loop3A_316 = vector.broadcast %parallel_loop3A_267 : i32 to vector<16xi32>
        %parallel_loop3A_317 = arith.addi %and3A_92, %parallel_loop3A_316 : vector<16xi32>
        %parallel_loop3A_318 = tpu.vector_load_idx %arg6[%parallel_loop3A_261, %parallel_loop3A_317] : memref<128x256xf32, #tpu.memory_space<vmem>>[vector<16xi32>, vector<16xi32>], vector<16xf32>,
        %parallel_loop3A_319 = arith.constant 128 : i32
        %parallel_loop3A_320 = vector.broadcast %parallel_loop3A_319 : i32 to vector<16xi32>
        %parallel_loop3A_321 = arith.subi %parallel_loop3A_317, %parallel_loop3A_320 : vector<16xi32>
        tpu.vector_store_idx %arg9[%parallel_loop3A_321, %parallel_loop3A_261], %parallel_loop3A_318 : memref<128x128xf32, #tpu.memory_space<vmem>>[vector<16xi32>, vector<16xi32>], vector<16xf32>,
        %parallel_loop3A_322 = vector.broadcast %parallel_loop3A_267 : i32 to vector<16xi32>
        %parallel_loop3A_323 = arith.addi %and3A_98, %parallel_loop3A_322 : vector<16xi32>
        %parallel_loop3A_324 = tpu.vector_load_idx %arg6[%parallel_loop3A_261, %parallel_loop3A_323] : memref<128x256xf32, #tpu.memory_space<vmem>>[vector<16xi32>, vector<16xi32>], vector<16xf32>,
        %parallel_loop3A_325 = arith.constant 128 : i32
        %parallel_loop3A_326 = vector.broadcast %parallel_loop3A_325 : i32 to vector<16xi32>
        %parallel_loop3A_327 = arith.subi %parallel_loop3A_323, %parallel_loop3A_326 : vector<16xi32>
        tpu.vector_store_idx %arg9[%parallel_loop3A_327, %parallel_loop3A_261], %parallel_loop3A_324 : memref<128x128xf32, #tpu.memory_space<vmem>>[vector<16xi32>, vector<16xi32>], vector<16xf32>,
        %parallel_loop3A_328 = vector.broadcast %parallel_loop3A_267 : i32 to vector<16xi32>
        %parallel_loop3A_329 = arith.addi %and3A_104, %parallel_loop3A_328 : vector<16xi32>
        %parallel_loop3A_330 = tpu.vector_load_idx %arg6[%parallel_loop3A_261, %parallel_loop3A_329] : memref<128x256xf32, #tpu.memory_space<vmem>>[vector<16xi32>, vector<16xi32>], vector<16xf32>,
        %parallel_loop3A_331 = arith.constant 128 : i32
        %parallel_loop3A_332 = vector.broadcast %parallel_loop3A_331 : i32 to vector<16xi32>
        %parallel_loop3A_333 = arith.subi %parallel_loop3A_329, %parallel_loop3A_332 : vector<16xi32>
        tpu.vector_store_idx %arg9[%parallel_loop3A_333, %parallel_loop3A_261], %parallel_loop3A_330 : memref<128x128xf32, #tpu.memory_space<vmem>>[vector<16xi32>, vector<16xi32>], vector<16xf32>,
        %parallel_loop3A_334 = vector.broadcast %parallel_loop3A_267 : i32 to vector<16xi32>
        %parallel_loop3A_335 = arith.addi %and3A_110, %parallel_loop3A_334 : vector<16xi32>
        %parallel_loop3A_336 = tpu.vector_load_idx %arg6[%parallel_loop3A_261, %parallel_loop3A_335] : memref<128x256xf32, #tpu.memory_space<vmem>>[vector<16xi32>, vector<16xi32>], vector<16xf32>,
        %parallel_loop3A_337 = arith.constant 128 : i32
        %parallel_loop3A_338 = vector.broadcast %parallel_loop3A_337 : i32 to vector<16xi32>
        %parallel_loop3A_339 = arith.subi %parallel_loop3A_335, %parallel_loop3A_338 : vector<16xi32>
        tpu.vector_store_idx %arg9[%parallel_loop3A_339, %parallel_loop3A_261], %parallel_loop3A_336 : memref<128x128xf32, #tpu.memory_space<vmem>>[vector<16xi32>, vector<16xi32>], vector<16xf32>,
        %parallel_loop3A_340 = vector.broadcast %parallel_loop3A_267 : i32 to vector<16xi32>
        %parallel_loop3A_341 = arith.addi %and3A_116, %parallel_loop3A_340 : vector<16xi32>
        %parallel_loop3A_342 = tpu.vector_load_idx %arg6[%parallel_loop3A_261, %parallel_loop3A_341] : memref<128x256xf32, #tpu.memory_space<vmem>>[vector<16xi32>, vector<16xi32>], vector<16xf32>,
        %parallel_loop3A_343 = arith.constant 128 : i32
        %parallel_loop3A_344 = vector.broadcast %parallel_loop3A_343 : i32 to vector<16xi32>
        %parallel_loop3A_345 = arith.subi %parallel_loop3A_341, %parallel_loop3A_344 : vector<16xi32>
        tpu.vector_store_idx %arg9[%parallel_loop3A_345, %parallel_loop3A_261], %parallel_loop3A_342 : memref<128x128xf32, #tpu.memory_space<vmem>>[vector<16xi32>, vector<16xi32>], vector<16xf32>,
        %parallel_loop3A_346 = vector.broadcast %parallel_loop3A_267 : i32 to vector<16xi32>
        %parallel_loop3A_347 = arith.addi %and3A_122, %parallel_loop3A_346 : vector<16xi32>
        %parallel_loop3A_348 = tpu.vector_load_idx %arg6[%parallel_loop3A_261, %parallel_loop3A_347] : memref<128x256xf32, #tpu.memory_space<vmem>>[vector<16xi32>, vector<16xi32>], vector<16xf32>,
        %parallel_loop3A_349 = arith.constant 128 : i32
        %parallel_loop3A_350 = vector.broadcast %parallel_loop3A_349 : i32 to vector<16xi32>
        %parallel_loop3A_351 = arith.subi %parallel_loop3A_347, %parallel_loop3A_350 : vector<16xi32>
        tpu.vector_store_idx %arg9[%parallel_loop3A_351, %parallel_loop3A_261], %parallel_loop3A_348 : memref<128x128xf32, #tpu.memory_space<vmem>>[vector<16xi32>, vector<16xi32>], vector<16xf32>,
        %parallel_loop3A_352 = vector.broadcast %parallel_loop3A_267 : i32 to vector<16xi32>
        %parallel_loop3A_353 = arith.addi %and3A_128, %parallel_loop3A_352 : vector<16xi32>
        %parallel_loop3A_354 = tpu.vector_load_idx %arg6[%parallel_loop3A_261, %parallel_loop3A_353] : memref<128x256xf32, #tpu.memory_space<vmem>>[vector<16xi32>, vector<16xi32>], vector<16xf32>,
        %parallel_loop3A_355 = arith.constant 128 : i32
        %parallel_loop3A_356 = vector.broadcast %parallel_loop3A_355 : i32 to vector<16xi32>
        %parallel_loop3A_357 = arith.subi %parallel_loop3A_353, %parallel_loop3A_356 : vector<16xi32>
        tpu.vector_store_idx %arg9[%parallel_loop3A_357, %parallel_loop3A_261], %parallel_loop3A_354 : memref<128x128xf32, #tpu.memory_space<vmem>>[vector<16xi32>, vector<16xi32>], vector<16xf32>,
        %parallel_loop3A_358 = vector.broadcast %parallel_loop3A_267 : i32 to vector<16xi32>
        %parallel_loop3A_359 = arith.addi %and3A_134, %parallel_loop3A_358 : vector<16xi32>
        %parallel_loop3A_360 = tpu.vector_load_idx %arg6[%parallel_loop3A_261, %parallel_loop3A_359] : memref<128x256xf32, #tpu.memory_space<vmem>>[vector<16xi32>, vector<16xi32>], vector<16xf32>,
        %parallel_loop3A_361 = arith.constant 128 : i32
        %parallel_loop3A_362 = vector.broadcast %parallel_loop3A_361 : i32 to vector<16xi32>
        %parallel_loop3A_363 = arith.subi %parallel_loop3A_359, %parallel_loop3A_362 : vector<16xi32>
        tpu.vector_store_idx %arg9[%parallel_loop3A_363, %parallel_loop3A_261], %parallel_loop3A_360 : memref<128x128xf32, #tpu.memory_space<vmem>>[vector<16xi32>, vector<16xi32>], vector<16xf32>,
      } {sc.loop_unroll_factor = 4 : i64, sc.parallel_access}
      %convert_element_type3A_201 = arith.extui %eq3A_38 : i1 to i32
      %cond3A_202 = arith.constant 0 : i32
      %cond3A_203 = arith.cmpi ne, %convert_element_type3A_201, %cond3A_202 : i32
      scf.if %cond3A_203 {
        %dma_start3A_255 = arith.constant 0 : i32
        %dma_start3A_256 = arith.constant 0 : i32
        %dma_start3A_257 = tpu.memref_slice %arg9[%dma_start3A_255, %dma_start3A_256] : memref<128x128xf32, #tpu.memory_space<vmem>> -> memref<104x128xf32, #tpu.memory_space<vmem>>
        %dma_start3A_258 = arith.constant 896 : i32
        %dma_start3A_259 = tpu.memref_slice %arg4[%add3A_166, %dma_start3A_258, %multiple_of3A] : memref<50x1000x1024xf32, #tpu.memory_space<hbm>> -> memref<1x104x128xf32, #tpu.memory_space<hbm>>
        %dma_start3A_260 = tpu.memref_squeeze %dma_start3A_259 : memref<1x104x128xf32, #tpu.memory_space<hbm>> -> memref<104x128xf32, #tpu.memory_space<hbm>>
        %dma_start3A_261 = arith.constant 896 : i32
        %dma_start3A_262 = tpu.memref_slice %arg4[%add3A_166, %dma_start3A_261, %multiple_of3A] : memref<50x1000x1024xf32, #tpu.memory_space<hbm>> -> memref<1x104x128xf32, #tpu.memory_space<hbm>>
        %dma_start3A_263 = tpu.memref_squeeze %dma_start3A_262 : memref<1x104x128xf32, #tpu.memory_space<hbm>> -> memref<104x128xf32, #tpu.memory_space<hbm>>
        %dma_start3A_264 = arith.constant 0 : i32
        %dma_start3A_265 = arith.constant 0 : i32
        %dma_start3A_266 = tpu.memref_slice %arg9[%dma_start3A_264, %dma_start3A_265] : memref<128x128xf32, #tpu.memory_space<vmem>> -> memref<104x128xf32, #tpu.memory_space<vmem>>
        tpu.enqueue_dma source(%dma_start3A_266 : memref<104x128xf32, #tpu.memory_space<vmem>>) target(%dma_start3A_263 : memref<104x128xf32, #tpu.memory_space<hbm>>) target_semaphore(%arg13 : memref<!tpu.dma_semaphore, #tpu.memory_space<semaphore_mem>>)
      } else {
      }
      %not3A_204 = arith.constant true
      %not3A_205 = arith.xori %eq3A_38, %not3A_204 : i1
      %convert_element_type3A_206 = arith.extui %not3A_205 : i1 to i32
      %cond3A_207 = arith.constant 0 : i32
      %cond3A_208 = arith.cmpi ne, %convert_element_type3A_206, %cond3A_207 : i32
      scf.if %cond3A_208 {
        %add3A_255 = arith.constant 1 : i32
        %add3A_256 = arith.addi %mul3A_32, %add3A_255 : i32
        %mul3A_257 = arith.constant 128 : i32
        %mul3A_258 = arith.muli %add3A_256, %mul3A_257 : i32
        %multiple_of3A_259 = tpu.assume_multiple %mul3A_258, 128 : i32
        %dma_start3A_260 = tpu.memref_slice %arg4[%add3A_166, %multiple_of3A_259, %multiple_of3A] : memref<50x1000x1024xf32, #tpu.memory_space<hbm>> -> memref<1x128x128xf32, #tpu.memory_space<hbm>>
        %dma_start3A_261 = tpu.memref_squeeze %dma_start3A_260 : memref<1x128x128xf32, #tpu.memory_space<hbm>> -> memref<128x128xf32, #tpu.memory_space<hbm>>
        %dma_start3A_262 = tpu.memref_slice %arg4[%add3A_166, %multiple_of3A_259, %multiple_of3A] : memref<50x1000x1024xf32, #tpu.memory_space<hbm>> -> memref<1x128x128xf32, #tpu.memory_space<hbm>>
        %dma_start3A_263 = tpu.memref_squeeze %dma_start3A_262 : memref<1x128x128xf32, #tpu.memory_space<hbm>> -> memref<128x128xf32, #tpu.memory_space<hbm>>
        tpu.enqueue_dma source(%arg9 : memref<128x128xf32, #tpu.memory_space<vmem>>) target(%dma_start3A_263 : memref<128x128xf32, #tpu.memory_space<hbm>>) target_semaphore(%arg13 : memref<!tpu.dma_semaphore, #tpu.memory_space<semaphore_mem>>)
      } else {
      }
      %add3A_209 = arith.constant 1 : i32
      %add3A_210 = arith.addi %add3A_164, %add3A_209 : i32
      %dma_wait3A_211 = arith.constant 0 : i32
      %dma_wait3A_212 = arith.constant 0 : i32
      %dma_wait3A_213 = tpu.memref_slice %arg2[%dma_wait3A_211, %dma_wait3A_212] : memref<1000x1024xf32, #tpu.memory_space<hbm>> -> memref<128x256xf32, #tpu.memory_space<hbm>>
      %dma_wait3A_214 = arith.constant 0 : i32
      %dma_wait3A_215 = arith.constant 0 : i32
      %dma_wait3A_216 = tpu.memref_slice %arg2[%dma_wait3A_214, %dma_wait3A_215] : memref<1000x1024xf32, #tpu.memory_space<hbm>> -> memref<128x256xf32, #tpu.memory_space<hbm>>
      tpu.wait_dma2 semaphore(%arg11 : memref<!tpu.dma_semaphore, #tpu.memory_space<semaphore_mem>>) src(%dma_wait3A_216 : memref<128x256xf32, #tpu.memory_space<hbm>>) dst(%arg7 : memref<128x256xf32, #tpu.memory_space<vmem>>)
      %add3A_217 = arith.constant 1 : i32
      %add3A_218 = arith.addi %add3A_210, %add3A_217 : i32
      %lt3A_219 = arith.constant 50 : i32
      %lt3A_220 = arith.cmpi slt, %add3A_218, %lt3A_219 : i32
      %convert_element_type3A_221 = arith.extui %lt3A_220 : i1 to i32
      %cond3A_222 = arith.constant 0 : i32
      %cond3A_223 = arith.cmpi ne, %convert_element_type3A_221, %cond3A_222 : i32
      scf.if %cond3A_223 {
        %add3A_255 = arith.constant 1 : i32
        %add3A_256 = arith.addi %add3A_210, %add3A_255 : i32
        %mul3A_257 = arith.constant 128 : i32
        %mul3A_258 = arith.muli %mul3A_32, %mul3A_257 : i32
        %multiple_of3A_259 = tpu.assume_multiple %mul3A_258, 128 : i32
        %dma_start3A_260 = arith.constant 0 : i32
        %dma_start3A_261 = tpu.memref_slice %arg5[%add3A_256, %dma_start3A_260] : memref<56x128xi32, #tpu.memory_space<vmem>> -> memref<1x128xi32, #tpu.memory_space<vmem>>
        %dma_start3A_262 = tpu.memref_squeeze %dma_start3A_261 : memref<1x128xi32, #tpu.memory_space<vmem>> -> memref<128xi32, #tpu.memory_space<vmem>>
        %dma_start3A_263 = arith.constant 0 : i32
        %dma_start3A_264 = tpu.memref_slice %arg2[%dma_start3A_263, %multiple_of3A_259] : memref<1000x1024xf32, #tpu.memory_space<hbm>> -> memref<1000x256xf32, #tpu.memory_space<hbm>>
        tpu.enqueue_indirect_dma source(%dma_start3A_264 : memref<1000x256xf32, #tpu.memory_space<hbm>>) target(%arg6 : memref<128x256xf32, #tpu.memory_space<vmem>>) offsets(%dma_start3A_262 : memref<128xi32, #tpu.memory_space<vmem>>) semaphore(%arg10 : memref<!tpu.dma_semaphore, #tpu.memory_space<semaphore_mem>>)
      } else {
      }
      %ge3A_224 = arith.constant 1 : i32
      %ge3A_225 = arith.cmpi sge, %add3A_210, %ge3A_224 : i32
      %convert_element_type3A_226 = arith.extui %ge3A_225 : i1 to i32
      %cond3A_227 = arith.constant 0 : i32
      %cond3A_228 = arith.cmpi ne, %convert_element_type3A_226, %cond3A_227 : i32
      scf.if %cond3A_228 {
        %dma_wait3A_255 = arith.constant 0 : i32
        %dma_wait3A_256 = arith.constant 0 : i32
        %dma_wait3A_257 = arith.constant 0 : i32
        %dma_wait3A_258 = tpu.memref_slice %arg4[%dma_wait3A_255, %dma_wait3A_256, %dma_wait3A_257] : memref<50x1000x1024xf32, #tpu.memory_space<hbm>> -> memref<1x128x128xf32, #tpu.memory_space<hbm>>
        %dma_wait3A_259 = tpu.memref_squeeze %dma_wait3A_258 : memref<1x128x128xf32, #tpu.memory_space<hbm>> -> memref<128x128xf32, #tpu.memory_space<hbm>>
        %dma_wait3A_260 = arith.constant 0 : i32
        %dma_wait3A_261 = arith.constant 0 : i32
        %dma_wait3A_262 = tpu.memref_slice %arg4[%dma_wait3A_255, %dma_wait3A_260, %dma_wait3A_261] : memref<50x1000x1024xf32, #tpu.memory_space<hbm>> -> memref<1x128x128xf32, #tpu.memory_space<hbm>>
        %dma_wait3A_263 = tpu.memref_squeeze %dma_wait3A_262 : memref<1x128x128xf32, #tpu.memory_space<hbm>> -> memref<128x128xf32, #tpu.memory_space<hbm>>
        tpu.wait_dma2 semaphore(%arg12 : memref<!tpu.dma_semaphore, #tpu.memory_space<semaphore_mem>>) src(%arg8 : memref<128x128xf32, #tpu.memory_space<vmem>>) dst(%dma_wait3A_263 : memref<128x128xf32, #tpu.memory_space<hbm>>)
      } else {
      }
      %parallel_loop3A_229 = arith.constant 0 : i32
      %parallel_loop3A_230 = arith.constant 64 : i32
      %parallel_loop3A_231 = arith.constant 1 : i32
      scf.for %parallel_loop3A_255 = %parallel_loop3A_229 to %parallel_loop3A_230 step %parallel_loop3A_231  : i32 {
        %parallel_loop3A_256 = arith.constant 8 : i32
        %parallel_loop3A_257 = arith.divsi %parallel_loop3A_255, %parallel_loop3A_256 : i32
        %parallel_loop3A_258 = arith.constant 16 : i32
        %parallel_loop3A_259 = arith.muli %parallel_loop3A_257, %parallel_loop3A_258 : i32
        %parallel_loop3A_260 = vector.broadcast %parallel_loop3A_259 : i32 to vector<16xi32>
        %parallel_loop3A_261 = arith.addi %iota3A, %parallel_loop3A_260 : vector<16xi32>
        %parallel_loop3A_262 = arith.constant 8 : i32
        %parallel_loop3A_263 = arith.remsi %parallel_loop3A_255, %parallel_loop3A_262 : i32
        %parallel_loop3A_264 = arith.constant 16 : i32
        %parallel_loop3A_265 = arith.muli %parallel_loop3A_263, %parallel_loop3A_264 : i32
        %parallel_loop3A_266 = arith.constant 0 : i32
        %parallel_loop3A_267 = arith.addi %parallel_loop3A_265, %parallel_loop3A_266 : i32
        %parallel_loop3A_268 = vector.broadcast %parallel_loop3A_267 : i32 to vector<16xi32>
        %parallel_loop3A_269 = arith.addi %and3A_44, %parallel_loop3A_268 : vector<16xi32>
        %parallel_loop3A_270 = tpu.vector_load_idx %arg7[%parallel_loop3A_261, %parallel_loop3A_269] : memref<128x256xf32, #tpu.memory_space<vmem>>[vector<16xi32>, vector<16xi32>], vector<16xf32>,
        %parallel_loop3A_271 = arith.constant 0 : i32
        %parallel_loop3A_272 = vector.broadcast %parallel_loop3A_271 : i32 to vector<16xi32>
        %parallel_loop3A_273 = arith.subi %parallel_loop3A_269, %parallel_loop3A_272 : vector<16xi32>
        tpu.vector_store_idx %arg8[%parallel_loop3A_273, %parallel_loop3A_261], %parallel_loop3A_270 : memref<128x128xf32, #tpu.memory_space<vmem>>[vector<16xi32>, vector<16xi32>], vector<16xf32>,
        %parallel_loop3A_274 = vector.broadcast %parallel_loop3A_267 : i32 to vector<16xi32>
        %parallel_loop3A_275 = arith.addi %and3A_50, %parallel_loop3A_274 : vector<16xi32>
        %parallel_loop3A_276 = tpu.vector_load_idx %arg7[%parallel_loop3A_261, %parallel_loop3A_275] : memref<128x256xf32, #tpu.memory_space<vmem>>[vector<16xi32>, vector<16xi32>], vector<16xf32>,
        %parallel_loop3A_277 = arith.constant 0 : i32
        %parallel_loop3A_278 = vector.broadcast %parallel_loop3A_277 : i32 to vector<16xi32>
        %parallel_loop3A_279 = arith.subi %parallel_loop3A_275, %parallel_loop3A_278 : vector<16xi32>
        tpu.vector_store_idx %arg8[%parallel_loop3A_279, %parallel_loop3A_261], %parallel_loop3A_276 : memref<128x128xf32, #tpu.memory_space<vmem>>[vector<16xi32>, vector<16xi32>], vector<16xf32>,
        %parallel_loop3A_280 = vector.broadcast %parallel_loop3A_267 : i32 to vector<16xi32>
        %parallel_loop3A_281 = arith.addi %and3A_56, %parallel_loop3A_280 : vector<16xi32>
        %parallel_loop3A_282 = tpu.vector_load_idx %arg7[%parallel_loop3A_261, %parallel_loop3A_281] : memref<128x256xf32, #tpu.memory_space<vmem>>[vector<16xi32>, vector<16xi32>], vector<16xf32>,
        %parallel_loop3A_283 = arith.constant 0 : i32
        %parallel_loop3A_284 = vector.broadcast %parallel_loop3A_283 : i32 to vector<16xi32>
        %parallel_loop3A_285 = arith.subi %parallel_loop3A_281, %parallel_loop3A_284 : vector<16xi32>
        tpu.vector_store_idx %arg8[%parallel_loop3A_285, %parallel_loop3A_261], %parallel_loop3A_282 : memref<128x128xf32, #tpu.memory_space<vmem>>[vector<16xi32>, vector<16xi32>], vector<16xf32>,
        %parallel_loop3A_286 = vector.broadcast %parallel_loop3A_267 : i32 to vector<16xi32>
        %parallel_loop3A_287 = arith.addi %and3A_62, %parallel_loop3A_286 : vector<16xi32>
        %parallel_loop3A_288 = tpu.vector_load_idx %arg7[%parallel_loop3A_261, %parallel_loop3A_287] : memref<128x256xf32, #tpu.memory_space<vmem>>[vector<16xi32>, vector<16xi32>], vector<16xf32>,
        %parallel_loop3A_289 = arith.constant 0 : i32
        %parallel_loop3A_290 = vector.broadcast %parallel_loop3A_289 : i32 to vector<16xi32>
        %parallel_loop3A_291 = arith.subi %parallel_loop3A_287, %parallel_loop3A_290 : vector<16xi32>
        tpu.vector_store_idx %arg8[%parallel_loop3A_291, %parallel_loop3A_261], %parallel_loop3A_288 : memref<128x128xf32, #tpu.memory_space<vmem>>[vector<16xi32>, vector<16xi32>], vector<16xf32>,
        %parallel_loop3A_292 = vector.broadcast %parallel_loop3A_267 : i32 to vector<16xi32>
        %parallel_loop3A_293 = arith.addi %and3A_68, %parallel_loop3A_292 : vector<16xi32>
        %parallel_loop3A_294 = tpu.vector_load_idx %arg7[%parallel_loop3A_261, %parallel_loop3A_293] : memref<128x256xf32, #tpu.memory_space<vmem>>[vector<16xi32>, vector<16xi32>], vector<16xf32>,
        %parallel_loop3A_295 = arith.constant 0 : i32
        %parallel_loop3A_296 = vector.broadcast %parallel_loop3A_295 : i32 to vector<16xi32>
        %parallel_loop3A_297 = arith.subi %parallel_loop3A_293, %parallel_loop3A_296 : vector<16xi32>
        tpu.vector_store_idx %arg8[%parallel_loop3A_297, %parallel_loop3A_261], %parallel_loop3A_294 : memref<128x128xf32, #tpu.memory_space<vmem>>[vector<16xi32>, vector<16xi32>], vector<16xf32>,
        %parallel_loop3A_298 = vector.broadcast %parallel_loop3A_267 : i32 to vector<16xi32>
        %parallel_loop3A_299 = arith.addi %and3A_74, %parallel_loop3A_298 : vector<16xi32>
        %parallel_loop3A_300 = tpu.vector_load_idx %arg7[%parallel_loop3A_261, %parallel_loop3A_299] : memref<128x256xf32, #tpu.memory_space<vmem>>[vector<16xi32>, vector<16xi32>], vector<16xf32>,
        %parallel_loop3A_301 = arith.constant 0 : i32
        %parallel_loop3A_302 = vector.broadcast %parallel_loop3A_301 : i32 to vector<16xi32>
        %parallel_loop3A_303 = arith.subi %parallel_loop3A_299, %parallel_loop3A_302 : vector<16xi32>
        tpu.vector_store_idx %arg8[%parallel_loop3A_303, %parallel_loop3A_261], %parallel_loop3A_300 : memref<128x128xf32, #tpu.memory_space<vmem>>[vector<16xi32>, vector<16xi32>], vector<16xf32>,
        %parallel_loop3A_304 = vector.broadcast %parallel_loop3A_267 : i32 to vector<16xi32>
        %parallel_loop3A_305 = arith.addi %and3A_80, %parallel_loop3A_304 : vector<16xi32>
        %parallel_loop3A_306 = tpu.vector_load_idx %arg7[%parallel_loop3A_261, %parallel_loop3A_305] : memref<128x256xf32, #tpu.memory_space<vmem>>[vector<16xi32>, vector<16xi32>], vector<16xf32>,
        %parallel_loop3A_307 = arith.constant 0 : i32
        %parallel_loop3A_308 = vector.broadcast %parallel_loop3A_307 : i32 to vector<16xi32>
        %parallel_loop3A_309 = arith.subi %parallel_loop3A_305, %parallel_loop3A_308 : vector<16xi32>
        tpu.vector_store_idx %arg8[%parallel_loop3A_309, %parallel_loop3A_261], %parallel_loop3A_306 : memref<128x128xf32, #tpu.memory_space<vmem>>[vector<16xi32>, vector<16xi32>], vector<16xf32>,
        %parallel_loop3A_310 = vector.broadcast %parallel_loop3A_267 : i32 to vector<16xi32>
        %parallel_loop3A_311 = arith.addi %and3A_86, %parallel_loop3A_310 : vector<16xi32>
        %parallel_loop3A_312 = tpu.vector_load_idx %arg7[%parallel_loop3A_261, %parallel_loop3A_311] : memref<128x256xf32, #tpu.memory_space<vmem>>[vector<16xi32>, vector<16xi32>], vector<16xf32>,
        %parallel_loop3A_313 = arith.constant 0 : i32
        %parallel_loop3A_314 = vector.broadcast %parallel_loop3A_313 : i32 to vector<16xi32>
        %parallel_loop3A_315 = arith.subi %parallel_loop3A_311, %parallel_loop3A_314 : vector<16xi32>
        tpu.vector_store_idx %arg8[%parallel_loop3A_315, %parallel_loop3A_261], %parallel_loop3A_312 : memref<128x128xf32, #tpu.memory_space<vmem>>[vector<16xi32>, vector<16xi32>], vector<16xf32>,
        %parallel_loop3A_316 = vector.broadcast %parallel_loop3A_267 : i32 to vector<16xi32>
        %parallel_loop3A_317 = arith.addi %and3A_92, %parallel_loop3A_316 : vector<16xi32>
        %parallel_loop3A_318 = tpu.vector_load_idx %arg7[%parallel_loop3A_261, %parallel_loop3A_317] : memref<128x256xf32, #tpu.memory_space<vmem>>[vector<16xi32>, vector<16xi32>], vector<16xf32>,
        %parallel_loop3A_319 = arith.constant 0 : i32
        %parallel_loop3A_320 = vector.broadcast %parallel_loop3A_319 : i32 to vector<16xi32>
        %parallel_loop3A_321 = arith.subi %parallel_loop3A_317, %parallel_loop3A_320 : vector<16xi32>
        tpu.vector_store_idx %arg8[%parallel_loop3A_321, %parallel_loop3A_261], %parallel_loop3A_318 : memref<128x128xf32, #tpu.memory_space<vmem>>[vector<16xi32>, vector<16xi32>], vector<16xf32>,
        %parallel_loop3A_322 = vector.broadcast %parallel_loop3A_267 : i32 to vector<16xi32>
        %parallel_loop3A_323 = arith.addi %and3A_98, %parallel_loop3A_322 : vector<16xi32>
        %parallel_loop3A_324 = tpu.vector_load_idx %arg7[%parallel_loop3A_261, %parallel_loop3A_323] : memref<128x256xf32, #tpu.memory_space<vmem>>[vector<16xi32>, vector<16xi32>], vector<16xf32>,
        %parallel_loop3A_325 = arith.constant 0 : i32
        %parallel_loop3A_326 = vector.broadcast %parallel_loop3A_325 : i32 to vector<16xi32>
        %parallel_loop3A_327 = arith.subi %parallel_loop3A_323, %parallel_loop3A_326 : vector<16xi32>
        tpu.vector_store_idx %arg8[%parallel_loop3A_327, %parallel_loop3A_261], %parallel_loop3A_324 : memref<128x128xf32, #tpu.memory_space<vmem>>[vector<16xi32>, vector<16xi32>], vector<16xf32>,
        %parallel_loop3A_328 = vector.broadcast %parallel_loop3A_267 : i32 to vector<16xi32>
        %parallel_loop3A_329 = arith.addi %and3A_104, %parallel_loop3A_328 : vector<16xi32>
        %parallel_loop3A_330 = tpu.vector_load_idx %arg7[%parallel_loop3A_261, %parallel_loop3A_329] : memref<128x256xf32, #tpu.memory_space<vmem>>[vector<16xi32>, vector<16xi32>], vector<16xf32>,
        %parallel_loop3A_331 = arith.constant 0 : i32
        %parallel_loop3A_332 = vector.broadcast %parallel_loop3A_331 : i32 to vector<16xi32>
        %parallel_loop3A_333 = arith.subi %parallel_loop3A_329, %parallel_loop3A_332 : vector<16xi32>
        tpu.vector_store_idx %arg8[%parallel_loop3A_333, %parallel_loop3A_261], %parallel_loop3A_330 : memref<128x128xf32, #tpu.memory_space<vmem>>[vector<16xi32>, vector<16xi32>], vector<16xf32>,
        %parallel_loop3A_334 = vector.broadcast %parallel_loop3A_267 : i32 to vector<16xi32>
        %parallel_loop3A_335 = arith.addi %and3A_110, %parallel_loop3A_334 : vector<16xi32>
        %parallel_loop3A_336 = tpu.vector_load_idx %arg7[%parallel_loop3A_261, %parallel_loop3A_335] : memref<128x256xf32, #tpu.memory_space<vmem>>[vector<16xi32>, vector<16xi32>], vector<16xf32>,
        %parallel_loop3A_337 = arith.constant 0 : i32
        %parallel_loop3A_338 = vector.broadcast %parallel_loop3A_337 : i32 to vector<16xi32>
        %parallel_loop3A_339 = arith.subi %parallel_loop3A_335, %parallel_loop3A_338 : vector<16xi32>
        tpu.vector_store_idx %arg8[%parallel_loop3A_339, %parallel_loop3A_261], %parallel_loop3A_336 : memref<128x128xf32, #tpu.memory_space<vmem>>[vector<16xi32>, vector<16xi32>], vector<16xf32>,
        %parallel_loop3A_340 = vector.broadcast %parallel_loop3A_267 : i32 to vector<16xi32>
        %parallel_loop3A_341 = arith.addi %and3A_116, %parallel_loop3A_340 : vector<16xi32>
        %parallel_loop3A_342 = tpu.vector_load_idx %arg7[%parallel_loop3A_261, %parallel_loop3A_341] : memref<128x256xf32, #tpu.memory_space<vmem>>[vector<16xi32>, vector<16xi32>], vector<16xf32>,
        %parallel_loop3A_343 = arith.constant 0 : i32
        %parallel_loop3A_344 = vector.broadcast %parallel_loop3A_343 : i32 to vector<16xi32>
        %parallel_loop3A_345 = arith.subi %parallel_loop3A_341, %parallel_loop3A_344 : vector<16xi32>
        tpu.vector_store_idx %arg8[%parallel_loop3A_345, %parallel_loop3A_261], %parallel_loop3A_342 : memref<128x128xf32, #tpu.memory_space<vmem>>[vector<16xi32>, vector<16xi32>], vector<16xf32>,
        %parallel_loop3A_346 = vector.broadcast %parallel_loop3A_267 : i32 to vector<16xi32>
        %parallel_loop3A_347 = arith.addi %and3A_122, %parallel_loop3A_346 : vector<16xi32>
        %parallel_loop3A_348 = tpu.vector_load_idx %arg7[%parallel_loop3A_261, %parallel_loop3A_347] : memref<128x256xf32, #tpu.memory_space<vmem>>[vector<16xi32>, vector<16xi32>], vector<16xf32>,
        %parallel_loop3A_349 = arith.constant 0 : i32
        %parallel_loop3A_350 = vector.broadcast %parallel_loop3A_349 : i32 to vector<16xi32>
        %parallel_loop3A_351 = arith.subi %parallel_loop3A_347, %parallel_loop3A_350 : vector<16xi32>
        tpu.vector_store_idx %arg8[%parallel_loop3A_351, %parallel_loop3A_261], %parallel_loop3A_348 : memref<128x128xf32, #tpu.memory_space<vmem>>[vector<16xi32>, vector<16xi32>], vector<16xf32>,
        %parallel_loop3A_352 = vector.broadcast %parallel_loop3A_267 : i32 to vector<16xi32>
        %parallel_loop3A_353 = arith.addi %and3A_128, %parallel_loop3A_352 : vector<16xi32>
        %parallel_loop3A_354 = tpu.vector_load_idx %arg7[%parallel_loop3A_261, %parallel_loop3A_353] : memref<128x256xf32, #tpu.memory_space<vmem>>[vector<16xi32>, vector<16xi32>], vector<16xf32>,
        %parallel_loop3A_355 = arith.constant 0 : i32
        %parallel_loop3A_356 = vector.broadcast %parallel_loop3A_355 : i32 to vector<16xi32>
        %parallel_loop3A_357 = arith.subi %parallel_loop3A_353, %parallel_loop3A_356 : vector<16xi32>
        tpu.vector_store_idx %arg8[%parallel_loop3A_357, %parallel_loop3A_261], %parallel_loop3A_354 : memref<128x128xf32, #tpu.memory_space<vmem>>[vector<16xi32>, vector<16xi32>], vector<16xf32>,
        %parallel_loop3A_358 = vector.broadcast %parallel_loop3A_267 : i32 to vector<16xi32>
        %parallel_loop3A_359 = arith.addi %and3A_134, %parallel_loop3A_358 : vector<16xi32>
        %parallel_loop3A_360 = tpu.vector_load_idx %arg7[%parallel_loop3A_261, %parallel_loop3A_359] : memref<128x256xf32, #tpu.memory_space<vmem>>[vector<16xi32>, vector<16xi32>], vector<16xf32>,
        %parallel_loop3A_361 = arith.constant 0 : i32
        %parallel_loop3A_362 = vector.broadcast %parallel_loop3A_361 : i32 to vector<16xi32>
        %parallel_loop3A_363 = arith.subi %parallel_loop3A_359, %parallel_loop3A_362 : vector<16xi32>
        tpu.vector_store_idx %arg8[%parallel_loop3A_363, %parallel_loop3A_261], %parallel_loop3A_360 : memref<128x128xf32, #tpu.memory_space<vmem>>[vector<16xi32>, vector<16xi32>], vector<16xf32>,
      } {sc.loop_unroll_factor = 4 : i64, sc.parallel_access}
      %mul3A_232 = arith.constant 128 : i32
      %mul3A_233 = arith.muli %mul3A_32, %mul3A_232 : i32
      %multiple_of3A_234 = tpu.assume_multiple %mul3A_233, 128 : i32
      %dma_start3A_235 = tpu.memref_slice %arg4[%add3A_210, %multiple_of3A_234, %multiple_of3A] : memref<50x1000x1024xf32, #tpu.memory_space<hbm>> -> memref<1x128x128xf32, #tpu.memory_space<hbm>>
      %dma_start3A_236 = tpu.memref_squeeze %dma_start3A_235 : memref<1x128x128xf32, #tpu.memory_space<hbm>> -> memref<128x128xf32, #tpu.memory_space<hbm>>
      %dma_start3A_237 = tpu.memref_slice %arg4[%add3A_210, %multiple_of3A_234, %multiple_of3A] : memref<50x1000x1024xf32, #tpu.memory_space<hbm>> -> memref<1x128x128xf32, #tpu.memory_space<hbm>>
      %dma_start3A_238 = tpu.memref_squeeze %dma_start3A_237 : memref<1x128x128xf32, #tpu.memory_space<hbm>> -> memref<128x128xf32, #tpu.memory_space<hbm>>
      tpu.enqueue_dma source(%arg8 : memref<128x128xf32, #tpu.memory_space<vmem>>) target(%dma_start3A_238 : memref<128x128xf32, #tpu.memory_space<hbm>>) target_semaphore(%arg12 : memref<!tpu.dma_semaphore, #tpu.memory_space<semaphore_mem>>)
      %ge3A_239 = arith.constant 1 : i32
      %ge3A_240 = arith.cmpi sge, %add3A_210, %ge3A_239 : i32
      %convert_element_type3A_241 = arith.extui %ge3A_240 : i1 to i32
      %cond3A_242 = arith.constant 0 : i32
      %cond3A_243 = arith.cmpi ne, %convert_element_type3A_241, %cond3A_242 : i32
      scf.if %cond3A_243 {
        %convert_element_type3A_255 = arith.extui %eq3A_38 : i1 to i32
        %cond3A_256 = arith.constant 0 : i32
        %cond3A_257 = arith.cmpi ne, %convert_element_type3A_255, %cond3A_256 : i32
        scf.if %cond3A_257 {
          %dma_wait3A_263 = arith.constant 0 : i32
          %dma_wait3A_264 = arith.constant 0 : i32
          %dma_wait3A_265 = arith.constant 0 : i32
          %dma_wait3A_266 = tpu.memref_slice %arg9[%dma_wait3A_264, %dma_wait3A_265] : memref<128x128xf32, #tpu.memory_space<vmem>> -> memref<104x128xf32, #tpu.memory_space<vmem>>
          %dma_wait3A_267 = arith.constant 0 : i32
          %dma_wait3A_268 = arith.constant 0 : i32
          %dma_wait3A_269 = tpu.memref_slice %arg4[%dma_wait3A_263, %dma_wait3A_267, %dma_wait3A_268] : memref<50x1000x1024xf32, #tpu.memory_space<hbm>> -> memref<1x104x128xf32, #tpu.memory_space<hbm>>
          %dma_wait3A_270 = tpu.memref_squeeze %dma_wait3A_269 : memref<1x104x128xf32, #tpu.memory_space<hbm>> -> memref<104x128xf32, #tpu.memory_space<hbm>>
          %dma_wait3A_271 = arith.constant 0 : i32
          %dma_wait3A_272 = arith.constant 0 : i32
          %dma_wait3A_273 = tpu.memref_slice %arg4[%dma_wait3A_263, %dma_wait3A_271, %dma_wait3A_272] : memref<50x1000x1024xf32, #tpu.memory_space<hbm>> -> memref<1x104x128xf32, #tpu.memory_space<hbm>>
          %dma_wait3A_274 = tpu.memref_squeeze %dma_wait3A_273 : memref<1x104x128xf32, #tpu.memory_space<hbm>> -> memref<104x128xf32, #tpu.memory_space<hbm>>
          %dma_wait3A_275 = arith.constant 0 : i32
          %dma_wait3A_276 = arith.constant 0 : i32
          %dma_wait3A_277 = tpu.memref_slice %arg9[%dma_wait3A_275, %dma_wait3A_276] : memref<128x128xf32, #tpu.memory_space<vmem>> -> memref<104x128xf32, #tpu.memory_space<vmem>>
          tpu.wait_dma2 semaphore(%arg13 : memref<!tpu.dma_semaphore, #tpu.memory_space<semaphore_mem>>) src(%dma_wait3A_277 : memref<104x128xf32, #tpu.memory_space<vmem>>) dst(%dma_wait3A_274 : memref<104x128xf32, #tpu.memory_space<hbm>>)
        } else {
        }
        %not3A_258 = arith.constant true
        %not3A_259 = arith.xori %eq3A_38, %not3A_258 : i1
        %convert_element_type3A_260 = arith.extui %not3A_259 : i1 to i32
        %cond3A_261 = arith.constant 0 : i32
        %cond3A_262 = arith.cmpi ne, %convert_element_type3A_260, %cond3A_261 : i32
        scf.if %cond3A_262 {
          %dma_wait3A_263 = arith.constant 0 : i32
          %dma_wait3A_264 = arith.constant 0 : i32
          %dma_wait3A_265 = arith.constant 0 : i32
          %dma_wait3A_266 = tpu.memref_slice %arg4[%dma_wait3A_263, %dma_wait3A_264, %dma_wait3A_265] : memref<50x1000x1024xf32, #tpu.memory_space<hbm>> -> memref<1x128x128xf32, #tpu.memory_space<hbm>>
          %dma_wait3A_267 = tpu.memref_squeeze %dma_wait3A_266 : memref<1x128x128xf32, #tpu.memory_space<hbm>> -> memref<128x128xf32, #tpu.memory_space<hbm>>
          %dma_wait3A_268 = arith.constant 0 : i32
          %dma_wait3A_269 = arith.constant 0 : i32
          %dma_wait3A_270 = tpu.memref_slice %arg4[%dma_wait3A_263, %dma_wait3A_268, %dma_wait3A_269] : memref<50x1000x1024xf32, #tpu.memory_space<hbm>> -> memref<1x128x128xf32, #tpu.memory_space<hbm>>
          %dma_wait3A_271 = tpu.memref_squeeze %dma_wait3A_270 : memref<1x128x128xf32, #tpu.memory_space<hbm>> -> memref<128x128xf32, #tpu.memory_space<hbm>>
          tpu.wait_dma2 semaphore(%arg13 : memref<!tpu.dma_semaphore, #tpu.memory_space<semaphore_mem>>) src(%arg9 : memref<128x128xf32, #tpu.memory_space<vmem>>) dst(%dma_wait3A_271 : memref<128x128xf32, #tpu.memory_space<hbm>>)
        } else {
        }
      } else {
      }
      %parallel_loop3A_244 = arith.constant 0 : i32
      %parallel_loop3A_245 = arith.constant 64 : i32
      %parallel_loop3A_246 = arith.constant 1 : i32
      scf.for %parallel_loop3A_255 = %parallel_loop3A_244 to %parallel_loop3A_245 step %parallel_loop3A_246  : i32 {
        %parallel_loop3A_256 = arith.constant 8 : i32
        %parallel_loop3A_257 = arith.divsi %parallel_loop3A_255, %parallel_loop3A_256 : i32
        %parallel_loop3A_258 = arith.constant 16 : i32
        %parallel_loop3A_259 = arith.muli %parallel_loop3A_257, %parallel_loop3A_258 : i32
        %parallel_loop3A_260 = vector.broadcast %parallel_loop3A_259 : i32 to vector<16xi32>
        %parallel_loop3A_261 = arith.addi %iota3A, %parallel_loop3A_260 : vector<16xi32>
        %parallel_loop3A_262 = arith.constant 8 : i32
        %parallel_loop3A_263 = arith.remsi %parallel_loop3A_255, %parallel_loop3A_262 : i32
        %parallel_loop3A_264 = arith.constant 16 : i32
        %parallel_loop3A_265 = arith.muli %parallel_loop3A_263, %parallel_loop3A_264 : i32
        %parallel_loop3A_266 = arith.constant 128 : i32
        %parallel_loop3A_267 = arith.addi %parallel_loop3A_265, %parallel_loop3A_266 : i32
        %parallel_loop3A_268 = vector.broadcast %parallel_loop3A_267 : i32 to vector<16xi32>
        %parallel_loop3A_269 = arith.addi %and3A_44, %parallel_loop3A_268 : vector<16xi32>
        %parallel_loop3A_270 = tpu.vector_load_idx %arg7[%parallel_loop3A_261, %parallel_loop3A_269] : memref<128x256xf32, #tpu.memory_space<vmem>>[vector<16xi32>, vector<16xi32>], vector<16xf32>,
        %parallel_loop3A_271 = arith.constant 128 : i32
        %parallel_loop3A_272 = vector.broadcast %parallel_loop3A_271 : i32 to vector<16xi32>
        %parallel_loop3A_273 = arith.subi %parallel_loop3A_269, %parallel_loop3A_272 : vector<16xi32>
        tpu.vector_store_idx %arg9[%parallel_loop3A_273, %parallel_loop3A_261], %parallel_loop3A_270 : memref<128x128xf32, #tpu.memory_space<vmem>>[vector<16xi32>, vector<16xi32>], vector<16xf32>,
        %parallel_loop3A_274 = vector.broadcast %parallel_loop3A_267 : i32 to vector<16xi32>
        %parallel_loop3A_275 = arith.addi %and3A_50, %parallel_loop3A_274 : vector<16xi32>
        %parallel_loop3A_276 = tpu.vector_load_idx %arg7[%parallel_loop3A_261, %parallel_loop3A_275] : memref<128x256xf32, #tpu.memory_space<vmem>>[vector<16xi32>, vector<16xi32>], vector<16xf32>,
        %parallel_loop3A_277 = arith.constant 128 : i32
        %parallel_loop3A_278 = vector.broadcast %parallel_loop3A_277 : i32 to vector<16xi32>
        %parallel_loop3A_279 = arith.subi %parallel_loop3A_275, %parallel_loop3A_278 : vector<16xi32>
        tpu.vector_store_idx %arg9[%parallel_loop3A_279, %parallel_loop3A_261], %parallel_loop3A_276 : memref<128x128xf32, #tpu.memory_space<vmem>>[vector<16xi32>, vector<16xi32>], vector<16xf32>,
        %parallel_loop3A_280 = vector.broadcast %parallel_loop3A_267 : i32 to vector<16xi32>
        %parallel_loop3A_281 = arith.addi %and3A_56, %parallel_loop3A_280 : vector<16xi32>
        %parallel_loop3A_282 = tpu.vector_load_idx %arg7[%parallel_loop3A_261, %parallel_loop3A_281] : memref<128x256xf32, #tpu.memory_space<vmem>>[vector<16xi32>, vector<16xi32>], vector<16xf32>,
        %parallel_loop3A_283 = arith.constant 128 : i32
        %parallel_loop3A_284 = vector.broadcast %parallel_loop3A_283 : i32 to vector<16xi32>
        %parallel_loop3A_285 = arith.subi %parallel_loop3A_281, %parallel_loop3A_284 : vector<16xi32>
        tpu.vector_store_idx %arg9[%parallel_loop3A_285, %parallel_loop3A_261], %parallel_loop3A_282 : memref<128x128xf32, #tpu.memory_space<vmem>>[vector<16xi32>, vector<16xi32>], vector<16xf32>,
        %parallel_loop3A_286 = vector.broadcast %parallel_loop3A_267 : i32 to vector<16xi32>
        %parallel_loop3A_287 = arith.addi %and3A_62, %parallel_loop3A_286 : vector<16xi32>
        %parallel_loop3A_288 = tpu.vector_load_idx %arg7[%parallel_loop3A_261, %parallel_loop3A_287] : memref<128x256xf32, #tpu.memory_space<vmem>>[vector<16xi32>, vector<16xi32>], vector<16xf32>,
        %parallel_loop3A_289 = arith.constant 128 : i32
        %parallel_loop3A_290 = vector.broadcast %parallel_loop3A_289 : i32 to vector<16xi32>
        %parallel_loop3A_291 = arith.subi %parallel_loop3A_287, %parallel_loop3A_290 : vector<16xi32>
        tpu.vector_store_idx %arg9[%parallel_loop3A_291, %parallel_loop3A_261], %parallel_loop3A_288 : memref<128x128xf32, #tpu.memory_space<vmem>>[vector<16xi32>, vector<16xi32>], vector<16xf32>,
        %parallel_loop3A_292 = vector.broadcast %parallel_loop3A_267 : i32 to vector<16xi32>
        %parallel_loop3A_293 = arith.addi %and3A_68, %parallel_loop3A_292 : vector<16xi32>
        %parallel_loop3A_294 = tpu.vector_load_idx %arg7[%parallel_loop3A_261, %parallel_loop3A_293] : memref<128x256xf32, #tpu.memory_space<vmem>>[vector<16xi32>, vector<16xi32>], vector<16xf32>,
        %parallel_loop3A_295 = arith.constant 128 : i32
        %parallel_loop3A_296 = vector.broadcast %parallel_loop3A_295 : i32 to vector<16xi32>
        %parallel_loop3A_297 = arith.subi %parallel_loop3A_293, %parallel_loop3A_296 : vector<16xi32>
        tpu.vector_store_idx %arg9[%parallel_loop3A_297, %parallel_loop3A_261], %parallel_loop3A_294 : memref<128x128xf32, #tpu.memory_space<vmem>>[vector<16xi32>, vector<16xi32>], vector<16xf32>,
        %parallel_loop3A_298 = vector.broadcast %parallel_loop3A_267 : i32 to vector<16xi32>
        %parallel_loop3A_299 = arith.addi %and3A_74, %parallel_loop3A_298 : vector<16xi32>
        %parallel_loop3A_300 = tpu.vector_load_idx %arg7[%parallel_loop3A_261, %parallel_loop3A_299] : memref<128x256xf32, #tpu.memory_space<vmem>>[vector<16xi32>, vector<16xi32>], vector<16xf32>,
        %parallel_loop3A_301 = arith.constant 128 : i32
        %parallel_loop3A_302 = vector.broadcast %parallel_loop3A_301 : i32 to vector<16xi32>
        %parallel_loop3A_303 = arith.subi %parallel_loop3A_299, %parallel_loop3A_302 : vector<16xi32>
        tpu.vector_store_idx %arg9[%parallel_loop3A_303, %parallel_loop3A_261], %parallel_loop3A_300 : memref<128x128xf32, #tpu.memory_space<vmem>>[vector<16xi32>, vector<16xi32>], vector<16xf32>,
        %parallel_loop3A_304 = vector.broadcast %parallel_loop3A_267 : i32 to vector<16xi32>
        %parallel_loop3A_305 = arith.addi %and3A_80, %parallel_loop3A_304 : vector<16xi32>
        %parallel_loop3A_306 = tpu.vector_load_idx %arg7[%parallel_loop3A_261, %parallel_loop3A_305] : memref<128x256xf32, #tpu.memory_space<vmem>>[vector<16xi32>, vector<16xi32>], vector<16xf32>,
        %parallel_loop3A_307 = arith.constant 128 : i32
        %parallel_loop3A_308 = vector.broadcast %parallel_loop3A_307 : i32 to vector<16xi32>
        %parallel_loop3A_309 = arith.subi %parallel_loop3A_305, %parallel_loop3A_308 : vector<16xi32>
        tpu.vector_store_idx %arg9[%parallel_loop3A_309, %parallel_loop3A_261], %parallel_loop3A_306 : memref<128x128xf32, #tpu.memory_space<vmem>>[vector<16xi32>, vector<16xi32>], vector<16xf32>,
        %parallel_loop3A_310 = vector.broadcast %parallel_loop3A_267 : i32 to vector<16xi32>
        %parallel_loop3A_311 = arith.addi %and3A_86, %parallel_loop3A_310 : vector<16xi32>
        %parallel_loop3A_312 = tpu.vector_load_idx %arg7[%parallel_loop3A_261, %parallel_loop3A_311] : memref<128x256xf32, #tpu.memory_space<vmem>>[vector<16xi32>, vector<16xi32>], vector<16xf32>,
        %parallel_loop3A_313 = arith.constant 128 : i32
        %parallel_loop3A_314 = vector.broadcast %parallel_loop3A_313 : i32 to vector<16xi32>
        %parallel_loop3A_315 = arith.subi %parallel_loop3A_311, %parallel_loop3A_314 : vector<16xi32>
        tpu.vector_store_idx %arg9[%parallel_loop3A_315, %parallel_loop3A_261], %parallel_loop3A_312 : memref<128x128xf32, #tpu.memory_space<vmem>>[vector<16xi32>, vector<16xi32>], vector<16xf32>,
        %parallel_loop3A_316 = vector.broadcast %parallel_loop3A_267 : i32 to vector<16xi32>
        %parallel_loop3A_317 = arith.addi %and3A_92, %parallel_loop3A_316 : vector<16xi32>
        %parallel_loop3A_318 = tpu.vector_load_idx %arg7[%parallel_loop3A_261, %parallel_loop3A_317] : memref<128x256xf32, #tpu.memory_space<vmem>>[vector<16xi32>, vector<16xi32>], vector<16xf32>,
        %parallel_loop3A_319 = arith.constant 128 : i32
        %parallel_loop3A_320 = vector.broadcast %parallel_loop3A_319 : i32 to vector<16xi32>
        %parallel_loop3A_321 = arith.subi %parallel_loop3A_317, %parallel_loop3A_320 : vector<16xi32>
        tpu.vector_store_idx %arg9[%parallel_loop3A_321, %parallel_loop3A_261], %parallel_loop3A_318 : memref<128x128xf32, #tpu.memory_space<vmem>>[vector<16xi32>, vector<16xi32>], vector<16xf32>,
        %parallel_loop3A_322 = vector.broadcast %parallel_loop3A_267 : i32 to vector<16xi32>
        %parallel_loop3A_323 = arith.addi %and3A_98, %parallel_loop3A_322 : vector<16xi32>
        %parallel_loop3A_324 = tpu.vector_load_idx %arg7[%parallel_loop3A_261, %parallel_loop3A_323] : memref<128x256xf32, #tpu.memory_space<vmem>>[vector<16xi32>, vector<16xi32>], vector<16xf32>,
        %parallel_loop3A_325 = arith.constant 128 : i32
        %parallel_loop3A_326 = vector.broadcast %parallel_loop3A_325 : i32 to vector<16xi32>
        %parallel_loop3A_327 = arith.subi %parallel_loop3A_323, %parallel_loop3A_326 : vector<16xi32>
        tpu.vector_store_idx %arg9[%parallel_loop3A_327, %parallel_loop3A_261], %parallel_loop3A_324 : memref<128x128xf32, #tpu.memory_space<vmem>>[vector<16xi32>, vector<16xi32>], vector<16xf32>,
        %parallel_loop3A_328 = vector.broadcast %parallel_loop3A_267 : i32 to vector<16xi32>
        %parallel_loop3A_329 = arith.addi %and3A_104, %parallel_loop3A_328 : vector<16xi32>
        %parallel_loop3A_330 = tpu.vector_load_idx %arg7[%parallel_loop3A_261, %parallel_loop3A_329] : memref<128x256xf32, #tpu.memory_space<vmem>>[vector<16xi32>, vector<16xi32>], vector<16xf32>,
        %parallel_loop3A_331 = arith.constant 128 : i32
        %parallel_loop3A_332 = vector.broadcast %parallel_loop3A_331 : i32 to vector<16xi32>
        %parallel_loop3A_333 = arith.subi %parallel_loop3A_329, %parallel_loop3A_332 : vector<16xi32>
        tpu.vector_store_idx %arg9[%parallel_loop3A_333, %parallel_loop3A_261], %parallel_loop3A_330 : memref<128x128xf32, #tpu.memory_space<vmem>>[vector<16xi32>, vector<16xi32>], vector<16xf32>,
        %parallel_loop3A_334 = vector.broadcast %parallel_loop3A_267 : i32 to vector<16xi32>
        %parallel_loop3A_335 = arith.addi %and3A_110, %parallel_loop3A_334 : vector<16xi32>
        %parallel_loop3A_336 = tpu.vector_load_idx %arg7[%parallel_loop3A_261, %parallel_loop3A_335] : memref<128x256xf32, #tpu.memory_space<vmem>>[vector<16xi32>, vector<16xi32>], vector<16xf32>,
        %parallel_loop3A_337 = arith.constant 128 : i32
        %parallel_loop3A_338 = vector.broadcast %parallel_loop3A_337 : i32 to vector<16xi32>
        %parallel_loop3A_339 = arith.subi %parallel_loop3A_335, %parallel_loop3A_338 : vector<16xi32>
        tpu.vector_store_idx %arg9[%parallel_loop3A_339, %parallel_loop3A_261], %parallel_loop3A_336 : memref<128x128xf32, #tpu.memory_space<vmem>>[vector<16xi32>, vector<16xi32>], vector<16xf32>,
        %parallel_loop3A_340 = vector.broadcast %parallel_loop3A_267 : i32 to vector<16xi32>
        %parallel_loop3A_341 = arith.addi %and3A_116, %parallel_loop3A_340 : vector<16xi32>
        %parallel_loop3A_342 = tpu.vector_load_idx %arg7[%parallel_loop3A_261, %parallel_loop3A_341] : memref<128x256xf32, #tpu.memory_space<vmem>>[vector<16xi32>, vector<16xi32>], vector<16xf32>,
        %parallel_loop3A_343 = arith.constant 128 : i32
        %parallel_loop3A_344 = vector.broadcast %parallel_loop3A_343 : i32 to vector<16xi32>
        %parallel_loop3A_345 = arith.subi %parallel_loop3A_341, %parallel_loop3A_344 : vector<16xi32>
        tpu.vector_store_idx %arg9[%parallel_loop3A_345, %parallel_loop3A_261], %parallel_loop3A_342 : memref<128x128xf32, #tpu.memory_space<vmem>>[vector<16xi32>, vector<16xi32>], vector<16xf32>,
        %parallel_loop3A_346 = vector.broadcast %parallel_loop3A_267 : i32 to vector<16xi32>
        %parallel_loop3A_347 = arith.addi %and3A_122, %parallel_loop3A_346 : vector<16xi32>
        %parallel_loop3A_348 = tpu.vector_load_idx %arg7[%parallel_loop3A_261, %parallel_loop3A_347] : memref<128x256xf32, #tpu.memory_space<vmem>>[vector<16xi32>, vector<16xi32>], vector<16xf32>,
        %parallel_loop3A_349 = arith.constant 128 : i32
        %parallel_loop3A_350 = vector.broadcast %parallel_loop3A_349 : i32 to vector<16xi32>
        %parallel_loop3A_351 = arith.subi %parallel_loop3A_347, %parallel_loop3A_350 : vector<16xi32>
        tpu.vector_store_idx %arg9[%parallel_loop3A_351, %parallel_loop3A_261], %parallel_loop3A_348 : memref<128x128xf32, #tpu.memory_space<vmem>>[vector<16xi32>, vector<16xi32>], vector<16xf32>,
        %parallel_loop3A_352 = vector.broadcast %parallel_loop3A_267 : i32 to vector<16xi32>
        %parallel_loop3A_353 = arith.addi %and3A_128, %parallel_loop3A_352 : vector<16xi32>
        %parallel_loop3A_354 = tpu.vector_load_idx %arg7[%parallel_loop3A_261, %parallel_loop3A_353] : memref<128x256xf32, #tpu.memory_space<vmem>>[vector<16xi32>, vector<16xi32>], vector<16xf32>,
        %parallel_loop3A_355 = arith.constant 128 : i32
        %parallel_loop3A_356 = vector.broadcast %parallel_loop3A_355 : i32 to vector<16xi32>
        %parallel_loop3A_357 = arith.subi %parallel_loop3A_353, %parallel_loop3A_356 : vector<16xi32>
        tpu.vector_store_idx %arg9[%parallel_loop3A_357, %parallel_loop3A_261], %parallel_loop3A_354 : memref<128x128xf32, #tpu.memory_space<vmem>>[vector<16xi32>, vector<16xi32>], vector<16xf32>,
        %parallel_loop3A_358 = vector.broadcast %parallel_loop3A_267 : i32 to vector<16xi32>
        %parallel_loop3A_359 = arith.addi %and3A_134, %parallel_loop3A_358 : vector<16xi32>
        %parallel_loop3A_360 = tpu.vector_load_idx %arg7[%parallel_loop3A_261, %parallel_loop3A_359] : memref<128x256xf32, #tpu.memory_space<vmem>>[vector<16xi32>, vector<16xi32>], vector<16xf32>,
        %parallel_loop3A_361 = arith.constant 128 : i32
        %parallel_loop3A_362 = vector.broadcast %parallel_loop3A_361 : i32 to vector<16xi32>
        %parallel_loop3A_363 = arith.subi %parallel_loop3A_359, %parallel_loop3A_362 : vector<16xi32>
        tpu.vector_store_idx %arg9[%parallel_loop3A_363, %parallel_loop3A_261], %parallel_loop3A_360 : memref<128x128xf32, #tpu.memory_space<vmem>>[vector<16xi32>, vector<16xi32>], vector<16xf32>,
      } {sc.loop_unroll_factor = 4 : i64, sc.parallel_access}
      %convert_element_type3A_247 = arith.extui %eq3A_38 : i1 to i32
      %cond3A_248 = arith.constant 0 : i32
      %cond3A_249 = arith.cmpi ne, %convert_element_type3A_247, %cond3A_248 : i32
      scf.if %cond3A_249 {
        %dma_start3A_255 = arith.constant 0 : i32
        %dma_start3A_256 = arith.constant 0 : i32
        %dma_start3A_257 = tpu.memref_slice %arg9[%dma_start3A_255, %dma_start3A_256] : memref<128x128xf32, #tpu.memory_space<vmem>> -> memref<104x128xf32, #tpu.memory_space<vmem>>
        %dma_start3A_258 = arith.constant 896 : i32
        %dma_start3A_259 = tpu.memref_slice %arg4[%add3A_210, %dma_start3A_258, %multiple_of3A] : memref<50x1000x1024xf32, #tpu.memory_space<hbm>> -> memref<1x104x128xf32, #tpu.memory_space<hbm>>
        %dma_start3A_260 = tpu.memref_squeeze %dma_start3A_259 : memref<1x104x128xf32, #tpu.memory_space<hbm>> -> memref<104x128xf32, #tpu.memory_space<hbm>>
        %dma_start3A_261 = arith.constant 896 : i32
        %dma_start3A_262 = tpu.memref_slice %arg4[%add3A_210, %dma_start3A_261, %multiple_of3A] : memref<50x1000x1024xf32, #tpu.memory_space<hbm>> -> memref<1x104x128xf32, #tpu.memory_space<hbm>>
        %dma_start3A_263 = tpu.memref_squeeze %dma_start3A_262 : memref<1x104x128xf32, #tpu.memory_space<hbm>> -> memref<104x128xf32, #tpu.memory_space<hbm>>
        %dma_start3A_264 = arith.constant 0 : i32
        %dma_start3A_265 = arith.constant 0 : i32
        %dma_start3A_266 = tpu.memref_slice %arg9[%dma_start3A_264, %dma_start3A_265] : memref<128x128xf32, #tpu.memory_space<vmem>> -> memref<104x128xf32, #tpu.memory_space<vmem>>
        tpu.enqueue_dma source(%dma_start3A_266 : memref<104x128xf32, #tpu.memory_space<vmem>>) target(%dma_start3A_263 : memref<104x128xf32, #tpu.memory_space<hbm>>) target_semaphore(%arg13 : memref<!tpu.dma_semaphore, #tpu.memory_space<semaphore_mem>>)
      } else {
      }
      %not3A_250 = arith.constant true
      %not3A_251 = arith.xori %eq3A_38, %not3A_250 : i1
      %convert_element_type3A_252 = arith.extui %not3A_251 : i1 to i32
      %cond3A_253 = arith.constant 0 : i32
      %cond3A_254 = arith.cmpi ne, %convert_element_type3A_252, %cond3A_253 : i32
      scf.if %cond3A_254 {
        %add3A_255 = arith.constant 1 : i32
        %add3A_256 = arith.addi %mul3A_32, %add3A_255 : i32
        %mul3A_257 = arith.constant 128 : i32
        %mul3A_258 = arith.muli %add3A_256, %mul3A_257 : i32
        %multiple_of3A_259 = tpu.assume_multiple %mul3A_258, 128 : i32
        %dma_start3A_260 = tpu.memref_slice %arg4[%add3A_210, %multiple_of3A_259, %multiple_of3A] : memref<50x1000x1024xf32, #tpu.memory_space<hbm>> -> memref<1x128x128xf32, #tpu.memory_space<hbm>>
        %dma_start3A_261 = tpu.memref_squeeze %dma_start3A_260 : memref<1x128x128xf32, #tpu.memory_space<hbm>> -> memref<128x128xf32, #tpu.memory_space<hbm>>
        %dma_start3A_262 = tpu.memref_slice %arg4[%add3A_210, %multiple_of3A_259, %multiple_of3A] : memref<50x1000x1024xf32, #tpu.memory_space<hbm>> -> memref<1x128x128xf32, #tpu.memory_space<hbm>>
        %dma_start3A_263 = tpu.memref_squeeze %dma_start3A_262 : memref<1x128x128xf32, #tpu.memory_space<hbm>> -> memref<128x128xf32, #tpu.memory_space<hbm>>
        tpu.enqueue_dma source(%arg9 : memref<128x128xf32, #tpu.memory_space<vmem>>) target(%dma_start3A_263 : memref<128x128xf32, #tpu.memory_space<hbm>>) target_semaphore(%arg13 : memref<!tpu.dma_semaphore, #tpu.memory_space<semaphore_mem>>)
      } else {
      }
    }
    %scan3A_146 = arith.constant 25 : i32
    %dma_wait3A = arith.constant 0 : i32
    %dma_wait3A_147 = arith.constant 0 : i32
    %dma_wait3A_148 = arith.constant 0 : i32
    %dma_wait3A_149 = tpu.memref_slice %arg4[%dma_wait3A, %dma_wait3A_147, %dma_wait3A_148] : memref<50x1000x1024xf32, #tpu.memory_space<hbm>> -> memref<1x128x128xf32, #tpu.memory_space<hbm>>
    %dma_wait3A_150 = tpu.memref_squeeze %dma_wait3A_149 : memref<1x128x128xf32, #tpu.memory_space<hbm>> -> memref<128x128xf32, #tpu.memory_space<hbm>>
    %dma_wait3A_151 = arith.constant 0 : i32
    %dma_wait3A_152 = arith.constant 0 : i32
    %dma_wait3A_153 = tpu.memref_slice %arg4[%dma_wait3A, %dma_wait3A_151, %dma_wait3A_152] : memref<50x1000x1024xf32, #tpu.memory_space<hbm>> -> memref<1x128x128xf32, #tpu.memory_space<hbm>>
    %dma_wait3A_154 = tpu.memref_squeeze %dma_wait3A_153 : memref<1x128x128xf32, #tpu.memory_space<hbm>> -> memref<128x128xf32, #tpu.memory_space<hbm>>
    tpu.wait_dma2 semaphore(%arg12 : memref<!tpu.dma_semaphore, #tpu.memory_space<semaphore_mem>>) src(%arg8 : memref<128x128xf32, #tpu.memory_space<vmem>>) dst(%dma_wait3A_154 : memref<128x128xf32, #tpu.memory_space<hbm>>)
    %convert_element_type3A = arith.extui %eq3A_38 : i1 to i32
    %cond3A = arith.constant 0 : i32
    %cond3A_155 = arith.cmpi ne, %convert_element_type3A, %cond3A : i32
    scf.if %cond3A_155 {
      %dma_wait3A_160 = arith.constant 0 : i32
      %dma_wait3A_161 = arith.constant 0 : i32
      %dma_wait3A_162 = arith.constant 0 : i32
      %dma_wait3A_163 = tpu.memref_slice %arg9[%dma_wait3A_161, %dma_wait3A_162] : memref<128x128xf32, #tpu.memory_space<vmem>> -> memref<104x128xf32, #tpu.memory_space<vmem>>
      %dma_wait3A_164 = arith.constant 0 : i32
      %dma_wait3A_165 = arith.constant 0 : i32
      %dma_wait3A_166 = tpu.memref_slice %arg4[%dma_wait3A_160, %dma_wait3A_164, %dma_wait3A_165] : memref<50x1000x1024xf32, #tpu.memory_space<hbm>> -> memref<1x104x128xf32, #tpu.memory_space<hbm>>
      %dma_wait3A_167 = tpu.memref_squeeze %dma_wait3A_166 : memref<1x104x128xf32, #tpu.memory_space<hbm>> -> memref<104x128xf32, #tpu.memory_space<hbm>>
      %dma_wait3A_168 = arith.constant 0 : i32
      %dma_wait3A_169 = arith.constant 0 : i32
      %dma_wait3A_170 = tpu.memref_slice %arg4[%dma_wait3A_160, %dma_wait3A_168, %dma_wait3A_169] : memref<50x1000x1024xf32, #tpu.memory_space<hbm>> -> memref<1x104x128xf32, #tpu.memory_space<hbm>>
      %dma_wait3A_171 = tpu.memref_squeeze %dma_wait3A_170 : memref<1x104x128xf32, #tpu.memory_space<hbm>> -> memref<104x128xf32, #tpu.memory_space<hbm>>
      %dma_wait3A_172 = arith.constant 0 : i32
      %dma_wait3A_173 = arith.constant 0 : i32
      %dma_wait3A_174 = tpu.memref_slice %arg9[%dma_wait3A_172, %dma_wait3A_173] : memref<128x128xf32, #tpu.memory_space<vmem>> -> memref<104x128xf32, #tpu.memory_space<vmem>>
      tpu.wait_dma2 semaphore(%arg13 : memref<!tpu.dma_semaphore, #tpu.memory_space<semaphore_mem>>) src(%dma_wait3A_174 : memref<104x128xf32, #tpu.memory_space<vmem>>) dst(%dma_wait3A_171 : memref<104x128xf32, #tpu.memory_space<hbm>>)
    } else {
    }
    %not3A = arith.constant true
    %not3A_156 = arith.xori %eq3A_38, %not3A : i1
    %convert_element_type3A_157 = arith.extui %not3A_156 : i1 to i32
    %cond3A_158 = arith.constant 0 : i32
    %cond3A_159 = arith.cmpi ne, %convert_element_type3A_157, %cond3A_158 : i32
    scf.if %cond3A_159 {
      %dma_wait3A_160 = arith.constant 0 : i32
      %dma_wait3A_161 = arith.constant 0 : i32
      %dma_wait3A_162 = arith.constant 0 : i32
      %dma_wait3A_163 = tpu.memref_slice %arg4[%dma_wait3A_160, %dma_wait3A_161, %dma_wait3A_162] : memref<50x1000x1024xf32, #tpu.memory_space<hbm>> -> memref<1x128x128xf32, #tpu.memory_space<hbm>>
      %dma_wait3A_164 = tpu.memref_squeeze %dma_wait3A_163 : memref<1x128x128xf32, #tpu.memory_space<hbm>> -> memref<128x128xf32, #tpu.memory_space<hbm>>
      %dma_wait3A_165 = arith.constant 0 : i32
      %dma_wait3A_166 = arith.constant 0 : i32
      %dma_wait3A_167 = tpu.memref_slice %arg4[%dma_wait3A_160, %dma_wait3A_165, %dma_wait3A_166] : memref<50x1000x1024xf32, #tpu.memory_space<hbm>> -> memref<1x128x128xf32, #tpu.memory_space<hbm>>
      %dma_wait3A_168 = tpu.memref_squeeze %dma_wait3A_167 : memref<1x128x128xf32, #tpu.memory_space<hbm>> -> memref<128x128xf32, #tpu.memory_space<hbm>>
      tpu.wait_dma2 semaphore(%arg13 : memref<!tpu.dma_semaphore, #tpu.memory_space<semaphore_mem>>) src(%arg9 : memref<128x128xf32, #tpu.memory_space<vmem>>) dst(%dma_wait3A_168 : memref<128x128xf32, #tpu.memory_space<hbm>>)
    } else {
    }
    return
  }
}

</mosaic_0001>

<sc_bundles>
// kernel: kernel.3.cloned.1.call-start
scs
__scs_entry_jumppad:
0x0: {  	(pc) =	sbr.rel $0x88, $3  }
0x1: {  	(tag) =	ssettag $0x0;
	lr =	simm.s32 $0x1  }
0x2: {  	[smem:$0x3F9F] =	sst lr;
	_ =	strace $0xD0000000  }
0x3: {  	_ = 	snop  }
0x4: {  	_ = 	snop  }
0x5: {  	_ = 	snop  }
0x6: {  	_ = 	snop  }
0x7: {  	_ = 	snop  }
__scs_overlays_trampoline_lowered:
0x8: {  	[smem:$0x3FAE] =	sst s0  }
0x9: {  	[smem:$0x3FAF] =	sst s1  }
0xa: {  	[smem:$0x3FB0] =	sst s2  }
0xb: {  	[smem:$0x3FB1] =	sst s3  }
0xc: {  	[smem:$0x3FB2] =	sst s4  }
0xd: {  	[smem:$0x3FB3] =	sst s5  }
0xe: {  	[smem:$0x3FB4] =	sst s6  }
0xf: {  	[smem:$0x3FB5] =	sst s7  }
0x10: {  	[smem:$0x3FB6] =	sst s8  }
0x11: {  	[smem:$0x3FB7] =	sst s9;
	s0 =	simm.s32 @!p0 $0x0  }
0x12: {  	s1 =	sld [smem:$0x3F9D];
	s0 =	simm.s32 @p0 $0x1  }
0x13: {  	[smem:$0x3FB8] =	sst s0;
	s0 =	simm.s32 @!p1 $0x0  }
0x14: {  	s2 =	sld [smem:$0x3F9C];
	s0 =	simm.s32 @p1 $0x1  }
0x15: {  	[smem:$0x3FB9] =	sst s0;
	s0 =	simm.s32 @!p2 $0x0  }
0x16: {  	s3 =	sld [smem:$0x3FDB];
	s0 =	simm.s32 @p2 $0x1  }
0x17: {  	s4 =	simm.s32 $0x1BF5;
	[smem:$0x3FBB] =	sst s0  }
0x18: {  	s0 =	sld [smem:$0x3F9E];
	_ =	swait.ge [sflag:s4], $0x0  }
0x19: {  	s7 =	sld [smem:$0x3F9F]  }
0x1a: {  	s8 =	sadd.s32 $0xFFFFE003, lr  }
0x1b: {  	s9 =	sadd.s32 $0xFFFFFEF7, lr;
	s5 =	simm.s32 $0xFFFFFFFF;
	p2 =	slt.u32 s8, $0xFFFFF086  }
0x1c: {  	p1 =	slt.u32 s9, $0xF7A;
	s5 =	simm.s32 @!p2 $0x0  }
0x1d: {  	s5 =	simm.s32 @p1 $0x1;
	p0 =	seq.s32 s7, s2  }
0x1e: {  	s7 =	smul.u32 @!p0 $0xF7A, s2;
	p2 =	seq.s32 @!p0 s5, $0x0  }
0x1f: {  	s9 =	smul.u32 $0xF7A, s1;
	s8 =	simm.s32 @!p0 $0x1BF5;
	p2 =	por !p2, p0  }
0x20: {  	[sflag:s8] =	ssyncset.s32 @!p0 $0xFFFFF086;
	s6 =	sadd.s32 @!p0 s3, s7;
	s7 =	simm.s32 @!p0 $0x108  }
0x21: {  	s3 =	sadd.s32 s3, s9;
	s6 =	sadd.s32 @!p0 $0x88, s6;
	s7 =	simm.s32 @p2 $0x1082  }
0x22: {  	[simem:s7], [sflag:s8] =	dma.local @!p0 [hbm:s6], $0xF7A  }
0x23: {  	s9 =	sor.u32 $0xD0000000, s2;
	s6 =	simm.s32 $0x108;
	_ =	swait.ge @!p0 [sflag:s8], $0x0  }
0x24: {  	s3 =	sadd.s32 $0x88, s3;
	s6 =	simm.s32 @!p1 $0x1082;
	[sflag:s4] =	ssyncset.s32 $0xFFFFF086  }
0x25: {  	[simem:s6], [sflag:s4] =	dma.local [hbm:s3], $0xF7A  }
0x26: {  	[smem:$0x3F9F] =	sst s1;
	(tag) =	ssettag s2;
	_ =	strace s9  }
0x27: {  	s1 =	sld [smem:$0x3FAF]  }
0x28: {  	s2 =	sld [smem:$0x3FB0]  }
0x29: {  	s4 =	sld [smem:$0x3FB2]  }
0x2a: {  	p0 =	seq.s32 s5, $0x0;
	s5 =	sld [smem:$0x3FB3]  }
0x2b: {  	s6 =	sld [smem:$0x3FB4]  }
0x2c: {  	s7 =	sld [smem:$0x3FB5]  }
0x2d: {  	s3 =	simm.s32 $0x108;
	s8 =	sld [smem:$0x3FB6]  }
0x2e: {  	s3 =	simm.s32 @!p0 $0x1082;
	s9 =	sld [smem:$0x3FB7]  }
0x2f: {  	lr =	sadd.s32 s0, s3;
	s0 =	sld [smem:$0x3FAE]  }
0x30: {  	s3 =	sld [smem:$0x3FB1]  }
0x31: {  	[smem:$0x3FBA] =	sst s10  }
0x32: {  	s10 =	sld [smem:$0x3FB8];
	_ =	sdelay $0x3  }
0x33: {  	p0 =	seq.s32 s10, $0x1;
	s10 =	sld [smem:$0x3FBA];
	_ =	sdelay $0x3  }
0x34: {  	[smem:$0x3FBA] =	sst s10  }
0x35: {  	s10 =	sld [smem:$0x3FB9];
	_ =	sdelay $0x3  }
0x36: {  	p1 =	seq.s32 s10, $0x1;
	s10 =	sld [smem:$0x3FBA];
	_ =	sdelay $0x3  }
0x37: {  	[smem:$0x3FBA] =	sst s10  }
0x38: {  	s10 =	sld [smem:$0x3FBB]  }
0x39: {  	_ = 	snop;
	(pc) =	sbr.ind lr, $3  }
0x3a: {  	_ = 	snop  }
0x3b: {  	_ = 	snop  }
0x3c: {  	p2 =	seq.s32 s10, $0x1;
	s10 =	sld [smem:$0x3FBA]  }
0x3d: {  	_ =	shalt  }
0x3e: {  	_ =	shalt  }
0x3f: {  	_ =	shalt  }
0x40: {  	_ =	shalt  }
0x41: {  	_ =	shalt  }
0x42: {  	_ =	shalt  }
0x43: {  	_ =	shalt  }
0x44: {  	_ =	shalt  }
0x45: {  	_ =	shalt  }
0x46: {  	_ =	shalt  }
0x47: {  	_ =	shalt  }
0x48: {  	_ =	shalt  }
0x49: {  	_ =	shalt  }
0x4a: {  	_ =	shalt  }
0x4b: {  	_ =	shalt  }
0x4c: {  	_ =	shalt  }
0x4d: {  	_ =	shalt  }
0x4e: {  	_ =	shalt  }
0x4f: {  	_ =	shalt  }
0x50: {  	_ =	shalt  }
0x51: {  	_ =	shalt  }
0x52: {  	_ =	shalt  }
0x53: {  	_ =	shalt  }
0x54: {  	_ =	shalt  }
0x55: {  	_ =	shalt  }
0x56: {  	_ =	shalt  }
0x57: {  	_ =	shalt  }
0x58: {  	_ =	shalt  }
0x59: {  	_ =	shalt  }
0x5a: {  	_ =	shalt  }
0x5b: {  	_ =	shalt  }
0x5c: {  	_ =	shalt  }
0x5d: {  	_ =	shalt  }
0x5e: {  	_ =	shalt  }
0x5f: {  	_ =	shalt  }
0x60: {  	_ =	shalt  }
0x61: {  	_ =	shalt  }
0x62: {  	_ =	shalt  }
0x63: {  	_ =	shalt  }
0x64: {  	_ =	shalt  }
0x65: {  	_ =	shalt  }
0x66: {  	_ =	shalt  }
0x67: {  	_ =	shalt  }
0x68: {  	_ =	shalt  }
0x69: {  	_ =	shalt  }
0x6a: {  	_ =	shalt  }
0x6b: {  	_ =	shalt  }
0x6c: {  	_ =	shalt  }
0x6d: {  	_ =	shalt  }
0x6e: {  	_ =	shalt  }
0x6f: {  	_ =	shalt  }
0x70: {  	_ =	shalt  }
0x71: {  	_ =	shalt  }
0x72: {  	_ =	shalt  }
0x73: {  	_ =	shalt  }
0x74: {  	_ =	shalt  }
0x75: {  	_ =	shalt  }
0x76: {  	_ =	shalt  }
0x77: {  	_ =	shalt  }
0x78: {  	_ =	shalt  }
0x79: {  	_ =	shalt  }
0x7a: {  	_ =	shalt  }
0x7b: {  	_ =	shalt  }
0x7c: {  	_ =	shalt  }
0x7d: {  	_ =	shalt  }
0x7e: {  	_ =	shalt  }
0x7f: {  	_ =	shalt  }
0x80: {  	_ =	shalt  }
0x81: {  	_ =	shalt  }
0x82: {  	_ =	shalt  }
0x83: {  	_ =	shalt  }
0x84: {  	_ =	shalt  }
0x85: {  	_ =	shalt  }
0x86: {  	_ =	shalt  }
0x87: {  	_ =	shalt  }
.Lfunc_end0:
.L_simem_size_0:
called_computation_lowered:
.L_overlay_start_0:
0x88: {  	s2 =	sld [smem:$0x3FD9]  }
0x89: {  	s3 =	sld [smem:$0x3FFE];
	_ =	sdelay $0x1  }
0x8a: {  	s1 =	srdreg.scid  }
0x8b: {  	s0 =	sand.u32 $0x1, s1  }
0x8c: {  	s17 =	sshll.u32 s0, $0xA;
	s2 =	sadd.s32 s3, s2  }
0x8d: {  	s2 =	sadd.s32 s2, s17  }
0x8e: {  	[smem:$0x3FC6] =	sst s2  }
0x8f: {  	_ = 	snop  }
0x90: {  	s2 =	sld [smem:$0x3FD0];
	(tm) =	ssettm $0x1  }
0x91: {  	s18 =	sld [smem:$0x3FFB];
	_ =	sdelay $0x3  }
0x92: {  	_ =	strace s18  }
0x93: {  	s3 =	sld [smem:$0x3FFC];
	_ =	sdelay $0x3  }
0x94: {  	_ =	strace s3  }
0x95: {  	s3 =	sld [smem:$0x3FFD];
	_ =	sdelay $0x3  }
0x96: {  	_ =	strace s3  }
0x97: {  	_ =	strace $0x8FFFFFFF  }
0x98: {  	s19 =	sld [smem:$0x3FDB];
	_ =	sdelay $0x1  }
0x99: {  	s4 =	simm.s32 $_scs_section_size  }
0x9a: {  	s5 =	simm.s32 $_size__tile_overlayer_lowered;
	s6 =	simm.s32 $_tile_overlayer_lowered  }
0x9b: {  	s22 =	simm.s32 $0x1BFF;
	s21 =	sshll.u32 s6, $0x1;
	s3 =	sadd.s32 s4, s19  }
0x9c: {  	s7 =	simm.s32 $0x0;
	s20 =	sshll.u32 s5, $0x1;
	s5 =	sadd.s32 s21, s3  }
0x9d: {  	[timem:s7], [sflag:s22] =	dma.local [hbm:s5], s20  }
0x9e: {  	_ =	swait.ge [sflag:s22], s20  }
0x9f: {  	s4 =	ssub.s32 $0x0, s20;
	[sflag:s22] =	ssyncset.done $0x0  }
0xa0: {  	[sflag:s22] =	ssyncadd.s32 s4;
	_ =	sdelay $0x1  }
0xa1: {  	s23 =	simm.s32 $0x1B8B  }
0xa2: {  	_ =	swait.ge [sflag:s23], $0x1  }
0xa3: {  	[sflag:s23] =	ssyncset.done $0x0  }
0xa4: {  	s25 =	simm.s32 $0x1B8E;
	s24 =	sld [smem:$0x3FFE];
	[sflag:s23] =	ssyncadd.s32 $0xFFFFFFFF  }
0xa5: {  	s26 =	simm.s32 $execute0_lowered;
	[smem:$0x3FD2] =	sst s25  }
0xa6: {  	s5 =	sshll.u32 s26, $0x1;
	_ =	strace $0x80000046;
	[dreg:$0x1] =	wrdreg $0xFFFFFFFF  }
0xa7: {  	s28 =	simm.s32 $_size_execute0_lowered;
	s3 =	sadd.s32 s3, s5;
	[dreg:$0x0] =	wrdreg $0x0  }
0xa8: {  	s5 =	sshll.u32 s28, $0x1;
	[dreg:$0x2] =	wrdreg s3  }
0xa9: {  	[dreg:$0x3] =	wrdreg s5  }
0xaa: {  	[dreg:$0x4] =	wrdreg $0xC0  }
0xab: {  	_ =	task [dreg:s7], $0x5FFFF  }
0xac: {  	[dreg:$0x1] =	wrdreg $0xFFFFFFFF  }
0xad: {  	[dreg:$0x0] =	wrdreg $0x60  }
0xae: {  	[dreg:$0x2] =	wrdreg s24  }
0xaf: {  	[dreg:$0x3] =	wrdreg s2  }
0xb0: {  	[dreg:$0x4] =	wrdreg $0x9  }
0xb1: {  	_ =	task.clear_ibuf [dreg:s7], $0x5FFFF;
	_ =	strace $0x90000046  }
0xb2: {  	s29 =	simm.s32 $0x9;
	_ =	strace $0x80000048  }
0xb3: {  	_ =	swait.ge [sflag:s29], $0x1  }
0xb4: {  	[sflag:s29] =	ssyncadd.s32 $0xFFFFFFFF  }
0xb5: {  	_ =	strace $0x90000048  }
0xb6: {  	_ =	sfence  }
0xb7: {  	s30 =	sld [smem:$0x0];
	_ =	sdelay $0x2  }
0xb8: {  	s31 =	sshll.u32 s1, $0xD;
	s1 =	sshrl.u32 s1, $0x2  }
0xb9: {  	s3 =	sand.u32 $0x4000, s31;
	s1 =	sadd.s32 s1, s30  }
0xba: {  	s0 =	sor.u32 s3, s0;
	s1 =	sshll.u32 s1, $0x11  }
0xbb: {  	s0 =	sor.u32 s1, s0  }
0xbc: {  	s0 =	sadd.s32 $0x8F2B, s0  }
0xbd: {  	[sflag:s0] =	ssyncadd.remote.s32 $0x1  }
0xbe: {  	_ =	sfence.sel $0xFFFF  }
0xbf: {  	[dreg:$0x0] =	wrdreg $0xFFFFFFFF;
	(pc) =	sbr.abs _section_cstart, $3  }
0xc0: {  	[dreg:$0x1] =	wrdreg $0xFFFFFFFF  }
0xc1: {  	_ =	task.clear_ibuf [dreg:s7], $0x2FFFF;
	_ =	strace $0x9FFFFFFF  }
0xc2: {  	(tm) =	ssettm $0x7FFFFFFF  }
0xc3: {  	_ =	shalt  }
tec
execute0_lowered:
.L_overlay_start_1:
0x0: {  	(tag) =	ssettag $0x1  }
0x1: {  	v33 =	vlaneseq.u32  }
0x2: {  	v1 =	vimm.s32 $0xFEDCBA9;
	v2 =	vimm.s32 $0x87654321;
	v25 =	vimm.s32 $0x10FEDCBA  }
0x3: {  	v4 =	vimm.s32 $0x98765432;
	v5 =	vimm.s32 $0x210FEDCB;
	v6 =	vimm.s32 $0xA9876543  }
0x4: {  	v27 =	vimm.s32 $0x3210FEDC;
	v28 =	vimm.s32 $0xBA987654;
	v30 =	vimm.s32 $0x43210FED  }
0x5: {  	v13 =	vimm.s32 $0xCBA98765;
	v14 =	vimm.s32 $0x543210FE;
	v15 =	vimm.s32 $0xFEDCBA98  }
0x6: {  	v41 =	vimm.s32 $0xFFFFC700;
	vm15 =	vcmask $0x300;
	vm14 =	vcmask $0x704  }
0x7: {  	vm13 =	vcmask $0xB08;
	vm12 =	vcmask $0xF0C;
	vm11 =	vcmask $0x1310  }
0x8: {  	vm9 =	vcmask $0x1714;
	vm10 =	vcmask $0x1B18;
	vm1 =	vcmask $0x1F1C  }
0x9: {  	v46 =	vimm.s32 $0xFFFFC680;
	v47 =	vimm.s32 $0xFFFFC600;
	vm2 =	vcmask $0x2320  }
0xa: {  	vm3 =	vcmask $0x2724;
	vm4 =	vcmask $0x2B28;
	vm5 =	vcmask $0x2F2C  }
0xb: {  	vm6 =	vcmask $0x3330;
	vm7 =	vcmask $0x3734;
	vm8 =	vcmask $0x3B38  }
0xc: {  	v48 =	vimm.s32 $0xFFFFC580;
	v49 =	vimm.s32 $0xFFFFC500;
	v50 =	vimm.s32 $0xFFFFC480  }
0xd: {  	v51 =	vimm.s32 $0xFFFFC400;
	v52 =	vimm.s32 $0xFFFFC380;
	v53 =	vimm.s32 $0xFFFFC300  }
0xe: {  	v54 =	vimm.s32 $0xFFFFC280;
	v55 =	vimm.s32 $0xFFFFC200;
	v56 =	vimm.s32 $0xFFFFC180  }
0xf: {  	v59 =	vimm.s32 $0xFFFFC100;
	v61 =	vimm.s32 $0xFFFFC080;
	v62 =	vimm.s32 $0xFFFFC000  }
0x10: {  	v3 =	vshrl.u32 v33, $0x3;
	v1 =	vunpack.c.l.s4.s8 v1;
	v2 =	vunpack.c.l.s4.s8 v2  }
0x11: {  	v0 =	vand.u32 $0x7, v33;
	v4 =	vunpack.c.l.s4.s8 v4;
	v5 =	vunpack.c.l.s4.s8 v5  }
0x12: {  	v7 =	vor.u32 $0x8, v33;
	v6 =	vunpack.c.l.s4.s8 v6;
	v10 =	vunpack.c.l.s4.s8 v27  }
0x13: {  	v12 =	vunpack.c.l.s4.s8 v30;
	v13 =	vunpack.c.l.s4.s8 v13;
	v14 =	vunpack.c.l.s4.s8 v14  }
0x14: {  	v15 =	vunpack.c.l.s4.s8 v15;
	v42 =	vsel vm15, $0xFFFFC780, v41;
	v3 =	vmul.u32 $0x8, v3  }
0x15: {  	[tilespmem:$0x1FE60] =	vst v0;
	v0 =	vmul.u32 $0x80, v0;
	v1 =	vunpack.c.0.s8.s32 v1;
	v2 =	vunpack.c.0.s8.s32 v2  }
0x16: {  	v4 =	vunpack.c.0.s8.s32 v4;
	v8 =	vunpack.c.0.s8.s32 v5;
	v9 =	vunpack.c.0.s8.s32 v6  }
0x17: {  	v6 =	vunpack.c.l.s4.s8 v28;
	v10 =	vunpack.c.0.s8.s32 v10;
	v20 =	vunpack.c.0.s8.s32 v12  }
0x18: {  	v21 =	vunpack.c.0.s8.s32 v13;
	v34 =	vunpack.c.0.s8.s32 v14;
	v12 =	vimm.s32 $0xDCBA9876  }
0x19: {  	v13 =	vimm.s32 $0x6543210F;
	v14 =	vimm.s32 $0xEDCBA987;
	v15 =	vunpack.c.0.s8.s32 v15  }
0x1a: {  	[tilespmem:$0x1FE40] =	vst v3;
	v3 =	vunpack.c.l.s4.s8 v25;
	v12 =	vunpack.c.l.s4.s8 v12;
	v13 =	vunpack.c.l.s4.s8 v13  }
0x1b: {  	v14 =	vunpack.c.l.s4.s8 v14;
	v26 =	vcombine.low v2, v1;
	v11 =	vcombine.low v9, v8  }
0x1c: {  	v19 =	vunpack.c.0.s8.s32 v6;
	v1 =	vcombine.low v1, v2;
	v43 =	vcombine.low v8, v9  }
0x1d: {  	v45 =	vcombine.low v20, v21;
	v2 =	vsel vm15, $0xFFFFC700, v46;
	v3 =	vunpack.c.0.s8.s32 v3  }
0x1e: {  	v37 =	vunpack.c.0.s8.s32 v12;
	v12 =	vimm.s32 $0x76543210;
	v38 =	vunpack.c.0.s8.s32 v13  }
0x1f: {  	v17 =	vunpack.c.0.s8.s32 v14;
	v14 =	vcombine.low v21, v20;
	v2 =	vsel vm14, $0xFFFFC780, v2  }
0x20: {  	v31 =	vand.u32 $0xF, v11;
	v32 =	vcombine.low v19, v10;
	v13 =	vunpack.c.l.s4.s8 v12  }
0x21: {  	v57 =	vand.u32 $0xF, v1;
	v1 =	vsel vm14, $0xFFFFC000, v42;
	v44 =	vcombine.low v10, v19  }
0x22: {  	v20 =	vand.u32 $0xF, v43;
	v21 =	vand.u32 $0xF, v45;
	v29 =	vcombine.low v4, v3  }
0x23: {  	v2 =	vsel vm13, $0xFFFFC000, v2;
	v16 =	vcombine.low v37, v34;
	v39 =	vcombine.low v17, v38  }
0x24: {  	v12 =	vand.u32 $0xF, v14;
	v40 =	vcombine.low v3, v4;
	v1 =	vsel vm13, $0xFFFFC080, v1  }
0x25: {  	v3 =	vsel vm15, $0xFFFFC680, v47;
	v2 =	vsel vm12, $0xFFFFC080, v2;
	v63 =	vand.u32 $0xF, v32  }
0x26: {  	[tilespmem:$0x1FEB0] =	vst v17;
	v17 =	vunpack.c.0.s8.s32 v13;
	v1 =	vsel vm12, $0xFFFFC100, v1;
	v60 =	vand.u32 $0xF, v44  }
0x27: {  	v3 =	vsel vm14, $0xFFFFC700, v3;
	v2 =	vsel vm11, $0xFFFFC100, v2;
	v36 =	vand.u32 $0xF, v29  }
0x28: {  	v13 =	vand.u32 $0xF, v16;
	v16 =	vand.u32 $0xF, v15;
	v18 =	vand.u32 $0xF, v39  }
0x29: {  	v58 =	vand.u32 $0xF, v40;
	v1 =	vsel vm11, $0xFFFFC180, v1;
	v3 =	vsel vm13, $0xFFFFC780, v3  }
0x2a: {  	v2 =	vsel vm9, $0xFFFFC180, v2;
	v17 =	vcombine.low v16, v17;
	v3 =	vsel vm12, $0xFFFFC000, v3  }
0x2b: {  	v1 =	vsel vm9, $0xFFFFC200, v1;
	v2 =	vsel vm10, $0xFFFFC200, v2;
	v3 =	vsel vm11, $0xFFFFC080, v3  }
0x2c: {  	v1 =	vsel vm10, $0xFFFFC280, v1;
	v2 =	vsel vm1, $0xFFFFC280, v2;
	v3 =	vsel vm9, $0xFFFFC100, v3  }
0x2d: {  	v1 =	vsel vm1, $0xFFFFC300, v1;
	v2 =	vsel vm2, $0xFFFFC300, v2;
	v3 =	vsel vm10, $0xFFFFC180, v3  }
0x2e: {  	v1 =	vsel vm2, $0xFFFFC380, v1;
	v2 =	vsel vm3, $0xFFFFC380, v2;
	v3 =	vsel vm1, $0xFFFFC200, v3  }
0x2f: {  	v1 =	vsel vm3, $0xFFFFC400, v1;
	v2 =	vsel vm4, $0xFFFFC400, v2;
	v3 =	vsel vm2, $0xFFFFC280, v3  }
0x30: {  	v1 =	vsel vm4, $0xFFFFC480, v1;
	v2 =	vsel vm5, $0xFFFFC480, v2;
	v3 =	vsel vm3, $0xFFFFC300, v3  }
0x31: {  	v1 =	vsel vm5, $0xFFFFC500, v1;
	v2 =	vsel vm6, $0xFFFFC500, v2;
	v3 =	vsel vm4, $0xFFFFC380, v3  }
0x32: {  	v1 =	vsel vm6, $0xFFFFC580, v1;
	v2 =	vsel vm7, $0xFFFFC580, v2;
	v3 =	vsel vm5, $0xFFFFC400, v3  }
0x33: {  	v1 =	vsel vm7, $0xFFFFC600, v1;
	v30 =	vsel vm8, $0xFFFFC600, v2;
	v2 =	vsel vm15, $0xFFFFC580, v49  }
0x34: {  	v3 =	vsel vm6, $0xFFFFC480, v3;
	v29 =	vsel vm8, $0xFFFFC680, v1;
	v1 =	vsel vm15, $0xFFFFC600, v48  }
0x35: {  	v2 =	vsel vm14, $0xFFFFC600, v2;
	v3 =	vsel vm7, $0xFFFFC500, v3;
	v1 =	vsel vm14, $0xFFFFC680, v1  }
0x36: {  	v14 =	vmovc v31;
	v2 =	vsel vm13, $0xFFFFC680, v2;
	v31 =	vsel vm8, $0xFFFFC580, v3;
	v3 =	vsel vm15, $0xFFFFC500, v50  }
0x37: {  	v1 =	vsel vm13, $0xFFFFC700, v1;
	v2 =	vsel vm12, $0xFFFFC700, v2;
	v3 =	vsel vm14, $0xFFFFC580, v3  }
0x38: {  	v1 =	vsel vm12, $0xFFFFC780, v1;
	v2 =	vsel vm11, $0xFFFFC780, v2;
	v3 =	vsel vm13, $0xFFFFC600, v3  }
0x39: {  	v1 =	vsel vm11, $0xFFFFC000, v1;
	v2 =	vsel vm9, $0xFFFFC000, v2;
	v3 =	vsel vm12, $0xFFFFC680, v3  }
0x3a: {  	v1 =	vsel vm9, $0xFFFFC080, v1;
	v2 =	vsel vm10, $0xFFFFC080, v2;
	v3 =	vsel vm11, $0xFFFFC700, v3  }
0x3b: {  	v1 =	vsel vm10, $0xFFFFC100, v1;
	v2 =	vsel vm1, $0xFFFFC100, v2;
	v3 =	vsel vm9, $0xFFFFC780, v3  }
0x3c: {  	v1 =	vsel vm1, $0xFFFFC180, v1;
	v2 =	vsel vm2, $0xFFFFC180, v2;
	v3 =	vsel vm10, $0xFFFFC000, v3  }
0x3d: {  	v1 =	vsel vm2, $0xFFFFC200, v1;
	v2 =	vsel vm3, $0xFFFFC200, v2;
	v3 =	vsel vm1, $0xFFFFC080, v3  }
0x3e: {  	v1 =	vsel vm3, $0xFFFFC280, v1;
	v2 =	vsel vm4, $0xFFFFC280, v2;
	v3 =	vsel vm2, $0xFFFFC100, v3  }
0x3f: {  	v1 =	vsel vm4, $0xFFFFC300, v1;
	v2 =	vsel vm5, $0xFFFFC300, v2;
	v3 =	vsel vm3, $0xFFFFC180, v3  }
0x40: {  	v1 =	vsel vm5, $0xFFFFC380, v1;
	v2 =	vsel vm6, $0xFFFFC380, v2;
	v3 =	vsel vm4, $0xFFFFC200, v3  }
0x41: {  	v1 =	vsel vm6, $0xFFFFC400, v1;
	v2 =	vsel vm7, $0xFFFFC400, v2;
	v3 =	vsel vm5, $0xFFFFC280, v3  }
0x42: {  	v1 =	vsel vm7, $0xFFFFC480, v1;
	v39 =	vsel vm8, $0xFFFFC480, v2;
	v2 =	vsel vm15, $0xFFFFC400, v52  }
0x43: {  	v3 =	vsel vm6, $0xFFFFC300, v3;
	v32 =	vsel vm8, $0xFFFFC500, v1;
	v1 =	vsel vm15, $0xFFFFC480, v51  }
0x44: {  	v2 =	vsel vm14, $0xFFFFC480, v2;
	v3 =	vsel vm7, $0xFFFFC380, v3;
	v1 =	vsel vm14, $0xFFFFC500, v1  }
0x45: {  	v2 =	vsel vm13, $0xFFFFC500, v2;
	v40 =	vsel vm8, $0xFFFFC400, v3;
	v3 =	vsel vm15, $0xFFFFC380, v53  }
0x46: {  	v1 =	vsel vm13, $0xFFFFC580, v1;
	v2 =	vsel vm12, $0xFFFFC580, v2;
	v3 =	vsel vm14, $0xFFFFC400, v3  }
0x47: {  	v1 =	vsel vm12, $0xFFFFC600, v1;
	v2 =	vsel vm11, $0xFFFFC600, v2;
	v3 =	vsel vm13, $0xFFFFC480, v3  }
0x48: {  	v1 =	vsel vm11, $0xFFFFC680, v1;
	v2 =	vsel vm9, $0xFFFFC680, v2;
	v3 =	vsel vm12, $0xFFFFC500, v3  }
0x49: {  	v1 =	vsel vm9, $0xFFFFC700, v1;
	v2 =	vsel vm10, $0xFFFFC700, v2;
	v3 =	vsel vm11, $0xFFFFC580, v3  }
0x4a: {  	v1 =	vsel vm10, $0xFFFFC780, v1;
	v2 =	vsel vm1, $0xFFFFC780, v2;
	v3 =	vsel vm9, $0xFFFFC600, v3  }
0x4b: {  	v1 =	vsel vm1, $0xFFFFC000, v1;
	v2 =	vsel vm2, $0xFFFFC000, v2;
	v3 =	vsel vm10, $0xFFFFC680, v3  }
0x4c: {  	v1 =	vsel vm2, $0xFFFFC080, v1;
	v2 =	vsel vm3, $0xFFFFC080, v2;
	v3 =	vsel vm1, $0xFFFFC700, v3  }
0x4d: {  	v1 =	vsel vm3, $0xFFFFC100, v1;
	v2 =	vsel vm4, $0xFFFFC100, v2;
	v3 =	vsel vm2, $0xFFFFC780, v3  }
0x4e: {  	v1 =	vsel vm4, $0xFFFFC180, v1;
	v2 =	vsel vm5, $0xFFFFC180, v2;
	v3 =	vsel vm3, $0xFFFFC000, v3  }
0x4f: {  	v1 =	vsel vm5, $0xFFFFC200, v1;
	v2 =	vsel vm6, $0xFFFFC200, v2;
	v3 =	vsel vm4, $0xFFFFC080, v3  }
0x50: {  	v1 =	vsel vm6, $0xFFFFC280, v1;
	v2 =	vsel vm7, $0xFFFFC280, v2;
	v3 =	vsel vm5, $0xFFFFC100, v3  }
0x51: {  	v1 =	vsel vm7, $0xFFFFC300, v1;
	v48 =	vsel vm8, $0xFFFFC300, v2;
	v2 =	vsel vm15, $0xFFFFC280, v55  }
0x52: {  	v3 =	vsel vm6, $0xFFFFC180, v3;
	v47 =	vsel vm8, $0xFFFFC380, v1;
	v1 =	vsel vm15, $0xFFFFC300, v54  }
0x53: {  	v2 =	vsel vm14, $0xFFFFC300, v2;
	v3 =	vsel vm7, $0xFFFFC200, v3;
	v1 =	vsel vm14, $0xFFFFC380, v1  }
0x54: {  	v2 =	vsel vm13, $0xFFFFC380, v2;
	v49 =	vsel vm8, $0xFFFFC280, v3;
	v3 =	vsel vm15, $0xFFFFC200, v56  }
0x55: {  	v1 =	vsel vm13, $0xFFFFC400, v1;
	v2 =	vsel vm12, $0xFFFFC400, v2;
	v3 =	vsel vm14, $0xFFFFC280, v3  }
0x56: {  	v1 =	vsel vm12, $0xFFFFC480, v1;
	v2 =	vsel vm11, $0xFFFFC480, v2;
	v3 =	vsel vm13, $0xFFFFC300, v3  }
0x57: {  	v1 =	vsel vm11, $0xFFFFC500, v1;
	v2 =	vsel vm9, $0xFFFFC500, v2;
	v3 =	vsel vm12, $0xFFFFC380, v3  }
0x58: {  	v1 =	vsel vm9, $0xFFFFC580, v1;
	v2 =	vsel vm10, $0xFFFFC580, v2;
	v3 =	vsel vm11, $0xFFFFC400, v3  }
0x59: {  	v1 =	vsel vm10, $0xFFFFC600, v1;
	v2 =	vsel vm1, $0xFFFFC600, v2;
	v3 =	vsel vm9, $0xFFFFC480, v3  }
0x5a: {  	[tilespmem:$0x1FE50] =	vst v7;
	v1 =	vsel vm1, $0xFFFFC680, v1;
	v2 =	vsel vm2, $0xFFFFC680, v2;
	v3 =	vsel vm10, $0xFFFFC500, v3  }
0x5b: {  	[tilespmem:$0x1FE70] =	vst v0;
	v1 =	vsel vm2, $0xFFFFC700, v1;
	v2 =	vsel vm3, $0xFFFFC700, v2;
	v3 =	vsel vm1, $0xFFFFC580, v3  }
0x5c: {  	[tilespmem:$0x1FE80] =	vst v34;
	v1 =	vsel vm3, $0xFFFFC780, v1;
	v2 =	vsel vm4, $0xFFFFC780, v2;
	v3 =	vsel vm2, $0xFFFFC600, v3  }
0x5d: {  	s0 =	rddreg [dreg:$0x0];
	s3 =	simm.s32 $0x0;
	[tilespmem:$0x1FE90] =	vst v37;
	v1 =	vsel vm4, $0xFFFFC000, v1;
	v2 =	vsel vm5, $0xFFFFC000, v2;
	v3 =	vsel vm3, $0xFFFFC680, v3  }
0x5e: {  	[smem:$0x7FF] =	sst s3;
	[tilespmem:$0x1FEA0] =	vst v38;
	v1 =	vsel vm5, $0xFFFFC080, v1;
	v2 =	vsel vm6, $0xFFFFC080, v2;
	v3 =	vsel vm4, $0xFFFFC700, v3  }
0x5f: {  	s1 =	rddreg [dreg:$0x1];
	_ =	strace $0x80000047;
	[tilespmem:$0x1FFB0] =	vst v21;
	v1 =	vsel vm6, $0xFFFFC100, v1;
	v2 =	vsel vm7, $0xFFFFC100, v2;
	v3 =	vsel vm5, $0xFFFFC780, v3  }
0x60: {  	[tilespmem:$0x1FFC0] =	vst v20;
	v1 =	vsel vm7, $0xFFFFC180, v1;
	v51 =	vsel vm8, $0xFFFFC180, v2;
	v2 =	vsel vm15, $0xFFFFC100, v61  }
0x61: {  	[tilespmem:$0x1FFF0] =	vst v12;
	v3 =	vsel vm6, $0xFFFFC000, v3;
	v50 =	vsel vm8, $0xFFFFC200, v1;
	v1 =	vsel vm15, $0xFFFFC180, v59  }
0x62: {  	[tilespmem:$0x1FFD0] =	vst v60;
	v2 =	vsel vm14, $0xFFFFC180, v2;
	v3 =	vsel vm7, $0xFFFFC080, v3;
	v1 =	vsel vm14, $0xFFFFC200, v1  }
0x63: {  	[tilespmem:$0x1FFE0] =	vst v17;
	v2 =	vsel vm13, $0xFFFFC200, v2;
	v52 =	vsel vm8, $0xFFFFC100, v3;
	v3 =	vsel vm15, $0xFFFFC080, v62  }
0x64: {  	[tilespmem:$0x1FED0] =	vst v30;
	v1 =	vsel vm13, $0xFFFFC280, v1;
	v2 =	vsel vm12, $0xFFFFC280, v2;
	v3 =	vsel vm14, $0xFFFFC100, v3  }
0x65: {  	[tilespmem:$0x1FEC0] =	vst v29;
	v1 =	vsel vm12, $0xFFFFC300, v1;
	v2 =	vsel vm11, $0xFFFFC300, v2;
	v3 =	vsel vm13, $0xFFFFC180, v3  }
0x66: {  	s5 =	stileid.u32;
	[tilespmem:$0x1FEE0] =	vst v31;
	v1 =	vsel vm11, $0xFFFFC380, v1;
	v2 =	vsel vm9, $0xFFFFC380, v2;
	v3 =	vsel vm12, $0xFFFFC200, v3  }
0x67: {  	s2 =	srdreg.scid;
	s11 =	simm.s32 $0x400;
	s12 =	simm.s32 $0x2000;
	[tilespmem:$0x1FF00] =	vst v39;
	v1 =	vsel vm9, $0xFFFFC400, v1;
	v2 =	vsel vm10, $0xFFFFC400, v2;
	v3 =	vsel vm11, $0xFFFFC280, v3  }
0x68: {  	s14 =	simm.s32 $0x1C00;
	s31 =	simm.s32 $0x1;
	s24 =	simm.s32 $0x10C00;
	[tilespmem:$0x1FEF0] =	vst v32;
	v1 =	vsel vm10, $0xFFFFC480, v1;
	v2 =	vsel vm1, $0xFFFFC480, v2;
	v3 =	vsel vm9, $0xFFFFC300, v3  }
0x69: {  	s28 =	simm.s32 $0x15C00;
	s29 =	simm.s32 $0x2;
	s30 =	simm.s32 $0x3;
	[tilespmem:$0x1FF10] =	vst v40;
	v1 =	vsel vm1, $0xFFFFC500, v1;
	v2 =	vsel vm2, $0xFFFFC500, v2;
	v3 =	vsel vm10, $0xFFFFC380, v3  }
0x6a: {  	s10 =	simm.s32 $0x0;
	s4 =	sshll.u32 s5, $0x1;
	s5 =	sshll.u32 s5, $0x9;
	[tilespmem:$0x1FF30] =	vst v48;
	v1 =	vsel vm2, $0xFFFFC580, v1;
	v2 =	vsel vm3, $0xFFFFC580, v2;
	v3 =	vsel vm1, $0xFFFFC400, v3  }
0x6b: {  	s2 =	sand.u32 $0x1, s2;
	s4 =	sand.u32 $0x2, s4;
	s5 =	sand.u32 $0x1C00, s5;
	[tilespmem:$0x1FF20] =	vst v47;
	v1 =	vsel vm3, $0xFFFFC600, v1;
	v2 =	vsel vm4, $0xFFFFC600, v2;
	v3 =	vsel vm2, $0xFFFFC480, v3  }
0x6c: {  	s4 =	sor.u32 s2, s4;
	s2 =	ssub.s32 $0x2, s2;
	s7 =	sshrl.u32 s5, $0x3;
	[tilespmem:$0x1FF40] =	vst v49;
	v1 =	vsel vm4, $0xFFFFC680, v1;
	v2 =	vsel vm5, $0xFFFFC680, v2;
	v3 =	vsel vm3, $0xFFFFC500, v3  }
0x6d: {  	s9 =	sor.u32 $0xE0000, s5;
	s6 =	sshll.u32 s4, $0x8;
	s8 =	sshrl.u32 s2, $0x1;
	[tilespmem:$0x1FF60] =	vst v51;
	v1 =	vsel vm5, $0xFFFFC700, v1;
	v2 =	vsel vm6, $0xFFFFC700, v2;
	v3 =	vsel vm4, $0xFFFFC580, v3  }
0x6e: {  	s25 =	sshll.u32 s4, $0x12;
	p0 =	sne.s32 s4, $0x3;
	s6 =	sadd.s32 s6, s0;
	[tilespmem:$0x1FF50] =	vst v50;
	v1 =	vsel vm6, $0xFFFFC780, v1;
	v2 =	vsel vm7, $0xFFFFC780, v2;
	v3 =	vsel vm5, $0xFFFFC600, v3  }
0x6f: {  	s0 =	sadd.s32 s7, s0;
	s2 =	ssub.s32 s2, s8;
	s7 =	sor.u32 s5, s25;
	[tilespmem:$0x1FF70] =	vst v52;
	v1 =	vsel vm7, $0xFFFFC000, v1;
	v54 =	vsel vm8, $0xFFFFC000, v2;
	v3 =	vsel vm6, $0xFFFFC680, v3  }
0x70: {  	s25 =	simm.s32 $0x11400;
	s0 =	sadd.s32 $0x400, s0;
	s6 =	sadd.s32 $0x2000, s6;
	v53 =	vsel vm8, $0xFFFFC080, v1;
	[tilespmem:$0x1FF90] =	vst v54;
	v3 =	vsel vm7, $0xFFFFC700, v3  }
0x71: {  	s8 =	sor.u32 $0x20000, s7;
	s26 =	smax.u32 s2, $0x1;
	[dreg:$0x3] =	wrdreg s0;
	[tilespmem:$0x1FF80] =	vst v53;
	v55 =	vsel vm8, $0xFFFFC780, v3  }
0x72: {  	vm0 =	vmmov $0xffff;
	v35 =	vand.u32 $0xF, v26;
	[dreg:$0x4] =	wrdreg s26;
	s0 =	simm.s32 $0x9C00;
	s26 =	simm.s32 $0x11C00;
	[tilespmem:$0x1FFA0] =	vst v55  }
.LBB2_1:
0x73: {  	[dreg:$0x5] =	wrdreg s10  }
0x74: {  	s2 =	rddreg [dreg:$0x3];
	s20 =	simm.s32 $0x5  }
0x75: {  	[tilespmem:s3], [sflag:$0x5] =	stream.strided.gather [hbm4b:s2+s11], $0x1C00, s12, s11, $0x38;
	[tilespmem:$0x19C00] =	vst v63  }
0x76: {  	_ =	swait.ge [sflag:s20], $0x1C00  }
0x77: {  	[sflag:s20] =	ssyncset.done $0x0  }
0x78: {  	[sflag:s20] =	ssyncadd.s32 $0xFFFFE400  }
0x79: {  	v1 =	vld [tilespmem:$0x0];
	_ =	sdelay $0x2  }
0x7a: {  	v0 =	vld [tilespmem:$0x1FE60]  }
0x7b: {  	v3 =	vld [tilespmem:$0x1FE40]  }
0x7c: {  	v4 =	vld [tilespmem:$0x1FE50];
	v2 =	vshll.u32 v1, $0x3  }
0x7d: {  	v1 =	vand.u32 $0x7, v1;
	v2 =	vand.u32 $0xFFFFFFC0, v2  }
0x7e: {  	v1 =	vor.u32 v1, v2  }
0x7f: {  	v2 =	vperm.xlane v1, v0;
	_ =	sdelay $0x1  }
0x80: {  	v1 =	vperm.xlane v1, v4;
	v2 =	vadd.s32 v3, v2;
	_ =	sdelay $0x1  }
0x81: {  	v1 =	vadd.s32 v3, v1;
	_ =	sdelay $0x2  }
0x82: {  	[tilespmem:s14], [sflag:$0x1] =	stream.indirect_vreg.gather [hbm4b:s6+s3], $0x80, v2, vm0, $0xb8;
	[tilespmem:$0x19C00] =	vst v63  }
0x83: {  	s21 =	simm.s32 $0x2400  }
0x84: {  	[tilespmem:s21], [sflag:$0x1] =	stream.indirect_vreg.gather [hbm4b:s6+s3], $0x80, v1, vm0, $0xb8;
	[tilespmem:$0x19C00] =	vst v63  }
0x85: {  	v1 =	vld [tilespmem:$0x10];
	_ =	sdelay $0x4  }
0x86: {  	v53 =	vshll.u32 v1, $0x3  }
0x87: {  	v1 =	vand.u32 $0x7, v1;
	v2 =	vand.u32 $0xFFFFFFC0, v53  }
0x88: {  	v1 =	vor.u32 v1, v2  }
0x89: {  	v2 =	vperm.xlane v1, v0;
	_ =	sdelay $0x1  }
0x8a: {  	v1 =	vperm.xlane v1, v4;
	v2 =	vadd.s32 v3, v2;
	_ =	sdelay $0x1  }
0x8b: {  	v1 =	vadd.s32 v3, v1;
	_ =	sdelay $0x1  }
0x8c: {  	s22 =	simm.s32 $0x2C00  }
0x8d: {  	[tilespmem:s22], [sflag:$0x1] =	stream.indirect_vreg.gather [hbm4b:s6+s3], $0x80, v2, vm0, $0xb8;
	[tilespmem:$0x19C00] =	vst v63  }
0x8e: {  	s23 =	simm.s32 $0x3400  }
0x8f: {  	[tilespmem:s23], [sflag:$0x1] =	stream.indirect_vreg.gather [hbm4b:s6+s3], $0x80, v1, vm0, $0xb8;
	[tilespmem:$0x19C00] =	vst v63  }
0x90: {  	v1 =	vld [tilespmem:$0x20];
	_ =	sdelay $0x4  }
0x91: {  	v54 =	vshll.u32 v1, $0x3  }
0x92: {  	v1 =	vand.u32 $0x7, v1;
	v2 =	vand.u32 $0xFFFFFFC0, v54  }
0x93: {  	v1 =	vor.u32 v1, v2  }
0x94: {  	v2 =	vperm.xlane v1, v0;
	_ =	sdelay $0x1  }
0x95: {  	v1 =	vperm.xlane v1, v4;
	v2 =	vadd.s32 v3, v2;
	_ =	sdelay $0x1  }
0x96: {  	v1 =	vadd.s32 v3, v1;
	_ =	sdelay $0x1  }
0x97: {  	s5 =	simm.s32 $0x3C00  }
0x98: {  	[tilespmem:s5], [sflag:$0x1] =	stream.indirect_vreg.gather [hbm4b:s6+s3], $0x80, v2, vm0, $0xb8;
	[tilespmem:$0x19C00] =	vst v63  }
0x99: {  	s10 =	simm.s32 $0x4400  }
0x9a: {  	[tilespmem:s10], [sflag:$0x1] =	stream.indirect_vreg.gather [hbm4b:s6+s3], $0x80, v1, vm0, $0xb8;
	[tilespmem:$0x19C00] =	vst v63  }
0x9b: {  	v1 =	vld [tilespmem:$0x30];
	_ =	sdelay $0x4  }
0x9c: {  	v55 =	vshll.u32 v1, $0x3  }
0x9d: {  	v1 =	vand.u32 $0x7, v1;
	v2 =	vand.u32 $0xFFFFFFC0, v55  }
0x9e: {  	v1 =	vor.u32 v1, v2  }
0x9f: {  	v2 =	vperm.xlane v1, v0;
	_ =	sdelay $0x1  }
0xa0: {  	v1 =	vperm.xlane v1, v4;
	v2 =	vadd.s32 v3, v2;
	_ =	sdelay $0x1  }
0xa1: {  	v1 =	vadd.s32 v3, v1;
	_ =	sdelay $0x1  }
0xa2: {  	s13 =	simm.s32 $0x4C00  }
0xa3: {  	[tilespmem:s13], [sflag:$0x1] =	stream.indirect_vreg.gather [hbm4b:s6+s3], $0x80, v2, vm0, $0xb8;
	[tilespmem:$0x19C00] =	vst v63  }
0xa4: {  	s15 =	simm.s32 $0x5400  }
0xa5: {  	[tilespmem:s15], [sflag:$0x1] =	stream.indirect_vreg.gather [hbm4b:s6+s3], $0x80, v1, vm0, $0xb8;
	[tilespmem:$0x19C00] =	vst v63  }
0xa6: {  	v1 =	vld [tilespmem:$0x40];
	_ =	sdelay $0x4  }
0xa7: {  	v56 =	vshll.u32 v1, $0x3  }
0xa8: {  	v1 =	vand.u32 $0x7, v1;
	v2 =	vand.u32 $0xFFFFFFC0, v56  }
0xa9: {  	v1 =	vor.u32 v1, v2  }
0xaa: {  	v2 =	vperm.xlane v1, v0;
	_ =	sdelay $0x1  }
0xab: {  	v1 =	vperm.xlane v1, v4;
	v2 =	vadd.s32 v3, v2;
	_ =	sdelay $0x1  }
0xac: {  	v1 =	vadd.s32 v3, v1;
	_ =	sdelay $0x1  }
0xad: {  	s16 =	simm.s32 $0x5C00  }
0xae: {  	[tilespmem:s16], [sflag:$0x1] =	stream.indirect_vreg.gather [hbm4b:s6+s3], $0x80, v2, vm0, $0xb8;
	[tilespmem:$0x19C00] =	vst v63  }
0xaf: {  	s17 =	simm.s32 $0x6400  }
0xb0: {  	[tilespmem:s17], [sflag:$0x1] =	stream.indirect_vreg.gather [hbm4b:s6+s3], $0x80, v1, vm0, $0xb8;
	[tilespmem:$0x19C00] =	vst v63  }
0xb1: {  	v1 =	vld [tilespmem:$0x50];
	_ =	sdelay $0x4  }
0xb2: {  	v59 =	vshll.u32 v1, $0x3  }
0xb3: {  	v1 =	vand.u32 $0x7, v1;
	v2 =	vand.u32 $0xFFFFFFC0, v59  }
0xb4: {  	v1 =	vor.u32 v1, v2  }
0xb5: {  	v2 =	vperm.xlane v1, v0;
	_ =	sdelay $0x1  }
0xb6: {  	v1 =	vperm.xlane v1, v4;
	v2 =	vadd.s32 v3, v2;
	_ =	sdelay $0x1  }
0xb7: {  	v1 =	vadd.s32 v3, v1;
	_ =	sdelay $0x1  }
0xb8: {  	s18 =	simm.s32 $0x6C00  }
0xb9: {  	[tilespmem:s18], [sflag:$0x1] =	stream.indirect_vreg.gather [hbm4b:s6+s3], $0x80, v2, vm0, $0xb8;
	[tilespmem:$0x19C00] =	vst v63  }
0xba: {  	s19 =	simm.s32 $0x7400  }
0xbb: {  	[tilespmem:s19], [sflag:$0x1] =	stream.indirect_vreg.gather [hbm4b:s6+s3], $0x80, v1, vm0, $0xb8;
	[tilespmem:$0x19C00] =	vst v63  }
0xbc: {  	v1 =	vld [tilespmem:$0x60];
	_ =	sdelay $0x4  }
0xbd: {  	v61 =	vshll.u32 v1, $0x3  }
0xbe: {  	v1 =	vand.u32 $0x7, v1;
	v2 =	vand.u32 $0xFFFFFFC0, v61  }
0xbf: {  	v1 =	vor.u32 v1, v2  }
0xc0: {  	v2 =	vperm.xlane v1, v0;
	_ =	sdelay $0x1  }
0xc1: {  	v1 =	vperm.xlane v1, v4;
	v2 =	vadd.s32 v3, v2;
	_ =	sdelay $0x1  }
0xc2: {  	v1 =	vadd.s32 v3, v1;
	_ =	sdelay $0x1  }
0xc3: {  	s20 =	simm.s32 $0x7C00  }
0xc4: {  	[tilespmem:s20], [sflag:$0x1] =	stream.indirect_vreg.gather [hbm4b:s6+s3], $0x80, v2, vm0, $0xb8;
	[tilespmem:$0x19C00] =	vst v63  }
0xc5: {  	s21 =	simm.s32 $0x8400  }
0xc6: {  	[tilespmem:s21], [sflag:$0x1] =	stream.indirect_vreg.gather [hbm4b:s6+s3], $0x80, v1, vm0, $0xb8;
	[tilespmem:$0x19C00] =	vst v63  }
0xc7: {  	v1 =	vld [tilespmem:$0x70];
	_ =	sdelay $0x4  }
0xc8: {  	v62 =	vshll.u32 v1, $0x3  }
0xc9: {  	v1 =	vand.u32 $0x7, v1;
	v2 =	vand.u32 $0xFFFFFFC0, v62  }
0xca: {  	v1 =	vor.u32 v1, v2  }
0xcb: {  	v2 =	vperm.xlane v1, v0;
	_ =	sdelay $0x1  }
0xcc: {  	v1 =	vperm.xlane v1, v4;
	v2 =	vadd.s32 v3, v2;
	_ =	sdelay $0x1  }
0xcd: {  	v1 =	vadd.s32 v3, v1;
	_ =	sdelay $0x1  }
0xce: {  	s22 =	simm.s32 $0x8C00  }
0xcf: {  	[tilespmem:s22], [sflag:$0x1] =	stream.indirect_vreg.gather [hbm4b:s6+s3], $0x80, v2, vm0, $0xb8;
	[tilespmem:$0x19C00] =	vst v63  }
0xd0: {  	s2 =	simm.s32 $0x0;
	s23 =	simm.s32 $0x9400  }
0xd1: {  	[tilespmem:s23], [sflag:$0x1] =	stream.indirect_vreg.gather [hbm4b:s6+s3], $0x80, v1, vm0, $0xb8;
	[tilespmem:$0x19C00] =	vst v63  }
.LBB2_2:
0xd2: {  	_ =	swait.ge [sflag:s31], $0x8000;
	s5 =	sshllo.u32 s2, $0x1  }
0xd3: {  	[sflag:s31] =	ssyncset.done $0x0;
	s10 =	sshll.u32 s5, $0x7  }
0xd4: {  	[sflag:s31] =	ssyncadd.s32 $0xFFFF8000;
	s10 =	sand.u32 $0x3FFFFF80, s10  }
0xd5: {  	v1 =	vld [tilespmem:s10+$0x0];
	_ =	sdelay $0x2  }
0xd6: {  	v0 =	vld [tilespmem:$0x1FE60]  }
0xd7: {  	v3 =	vld [tilespmem:$0x1FE40]  }
0xd8: {  	v4 =	vld [tilespmem:$0x1FE50];
	v2 =	vshll.u32 v1, $0x3  }
0xd9: {  	v1 =	vand.u32 $0x7, v1;
	v2 =	vand.u32 $0xFFFFFFC0, v2  }
0xda: {  	v1 =	vor.u32 v1, v2  }
0xdb: {  	v2 =	vperm.xlane v1, v0;
	_ =	sdelay $0x1  }
0xdc: {  	v1 =	vperm.xlane v1, v4;
	v2 =	vadd.s32 v3, v2;
	_ =	sdelay $0x1  }
0xdd: {  	v1 =	vadd.s32 v3, v1;
	_ =	sdelay $0x2  }
0xde: {  	[tilespmem:s0], [sflag:$0x2] =	stream.indirect_vreg.gather [hbm4b:s6+s3], $0x80, v2, vm0, $0xb8;
	[tilespmem:$0x19C00] =	vst v63  }
0xdf: {  	s13 =	simm.s32 $0xA400  }
0xe0: {  	[tilespmem:s13], [sflag:$0x2] =	stream.indirect_vreg.gather [hbm4b:s6+s3], $0x80, v1, vm0, $0xb8;
	[tilespmem:$0x19C00] =	vst v63  }
0xe1: {  	v1 =	vld [tilespmem:s10+$0x10];
	_ =	sdelay $0x4  }
0xe2: {  	v2 =	vshll.u32 v1, $0x3  }
0xe3: {  	v1 =	vand.u32 $0x7, v1;
	v2 =	vand.u32 $0xFFFFFFC0, v2  }
0xe4: {  	v1 =	vor.u32 v1, v2  }
0xe5: {  	v2 =	vperm.xlane v1, v0;
	_ =	sdelay $0x1  }
0xe6: {  	v1 =	vperm.xlane v1, v4;
	v2 =	vadd.s32 v3, v2;
	_ =	sdelay $0x1  }
0xe7: {  	v1 =	vadd.s32 v3, v1;
	_ =	sdelay $0x1  }
0xe8: {  	s17 =	simm.s32 $0xAC00  }
0xe9: {  	[tilespmem:s17], [sflag:$0x2] =	stream.indirect_vreg.gather [hbm4b:s6+s3], $0x80, v2, vm0, $0xb8;
	[tilespmem:$0x19C00] =	vst v63  }
0xea: {  	s18 =	simm.s32 $0xB400  }
0xeb: {  	[tilespmem:s18], [sflag:$0x2] =	stream.indirect_vreg.gather [hbm4b:s6+s3], $0x80, v1, vm0, $0xb8;
	[tilespmem:$0x19C00] =	vst v63  }
0xec: {  	v1 =	vld [tilespmem:s10+$0x20];
	_ =	sdelay $0x4  }
0xed: {  	v2 =	vshll.u32 v1, $0x3  }
0xee: {  	v1 =	vand.u32 $0x7, v1;
	v2 =	vand.u32 $0xFFFFFFC0, v2  }
0xef: {  	v1 =	vor.u32 v1, v2  }
0xf0: {  	v2 =	vperm.xlane v1, v0;
	_ =	sdelay $0x1  }
0xf1: {  	v1 =	vperm.xlane v1, v4;
	v2 =	vadd.s32 v3, v2;
	_ =	sdelay $0x1  }
0xf2: {  	v1 =	vadd.s32 v3, v1;
	_ =	sdelay $0x1  }
0xf3: {  	s19 =	simm.s32 $0xBC00  }
0xf4: {  	[tilespmem:s19], [sflag:$0x2] =	stream.indirect_vreg.gather [hbm4b:s6+s3], $0x80, v2, vm0, $0xb8;
	[tilespmem:$0x19C00] =	vst v63  }
0xf5: {  	s20 =	simm.s32 $0xC400  }
0xf6: {  	[tilespmem:s20], [sflag:$0x2] =	stream.indirect_vreg.gather [hbm4b:s6+s3], $0x80, v1, vm0, $0xb8;
	[tilespmem:$0x19C00] =	vst v63  }
0xf7: {  	v1 =	vld [tilespmem:s10+$0x30];
	_ =	sdelay $0x4  }
0xf8: {  	v2 =	vshll.u32 v1, $0x3  }
0xf9: {  	v1 =	vand.u32 $0x7, v1;
	v2 =	vand.u32 $0xFFFFFFC0, v2  }
0xfa: {  	v1 =	vor.u32 v1, v2  }
0xfb: {  	v2 =	vperm.xlane v1, v0;
	_ =	sdelay $0x1  }
0xfc: {  	v1 =	vperm.xlane v1, v4;
	v2 =	vadd.s32 v3, v2;
	_ =	sdelay $0x1  }
0xfd: {  	v1 =	vadd.s32 v3, v1;
	_ =	sdelay $0x1  }
0xfe: {  	s21 =	simm.s32 $0xCC00  }
0xff: {  	[tilespmem:s21], [sflag:$0x2] =	stream.indirect_vreg.gather [hbm4b:s6+s3], $0x80, v2, vm0, $0xb8;
	[tilespmem:$0x19C00] =	vst v63  }
0x100: {  	s22 =	simm.s32 $0xD400  }
0x101: {  	[tilespmem:s22], [sflag:$0x2] =	stream.indirect_vreg.gather [hbm4b:s6+s3], $0x80, v1, vm0, $0xb8;
	[tilespmem:$0x19C00] =	vst v63  }
0x102: {  	v1 =	vld [tilespmem:s10+$0x40];
	_ =	sdelay $0x4  }
0x103: {  	v2 =	vshll.u32 v1, $0x3  }
0x104: {  	v1 =	vand.u32 $0x7, v1;
	v2 =	vand.u32 $0xFFFFFFC0, v2  }
0x105: {  	v1 =	vor.u32 v1, v2  }
0x106: {  	v2 =	vperm.xlane v1, v0;
	_ =	sdelay $0x1  }
0x107: {  	v1 =	vperm.xlane v1, v4;
	v2 =	vadd.s32 v3, v2;
	_ =	sdelay $0x1  }
0x108: {  	v1 =	vadd.s32 v3, v1;
	_ =	sdelay $0x1  }
0x109: {  	s23 =	simm.s32 $0xDC00  }
0x10a: {  	[tilespmem:s23], [sflag:$0x2] =	stream.indirect_vreg.gather [hbm4b:s6+s3], $0x80, v2, vm0, $0xb8;
	[tilespmem:$0x19C00] =	vst v63  }
0x10b: {  	s15 =	simm.s32 $0xE400  }
0x10c: {  	[tilespmem:s15], [sflag:$0x2] =	stream.indirect_vreg.gather [hbm4b:s6+s3], $0x80, v1, vm0, $0xb8;
	[tilespmem:$0x19C00] =	vst v63  }
0x10d: {  	v1 =	vld [tilespmem:s10+$0x50];
	_ =	sdelay $0x4  }
0x10e: {  	v2 =	vshll.u32 v1, $0x3  }
0x10f: {  	v1 =	vand.u32 $0x7, v1;
	v2 =	vand.u32 $0xFFFFFFC0, v2  }
0x110: {  	v1 =	vor.u32 v1, v2  }
0x111: {  	v2 =	vperm.xlane v1, v0;
	_ =	sdelay $0x1  }
0x112: {  	v1 =	vperm.xlane v1, v4;
	v2 =	vadd.s32 v3, v2;
	_ =	sdelay $0x1  }
0x113: {  	v1 =	vadd.s32 v3, v1;
	_ =	sdelay $0x1  }
0x114: {  	s16 =	simm.s32 $0xEC00  }
0x115: {  	[tilespmem:s16], [sflag:$0x2] =	stream.indirect_vreg.gather [hbm4b:s6+s3], $0x80, v2, vm0, $0xb8;
	[tilespmem:$0x19C00] =	vst v63  }
0x116: {  	s17 =	simm.s32 $0xF400  }
0x117: {  	[tilespmem:s17], [sflag:$0x2] =	stream.indirect_vreg.gather [hbm4b:s6+s3], $0x80, v1, vm0, $0xb8;
	[tilespmem:$0x19C00] =	vst v63  }
0x118: {  	v1 =	vld [tilespmem:s10+$0x60];
	_ =	sdelay $0x4  }
0x119: {  	v2 =	vshll.u32 v1, $0x3  }
0x11a: {  	v1 =	vand.u32 $0x7, v1;
	v2 =	vand.u32 $0xFFFFFFC0, v2  }
0x11b: {  	v1 =	vor.u32 v1, v2  }
0x11c: {  	v2 =	vperm.xlane v1, v0;
	_ =	sdelay $0x1  }
0x11d: {  	v1 =	vperm.xlane v1, v4;
	v2 =	vadd.s32 v3, v2;
	_ =	sdelay $0x1  }
0x11e: {  	v1 =	vadd.s32 v3, v1;
	_ =	sdelay $0x1  }
0x11f: {  	s18 =	simm.s32 $0xFC00  }
0x120: {  	[tilespmem:s18], [sflag:$0x2] =	stream.indirect_vreg.gather [hbm4b:s6+s3], $0x80, v2, vm0, $0xb8;
	[tilespmem:$0x19C00] =	vst v63  }
0x121: {  	s19 =	simm.s32 $0x10400  }
0x122: {  	[tilespmem:s19], [sflag:$0x2] =	stream.indirect_vreg.gather [hbm4b:s6+s3], $0x80, v1, vm0, $0xb8;
	[tilespmem:$0x19C00] =	vst v63  }
0x123: {  	v1 =	vld [tilespmem:s10+$0x70];
	_ =	sdelay $0x4  }
0x124: {  	v2 =	vshll.u32 v1, $0x3  }
0x125: {  	v1 =	vand.u32 $0x7, v1;
	v2 =	vand.u32 $0xFFFFFFC0, v2  }
0x126: {  	v1 =	vor.u32 v1, v2  }
0x127: {  	v2 =	vperm.xlane v1, v0;
	_ =	sdelay $0x1  }
0x128: {  	v1 =	vperm.xlane v1, v4;
	v2 =	vadd.s32 v3, v2;
	_ =	sdelay $0x1  }
0x129: {  	v6 =	vld [tilespmem:$0x1FE70];
	s20 =	simm.s32 $0x0;
	v1 =	vadd.s32 v3, v1  }
0x12a: {  	s21 =	sand.u32 $0x70, s20  }
0x12b: {  	v39 =	vor.u32 s21, v33;
	s15 =	sand.u32 $0x40, s20  }
0x12c: {  	[tilespmem:s24], [sflag:$0x2] =	stream.indirect_vreg.gather [hbm4b:s6+s3], $0x80, v2, vm0, $0xb8;
	v2 =	vshll.u32 v39, $0x8;
	[tilespmem:$0x19C00] =	vst v63  }
0x12d: {  	s22 =	sor.u32 $0x30, s15;
	v2 =	vand.u32 $0x7800, v2  }
0x12e: {  	[tilespmem:s25], [sflag:$0x2] =	stream.indirect_vreg.gather [hbm4b:s6+s3], $0x80, v1, vm0, $0xb8;
	v42 =	vor.u32 v6, v2;
	v1 =	vor.u32 s22, v33;
	[tilespmem:$0x19C00] =	vst v63  }
0x12f: {  	p1 =	seq.s32 s2, $0x0;
	s18 =	sor.u32 $0x10, s15;
	v3 =	vor.u32 s15, v33;
	v2 =	vor.u32 v1, v42  }
0x130: {  	s10 =	simm.s32 @!p1 $0x3;
	v4 =	vor.u32 s18, v33;
	v8 =	vor.u32 v3, v42  }
0x131: {  	s19 =	sor.u32 $0x20, s15;
	_ =	swait.ge @!p1 [sflag:s10], $0x4000;
	v10 =	vor.u32 v4, v42  }
0x132: {  	v9 =	vor.u32 s19, v33;
	[sflag:s10] =	ssyncset.done @!p1 $0x0  }
0x133: {  	v11 =	vor.u32 v9, v42;
	v1 =	vshll.u32 v1, $0x7;
	[sflag:s10] =	ssyncadd.s32 @!p1 $0xFFFFC000  }
0x134: {  	v3 =	vshll.u32 v3, $0x7;
	v1 =	vor.u32 v39, v1;
	v2 =	vld.idx.msk [tilespmem:v2+s14+$0x0], $0xffff  }
0x135: {  	v22 =	vor.u32 s22, v35;
	v4 =	vshll.u32 v4, $0x7;
	v3 =	vor.u32 v39, v3;
	v8 =	vld.idx.msk [tilespmem:v8+s14+$0x0], $0xffff  }
0x136: {  	v24 =	vor.u32 s15, v35;
	v23 =	vor.u32 v22, v42;
	v4 =	vor.u32 v39, v4;
	v10 =	vld.idx.msk [tilespmem:v10+s14+$0x0], $0xffff  }
0x137: {  	v25 =	vor.u32 s18, v35;
	v9 =	vshll.u32 v9, $0x7;
	v27 =	vor.u32 v24, v42  }
0x138: {  	v26 =	vor.u32 s19, v35;
	v28 =	vor.u32 v25, v42;
	v9 =	vor.u32 v39, v9;
	v11 =	vld.idx.msk [tilespmem:v11+s14+$0x0], $0xffff  }
0x139: {  	v29 =	vor.u32 v26, v42;
	v25 =	vshll.u32 v25, $0x7;
	v26 =	vshll.u32 v26, $0x7;
	[tilespmem:v1+s26+$0x0] =	vst.idx.msk $0xffff, v2  }
0x13a: {  	v1 =	vshll.u32 v22, $0x7;
	v2 =	vor.u32 v39, v25;
	[tilespmem:v3+s26+$0x0] =	vst.idx.msk $0xffff, v8;
	v3 =	vor.u32 v39, v26  }
0x13b: {  	v24 =	vshll.u32 v24, $0x7;
	[tilespmem:v4+s26+$0x0] =	vst.idx.msk $0xffff, v10;
	v22 =	vld.idx.msk [tilespmem:v23+s14+$0x0], $0xffff;
	v1 =	vor.u32 v39, v1;
	v23 =	vor.u32 s22, v36  }
0x13c: {  	v10 =	vor.u32 v39, v24;
	v4 =	vld.idx.msk [tilespmem:v27+s14+$0x0], $0xffff;
	v27 =	vor.u32 s15, v36;
	v8 =	vor.u32 v23, v42  }
0x13d: {  	v24 =	vor.u32 s18, v36;
	[tilespmem:v9+s26+$0x0] =	vst.idx.msk $0xffff, v11;
	v26 =	vld.idx.msk [tilespmem:v28+s14+$0x0], $0xffff;
	v9 =	vor.u32 v27, v42  }
0x13e: {  	v25 =	vor.u32 s19, v36;
	v28 =	vor.u32 v24, v42  }
0x13f: {  	v37 =	vor.u32 v25, v42;
	v11 =	vshll.u32 v24, $0x7;
	v27 =	vshll.u32 v27, $0x7  }
0x140: {  	v24 =	vshll.u32 v25, $0x7;
	v25 =	vld.idx.msk [tilespmem:v29+s14+$0x0], $0xffff;
	[tilespmem:v1+s26+$0x0] =	vst.idx.msk $0xffff, v22;
	v1 =	vshll.u32 v23, $0x7;
	v23 =	vor.u32 v39, v27  }
0x141: {  	[tilespmem:v10+s26+$0x0] =	vst.idx.msk $0xffff, v4;
	v4 =	vor.u32 s22, v14;
	v8 =	vld.idx.msk [tilespmem:v8+s14+$0x0], $0xffff;
	v1 =	vor.u32 v39, v1  }
0x142: {  	[tilespmem:v2+s26+$0x0] =	vst.idx.msk $0xffff, v26;
	v26 =	vor.u32 s15, v14;
	v2 =	vor.u32 v4, v42;
	v9 =	vld.idx.msk [tilespmem:v9+s14+$0x0], $0xffff  }
0x143: {  	v41 =	vor.u32 s22, v63;
	v11 =	vor.u32 v39, v11;
	v29 =	vor.u32 v26, v42;
	v28 =	vld.idx.msk [tilespmem:v28+s14+$0x0], $0xffff  }
0x144: {  	v22 =	vor.u32 v39, v24;
	v10 =	vor.u32 s18, v14;
	v24 =	vor.u32 s19, v14  }
0x145: {  	[tilespmem:v3+s26+$0x0] =	vst.idx.msk $0xffff, v25;
	v27 =	vor.u32 v10, v42;
	v38 =	vor.u32 v24, v42;
	v26 =	vshll.u32 v26, $0x7  }
0x146: {  	v4 =	vshll.u32 v4, $0x7;
	v25 =	vor.u32 v39, v26;
	v26 =	vor.u32 s19, v63;
	[tilespmem:v1+s26+$0x0] =	vst.idx.msk $0xffff, v8;
	v8 =	vld.idx.msk [tilespmem:v37+s14+$0x0], $0xffff  }
0x147: {  	v4 =	vor.u32 v39, v4;
	[tilespmem:v23+s26+$0x0] =	vst.idx.msk $0xffff, v9;
	v9 =	vor.u32 v26, v42;
	v2 =	vld.idx.msk [tilespmem:v2+s14+$0x0], $0xffff  }
0x148: {  	v1 =	vor.u32 s15, v63;
	v23 =	vor.u32 v41, v42;
	[tilespmem:v11+s26+$0x0] =	vst.idx.msk $0xffff, v28;
	v11 =	vshll.u32 v26, $0x7;
	v26 =	vld.idx.msk [tilespmem:v29+s14+$0x0], $0xffff  }
0x149: {  	v3 =	vor.u32 s18, v63;
	v10 =	vshll.u32 v10, $0x7;
	v40 =	vor.u32 v1, v42  }
0x14a: {  	v24 =	vshll.u32 v24, $0x7;
	v51 =	vor.u32 v3, v42;
	v10 =	vor.u32 v39, v10  }
0x14b: {  	v52 =	vor.u32 s22, v12;
	v24 =	vor.u32 v39, v24;
	v41 =	vshll.u32 v41, $0x7;
	v27 =	vld.idx.msk [tilespmem:v27+s14+$0x0], $0xffff;
	[tilespmem:v22+s26+$0x0] =	vst.idx.msk $0xffff, v8  }
0x14c: {  	v28 =	vor.u32 s15, v12;
	v29 =	vor.u32 s18, v12;
	v41 =	vor.u32 v39, v41;
	v38 =	vld.idx.msk [tilespmem:v38+s14+$0x0], $0xffff;
	[tilespmem:v4+s26+$0x0] =	vst.idx.msk $0xffff, v2  }
0x14d: {  	v1 =	vshll.u32 v1, $0x7;
	v22 =	vor.u32 v29, v42;
	v29 =	vshll.u32 v29, $0x7;
	[tilespmem:v25+s26+$0x0] =	vst.idx.msk $0xffff, v26;
	v23 =	vld.idx.msk [tilespmem:v23+s14+$0x0], $0xffff  }
0x14e: {  	v1 =	vor.u32 v39, v1;
	v25 =	vor.u32 v39, v29;
	v29 =	vor.u32 v52, v42;
	v40 =	vld.idx.msk [tilespmem:v40+s14+$0x0], $0xffff  }
0x14f: {  	v8 =	vor.u32 v28, v42  }
0x150: {  	v3 =	vshll.u32 v3, $0x7;
	[tilespmem:v10+s26+$0x0] =	vst.idx.msk $0xffff, v27  }
0x151: {  	v59 =	vor.u32 s22, v13;
	v55 =	vshll.u32 v52, $0x7;
	v3 =	vor.u32 v39, v3;
	v27 =	vld.idx.msk [tilespmem:v51+s14+$0x0], $0xffff;
	[tilespmem:v24+s26+$0x0] =	vst.idx.msk $0xffff, v38  }
0x152: {  	v43 =	vor.u32 s19, v12;
	v11 =	vor.u32 v39, v11;
	v28 =	vshll.u32 v28, $0x7;
	v9 =	vld.idx.msk [tilespmem:v9+s14+$0x0], $0xffff;
	[tilespmem:v41+s26+$0x0] =	vst.idx.msk $0xffff, v23  }
0x153: {  	v2 =	vor.u32 v43, v42;
	v41 =	vor.u32 v39, v55;
	[tilespmem:v1+s26+$0x0] =	vst.idx.msk $0xffff, v40;
	v29 =	vld.idx.msk [tilespmem:v29+s14+$0x0], $0xffff  }
0x154: {  	v45 =	vor.u32 v59, v42;
	v28 =	vor.u32 v39, v28;
	v10 =	vor.u32 s15, v13;
	v8 =	vld.idx.msk [tilespmem:v8+s14+$0x0], $0xffff  }
0x155: {  	v44 =	vor.u32 s19, v13;
	v24 =	vor.u32 v10, v42  }
0x156: {  	v54 =	vor.u32 v44, v42;
	v4 =	vshll.u32 v43, $0x7;
	[tilespmem:v3+s26+$0x0] =	vst.idx.msk $0xffff, v27  }
0x157: {  	v34 =	vor.u32 s22, v18;
	v26 =	vor.u32 s18, v13;
	v4 =	vor.u32 v39, v4;
	v22 =	vld.idx.msk [tilespmem:v22+s14+$0x0], $0xffff;
	[tilespmem:v11+s26+$0x0] =	vst.idx.msk $0xffff, v9  }
0x158: {  	v56 =	vor.u32 s18, v18;
	v53 =	vor.u32 v26, v42;
	v2 =	vld.idx.msk [tilespmem:v2+s14+$0x0], $0xffff;
	[tilespmem:v41+s26+$0x0] =	vst.idx.msk $0xffff, v29;
	v29 =	vshll.u32 v59, $0x7  }
0x159: {  	v61 =	vor.u32 s19, v18;
	v10 =	vshll.u32 v10, $0x7;
	[tilespmem:v28+s26+$0x0] =	vst.idx.msk $0xffff, v8;
	v41 =	vld.idx.msk [tilespmem:v45+s14+$0x0], $0xffff;
	v29 =	vor.u32 v39, v29  }
0x15a: {  	v10 =	vor.u32 v39, v10;
	v1 =	vor.u32 s15, v18;
	v8 =	vor.u32 v34, v42;
	v24 =	vld.idx.msk [tilespmem:v24+s14+$0x0], $0xffff  }
0x15b: {  	v32 =	vor.u32 s19, v17;
	v44 =	vshll.u32 v44, $0x7;
	v46 =	vor.u32 v1, v42  }
0x15c: {  	v62 =	vor.u32 v61, v42;
	v48 =	vor.u32 v32, v42;
	v26 =	vshll.u32 v26, $0x7;
	[tilespmem:v25+s26+$0x0] =	vst.idx.msk $0xffff, v22  }
0x15d: {  	v26 =	vor.u32 v39, v26;
	v23 =	vor.u32 v39, v44;
	v37 =	vld.idx.msk [tilespmem:v53+s14+$0x0], $0xffff;
	[tilespmem:v4+s26+$0x0] =	vst.idx.msk $0xffff, v2  }
0x15e: {  	v3 =	vor.u32 v56, v42;
	v38 =	vld.idx.msk [tilespmem:v54+s14+$0x0], $0xffff;
	[tilespmem:v29+s26+$0x0] =	vst.idx.msk $0xffff, v41;
	v29 =	vshll.u32 v34, $0x7  }
0x15f: {  	v1 =	vshll.u32 v1, $0x7;
	v54 =	vor.u32 s22, v17;
	[tilespmem:v10+s26+$0x0] =	vst.idx.msk $0xffff, v24;
	v8 =	vld.idx.msk [tilespmem:v8+s14+$0x0], $0xffff;
	v29 =	vor.u32 v39, v29  }
0x160: {  	v52 =	vor.u32 s15, v17;
	v1 =	vor.u32 v39, v1;
	v10 =	vor.u32 v54, v42;
	v46 =	vld.idx.msk [tilespmem:v46+s14+$0x0], $0xffff  }
0x161: {  	v27 =	vshll.u32 v56, $0x7;
	v40 =	vshll.u32 v61, $0x7;
	v28 =	vor.u32 v52, v42  }
0x162: {  	v9 =	vor.u32 v39, v27;
	v11 =	vor.u32 v39, v40;
	v27 =	vor.u32 s18, v17;
	[tilespmem:v26+s26+$0x0] =	vst.idx.msk $0xffff, v37  }
0x163: {  	v47 =	vor.u32 v27, v42;
	v27 =	vshll.u32 v27, $0x7;
	v3 =	vld.idx.msk [tilespmem:v3+s14+$0x0], $0xffff;
	[tilespmem:v23+s26+$0x0] =	vst.idx.msk $0xffff, v38  }
0x164: {  	v22 =	vor.u32 v39, v27;
	v43 =	vld.idx.msk [tilespmem:v62+s14+$0x0], $0xffff;
	[tilespmem:v29+s26+$0x0] =	vst.idx.msk $0xffff, v8;
	v8 =	vshll.u32 v54, $0x7  }
0x165: {  	v45 =	vshll.u32 v52, $0x7;
	v62 =	vor.u32 s22, v57;
	[tilespmem:v1+s26+$0x0] =	vst.idx.msk $0xffff, v46;
	v10 =	vld.idx.msk [tilespmem:v10+s14+$0x0], $0xffff;
	v8 =	vor.u32 v39, v8  }
0x166: {  	v27 =	vor.u32 v39, v45;
	v4 =	vor.u32 s15, v57;
	v1 =	vor.u32 v62, v42;
	v28 =	vld.idx.msk [tilespmem:v28+s14+$0x0], $0xffff  }
0x167: {  	v53 =	vor.u32 v4, v42  }
0x168: {  	v25 =	vshll.u32 v32, $0x7;
	[tilespmem:v9+s26+$0x0] =	vst.idx.msk $0xffff, v3  }
0x169: {  	v2 =	vor.u32 v39, v25;
	v9 =	vor.u32 s19, v20;
	v47 =	vld.idx.msk [tilespmem:v47+s14+$0x0], $0xffff;
	[tilespmem:v11+s26+$0x0] =	vst.idx.msk $0xffff, v43  }
0x16a: {  	v41 =	vor.u32 v9, v42;
	v43 =	vld.idx.msk [tilespmem:v48+s14+$0x0], $0xffff;
	[tilespmem:v8+s26+$0x0] =	vst.idx.msk $0xffff, v10;
	v8 =	vshll.u32 v62, $0x7  }
0x16b: {  	v4 =	vshll.u32 v4, $0x7;
	v9 =	vshll.u32 v9, $0x7;
	[tilespmem:v27+s26+$0x0] =	vst.idx.msk $0xffff, v28;
	v1 =	vld.idx.msk [tilespmem:v1+s14+$0x0], $0xffff;
	v8 =	vor.u32 v39, v8  }
0x16c: {  	v4 =	vor.u32 v39, v4;
	v48 =	vor.u32 v39, v9;
	v9 =	vld.idx.msk [tilespmem:v53+s14+$0x0], $0xffff;
	_ =	sdelay $0x1  }
0x16d: {  	[tilespmem:v22+s26+$0x0] =	vst.idx.msk $0xffff, v47  }
0x16e: {  	[tilespmem:v2+s26+$0x0] =	vst.idx.msk $0xffff, v43  }
0x16f: {  	v25 =	vor.u32 s18, v57;
	[tilespmem:v8+s26+$0x0] =	vst.idx.msk $0xffff, v1  }
0x170: {  	v56 =	vor.u32 v25, v42;
	[tilespmem:v4+s26+$0x0] =	vst.idx.msk $0xffff, v9  }
0x171: {  	v55 =	vor.u32 s19, v57;
	v0 =	vld [tilespmem:$0x1FFB0]  }
0x172: {  	v24 =	vshll.u32 v25, $0x7;
	v25 =	vor.u32 v55, v42;
	v10 =	vor.u32 s22, v58  }
0x173: {  	s23 =	simm.s32 $0x8;
	v61 =	vor.u32 s19, v58;
	v59 =	vor.u32 s15, v58;
	v27 =	vor.u32 v10, v42  }
0x174: {  	s17 =	simm.s32 $0x40;
	s10 =	sand.u32 $0x70, s23;
	v44 =	vshll.u32 v55, $0x7;
	v32 =	vor.u32 s15, v20;
	v29 =	vor.u32 v59, v42  }
0x175: {  	v49 =	vor.u32 v61, v42;
	v40 =	vor.u32 s10, v33;
	s10 =	sand.u32 $0x40, s17;
	v50 =	vor.u32 v32, v42;
	v56 =	vld.idx.msk [tilespmem:v56+s14+$0x0], $0xffff  }
0x176: {  	s13 =	sor.u32 $0x10, s10;
	v24 =	vor.u32 v39, v24;
	v38 =	vshll.u32 v61, $0x7;
	v61 =	vor.u32 s15, v0;
	v0 =	vld [tilespmem:$0x1FFB0]  }
0x177: {  	v45 =	vor.u32 s13, v36;
	v37 =	vor.u32 v39, v44;
	v25 =	vld.idx.msk [tilespmem:v25+s14+$0x0], $0xffff;
	v1 =	vshll.u32 v10, $0x7  }
0x178: {  	v26 =	vor.u32 s18, v58;
	v44 =	vshll.u32 v59, $0x7;
	v8 =	vld.idx.msk [tilespmem:v27+s14+$0x0], $0xffff;
	v27 =	vor.u32 v39, v1  }
0x179: {  	v23 =	vor.u32 v26, v42;
	v26 =	vshll.u32 v26, $0x7;
	v46 =	vor.u32 v39, v44;
	v29 =	vld.idx.msk [tilespmem:v29+s14+$0x0], $0xffff  }
0x17a: {  	v34 =	vor.u32 s15, v60;
	v26 =	vor.u32 v39, v26;
	v38 =	vor.u32 v39, v38  }
0x17b: {  	v3 =	vor.u32 s18, v20;
	v44 =	vshll.u32 v32, $0x7;
	v9 =	vor.u32 s18, v0;
	v0 =	vld [tilespmem:$0x1FFB0];
	[tilespmem:v24+s26+$0x0] =	vst.idx.msk $0xffff, v56  }
0x17c: {  	v59 =	vor.u32 s22, v20;
	v11 =	vor.u32 v3, v42;
	v3 =	vshll.u32 v3, $0x7;
	[tilespmem:v37+s26+$0x0] =	vst.idx.msk $0xffff, v25  }
0x17d: {  	v54 =	vshll.u32 v40, $0x8;
	v51 =	vor.u32 v39, v44;
	v28 =	vor.u32 v39, v3;
	[tilespmem:v27+s26+$0x0] =	vst.idx.msk $0xffff, v8  }
0x17e: {  	v3 =	vor.u32 s18, v60;
	v22 =	vor.u32 s19, v60;
	v4 =	vor.u32 v59, v42;
	[tilespmem:v46+s26+$0x0] =	vst.idx.msk $0xffff, v29  }
0x17f: {  	v47 =	vor.u32 v34, v42;
	v52 =	vor.u32 v3, v42;
	v3 =	vshll.u32 v3, $0x7;
	v5 =	vld [tilespmem:$0x1FE90]  }
0x180: {  	v53 =	vor.u32 v22, v42;
	v2 =	vshll.u32 v34, $0x7;
	v62 =	vor.u32 s19, v0;
	v0 =	vld [tilespmem:$0x1FE80]  }
0x181: {  	v3 =	vor.u32 v39, v3;
	v1 =	vshll.u32 v22, $0x7;
	v22 =	vor.u32 v39, v2;
	v23 =	vld.idx.msk [tilespmem:v23+s14+$0x0], $0xffff  }
0x182: {  	v2 =	vor.u32 v39, v1;
	v10 =	vor.u32 v61, v42;
	v32 =	vshll.u32 v61, $0x7;
	v34 =	vld.idx.msk [tilespmem:v49+s14+$0x0], $0xffff  }
0x183: {  	s16 =	sor.u32 $0x30, s10;
	v61 =	vor.u32 s13, v33;
	v8 =	vshll.u32 v59, $0x7;
	v27 =	vor.u32 s22, v60;
	v4 =	vld.idx.msk [tilespmem:v4+s14+$0x0], $0xffff  }
0x184: {  	v37 =	vor.u32 s16, v35;
	v1 =	vor.u32 v9, v42;
	v24 =	vshll.u32 v9, $0x7;
	v46 =	vld.idx.msk [tilespmem:v50+s14+$0x0], $0xffff  }
0x185: {  	v29 =	vor.u32 v27, v42;
	v50 =	vshll.u32 v61, $0x7;
	v55 =	vcombine.low v0, v5;
	v0 =	vld [tilespmem:$0x1FEA0]  }
0x186: {  	v49 =	vor.u32 s10, v35;
	v44 =	vor.u32 v39, v24;
	v24 =	vor.u32 v39, v8;
	v5 =	vld [tilespmem:$0x1FEB0]  }
0x187: {  	v8 =	vor.u32 v39, v32;
	v50 =	vor.u32 v40, v50;
	v25 =	vshll.u32 v62, $0x7;
	[tilespmem:v38+s26+$0x0] =	vst.idx.msk $0xffff, v34  }
0x188: {  	v9 =	vor.u32 v62, v42;
	v43 =	vor.u32 v39, v25;
	[tilespmem:v26+s26+$0x0] =	vst.idx.msk $0xffff, v23;
	v26 =	vld.idx.msk [tilespmem:v41+s14+$0x0], $0xffff  }
0x189: {  	v25 =	vand.u32 $0x7800, v54;
	v23 =	vshll.u32 v27, $0x7;
	v38 =	vor.u32 s13, v35;
	v11 =	vld.idx.msk [tilespmem:v11+s14+$0x0], $0xffff  }
0x18a: {  	v16 =	vmovc v18;
	v19 =	vmovc v58;
	v23 =	vor.u32 v39, v23;
	v41 =	vor.u32 v6, v25;
	v25 =	vor.u32 s16, v33  }
0x18b: {  	v21 =	vmovc v60;
	v18 =	vmovc v57;
	v34 =	vand.u32 $0xF, v55;
	v54 =	vor.u32 v25, v41;
	v56 =	vcombine.low v0, v5;
	v5 =	vld [tilespmem:$0x1FFB0]  }
0x18c: {  	v55 =	vor.u32 s10, v33;
	v58 =	vor.u32 v38, v41;
	v60 =	vor.u32 v49, v41;
	[tilespmem:v24+s26+$0x0] =	vst.idx.msk $0xffff, v4  }
0x18d: {  	v57 =	vor.u32 v45, v41;
	v30 =	vor.u32 s15, v34;
	[tilespmem:v48+s26+$0x0] =	vst.idx.msk $0xffff, v26;
	v26 =	vor.u32 v55, v41  }
0x18e: {  	v32 =	vshll.u32 v55, $0x7;
	v24 =	vor.u32 s22, v34;
	v29 =	vld.idx.msk [tilespmem:v29+s14+$0x0], $0xffff;
	[tilespmem:v28+s26+$0x0] =	vst.idx.msk $0xffff, v11;
	v11 =	vor.u32 v61, v41  }
0x18f: {  	v55 =	vor.u32 v24, v42;
	v48 =	vor.u32 v40, v32;
	v32 =	vshll.u32 v49, $0x7  }
0x190: {  	[tilespmem:v51+s26+$0x0] =	vst.idx.msk $0xffff, v46;
	v24 =	vshll.u32 v24, $0x7;
	v7 =	vand.u32 $0xF, v56;
	v4 =	vor.u32 s22, v5  }
0x191: {  	v47 =	vld.idx.msk [tilespmem:v47+s14+$0x0], $0xffff;
	v49 =	vor.u32 s13, v12;
	v6 =	vor.u32 s15, v7;
	s15 =	sor.u32 $0x20, s10;
	v59 =	vor.u32 v4, v42  }
0x192: {  	v56 =	vor.u32 v37, v41;
	v37 =	vshll.u32 v37, $0x7;
	v62 =	vor.u32 s15, v33;
	v26 =	vld.idx.msk [tilespmem:v26+s14+$0x0], $0xffff  }
0x193: {  	v28 =	vor.u32 v62, v41;
	v51 =	vshll.u32 v62, $0x7;
	[tilespmem:v23+s26+$0x0] =	vst.idx.msk $0xffff, v29;
	v23 =	vshll.u32 v25, $0x7;
	v11 =	vld.idx.msk [tilespmem:v11+s14+$0x0], $0xffff  }
0x194: {  	v0 =	vmovc v14;
	v27 =	vor.u32 s22, v7;
	v25 =	vor.u32 v40, v51;
	v51 =	vld.idx.msk [tilespmem:v54+s14+$0x0], $0xffff;
	v23 =	vor.u32 v40, v23  }
0x195: {  	v61 =	vor.u32 s15, v12;
	v62 =	vor.u32 s13, v0;
	v4 =	vshll.u32 v4, $0x7  }
0x196: {  	[tilespmem:v22+s26+$0x0] =	vst.idx.msk $0xffff, v47;
	v54 =	vor.u32 v27, v42;
	v46 =	vor.u32 v39, v4;
	v29 =	vld.idx.msk [tilespmem:v59+s14+$0x0], $0xffff  }
0x197: {  	v47 =	vor.u32 v40, v32;
	v32 =	vor.u32 s15, v36;
	v4 =	vld.idx.msk [tilespmem:v53+s14+$0x0], $0xffff;
	v53 =	vshll.u32 v38, $0x7;
	[tilespmem:v48+s26+$0x0] =	vst.idx.msk $0xffff, v26  }
0x198: {  	v28 =	vld.idx.msk [tilespmem:v28+s14+$0x0], $0xffff;
	v59 =	vor.u32 s15, v35;
	[tilespmem:v50+s26+$0x0] =	vst.idx.msk $0xffff, v11;
	v48 =	vshll.u32 v45, $0x7;
	v45 =	vor.u32 s10, v12  }
0x199: {  	v22 =	vor.u32 v59, v41;
	v38 =	vshll.u32 v59, $0x7;
	[tilespmem:v23+s26+$0x0] =	vst.idx.msk $0xffff, v51;
	v23 =	vor.u32 v39, v24  }
0x19a: {  	v24 =	vor.u32 v40, v37;
	v51 =	vor.u32 s16, v36;
	v11 =	vld.idx.msk [tilespmem:v60+s14+$0x0], $0xffff;
	v59 =	vor.u32 v32, v41  }
0x19b: {  	v37 =	vor.u32 s10, v36;
	v48 =	vor.u32 v40, v48;
	v26 =	vor.u32 v51, v41;
	[tilespmem:v46+s26+$0x0] =	vst.idx.msk $0xffff, v29  }
0x19c: {  	v29 =	vor.u32 v40, v53;
	v46 =	vld.idx.msk [tilespmem:v56+s14+$0x0], $0xffff;
	v53 =	vor.u32 v40, v38;
	v38 =	vor.u32 v37, v41  }
0x19d: {  	v58 =	vld.idx.msk [tilespmem:v58+s14+$0x0], $0xffff;
	[tilespmem:v25+s26+$0x0] =	vst.idx.msk $0xffff, v28;
	v25 =	vshll.u32 v32, $0x7;
	v28 =	vshll.u32 v37, $0x7;
	v32 =	vor.u32 s10, v0  }
0x19e: {  	v52 =	vld.idx.msk [tilespmem:v52+s14+$0x0], $0xffff;
	v25 =	vor.u32 v40, v25;
	v28 =	vor.u32 v40, v28;
	v50 =	vshll.u32 v32, $0x7  }
0x19f: {  	v56 =	vor.u32 s16, v12;
	v55 =	vld.idx.msk [tilespmem:v55+s14+$0x0], $0xffff;
	[tilespmem:v47+s26+$0x0] =	vst.idx.msk $0xffff, v11;
	v11 =	vor.u32 s16, v0;
	v47 =	vor.u32 s15, v0  }
0x1a0: {  	v22 =	vld.idx.msk [tilespmem:v22+s14+$0x0], $0xffff;
	v50 =	vor.u32 v40, v50;
	v60 =	vor.u32 v47, v41;
	v47 =	vshll.u32 v47, $0x7  }
0x1a1: {  	v47 =	vor.u32 v40, v47;
	[tilespmem:v24+s26+$0x0] =	vst.idx.msk $0xffff, v46;
	v24 =	vshll.u32 v27, $0x7;
	v27 =	vshll.u32 v51, $0x7;
	v37 =	vld.idx.msk [tilespmem:v38+s14+$0x0], $0xffff  }
0x1a2: {  	[tilespmem:v29+s26+$0x0] =	vst.idx.msk $0xffff, v58;
	v29 =	vor.u32 v11, v41;
	v26 =	vld.idx.msk [tilespmem:v26+s14+$0x0], $0xffff;
	v27 =	vor.u32 v40, v27  }
0x1a3: {  	[tilespmem:v3+s26+$0x0] =	vst.idx.msk $0xffff, v52;
	v51 =	vor.u32 v62, v41;
	v46 =	vshll.u32 v62, $0x7;
	v38 =	vor.u32 v32, v41  }
0x1a4: {  	v62 =	vor.u32 s15, v63;
	v11 =	vshll.u32 v11, $0x7;
	v32 =	vor.u32 s16, v63;
	[tilespmem:v23+s26+$0x0] =	vst.idx.msk $0xffff, v55;
	v23 =	vld.idx.msk [tilespmem:v57+s14+$0x0], $0xffff  }
0x1a5: {  	v58 =	vshll.u32 v49, $0x7;
	v24 =	vor.u32 v39, v24;
	[tilespmem:v53+s26+$0x0] =	vst.idx.msk $0xffff, v22;
	v22 =	vor.u32 s13, v63  }
0x1a6: {  	v46 =	vor.u32 v40, v46;
	v55 =	vor.u32 v22, v41;
	v22 =	vshll.u32 v22, $0x7;
	[tilespmem:v28+s26+$0x0] =	vst.idx.msk $0xffff, v37  }
0x1a7: {  	v11 =	vor.u32 v40, v11;
	v22 =	vor.u32 v40, v22;
	[tilespmem:v27+s26+$0x0] =	vst.idx.msk $0xffff, v26;
	v27 =	vld.idx.msk [tilespmem:v59+s14+$0x0], $0xffff  }
0x1a8: {  	v28 =	vor.u32 v62, v41;
	v37 =	vor.u32 v32, v41;
	v26 =	vor.u32 s10, v63;
	v38 =	vld.idx.msk [tilespmem:v38+s14+$0x0], $0xffff  }
0x1a9: {  	[tilespmem:v48+s26+$0x0] =	vst.idx.msk $0xffff, v23;
	v23 =	vshll.u32 v62, $0x7;
	v59 =	vshll.u32 v32, $0x7;
	v62 =	vshll.u32 v45, $0x7;
	v29 =	vld.idx.msk [tilespmem:v29+s14+$0x0], $0xffff  }
0x1aa: {  	v48 =	vor.u32 v40, v58;
	v58 =	vor.u32 v56, v41;
	v57 =	vor.u32 v26, v41;
	v51 =	vld.idx.msk [tilespmem:v51+s14+$0x0], $0xffff  }
0x1ab: {  	v54 =	vld.idx.msk [tilespmem:v54+s14+$0x0], $0xffff;
	v26 =	vshll.u32 v26, $0x7;
	v23 =	vor.u32 v40, v23;
	v53 =	vor.u32 v40, v59  }
0x1ac: {  	v32 =	vor.u32 s13, v13;
	v52 =	vor.u32 v40, v62;
	v26 =	vor.u32 v40, v26;
	[tilespmem:v25+s26+$0x0] =	vst.idx.msk $0xffff, v27  }
0x1ad: {  	v25 =	vor.u32 v45, v41;
	v27 =	vor.u32 v49, v41;
	[tilespmem:v50+s26+$0x0] =	vst.idx.msk $0xffff, v38;
	v38 =	vor.u32 s15, v13  }
0x1ae: {  	v50 =	vshll.u32 v32, $0x7;
	v45 =	vor.u32 s16, v13;
	v60 =	vld.idx.msk [tilespmem:v60+s14+$0x0], $0xffff;
	[tilespmem:v11+s26+$0x0] =	vst.idx.msk $0xffff, v29;
	v11 =	vor.u32 v61, v41  }
0x1af: {  	v49 =	vor.u32 s15, v16;
	v29 =	vshll.u32 v61, $0x7;
	v57 =	vld.idx.msk [tilespmem:v57+s14+$0x0], $0xffff;
	[tilespmem:v46+s26+$0x0] =	vst.idx.msk $0xffff, v51;
	v46 =	vor.u32 v32, v41  }
0x1b0: {  	[tilespmem:v24+s26+$0x0] =	vst.idx.msk $0xffff, v54;
	v54 =	vor.u32 v38, v41;
	v62 =	vshll.u32 v38, $0x7;
	v32 =	vshll.u32 v56, $0x7;
	v3 =	vld.idx.msk [tilespmem:v37+s14+$0x0], $0xffff  }
0x1b1: {  	[tilespmem:v2+s26+$0x0] =	vst.idx.msk $0xffff, v4;
	v4 =	vshll.u32 v49, $0x7;
	v29 =	vor.u32 v40, v29;
	v37 =	vor.u32 s10, v13;
	v24 =	vld.idx.msk [tilespmem:v55+s14+$0x0], $0xffff  }
0x1b2: {  	v10 =	vld.idx.msk [tilespmem:v10+s14+$0x0], $0xffff;
	v4 =	vor.u32 v40, v4;
	v61 =	vor.u32 v37, v41;
	v59 =	vshll.u32 v37, $0x7  }
0x1b3: {  	v37 =	vor.u32 s13, v16;
	v51 =	vor.u32 v40, v59;
	[tilespmem:v47+s26+$0x0] =	vst.idx.msk $0xffff, v60;
	v47 =	vor.u32 v40, v50  }
0x1b4: {  	v50 =	vor.u32 v40, v32;
	[tilespmem:v26+s26+$0x0] =	vst.idx.msk $0xffff, v57;
	v60 =	vor.u32 v45, v41;
	v28 =	vld.idx.msk [tilespmem:v28+s14+$0x0], $0xffff  }
0x1b5: {  	v26 =	vor.u32 s10, v16;
	v32 =	vor.u32 s10, v18;
	[tilespmem:v53+s26+$0x0] =	vst.idx.msk $0xffff, v3;
	v3 =	vor.u32 v40, v62;
	v25 =	vld.idx.msk [tilespmem:v25+s14+$0x0], $0xffff  }
0x1b6: {  	v59 =	vor.u32 v26, v41;
	[tilespmem:v22+s26+$0x0] =	vst.idx.msk $0xffff, v24;
	v22 =	vor.u32 v37, v41;
	v38 =	vld.idx.msk [tilespmem:v58+s14+$0x0], $0xffff  }
0x1b7: {  	v24 =	vshll.u32 v37, $0x7;
	v53 =	vor.u32 v49, v41;
	v26 =	vshll.u32 v26, $0x7;
	v2 =	vld.idx.msk [tilespmem:v27+s14+$0x0], $0xffff  }
0x1b8: {  	v1 =	vld.idx.msk [tilespmem:v1+s14+$0x0], $0xffff;
	[tilespmem:v8+s26+$0x0] =	vst.idx.msk $0xffff, v10;
	v62 =	vshll.u32 v45, $0x7;
	v37 =	vor.u32 s13, v18;
	v10 =	vshll.u32 v32, $0x7  }
0x1b9: {  	v9 =	vld.idx.msk [tilespmem:v9+s14+$0x0], $0xffff;
	v24 =	vor.u32 v40, v24;
	v27 =	vor.u32 s15, v17;
	v58 =	vor.u32 s16, v16;
	[tilespmem:v23+s26+$0x0] =	vst.idx.msk $0xffff, v28  }
0x1ba: {  	v23 =	vor.u32 v40, v26;
	v26 =	vor.u32 s13, v17;
	[tilespmem:v52+s26+$0x0] =	vst.idx.msk $0xffff, v25;
	v52 =	vor.u32 v58, v41  }
0x1bb: {  	v28 =	vor.u32 s10, v17;
	v58 =	vshll.u32 v58, $0x7;
	[tilespmem:v50+s26+$0x0] =	vst.idx.msk $0xffff, v38;
	v11 =	vld.idx.msk [tilespmem:v11+s14+$0x0], $0xffff;
	v55 =	vor.u32 v26, v41  }
0x1bc: {  	v25 =	vshll.u32 v26, $0x7;
	v26 =	vor.u32 v27, v41;
	[tilespmem:v48+s26+$0x0] =	vst.idx.msk $0xffff, v2;
	v2 =	vshll.u32 v27, $0x7;
	v27 =	vld.idx.msk [tilespmem:v61+s14+$0x0], $0xffff  }
0x1bd: {  	v15 =	vmovc v13;
	v56 =	vor.u32 v28, v41;
	v50 =	vor.u32 v40, v62;
	v28 =	vshll.u32 v28, $0x7;
	v57 =	vld.idx.msk [tilespmem:v60+s14+$0x0], $0xffff  }
0x1be: {  	[tilespmem:v44+s26+$0x0] =	vst.idx.msk $0xffff, v1;
	v38 =	vor.u32 s15, v18;
	v48 =	vor.u32 v40, v58;
	v25 =	vor.u32 v40, v25  }
0x1bf: {  	v14 =	vmovc v12;
	v28 =	vor.u32 v40, v28;
	v2 =	vor.u32 v40, v2;
	v46 =	vld.idx.msk [tilespmem:v46+s14+$0x0], $0xffff;
	v45 =	vshll.u32 v38, $0x7  }
0x1c0: {  	v60 =	vshll.u32 v37, $0x7;
	v61 =	vor.u32 v40, v45;
	[tilespmem:v29+s26+$0x0] =	vst.idx.msk $0xffff, v11;
	v11 =	vor.u32 v32, v41  }
0x1c1: {  	v29 =	vor.u32 v37, v41;
	[tilespmem:v51+s26+$0x0] =	vst.idx.msk $0xffff, v27;
	v27 =	vor.u32 v40, v60;
	v54 =	vld.idx.msk [tilespmem:v54+s14+$0x0], $0xffff  }
0x1c2: {  	v32 =	vor.u32 s13, v19;
	v60 =	vor.u32 v40, v10;
	v10 =	vor.u32 s10, v19;
	[tilespmem:v50+s26+$0x0] =	vst.idx.msk $0xffff, v57;
	v59 =	vld.idx.msk [tilespmem:v59+s14+$0x0], $0xffff  }
0x1c3: {  	v13 =	vmovc v63;
	v57 =	vor.u32 v38, v41;
	v62 =	vor.u32 v32, v41;
	v8 =	vld.idx.msk [tilespmem:v52+s14+$0x0], $0xffff;
	v52 =	vor.u32 s16, v17  }
0x1c4: {  	[tilespmem:v47+s26+$0x0] =	vst.idx.msk $0xffff, v46;
	v38 =	vor.u32 s15, v19;
	v63 =	vor.u32 v10, v41;
	v37 =	vor.u32 v52, v41  }
0x1c5: {  	[tilespmem:v43+s26+$0x0] =	vst.idx.msk $0xffff, v9;
	v10 =	vshll.u32 v10, $0x7;
	v1 =	vld.idx.msk [tilespmem:v22+s14+$0x0], $0xffff;
	v22 =	vshll.u32 v32, $0x7;
	v51 =	vor.u32 v38, v41  }
0x1c6: {  	v12 =	vmovc v0;
	v32 =	vor.u32 s16, v18;
	v0 =	vor.u32 v40, v22;
	[tilespmem:v3+s26+$0x0] =	vst.idx.msk $0xffff, v54;
	v3 =	vshll.u32 v38, $0x7  }
0x1c7: {  	v54 =	vor.u32 v40, v10;
	[tilespmem:v23+s26+$0x0] =	vst.idx.msk $0xffff, v59;
	v38 =	vor.u32 v32, v41;
	v10 =	vld.idx.msk [tilespmem:v53+s14+$0x0], $0xffff  }
0x1c8: {  	v43 =	vor.u32 s10, v21;
	[tilespmem:v48+s26+$0x0] =	vst.idx.msk $0xffff, v8;
	v31 =	vor.u32 v40, v3;
	v3 =	vshll.u32 v52, $0x7;
	v58 =	vld.idx.msk [tilespmem:v56+s14+$0x0], $0xffff  }
0x1c9: {  	v59 =	vshll.u32 v32, $0x7;
	v8 =	vor.u32 s13, v20;
	v22 =	vld.idx.msk [tilespmem:v37+s14+$0x0], $0xffff;
	v44 =	vor.u32 v40, v3  }
0x1ca: {  	v3 =	vor.u32 s10, v20;
	v37 =	vor.u32 s15, v20;
	v49 =	vor.u32 v8, v41  }
0x1cb: {  	[tilespmem:v24+s26+$0x0] =	vst.idx.msk $0xffff, v1;
	v1 =	vshll.u32 v8, $0x7;
	v52 =	vor.u32 v3, v41;
	v23 =	vor.u32 v37, v41  }
0x1cc: {  	v24 =	vld.idx.msk [tilespmem:v55+s14+$0x0], $0xffff;
	v8 =	vshll.u32 v37, $0x7;
	v3 =	vshll.u32 v3, $0x7;
	v9 =	vor.u32 v40, v1;
	[tilespmem:v4+s26+$0x0] =	vst.idx.msk $0xffff, v10  }
0x1cd: {  	v37 =	vor.u32 s16, v19;
	v8 =	vor.u32 v40, v8;
	v3 =	vor.u32 v40, v3;
	[tilespmem:v28+s26+$0x0] =	vst.idx.msk $0xffff, v58  }
0x1ce: {  	v4 =	vor.u32 s13, v21;
	v10 =	vor.u32 s15, v21;
	v58 =	vshll.u32 v37, $0x7;
	v26 =	vld.idx.msk [tilespmem:v26+s14+$0x0], $0xffff;
	[tilespmem:v44+s26+$0x0] =	vst.idx.msk $0xffff, v22  }
0x1cf: {  	v1 =	vor.u32 v4, v41;
	v22 =	vor.u32 v43, v41;
	v44 =	vor.u32 v40, v59  }
0x1d0: {  	v28 =	vshll.u32 v4, $0x7;
	v4 =	vor.u32 v10, v41;
	v59 =	vld.idx.msk [tilespmem:v11+s14+$0x0], $0xffff;
	v43 =	vshll.u32 v43, $0x7  }
0x1d1: {  	[tilespmem:v25+s26+$0x0] =	vst.idx.msk $0xffff, v24;
	v24 =	vshll.u32 v10, $0x7;
	v11 =	vor.u32 s16, v20;
	v32 =	vld.idx.msk [tilespmem:v38+s14+$0x0], $0xffff;
	v38 =	vor.u32 v37, v41  }
0x1d2: {  	v50 =	vor.u32 v40, v28;
	v10 =	vor.u32 v40, v43;
	v25 =	vld.idx.msk [tilespmem:v29+s14+$0x0], $0xffff;
	v28 =	vor.u32 s15, v5  }
0x1d3: {  	v47 =	vor.u32 v40, v24;
	v48 =	vor.u32 v28, v41;
	v28 =	vshll.u32 v28, $0x7;
	[tilespmem:v2+s26+$0x0] =	vst.idx.msk $0xffff, v26  }
0x1d4: {  	v24 =	vor.u32 s10, v5;
	v37 =	vor.u32 v40, v58;
	v43 =	vor.u32 v40, v28;
	v29 =	vld.idx.msk [tilespmem:v57+s14+$0x0], $0xffff  }
0x1d5: {  	v28 =	vshll.u32 v30, $0x7;
	v26 =	vor.u32 s13, v5;
	v2 =	vor.u32 v24, v41;
	[tilespmem:v60+s26+$0x0] =	vst.idx.msk $0xffff, v59  }
0x1d6: {  	v24 =	vshll.u32 v24, $0x7;
	v53 =	vor.u32 v26, v41;
	v26 =	vshll.u32 v26, $0x7;
	[tilespmem:v44+s26+$0x0] =	vst.idx.msk $0xffff, v32;
	v60 =	vld.idx.msk [tilespmem:v63+s14+$0x0], $0xffff  }
0x1d7: {  	v46 =	vor.u32 v40, v24;
	[tilespmem:v27+s26+$0x0] =	vst.idx.msk $0xffff, v25;
	v25 =	vor.u32 v30, v42;
	v24 =	vor.u32 s18, v34  }
0x1d8: {  	v27 =	vor.u32 s19, v34;
	v57 =	vor.u32 v39, v28;
	v63 =	vor.u32 s16, v21;
	v32 =	vld.idx.msk [tilespmem:v38+s14+$0x0], $0xffff  }
0x1d9: {  	v44 =	vor.u32 v40, v26;
	v26 =	vor.u32 v11, v41;
	v38 =	vld.idx.msk [tilespmem:v62+s14+$0x0], $0xffff;
	[tilespmem:v61+s26+$0x0] =	vst.idx.msk $0xffff, v29  }
0x1da: {  	v59 =	vor.u32 v24, v42;
	v56 =	vor.u32 v27, v42;
	v24 =	vshll.u32 v24, $0x7;
	v29 =	vld.idx.msk [tilespmem:v51+s14+$0x0], $0xffff  }
0x1db: {  	v27 =	vshll.u32 v27, $0x7;
	v11 =	vshll.u32 v11, $0x7;
	v55 =	vor.u32 v39, v24  }
0x1dc: {  	v24 =	vor.u32 v39, v27;
	v28 =	vor.u32 v40, v11;
	[tilespmem:v54+s26+$0x0] =	vst.idx.msk $0xffff, v60;
	v60 =	vld.idx.msk [tilespmem:v25+s14+$0x0], $0xffff  }
0x1dd: {  	v58 =	vor.u32 s19, v7;
	v27 =	vor.u32 v63, v41;
	v25 =	vor.u32 s18, v7;
	[tilespmem:v37+s26+$0x0] =	vst.idx.msk $0xffff, v32;
	v62 =	vld.idx.msk [tilespmem:v52+s14+$0x0], $0xffff  }
0x1de: {  	v54 =	vor.u32 v6, v42;
	[tilespmem:v0+s26+$0x0] =	vst.idx.msk $0xffff, v38;
	v11 =	vor.u32 v25, v42;
	v26 =	vld.idx.msk [tilespmem:v26+s14+$0x0], $0xffff  }
0x1df: {  	v45 =	vshll.u32 v6, $0x7;
	s19 =	simm.s32 $0x10;
	s18 =	simm.s32 $0x4;
	v25 =	vshll.u32 v25, $0x7;
	v61 =	vld.idx.msk [tilespmem:v49+s14+$0x0], $0xffff;
	v49 =	vor.u32 v58, v42;
	[tilespmem:v31+s26+$0x0] =	vst.idx.msk $0xffff, v29  }
.LBB2_3:
0x1e0: {  	_ = 	snop  }
0x1e1: {  	v0 =	vld [tilespmem:$0x1FE70]  }
0x1e2: {  	s20 =	sand.u32 $0x70, s19;
	v23 =	vld.idx.msk [tilespmem:v23+s14+$0x0], $0xffff;
	v52 =	vor.u32 v39, v45;
	v51 =	vor.u32 v39, v25;
	v25 =	vshll.u32 v58, $0x7;
	v42 =	vmovc v41  }
0x1e3: {  	s17 =	sadd.s32 $0x40, s17;
	v45 =	vor.u32 v39, v25;
	v39 =	vmovc v40;
	v40 =	vor.u32 s20, v33;
	[tilespmem:v28+s26+$0x0] =	vst.idx.msk $0xffff, v26;
	v28 =	vshll.u32 v63, $0x7  }
0x1e4: {  	v29 =	vor.u32 s16, v5;
	s22 =	sand.u32 $0x40, s17;
	v25 =	vshll.u32 v40, $0x8;
	v27 =	vld.idx.msk [tilespmem:v27+s14+$0x0], $0xffff;
	v28 =	vor.u32 v39, v28;
	[tilespmem:v57+s26+$0x0] =	vst.idx.msk $0xffff, v60  }
0x1e5: {  	s23 =	sor.u32 $0x30, s22;
	v25 =	vand.u32 $0x7800, v25;
	[tilespmem:v3+s26+$0x0] =	vst.idx.msk $0xffff, v62;
	v3 =	vor.u32 v29, v42  }
0x1e6: {  	v56 =	vld.idx.msk [tilespmem:v56+s14+$0x0], $0xffff;
	s20 =	sor.u32 $0x10, s22;
	s21 =	sor.u32 $0x20, s22;
	v41 =	vor.u32 v0, v25;
	v25 =	vor.u32 s23, v33  }
0x1e7: {  	v26 =	vld.idx.msk [tilespmem:v59+s14+$0x0], $0xffff;
	v57 =	vor.u32 s20, v33;
	v58 =	vor.u32 s21, v33;
	[tilespmem:v9+s26+$0x0] =	vst.idx.msk $0xffff, v61;
	v37 =	vor.u32 v25, v41  }
0x1e8: {  	v9 =	vor.u32 s22, v33;
	v22 =	vld.idx.msk [tilespmem:v22+s14+$0x0], $0xffff;
	[tilespmem:v8+s26+$0x0] =	vst.idx.msk $0xffff, v23;
	v23 =	vshll.u32 v57, $0x7;
	v38 =	vor.u32 v57, v41  }
0x1e9: {  	v32 =	vor.u32 v58, v41;
	v8 =	vor.u32 v9, v41;
	v57 =	vld.idx.msk [tilespmem:v1+s14+$0x0], $0xffff;
	[tilespmem:v28+s26+$0x0] =	vst.idx.msk $0xffff, v27  }
0x1ea: {  	v1 =	vshll.u32 v9, $0x7;
	v9 =	vor.u32 v40, v23;
	v27 =	vld.idx.msk [tilespmem:v3+s14+$0x0], $0xffff;
	v3 =	vshll.u32 v29, $0x7  }
0x1eb: {  	v4 =	vld.idx.msk [tilespmem:v4+s14+$0x0], $0xffff;
	v25 =	vshll.u32 v25, $0x7;
	[tilespmem:v24+s26+$0x0] =	vst.idx.msk $0xffff, v56;
	v28 =	vor.u32 v39, v3  }
0x1ec: {  	v23 =	vshll.u32 v58, $0x7;
	[tilespmem:v55+s26+$0x0] =	vst.idx.msk $0xffff, v26;
	v25 =	vor.u32 v40, v25;
	v29 =	vor.u32 s16, v34;
	v26 =	vld.idx.msk [tilespmem:v37+s14+$0x0], $0xffff  }
0x1ed: {  	v23 =	vor.u32 v40, v23;
	v55 =	vor.u32 s23, v35;
	v56 =	vor.u32 v29, v42;
	v24 =	vld.idx.msk [tilespmem:v38+s14+$0x0], $0xffff  }
0x1ee: {  	v58 =	vor.u32 v40, v1;
	v59 =	vor.u32 v55, v41;
	v8 =	vld.idx.msk [tilespmem:v8+s14+$0x0], $0xffff;
	v37 =	vor.u32 s22, v35  }
0x1ef: {  	v1 =	vor.u32 s20, v35;
	v61 =	vld.idx.msk [tilespmem:v32+s14+$0x0], $0xffff;
	[tilespmem:v10+s26+$0x0] =	vst.idx.msk $0xffff, v22;
	v10 =	vor.u32 v37, v41  }
0x1f0: {  	v38 =	vor.u32 v1, v41;
	v32 =	vor.u32 s21, v35;
	v3 =	vld.idx.msk [tilespmem:v2+s14+$0x0], $0xffff;
	[tilespmem:v28+s26+$0x0] =	vst.idx.msk $0xffff, v27  }
0x1f1: {  	v22 =	vor.u32 v32, v41;
	v2 =	vshll.u32 v37, $0x7;
	v37 =	vshll.u32 v1, $0x7;
	v1 =	vld.idx.msk [tilespmem:v54+s14+$0x0], $0xffff;
	[tilespmem:v25+s26+$0x0] =	vst.idx.msk $0xffff, v26  }
0x1f2: {  	v62 =	vor.u32 s22, v12;
	v26 =	vshll.u32 v29, $0x7;
	[tilespmem:v9+s26+$0x0] =	vst.idx.msk $0xffff, v24;
	v25 =	vld.idx.msk [tilespmem:v56+s14+$0x0], $0xffff  }
0x1f3: {  	v63 =	vshll.u32 v32, $0x7;
	v28 =	vor.u32 s16, v7;
	[tilespmem:v58+s26+$0x0] =	vst.idx.msk $0xffff, v8;
	v9 =	vld.idx.msk [tilespmem:v59+s14+$0x0], $0xffff;
	v26 =	vor.u32 v39, v26  }
0x1f4: {  	v2 =	vor.u32 v40, v2;
	v27 =	vor.u32 v40, v37;
	v29 =	vor.u32 v28, v42;
	v10 =	vld.idx.msk [tilespmem:v10+s14+$0x0], $0xffff  }
0x1f5: {  	s16 =	smov.u32 s23;
	v24 =	vshll.u32 v55, $0x7;
	[tilespmem:v23+s26+$0x0] =	vst.idx.msk $0xffff, v61;
	v23 =	vor.u32 v40, v63;
	v58 =	vor.u32 s21, v36;
	v55 =	vld.idx.msk [tilespmem:v38+s14+$0x0], $0xffff  }
0x1f6: {  	v8 =	vor.u32 v40, v24;
	v24 =	vor.u32 s16, v36;
	v38 =	vor.u32 s22, v36;
	v22 =	vld.idx.msk [tilespmem:v22+s14+$0x0], $0xffff  }
0x1f7: {  	v56 =	vor.u32 s20, v36;
	[tilespmem:v50+s26+$0x0] =	vst.idx.msk $0xffff, v57;
	v59 =	vor.u32 v58, v41;
	v37 =	vor.u32 v38, v41  }
0x1f8: {  	v58 =	vshll.u32 v58, $0x7;
	v57 =	vor.u32 s16, v14;
	v32 =	vor.u32 v56, v41;
	[tilespmem:v26+s26+$0x0] =	vst.idx.msk $0xffff, v25  }
0x1f9: {  	v54 =	vor.u32 v24, v41;
	v56 =	vshll.u32 v56, $0x7;
	v53 =	vld.idx.msk [tilespmem:v53+s14+$0x0], $0xffff;
	v24 =	vshll.u32 v24, $0x7;
	[tilespmem:v2+s26+$0x0] =	vst.idx.msk $0xffff, v10  }
0x1fa: {  	v24 =	vor.u32 v40, v24;
	v25 =	vshll.u32 v38, $0x7;
	v26 =	vor.u32 v40, v56;
	[tilespmem:v27+s26+$0x0] =	vst.idx.msk $0xffff, v55  }
0x1fb: {  	v27 =	vor.u32 s20, v12;
	v38 =	vor.u32 s21, v12;
	[tilespmem:v23+s26+$0x0] =	vst.idx.msk $0xffff, v22;
	v22 =	vor.u32 v62, v41;
	v2 =	vld.idx.msk [tilespmem:v11+s14+$0x0], $0xffff  }
0x1fc: {  	v55 =	vshll.u32 v62, $0x7;
	[tilespmem:v8+s26+$0x0] =	vst.idx.msk $0xffff, v9;
	v9 =	vshll.u32 v28, $0x7;
	v10 =	vor.u32 v40, v25;
	v11 =	vld.idx.msk [tilespmem:v37+s14+$0x0], $0xffff  }
0x1fd: {  	v28 =	vor.u32 v40, v58;
	v25 =	vor.u32 s16, v12;
	v63 =	vor.u32 v27, v41;
	v23 =	vld.idx.msk [tilespmem:v32+s14+$0x0], $0xffff  }
0x1fe: {  	v27 =	vshll.u32 v27, $0x7;
	v32 =	vor.u32 v38, v41;
	v50 =	vshll.u32 v38, $0x7;
	v59 =	vld.idx.msk [tilespmem:v59+s14+$0x0], $0xffff  }
0x1ff: {  	v37 =	vor.u32 s20, v13;
	v38 =	vor.u32 s21, v13;
	[tilespmem:v47+s26+$0x0] =	vst.idx.msk $0xffff, v4;
	v8 =	vld.idx.msk [tilespmem:v29+s14+$0x0], $0xffff;
	v9 =	vor.u32 v39, v9  }
0x200: {  	v47 =	vor.u32 s16, v13;
	v29 =	vld.idx.msk [tilespmem:v54+s14+$0x0], $0xffff;
	v61 =	vor.u32 v25, v41;
	v27 =	vor.u32 v40, v27  }
0x201: {  	v25 =	vshll.u32 v25, $0x7;
	v48 =	vld.idx.msk [tilespmem:v48+s14+$0x0], $0xffff;
	v60 =	vor.u32 v47, v41;
	v47 =	vshll.u32 v47, $0x7;
	[tilespmem:v10+s26+$0x0] =	vst.idx.msk $0xffff, v11  }
0x202: {  	v25 =	vor.u32 v40, v25;
	v10 =	vshll.u32 v37, $0x7;
	v11 =	vor.u32 v38, v41;
	[tilespmem:v26+s26+$0x0] =	vst.idx.msk $0xffff, v23  }
0x203: {  	v23 =	vshll.u32 v38, $0x7;
	[tilespmem:v28+s26+$0x0] =	vst.idx.msk $0xffff, v59;
	v28 =	vor.u32 s22, v14;
	v59 =	vor.u32 s16, v16;
	v22 =	vld.idx.msk [tilespmem:v22+s14+$0x0], $0xffff  }
0x204: {  	[tilespmem:v9+s26+$0x0] =	vst.idx.msk $0xffff, v8;
	v8 =	vor.u32 v40, v55;
	v9 =	vor.u32 v40, v50;
	v26 =	vld.idx.msk [tilespmem:v63+s14+$0x0], $0xffff  }
0x205: {  	v10 =	vor.u32 v40, v10;
	v23 =	vor.u32 v40, v23;
	v62 =	vld.idx.msk [tilespmem:v32+s14+$0x0], $0xffff;
	v63 =	vor.u32 s21, v14  }
0x206: {  	v32 =	vor.u32 v28, v41;
	[tilespmem:v46+s26+$0x0] =	vst.idx.msk $0xffff, v3;
	v3 =	vshll.u32 v28, $0x7;
	v28 =	vor.u32 v40, v47  }
0x207: {  	v46 =	vshll.u32 v57, $0x7;
	[tilespmem:v24+s26+$0x0] =	vst.idx.msk $0xffff, v29;
	v24 =	vor.u32 s22, v13;
	v29 =	vor.u32 v37, v41  }
0x208: {  	v38 =	vshll.u32 v63, $0x7;
	v3 =	vor.u32 v40, v3;
	v46 =	vor.u32 v40, v46  }
0x209: {  	[tilespmem:v44+s26+$0x0] =	vst.idx.msk $0xffff, v53;
	v54 =	vld.idx.msk [tilespmem:v61+s14+$0x0], $0xffff;
	v4 =	vor.u32 v24, v41;
	v24 =	vshll.u32 v24, $0x7;
	v61 =	vor.u32 s20, v14  }
0x20a: {  	v44 =	vld.idx.msk [tilespmem:v49+s14+$0x0], $0xffff;
	v37 =	vor.u32 v61, v41;
	v50 =	vshll.u32 v61, $0x7;
	v61 =	vor.u32 s20, v16;
	[tilespmem:v8+s26+$0x0] =	vst.idx.msk $0xffff, v22  }
0x20b: {  	v24 =	vor.u32 v40, v24;
	v47 =	vshll.u32 v61, $0x7;
	v8 =	vor.u32 v40, v50;
	[tilespmem:v27+s26+$0x0] =	vst.idx.msk $0xffff, v26  }
0x20c: {  	v22 =	vor.u32 s20, v15;
	v26 =	vor.u32 v40, v38;
	v27 =	vor.u32 s22, v15;
	[tilespmem:v9+s26+$0x0] =	vst.idx.msk $0xffff, v62;
	v29 =	vld.idx.msk [tilespmem:v29+s14+$0x0], $0xffff  }
0x20d: {  	v9 =	vor.u32 s21, v15;
	v62 =	vor.u32 s16, v15;
	v49 =	vor.u32 v22, v41;
	v11 =	vld.idx.msk [tilespmem:v11+s14+$0x0], $0xffff  }
0x20e: {  	v50 =	vor.u32 v27, v41;
	[tilespmem:v25+s26+$0x0] =	vst.idx.msk $0xffff, v54;
	v25 =	vor.u32 v63, v41;
	v4 =	vld.idx.msk [tilespmem:v4+s14+$0x0], $0xffff  }
0x20f: {  	v22 =	vshll.u32 v22, $0x7;
	v53 =	vor.u32 v9, v41;
	v27 =	vshll.u32 v27, $0x7;
	v55 =	vld.idx.msk [tilespmem:v60+s14+$0x0], $0xffff  }
0x210: {  	v9 =	vshll.u32 v9, $0x7;
	[tilespmem:v43+s26+$0x0] =	vst.idx.msk $0xffff, v48;
	v22 =	vor.u32 v40, v22;
	v27 =	vor.u32 v40, v27  }
0x211: {  	v9 =	vor.u32 v40, v9;
	v54 =	vshll.u32 v62, $0x7;
	v60 =	vor.u32 v57, v41;
	[tilespmem:v10+s26+$0x0] =	vst.idx.msk $0xffff, v29  }
0x212: {  	v63 =	vor.u32 v62, v41;
	v58 =	vor.u32 v40, v54;
	[tilespmem:v23+s26+$0x0] =	vst.idx.msk $0xffff, v11;
	v29 =	vld.idx.msk [tilespmem:v37+s14+$0x0], $0xffff  }
0x213: {  	v38 =	vor.u32 s21, v17;
	v10 =	vor.u32 v61, v41;
	[tilespmem:v24+s26+$0x0] =	vst.idx.msk $0xffff, v4;
	v4 =	vor.u32 s22, v16;
	v25 =	vld.idx.msk [tilespmem:v25+s14+$0x0], $0xffff  }
0x214: {  	v24 =	vor.u32 s21, v16;
	v37 =	vor.u32 s20, v17;
	[tilespmem:v28+s26+$0x0] =	vst.idx.msk $0xffff, v55;
	v32 =	vld.idx.msk [tilespmem:v32+s14+$0x0], $0xffff;
	v55 =	vor.u32 v4, v41  }
0x215: {  	[tilespmem:v51+s26+$0x0] =	vst.idx.msk $0xffff, v2;
	v11 =	vor.u32 v24, v41;
	v23 =	vshll.u32 v24, $0x7;
	v4 =	vshll.u32 v4, $0x7  }
0x216: {  	v24 =	vor.u32 v40, v47;
	[tilespmem:v52+s26+$0x0] =	vst.idx.msk $0xffff, v1;
	v28 =	vld.idx.msk [tilespmem:v60+s14+$0x0], $0xffff;
	v23 =	vor.u32 v40, v23  }
0x217: {  	v2 =	vshll.u32 v37, $0x7;
	v4 =	vor.u32 v40, v4;
	v60 =	vor.u32 v59, v41;
	[tilespmem:v8+s26+$0x0] =	vst.idx.msk $0xffff, v29  }
0x218: {  	v2 =	vor.u32 v40, v2;
	v8 =	vshll.u32 v38, $0x7;
	[tilespmem:v26+s26+$0x0] =	vst.idx.msk $0xffff, v25;
	v26 =	vor.u32 s20, v18  }
0x219: {  	[tilespmem:v3+s26+$0x0] =	vst.idx.msk $0xffff, v32;
	v3 =	vor.u32 v38, v41;
	v29 =	vld.idx.msk [tilespmem:v49+s14+$0x0], $0xffff;
	v25 =	vor.u32 v40, v8  }
0x21a: {  	v62 =	vor.u32 s21, v18;
	v8 =	vor.u32 s22, v18;
	v61 =	vld.idx.msk [tilespmem:v53+s14+$0x0], $0xffff;
	v53 =	vor.u32 v26, v41;
	[tilespmem:v45+s26+$0x0] =	vst.idx.msk $0xffff, v44  }
0x21b: {  	v26 =	vshll.u32 v26, $0x7;
	v45 =	vor.u32 s16, v17;
	[tilespmem:v46+s26+$0x0] =	vst.idx.msk $0xffff, v28;
	v28 =	vor.u32 s22, v17;
	v48 =	vld.idx.msk [tilespmem:v50+s14+$0x0], $0xffff  }
0x21c: {  	v46 =	vor.u32 v37, v41;
	v51 =	vor.u32 v8, v41;
	v8 =	vshll.u32 v8, $0x7;
	v43 =	vld.idx.msk [tilespmem:v63+s14+$0x0], $0xffff  }
0x21d: {  	v26 =	vor.u32 v40, v26;
	v37 =	vor.u32 v45, v41;
	v1 =	vor.u32 v28, v41  }
0x21e: {  	v28 =	vshll.u32 v28, $0x7;
	v63 =	vshll.u32 v59, $0x7;
	v54 =	vor.u32 v40, v8;
	[tilespmem:v22+s26+$0x0] =	vst.idx.msk $0xffff, v29  }
0x21f: {  	v8 =	vor.u32 s22, v19;
	v28 =	vor.u32 v40, v28;
	v32 =	vor.u32 v40, v63;
	[tilespmem:v9+s26+$0x0] =	vst.idx.msk $0xffff, v61  }
0x220: {  	v50 =	vshll.u32 v62, $0x7;
	v49 =	vor.u32 v8, v41;
	v8 =	vshll.u32 v8, $0x7;
	[tilespmem:v27+s26+$0x0] =	vst.idx.msk $0xffff, v48;
	v10 =	vld.idx.msk [tilespmem:v10+s14+$0x0], $0xffff  }
0x221: {  	v29 =	vor.u32 v40, v50;
	v9 =	vor.u32 s21, v19;
	v27 =	vor.u32 s20, v19;
	v11 =	vld.idx.msk [tilespmem:v11+s14+$0x0], $0xffff;
	[tilespmem:v58+s26+$0x0] =	vst.idx.msk $0xffff, v43  }
0x222: {  	v43 =	vor.u32 v62, v41;
	v38 =	vld.idx.msk [tilespmem:v55+s14+$0x0], $0xffff;
	v55 =	vor.u32 v27, v41;
	v22 =	vshll.u32 v27, $0x7  }
0x223: {  	v27 =	vor.u32 v9, v41;
	v9 =	vshll.u32 v9, $0x7;
	v58 =	vor.u32 v40, v8;
	v47 =	vld.idx.msk [tilespmem:v60+s14+$0x0], $0xffff  }
0x224: {  	v8 =	vshll.u32 v45, $0x7;
	v61 =	vor.u32 v40, v22;
	v30 =	vor.u32 v40, v9  }
0x225: {  	v9 =	vor.u32 s20, v20;
	v59 =	vor.u32 v40, v8;
	v60 =	vor.u32 s16, v18;
	[tilespmem:v24+s26+$0x0] =	vst.idx.msk $0xffff, v10  }
0x226: {  	v8 =	vor.u32 s21, v20;
	v62 =	vor.u32 v60, v41;
	v45 =	vshll.u32 v60, $0x7;
	[tilespmem:v23+s26+$0x0] =	vst.idx.msk $0xffff, v11;
	v10 =	vld.idx.msk [tilespmem:v46+s14+$0x0], $0xffff  }
0x227: {  	v31 =	vor.u32 v9, v41;
	v45 =	vor.u32 v40, v45;
	[tilespmem:v4+s26+$0x0] =	vst.idx.msk $0xffff, v38;
	v11 =	vld.idx.msk [tilespmem:v3+s14+$0x0], $0xffff  }
0x228: {  	v60 =	vor.u32 s16, v19;
	v23 =	vor.u32 v8, v41;
	v8 =	vshll.u32 v8, $0x7;
	[tilespmem:v32+s26+$0x0] =	vst.idx.msk $0xffff, v47;
	v63 =	vld.idx.msk [tilespmem:v1+s14+$0x0], $0xffff  }
0x229: {  	v24 =	vor.u32 s21, v21;
	v4 =	vor.u32 s22, v20;
	v8 =	vor.u32 v40, v8;
	v22 =	vld.idx.msk [tilespmem:v37+s14+$0x0], $0xffff  }
0x22a: {  	v52 =	vor.u32 v4, v41;
	v1 =	vshll.u32 v9, $0x7;
	v4 =	vshll.u32 v4, $0x7  }
0x22b: {  	v3 =	vor.u32 v40, v4;
	v4 =	vor.u32 s20, v21;
	v37 =	vor.u32 s22, v21;
	[tilespmem:v2+s26+$0x0] =	vst.idx.msk $0xffff, v10  }
0x22c: {  	v9 =	vor.u32 v40, v1;
	v1 =	vor.u32 v4, v41;
	v44 =	vshll.u32 v37, $0x7;
	[tilespmem:v25+s26+$0x0] =	vst.idx.msk $0xffff, v11  }
0x22d: {  	v2 =	vshll.u32 v24, $0x7;
	[tilespmem:v28+s26+$0x0] =	vst.idx.msk $0xffff, v63;
	v28 =	vshll.u32 v4, $0x7;
	v4 =	vor.u32 v24, v41;
	v24 =	vld.idx.msk [tilespmem:v53+s14+$0x0], $0xffff  }
0x22e: {  	v32 =	vshll.u32 v60, $0x7;
	v10 =	vor.u32 v40, v44;
	v11 =	vor.u32 s22, v5;
	[tilespmem:v59+s26+$0x0] =	vst.idx.msk $0xffff, v22;
	v51 =	vld.idx.msk [tilespmem:v51+s14+$0x0], $0xffff  }
0x22f: {  	v25 =	vor.u32 s20, v5;
	v47 =	vor.u32 v40, v2;
	v63 =	vor.u32 s21, v5;
	v38 =	vld.idx.msk [tilespmem:v62+s14+$0x0], $0xffff  }
0x230: {  	v2 =	vor.u32 v11, v41;
	v50 =	vor.u32 v40, v28;
	v28 =	vld.idx.msk [tilespmem:v43+s14+$0x0], $0xffff;
	v62 =	vor.u32 v60, v41  }
0x231: {  	v53 =	vor.u32 v25, v41;
	v25 =	vshll.u32 v25, $0x7;
	v11 =	vshll.u32 v11, $0x7  }
0x232: {  	v22 =	vor.u32 v37, v41;
	v48 =	vor.u32 v63, v41;
	v43 =	vshll.u32 v63, $0x7;
	[tilespmem:v26+s26+$0x0] =	vst.idx.msk $0xffff, v24  }
0x233: {  	v37 =	vor.u32 v40, v32;
	v44 =	vor.u32 v40, v25;
	v63 =	vor.u32 s10, v34;
	[tilespmem:v54+s26+$0x0] =	vst.idx.msk $0xffff, v51  }
0x234: {  	v46 =	vor.u32 v40, v11;
	v43 =	vor.u32 v40, v43;
	[tilespmem:v45+s26+$0x0] =	vst.idx.msk $0xffff, v38;
	v49 =	vld.idx.msk [tilespmem:v49+s14+$0x0], $0xffff  }
0x235: {  	[tilespmem:v29+s26+$0x0] =	vst.idx.msk $0xffff, v28;
	v29 =	vor.u32 v63, v42;
	v38 =	vor.u32 s16, v20;
	v45 =	vld.idx.msk [tilespmem:v62+s14+$0x0], $0xffff  }
0x236: {  	v24 =	vor.u32 s13, v34;
	v26 =	vor.u32 s15, v34;
	v11 =	vld.idx.msk [tilespmem:v55+s14+$0x0], $0xffff;
	v25 =	vor.u32 v38, v41  }
0x237: {  	s18 =	sadd.s32 $0x4, s18;
	v59 =	vor.u32 v24, v42;
	v56 =	vor.u32 v26, v42;
	v32 =	vld.idx.msk [tilespmem:v27+s14+$0x0], $0xffff;
	v27 =	vshll.u32 v63, $0x7  }
0x238: {  	p2 =	slt.u32 s18, $0x3C;
	v24 =	vshll.u32 v24, $0x7;
	v57 =	vor.u32 v39, v27;
	v27 =	vshll.u32 v26, $0x7  }
.Ltmp0:
0x239: {  	v55 =	vor.u32 v39, v24;
	v63 =	vor.u32 s16, v21;
	v24 =	vor.u32 v39, v27;
	[tilespmem:v58+s26+$0x0] =	vst.idx.msk $0xffff, v49;
	(pc) =	sbr.rel @p2 .LBB2_3-.Ltmp0, $4  }
0x23a: {  	v27 =	vor.u32 v63, v41;
	v58 =	vor.u32 s15, v7;
	[tilespmem:v37+s26+$0x0] =	vst.idx.msk $0xffff, v45;
	v60 =	vld.idx.msk [tilespmem:v29+s14+$0x0], $0xffff  }
0x23b: {  	[tilespmem:v61+s26+$0x0] =	vst.idx.msk $0xffff, v11;
	v29 =	vor.u32 s13, v7;
	v49 =	vor.u32 v58, v42;
	v26 =	vld.idx.msk [tilespmem:v25+s14+$0x0], $0xffff;
	v25 =	vshll.u32 v38, $0x7  }
0x23c: {  	s19 =	sadd.s32 $0x8, s19;
	v61 =	vld.idx.msk [tilespmem:v31+s14+$0x0], $0xffff;
	v11 =	vor.u32 v29, v42;
	v28 =	vor.u32 v40, v25;
	v25 =	vor.u32 s10, v7  }
0x23d: {  	s15 =	smov.u32 s21;
	[tilespmem:v30+s26+$0x0] =	vst.idx.msk $0xffff, v32;
	s13 =	smov.u32 s20;
	v62 =	vld.idx.msk [tilespmem:v52+s14+$0x0], $0xffff;
	s10 =	smov.u32 s22;
	v54 =	vor.u32 v25, v42;
	v45 =	vshll.u32 v25, $0x7;
	v25 =	vshll.u32 v29, $0x7  }
0x23e: {  	_ =	sdelay $0x3  }
0x23f: {  	[tilespmem:v28+s26+$0x0] =	vst.idx.msk $0xffff, v26;
	v26 =	vshll.u32 v63, $0x7  }
0x240: {  	v52 =	vor.u32 s16, v5;
	v27 =	vld.idx.msk [tilespmem:v27+s14+$0x0], $0xffff;
	v26 =	vor.u32 v40, v26  }
0x241: {  	v29 =	vor.u32 v52, v41;
	_ =	sdelay $0x1  }
0x242: {  	v23 =	vld.idx.msk [tilespmem:v23+s14+$0x0], $0xffff;
	[tilespmem:v9+s26+$0x0] =	vst.idx.msk $0xffff, v61  }
0x243: {  	[tilespmem:v3+s26+$0x0] =	vst.idx.msk $0xffff, v62;
	v1 =	vld.idx.msk [tilespmem:v1+s14+$0x0], $0xffff  }
0x244: {  	v9 =	vld.idx.msk [tilespmem:v22+s14+$0x0], $0xffff;
	[tilespmem:v26+s26+$0x0] =	vst.idx.msk $0xffff, v27;
	v26 =	vshll.u32 v52, $0x7  }
0x245: {  	v27 =	vor.u32 s16, v34;
	v3 =	vld.idx.msk [tilespmem:v29+s14+$0x0], $0xffff;
	v26 =	vor.u32 v40, v26  }
0x246: {  	v22 =	vor.u32 v27, v41  }
0x247: {  	[tilespmem:v8+s26+$0x0] =	vst.idx.msk $0xffff, v23  }
0x248: {  	v4 =	vld.idx.msk [tilespmem:v4+s14+$0x0], $0xffff;
	[tilespmem:v50+s26+$0x0] =	vst.idx.msk $0xffff, v1  }
0x249: {  	[tilespmem:v10+s26+$0x0] =	vst.idx.msk $0xffff, v9;
	v10 =	vld.idx.msk [tilespmem:v53+s14+$0x0], $0xffff  }
0x24a: {  	v8 =	vshll.u32 v27, $0x7;
	[tilespmem:v26+s26+$0x0] =	vst.idx.msk $0xffff, v3;
	v3 =	vld.idx.msk [tilespmem:v59+s14+$0x0], $0xffff  }
0x24b: {  	v8 =	vor.u32 v40, v8;
	v9 =	vld.idx.msk [tilespmem:v22+s14+$0x0], $0xffff  }
0x24c: {  	v1 =	vld.idx.msk [tilespmem:v2+s14+$0x0], $0xffff;
	v2 =	vor.u32 s16, v7  }
0x24d: {  	[tilespmem:v47+s26+$0x0] =	vst.idx.msk $0xffff, v4;
	v4 =	vor.u32 v2, v41;
	v22 =	vor.u32 s10, v34  }
0x24e: {  	v27 =	vor.u32 s13, v34;
	v23 =	vld.idx.msk [tilespmem:v48+s14+$0x0], $0xffff;
	[tilespmem:v44+s26+$0x0] =	vst.idx.msk $0xffff, v10;
	v26 =	vor.u32 v22, v41  }
0x24f: {  	v62 =	vor.u32 v27, v41;
	[tilespmem:v55+s26+$0x0] =	vst.idx.msk $0xffff, v3;
	v3 =	vor.u32 s15, v34  }
0x250: {  	[tilespmem:v8+s26+$0x0] =	vst.idx.msk $0xffff, v9;
	v8 =	vor.u32 v3, v41  }
0x251: {  	v2 =	vshll.u32 v2, $0x7;
	v10 =	vshll.u32 v27, $0x7;
	[tilespmem:v46+s26+$0x0] =	vst.idx.msk $0xffff, v1;
	v1 =	vld.idx.msk [tilespmem:v56+s14+$0x0], $0xffff  }
0x252: {  	v2 =	vor.u32 v40, v2;
	v10 =	vor.u32 v40, v10;
	v9 =	vshll.u32 v22, $0x7;
	v4 =	vld.idx.msk [tilespmem:v4+s14+$0x0], $0xffff  }
0x253: {  	[tilespmem:v43+s26+$0x0] =	vst.idx.msk $0xffff, v23;
	v22 =	vor.u32 s10, v7;
	v9 =	vor.u32 v40, v9;
	v23 =	vld.idx.msk [tilespmem:v26+s14+$0x0], $0xffff  }
0x254: {  	[tilespmem:v57+s26+$0x0] =	vst.idx.msk $0xffff, v60;
	v28 =	vld.idx.msk [tilespmem:v62+s14+$0x0], $0xffff;
	v3 =	vshll.u32 v3, $0x7;
	v26 =	vor.u32 s13, v7;
	v27 =	vor.u32 v22, v41  }
0x255: {  	v63 =	vor.u32 s15, v7;
	v3 =	vor.u32 v40, v3;
	v30 =	vor.u32 v26, v41;
	v8 =	vld.idx.msk [tilespmem:v8+s14+$0x0], $0xffff  }
0x256: {  	v31 =	vor.u32 v39, v45;
	[tilespmem:v24+s26+$0x0] =	vst.idx.msk $0xffff, v1;
	v1 =	vld.idx.msk [tilespmem:v54+s14+$0x0], $0xffff;
	v24 =	vor.u32 v63, v41  }
0x257: {  	v25 =	vor.u32 v39, v25;
	v32 =	vshll.u32 v58, $0x7;
	v11 =	vld.idx.msk [tilespmem:v11+s14+$0x0], $0xffff;
	[tilespmem:v2+s26+$0x0] =	vst.idx.msk $0xffff, v4  }
0x258: {  	v22 =	vshll.u32 v22, $0x7;
	v2 =	vor.u32 v39, v32;
	v4 =	vld.idx.msk [tilespmem:v49+s14+$0x0], $0xffff;
	[tilespmem:v9+s26+$0x0] =	vst.idx.msk $0xffff, v23  }
0x259: {  	[tilespmem:v10+s26+$0x0] =	vst.idx.msk $0xffff, v28;
	v22 =	vor.u32 v40, v22;
	v9 =	vshll.u32 v26, $0x7;
	v10 =	vld.idx.msk [tilespmem:v27+s14+$0x0], $0xffff  }
0x25a: {  	v23 =	vshll.u32 v63, $0x7;
	v9 =	vor.u32 v40, v9;
	[tilespmem:v3+s26+$0x0] =	vst.idx.msk $0xffff, v8;
	v3 =	vld.idx.msk [tilespmem:v30+s14+$0x0], $0xffff  }
0x25b: {  	[tilespmem:v31+s26+$0x0] =	vst.idx.msk $0xffff, v1;
	v1 =	vor.u32 v40, v23;
	v8 =	vld.idx.msk [tilespmem:v24+s14+$0x0], $0xffff  }
0x25c: {  	s10 =	smul.u32 $0x1F4000, s2;
	[tilespmem:v25+s26+$0x0] =	vst.idx.msk $0xffff, v11  }
0x25d: {  	[tilespmem:v2+s26+$0x0] =	vst.idx.msk $0xffff, v4  }
0x25e: {  	s20 =	sadd.s32 s7, s10;
	[tilespmem:v22+s26+$0x0] =	vst.idx.msk $0xffff, v10  }
0x25f: {  	s13 =	sshrl.u32 s20, $0x3;
	[tilespmem:v9+s26+$0x0] =	vst.idx.msk $0xffff, v3  }
0x260: {  	s13 =	sadd.s32 s1, s13;
	[tilespmem:v1+s26+$0x0] =	vst.idx.msk $0xffff, v8  }
0x261: {  	[hbm4b:s13+s11] =	stream.strided.scatter [tilespmem:s26], [sflag:$0x3], $0x4000, s12, s11, $0x38;
	v0 =	vld [tilespmem:$0x1FE70]  }
0x262: {  	s13 =	simm.s32 $0x0  }
0x263: {  	v8 =	vmul.u32 $0x80, v33;
	s21 =	sand.u32 $0x70, s13  }
0x264: {  	p2 =	sne.s32 @!p1 s4, $0x3;
	s22 =	sand.u32 $0x40, s13;
	v41 =	vor.u32 s21, v33  }
0x265: {  	p3 =	por !p2, p1;
	v57 =	vor.u32 $0xFFFFC000, v8;
	s18 =	sor.u32 $0xB0, s22;
	v1 =	vshll.u32 v41, $0x8  }
0x266: {  	s19 =	simm.s32 @!p3 $0x4;
	s23 =	sor.u32 $0x80, s22;
	v2 =	vor.u32 s18, v33;
	v1 =	vand.u32 $0x7800, v1;
	v56 =	vor.u32 $0x400, v0  }
0x267: {  	_ =	swait.ge @!p3 [sflag:s19], $0x4000;
	s15 =	sor.u32 $0xA0, s22;
	v3 =	vor.u32 s23, v33;
	v44 =	vor.u32 v56, v1;
	v1 =	vand.u32 $0x7F, v2  }
0x268: {  	p1 =	por p2, p1;
	s17 =	sor.u32 $0x90, s22;
	[sflag:s19] =	ssyncset.done @!p3 $0x0;
	v4 =	vor.u32 s15, v33;
	v9 =	vmov s23;
	v1 =	vor.u32 v1, v44  }
0x269: {  	v10 =	vmov s18;
	[sflag:s19] =	ssyncadd.s32 @!p3 $0xFFFFC000;
	s19 =	simm.s32 @!p1 $0x4;
	v8 =	vmov s17;
	v22 =	vor.u32 s18, v35  }
0x26a: {  	v3 =	vand.u32 $0x4F, v3;
	v4 =	vand.u32 $0x6F, v4;
	v45 =	vshll.u32 v10, $0x7;
	_ =	swait.ge @!p1 [sflag:s19], $0x3400  }
0x26b: {  	v32 =	vshll.u32 v9, $0x7;
	[sflag:s19] =	ssyncset.done @!p1 $0x0;
	v2 =	vor.u32 s17, v33;
	v3 =	vor.u32 v3, v44  }
0x26c: {  	v11 =	vadd.s32 v57, v45;
	v54 =	vld [tilespmem:$0x1FFA0];
	[sflag:s19] =	ssyncadd.s32 @!p1 $0xFFFFCC00;
	v2 =	vand.u32 $0x5F, v2;
	v4 =	vor.u32 v4, v44  }
0x26d: {  	v9 =	vor.u32 v41, v11;
	v11 =	vand.u32 $0x7F, v22;
	v2 =	vor.u32 v2, v44;
	v1 =	vld.idx.msk [tilespmem:v1+s14+$0x0], $0xffff  }
0x26e: {  	v10 =	vmov s15;
	v43 =	vshll.u32 v8, $0x7;
	v8 =	vor.u32 v11, v44  }
0x26f: {  	v42 =	vshll.u32 v10, $0x7;
	v10 =	vadd.s32 v57, v32  }
0x270: {  	v22 =	vadd.s32 v57, v42;
	v10 =	vor.u32 v41, v10;
	v3 =	vld.idx.msk [tilespmem:v3+s14+$0x0], $0xffff  }
0x271: {  	v11 =	vadd.s32 v57, v43;
	v22 =	vor.u32 v41, v22;
	v4 =	vld.idx.msk [tilespmem:v4+s14+$0x0], $0xffff  }
0x272: {  	v11 =	vor.u32 v41, v11;
	v26 =	vadd.s32 v54, v45;
	v2 =	vld.idx.msk [tilespmem:v2+s14+$0x0], $0xffff;
	[tilespmem:v9+s28+$0x0] =	vst.idx.msk $0xffff, v1  }
0x273: {  	v9 =	vor.u32 v41, v26;
	v8 =	vld.idx.msk [tilespmem:v8+s14+$0x0], $0xffff;
	_ =	sdelay $0x1  }
0x274: {  	[tilespmem:v10+s28+$0x0] =	vst.idx.msk $0xffff, v3  }
0x275: {  	v23 =	vor.u32 s23, v35;
	[tilespmem:v22+s28+$0x0] =	vst.idx.msk $0xffff, v4  }
0x276: {  	v24 =	vor.u32 s17, v35;
	v23 =	vand.u32 $0x4F, v23;
	[tilespmem:v11+s28+$0x0] =	vst.idx.msk $0xffff, v2  }
0x277: {  	v27 =	vor.u32 s18, v36;
	v24 =	vand.u32 $0x5F, v24;
	v23 =	vor.u32 v23, v44;
	[tilespmem:v9+s28+$0x0] =	vst.idx.msk $0xffff, v8  }
0x278: {  	v1 =	vor.u32 v24, v44;
	v24 =	vand.u32 $0x7F, v27;
	v53 =	vld [tilespmem:$0x1FF90]  }
0x279: {  	v24 =	vor.u32 v24, v44;
	_ =	sdelay $0x1  }
0x27a: {  	v26 =	vadd.s32 v54, v32  }
0x27b: {  	v10 =	vadd.s32 v54, v43;
	v26 =	vor.u32 v41, v26;
	v23 =	vld.idx.msk [tilespmem:v23+s14+$0x0], $0xffff  }
0x27c: {  	v11 =	vor.u32 s15, v36;
	v10 =	vor.u32 v41, v10;
	v1 =	vld.idx.msk [tilespmem:v1+s14+$0x0], $0xffff;
	v8 =	vadd.s32 v53, v45  }
0x27d: {  	v4 =	vand.u32 $0x6F, v11;
	v11 =	vld.idx.msk [tilespmem:v24+s14+$0x0], $0xffff;
	v8 =	vor.u32 v41, v8;
	_ =	sdelay $0x1  }
0x27e: {  	v25 =	vor.u32 s15, v35  }
0x27f: {  	v25 =	vand.u32 $0x6F, v25;
	v3 =	vor.u32 s23, v36;
	v2 =	vor.u32 s17, v36;
	[tilespmem:v26+s28+$0x0] =	vst.idx.msk $0xffff, v23  }
0x280: {  	v25 =	vor.u32 v25, v44;
	v3 =	vand.u32 $0x4F, v3;
	v2 =	vand.u32 $0x5F, v2;
	[tilespmem:v10+s28+$0x0] =	vst.idx.msk $0xffff, v1  }
0x281: {  	v3 =	vor.u32 v3, v44;
	v9 =	vor.u32 s18, v12;
	v52 =	vadd.s32 v53, v42;
	[tilespmem:v8+s28+$0x0] =	vst.idx.msk $0xffff, v11  }
0x282: {  	v2 =	vor.u32 v2, v44;
	v9 =	vand.u32 $0x7F, v9;
	v10 =	vor.u32 v41, v52;
	v52 =	vld [tilespmem:$0x1FF80]  }
0x283: {  	v9 =	vor.u32 v9, v44  }
0x284: {  	v27 =	vadd.s32 v54, v42  }
0x285: {  	v27 =	vor.u32 v41, v27;
	v24 =	vld.idx.msk [tilespmem:v25+s14+$0x0], $0xffff;
	v22 =	vadd.s32 v53, v32  }
0x286: {  	v3 =	vld.idx.msk [tilespmem:v3+s14+$0x0], $0xffff;
	v25 =	vadd.s32 v53, v43;
	v22 =	vor.u32 v41, v22  }
0x287: {  	v2 =	vld.idx.msk [tilespmem:v2+s14+$0x0], $0xffff;
	v1 =	vor.u32 v41, v25;
	v8 =	vadd.s32 v52, v45  }
0x288: {  	v9 =	vld.idx.msk [tilespmem:v9+s14+$0x0], $0xffff;
	v8 =	vor.u32 v41, v8;
	_ =	sdelay $0x1  }
0x289: {  	[tilespmem:v27+s28+$0x0] =	vst.idx.msk $0xffff, v24  }
0x28a: {  	[tilespmem:v22+s28+$0x0] =	vst.idx.msk $0xffff, v3  }
0x28b: {  	v51 =	vor.u32 s23, v12;
	[tilespmem:v1+s28+$0x0] =	vst.idx.msk $0xffff, v2  }
0x28c: {  	v4 =	vor.u32 v4, v44;
	v25 =	vand.u32 $0x4F, v51;
	v11 =	vor.u32 s18, v13;
	[tilespmem:v8+s28+$0x0] =	vst.idx.msk $0xffff, v9  }
0x28d: {  	v25 =	vor.u32 v25, v44;
	v11 =	vand.u32 $0x7F, v11;
	v51 =	vld [tilespmem:$0x1FF70]  }
0x28e: {  	v11 =	vor.u32 v11, v44  }
0x28f: {  	v26 =	vor.u32 s15, v12  }
0x290: {  	v26 =	vand.u32 $0x6F, v26  }
0x291: {  	v24 =	vor.u32 v26, v44;
	v4 =	vld.idx.msk [tilespmem:v4+s14+$0x0], $0xffff;
	v26 =	vadd.s32 v52, v32  }
0x292: {  	v25 =	vld.idx.msk [tilespmem:v25+s14+$0x0], $0xffff;
	v3 =	vor.u32 v41, v26;
	v8 =	vadd.s32 v51, v45  }
0x293: {  	v23 =	vor.u32 s17, v12;
	v2 =	vld.idx.msk [tilespmem:v11+s14+$0x0], $0xffff;
	v8 =	vor.u32 v41, v8  }
0x294: {  	v23 =	vand.u32 $0x5F, v23  }
0x295: {  	v23 =	vor.u32 v23, v44  }
0x296: {  	[tilespmem:v10+s28+$0x0] =	vst.idx.msk $0xffff, v4  }
0x297: {  	v55 =	vor.u32 s23, v13;
	[tilespmem:v3+s28+$0x0] =	vst.idx.msk $0xffff, v25  }
0x298: {  	v28 =	vand.u32 $0x4F, v55;
	v9 =	vor.u32 s18, v14;
	[tilespmem:v8+s28+$0x0] =	vst.idx.msk $0xffff, v2  }
0x299: {  	v28 =	vor.u32 v28, v44;
	v27 =	vadd.s32 v52, v43;
	v9 =	vand.u32 $0x7F, v9;
	v50 =	vld [tilespmem:$0x1FF60]  }
0x29a: {  	v27 =	vor.u32 v41, v27;
	v4 =	vld.idx.msk [tilespmem:v23+s14+$0x0], $0xffff;
	v9 =	vor.u32 v9, v44  }
0x29b: {  	v22 =	vor.u32 s17, v13  }
0x29c: {  	v22 =	vand.u32 $0x5F, v22;
	v58 =	vadd.s32 v52, v42  }
0x29d: {  	v29 =	vor.u32 v41, v58;
	v10 =	vor.u32 v22, v44;
	v23 =	vld.idx.msk [tilespmem:v24+s14+$0x0], $0xffff;
	v22 =	vadd.s32 v51, v32  }
0x29e: {  	v28 =	vld.idx.msk [tilespmem:v28+s14+$0x0], $0xffff;
	v22 =	vor.u32 v41, v22;
	v2 =	vadd.s32 v50, v45  }
0x29f: {  	[tilespmem:v27+s28+$0x0] =	vst.idx.msk $0xffff, v4;
	v4 =	vld.idx.msk [tilespmem:v9+s14+$0x0], $0xffff;
	v2 =	vor.u32 v41, v2;
	_ =	sdelay $0x2  }
0x2a0: {  	v26 =	vor.u32 s15, v13;
	[tilespmem:v29+s28+$0x0] =	vst.idx.msk $0xffff, v23  }
0x2a1: {  	v1 =	vand.u32 $0x6F, v26;
	v11 =	vor.u32 s23, v14;
	[tilespmem:v22+s28+$0x0] =	vst.idx.msk $0xffff, v28  }
0x2a2: {  	v1 =	vor.u32 v1, v44;
	v11 =	vand.u32 $0x4F, v11;
	v8 =	vor.u32 s18, v15;
	[tilespmem:v2+s28+$0x0] =	vst.idx.msk $0xffff, v4  }
0x2a3: {  	v11 =	vor.u32 v11, v44;
	v8 =	vand.u32 $0x7F, v8;
	v49 =	vld [tilespmem:$0x1FF50]  }
0x2a4: {  	v8 =	vor.u32 v8, v44  }
0x2a5: {  	v26 =	vor.u32 s17, v14;
	v24 =	vadd.s32 v51, v43  }
0x2a6: {  	v26 =	vand.u32 $0x5F, v26;
	v3 =	vadd.s32 v51, v42;
	v24 =	vor.u32 v41, v24;
	v10 =	vld.idx.msk [tilespmem:v10+s14+$0x0], $0xffff  }
0x2a7: {  	v3 =	vor.u32 v41, v3;
	v23 =	vor.u32 v26, v44;
	v1 =	vld.idx.msk [tilespmem:v1+s14+$0x0], $0xffff;
	v26 =	vadd.s32 v50, v32  }
0x2a8: {  	v11 =	vld.idx.msk [tilespmem:v11+s14+$0x0], $0xffff;
	v26 =	vor.u32 v41, v26;
	v2 =	vadd.s32 v49, v45  }
0x2a9: {  	v8 =	vld.idx.msk [tilespmem:v8+s14+$0x0], $0xffff;
	v2 =	vor.u32 v41, v2  }
0x2aa: {  	v25 =	vor.u32 s15, v14  }
0x2ab: {  	v25 =	vand.u32 $0x6F, v25;
	v9 =	vor.u32 s23, v15;
	[tilespmem:v24+s28+$0x0] =	vst.idx.msk $0xffff, v10  }
0x2ac: {  	v25 =	vor.u32 v25, v44;
	v9 =	vand.u32 $0x4F, v9;
	[tilespmem:v3+s28+$0x0] =	vst.idx.msk $0xffff, v1  }
0x2ad: {  	v27 =	vor.u32 s17, v15;
	v9 =	vor.u32 v9, v44;
	v59 =	vadd.s32 v50, v43;
	[tilespmem:v26+s28+$0x0] =	vst.idx.msk $0xffff, v11  }
0x2ae: {  	v60 =	vor.u32 v41, v59;
	v4 =	vand.u32 $0x5F, v27;
	v27 =	vor.u32 s18, v16;
	v23 =	vld.idx.msk [tilespmem:v23+s14+$0x0], $0xffff;
	[tilespmem:v2+s28+$0x0] =	vst.idx.msk $0xffff, v8  }
0x2af: {  	v24 =	vand.u32 $0x7F, v27;
	v4 =	vor.u32 v4, v44;
	v48 =	vld [tilespmem:$0x1FF40]  }
0x2b0: {  	v22 =	vadd.s32 v50, v42;
	v24 =	vor.u32 v24, v44  }
0x2b1: {  	v22 =	vor.u32 v41, v22;
	v27 =	vor.u32 s23, v16  }
0x2b2: {  	v25 =	vld.idx.msk [tilespmem:v25+s14+$0x0], $0xffff;
	v3 =	vadd.s32 v49, v32;
	v11 =	vadd.s32 v49, v43;
	v26 =	vadd.s32 v49, v42  }
0x2b3: {  	v9 =	vld.idx.msk [tilespmem:v9+s14+$0x0], $0xffff;
	v3 =	vor.u32 v41, v3;
	v8 =	vor.u32 v41, v11;
	[tilespmem:v60+s28+$0x0] =	vst.idx.msk $0xffff, v23  }
0x2b4: {  	v11 =	vor.u32 v41, v26;
	v26 =	vand.u32 $0x4F, v27;
	v4 =	vld.idx.msk [tilespmem:v4+s14+$0x0], $0xffff;
	v27 =	vadd.s32 v48, v45  }
0x2b5: {  	v23 =	vld.idx.msk [tilespmem:v24+s14+$0x0], $0xffff;
	v27 =	vor.u32 v41, v27;
	_ =	sdelay $0x1  }
0x2b6: {  	[tilespmem:v22+s28+$0x0] =	vst.idx.msk $0xffff, v25  }
0x2b7: {  	v61 =	vor.u32 s15, v15;
	[tilespmem:v3+s28+$0x0] =	vst.idx.msk $0xffff, v9  }
0x2b8: {  	v10 =	vand.u32 $0x6F, v61;
	[tilespmem:v8+s28+$0x0] =	vst.idx.msk $0xffff, v4  }
0x2b9: {  	v10 =	vor.u32 v10, v44;
	v24 =	vor.u32 s18, v17;
	[tilespmem:v27+s28+$0x0] =	vst.idx.msk $0xffff, v23  }
0x2ba: {  	v26 =	vor.u32 v26, v44;
	v24 =	vand.u32 $0x7F, v24;
	v47 =	vld [tilespmem:$0x1FF30]  }
0x2bb: {  	v24 =	vor.u32 v24, v44;
	_ =	sdelay $0x2  }
0x2bc: {  	v1 =	vor.u32 s17, v16;
	v10 =	vld.idx.msk [tilespmem:v10+s14+$0x0], $0xffff;
	v25 =	vadd.s32 v48, v32  }
0x2bd: {  	v1 =	vand.u32 $0x5F, v1;
	v26 =	vld.idx.msk [tilespmem:v26+s14+$0x0], $0xffff;
	v25 =	vor.u32 v41, v25;
	v4 =	vadd.s32 v47, v45  }
0x2be: {  	v1 =	vor.u32 v1, v44;
	v24 =	vld.idx.msk [tilespmem:v24+s14+$0x0], $0xffff;
	v4 =	vor.u32 v41, v4;
	_ =	sdelay $0x1  }
0x2bf: {  	v62 =	vor.u32 s23, v17;
	v2 =	vor.u32 s15, v16  }
0x2c0: {  	v2 =	vand.u32 $0x6F, v2;
	v22 =	vor.u32 s17, v17;
	v3 =	vadd.s32 v48, v43;
	[tilespmem:v11+s28+$0x0] =	vst.idx.msk $0xffff, v10  }
0x2c1: {  	v2 =	vor.u32 v2, v44;
	v3 =	vor.u32 v41, v3;
	v27 =	vand.u32 $0x4F, v62;
	[tilespmem:v25+s28+$0x0] =	vst.idx.msk $0xffff, v26  }
0x2c2: {  	v22 =	vand.u32 $0x5F, v22;
	v8 =	vor.u32 s18, v18;
	v1 =	vld.idx.msk [tilespmem:v1+s14+$0x0], $0xffff;
	v27 =	vor.u32 v27, v44;
	[tilespmem:v4+s28+$0x0] =	vst.idx.msk $0xffff, v24  }
0x2c3: {  	v22 =	vor.u32 v22, v44;
	v8 =	vand.u32 $0x7F, v8;
	v40 =	vld [tilespmem:$0x1FF20]  }
0x2c4: {  	v8 =	vor.u32 v8, v44;
	v23 =	vor.u32 s15, v17  }
0x2c5: {  	v9 =	vadd.s32 v48, v42;
	v23 =	vand.u32 $0x6F, v23  }
0x2c6: {  	v9 =	vor.u32 v41, v9;
	v2 =	vld.idx.msk [tilespmem:v2+s14+$0x0], $0xffff;
	v11 =	vor.u32 v23, v44;
	v10 =	vadd.s32 v47, v32  }
0x2c7: {  	v23 =	vadd.s32 v47, v43;
	v27 =	vld.idx.msk [tilespmem:v27+s14+$0x0], $0xffff;
	v10 =	vor.u32 v41, v10;
	[tilespmem:v3+s28+$0x0] =	vst.idx.msk $0xffff, v1  }
0x2c8: {  	v23 =	vor.u32 v41, v23;
	v22 =	vld.idx.msk [tilespmem:v22+s14+$0x0], $0xffff;
	v4 =	vadd.s32 v40, v45  }
0x2c9: {  	v1 =	vld.idx.msk [tilespmem:v8+s14+$0x0], $0xffff;
	v4 =	vor.u32 v41, v4;
	_ =	sdelay $0x1  }
0x2ca: {  	[tilespmem:v9+s28+$0x0] =	vst.idx.msk $0xffff, v2  }
0x2cb: {  	[tilespmem:v10+s28+$0x0] =	vst.idx.msk $0xffff, v27  }
0x2cc: {  	v63 =	vor.u32 s23, v18;
	[tilespmem:v23+s28+$0x0] =	vst.idx.msk $0xffff, v22  }
0x2cd: {  	v26 =	vand.u32 $0x4F, v63;
	v3 =	vor.u32 s18, v19;
	[tilespmem:v4+s28+$0x0] =	vst.idx.msk $0xffff, v1  }
0x2ce: {  	v26 =	vor.u32 v26, v44;
	v3 =	vand.u32 $0x7F, v3;
	v39 =	vld [tilespmem:$0x1FF10]  }
0x2cf: {  	v3 =	vor.u32 v3, v44;
	_ =	sdelay $0x1  }
0x2d0: {  	v25 =	vadd.s32 v47, v42  }
0x2d1: {  	v2 =	vor.u32 v41, v25;
	v11 =	vld.idx.msk [tilespmem:v11+s14+$0x0], $0xffff;
	v25 =	vadd.s32 v40, v32  }
0x2d2: {  	v4 =	vor.u32 v41, v25;
	v25 =	vld.idx.msk [tilespmem:v26+s14+$0x0], $0xffff;
	v22 =	vadd.s32 v39, v45  }
0x2d3: {  	v3 =	vld.idx.msk [tilespmem:v3+s14+$0x0], $0xffff;
	v22 =	vor.u32 v41, v22;
	_ =	sdelay $0x1  }
0x2d4: {  	v24 =	vor.u32 s17, v18  }
0x2d5: {  	v8 =	vor.u32 s15, v18;
	v9 =	vand.u32 $0x5F, v24;
	[tilespmem:v2+s28+$0x0] =	vst.idx.msk $0xffff, v11  }
0x2d6: {  	v24 =	vor.u32 s23, v19;
	v8 =	vand.u32 $0x6F, v8;
	v9 =	vor.u32 v9, v44;
	[tilespmem:v4+s28+$0x0] =	vst.idx.msk $0xffff, v25  }
0x2d7: {  	v24 =	vand.u32 $0x4F, v24;
	v8 =	vor.u32 v8, v44;
	v23 =	vor.u32 s18, v20;
	[tilespmem:v22+s28+$0x0] =	vst.idx.msk $0xffff, v3  }
0x2d8: {  	v24 =	vor.u32 v24, v44;
	v23 =	vand.u32 $0x7F, v23;
	v38 =	vld [tilespmem:$0x1FF00]  }
0x2d9: {  	v11 =	vor.u32 v23, v44  }
0x2da: {  	v1 =	vadd.s32 v40, v43  }
0x2db: {  	v9 =	vld.idx.msk [tilespmem:v9+s14+$0x0], $0xffff;
	v26 =	vadd.s32 v40, v42;
	v1 =	vor.u32 v41, v1  }
0x2dc: {  	v10 =	vor.u32 s17, v19;
	v23 =	vor.u32 v41, v26;
	v8 =	vld.idx.msk [tilespmem:v8+s14+$0x0], $0xffff;
	v25 =	vadd.s32 v39, v32  }
0x2dd: {  	v10 =	vand.u32 $0x5F, v10;
	v24 =	vld.idx.msk [tilespmem:v24+s14+$0x0], $0xffff;
	v25 =	vor.u32 v41, v25;
	v3 =	vadd.s32 v38, v45  }
0x2de: {  	v10 =	vor.u32 v10, v44;
	v11 =	vld.idx.msk [tilespmem:v11+s14+$0x0], $0xffff;
	v3 =	vor.u32 v41, v3  }
0x2df: {  	v2 =	vor.u32 s15, v19  }
0x2e0: {  	v2 =	vand.u32 $0x6F, v2;
	v4 =	vor.u32 s17, v20;
	[tilespmem:v1+s28+$0x0] =	vst.idx.msk $0xffff, v9  }
0x2e1: {  	v26 =	vor.u32 s23, v20;
	v2 =	vor.u32 v2, v44;
	v4 =	vand.u32 $0x5F, v4;
	[tilespmem:v23+s28+$0x0] =	vst.idx.msk $0xffff, v8  }
0x2e2: {  	v22 =	vand.u32 $0x4F, v26;
	v26 =	vor.u32 s18, v21;
	v1 =	vadd.s32 v39, v43;
	[tilespmem:v25+s28+$0x0] =	vst.idx.msk $0xffff, v24  }
0x2e3: {  	v9 =	vor.u32 v22, v44;
	v1 =	vor.u32 v41, v1;
	v10 =	vld.idx.msk [tilespmem:v10+s14+$0x0], $0xffff;
	[tilespmem:v3+s28+$0x0] =	vst.idx.msk $0xffff, v11  }
0x2e4: {  	v4 =	vor.u32 v4, v44;
	v22 =	vand.u32 $0x7F, v26;
	v37 =	vld [tilespmem:$0x1FEF0]  }
0x2e5: {  	v22 =	vor.u32 v22, v44  }
0x2e6: {  	v26 =	vadd.s32 v39, v42  }
0x2e7: {  	v23 =	vor.u32 v41, v26;
	v2 =	vld.idx.msk [tilespmem:v2+s14+$0x0], $0xffff;
	v25 =	vadd.s32 v38, v32  }
0x2e8: {  	v9 =	vld.idx.msk [tilespmem:v9+s14+$0x0], $0xffff;
	v3 =	vadd.s32 v38, v43;
	v11 =	vor.u32 v41, v25;
	[tilespmem:v1+s28+$0x0] =	vst.idx.msk $0xffff, v10  }
0x2e9: {  	v3 =	vor.u32 v41, v3;
	v4 =	vld.idx.msk [tilespmem:v4+s14+$0x0], $0xffff;
	v25 =	vadd.s32 v37, v45  }
0x2ea: {  	v8 =	vor.u32 s15, v20;
	v10 =	vld.idx.msk [tilespmem:v22+s14+$0x0], $0xffff;
	v22 =	vor.u32 v41, v25  }
0x2eb: {  	v8 =	vand.u32 $0x6F, v8  }
0x2ec: {  	v8 =	vor.u32 v8, v44;
	[tilespmem:v23+s28+$0x0] =	vst.idx.msk $0xffff, v2  }
0x2ed: {  	v26 =	vor.u32 s23, v21;
	[tilespmem:v11+s28+$0x0] =	vst.idx.msk $0xffff, v9  }
0x2ee: {  	v24 =	vor.u32 s17, v21;
	v25 =	vand.u32 $0x4F, v26;
	[tilespmem:v3+s28+$0x0] =	vst.idx.msk $0xffff, v4  }
0x2ef: {  	v24 =	vand.u32 $0x5F, v24;
	v26 =	vor.u32 s18, v5;
	v23 =	vor.u32 v25, v44;
	[tilespmem:v22+s28+$0x0] =	vst.idx.msk $0xffff, v10  }
0x2f0: {  	v24 =	vor.u32 v24, v44;
	v1 =	vadd.s32 v38, v42;
	v25 =	vand.u32 $0x7F, v26;
	v6 =	vld [tilespmem:$0x1FEE0]  }
0x2f1: {  	v1 =	vor.u32 v41, v1;
	v8 =	vld.idx.msk [tilespmem:v8+s14+$0x0], $0xffff;
	v25 =	vor.u32 v25, v44;
	_ =	sdelay $0x1  }
0x2f2: {  	v11 =	vadd.s32 v37, v32  }
0x2f3: {  	v2 =	vor.u32 s15, v21;
	v4 =	vor.u32 v41, v11;
	v22 =	vadd.s32 v37, v43;
	v11 =	vld.idx.msk [tilespmem:v23+s14+$0x0], $0xffff  }
0x2f4: {  	v2 =	vand.u32 $0x6F, v2;
	v24 =	vld.idx.msk [tilespmem:v24+s14+$0x0], $0xffff;
	v22 =	vor.u32 v41, v22;
	v23 =	vadd.s32 v6, v45  }
0x2f5: {  	v2 =	vor.u32 v2, v44;
	[tilespmem:v1+s28+$0x0] =	vst.idx.msk $0xffff, v8;
	v8 =	vld.idx.msk [tilespmem:v25+s14+$0x0], $0xffff;
	v23 =	vor.u32 v41, v23;
	_ =	sdelay $0x1  }
0x2f6: {  	v9 =	vor.u32 s23, v5;
	v3 =	vor.u32 s15, v5;
	v26 =	vadd.s32 v37, v42  }
0x2f7: {  	v3 =	vand.u32 $0x6F, v3;
	v10 =	vor.u32 s17, v5;
	v1 =	vand.u32 $0x4F, v9;
	[tilespmem:v4+s28+$0x0] =	vst.idx.msk $0xffff, v11  }
0x2f8: {  	v9 =	vor.u32 s18, v34;
	v10 =	vand.u32 $0x5F, v10;
	v1 =	vor.u32 v1, v44;
	[tilespmem:v22+s28+$0x0] =	vst.idx.msk $0xffff, v24  }
0x2f9: {  	v25 =	vor.u32 v41, v26;
	v2 =	vld.idx.msk [tilespmem:v2+s14+$0x0], $0xffff;
	v10 =	vor.u32 v10, v44;
	[tilespmem:v23+s28+$0x0] =	vst.idx.msk $0xffff, v8  }
0x2fa: {  	v55 =	vmov v5;
	v3 =	vor.u32 v3, v44;
	v9 =	vand.u32 $0x7F, v9;
	v5 =	vld [tilespmem:$0x1FED0]  }
0x2fb: {  	v9 =	vor.u32 v9, v44  }
0x2fc: {  	v8 =	vadd.s32 v6, v32  }
0x2fd: {  	v1 =	vld.idx.msk [tilespmem:v1+s14+$0x0], $0xffff;
	v23 =	vadd.s32 v6, v43;
	v8 =	vor.u32 v41, v8  }
0x2fe: {  	v24 =	vadd.s32 v6, v42;
	v10 =	vld.idx.msk [tilespmem:v10+s14+$0x0], $0xffff;
	[tilespmem:v25+s28+$0x0] =	vst.idx.msk $0xffff, v2;
	v23 =	vor.u32 v41, v23  }
0x2ff: {  	v24 =	vor.u32 v41, v24;
	v3 =	vld.idx.msk [tilespmem:v3+s14+$0x0], $0xffff;
	v22 =	vadd.s32 v5, v45  }
0x300: {  	v9 =	vld.idx.msk [tilespmem:v9+s14+$0x0], $0xffff;
	v2 =	vor.u32 v41, v22;
	_ =	sdelay $0x1  }
0x301: {  	v4 =	vor.u32 s23, v34;
	[tilespmem:v8+s28+$0x0] =	vst.idx.msk $0xffff, v1  }
0x302: {  	v11 =	vor.u32 s17, v34;
	v4 =	vand.u32 $0x4F, v4;
	v25 =	vor.u32 s18, v7;
	[tilespmem:v23+s28+$0x0] =	vst.idx.msk $0xffff, v10  }
0x303: {  	v11 =	vand.u32 $0x5F, v11;
	v4 =	vor.u32 v4, v44;
	v25 =	vand.u32 $0x7F, v25;
	[tilespmem:v24+s28+$0x0] =	vst.idx.msk $0xffff, v3  }
0x304: {  	v26 =	vor.u32 v11, v44;
	v11 =	vor.u32 v25, v44;
	[tilespmem:v2+s28+$0x0] =	vst.idx.msk $0xffff, v9  }
0x305: {  	v1 =	vor.u32 s23, v7;
	v25 =	vadd.s32 v5, v32;
	v22 =	vor.u32 s15, v34;
	v0 =	vld [tilespmem:$0x1FEC0]  }
0x306: {  	v23 =	vadd.s32 v5, v43;
	v8 =	vor.u32 s15, v7;
	v22 =	vand.u32 $0x6F, v22  }
0x307: {  	v1 =	vand.u32 $0x4F, v1;
	v10 =	vand.u32 $0x6F, v8;
	v9 =	vor.u32 v22, v44  }
0x308: {  	v8 =	vor.u32 v1, v44;
	v1 =	vor.u32 v10, v44;
	v2 =	vor.u32 s17, v7  }
0x309: {  	v10 =	vor.u32 v41, v25;
	v22 =	vld.idx.msk [tilespmem:v4+s14+$0x0], $0xffff;
	v4 =	vor.u32 v41, v23;
	v2 =	vand.u32 $0x5F, v2  }
0x30a: {  	v23 =	vld.idx.msk [tilespmem:v26+s14+$0x0], $0xffff;
	v3 =	vor.u32 v2, v44;
	v2 =	vadd.s32 v5, v42;
	v24 =	vadd.s32 v0, v45  }
0x30b: {  	s16 =	simm.s32 $0x8;
	s15 =	simm.s32 $0x0;
	v11 =	vld.idx.msk [tilespmem:v11+s14+$0x0], $0xffff;
	v2 =	vor.u32 v41, v2;
	v25 =	vadd.s32 v0, v32;
	v24 =	vor.u32 v41, v24  }
.LBB2_5:
0x30c: {  	s17 =	sand.u32 $0x70, s16;
	s15 =	sadd.s32 $0x4, s15;
	v25 =	vor.u32 v41, v25;
	v26 =	vadd.s32 v0, v43;
	v9 =	vld.idx.msk [tilespmem:v9+s14+$0x0], $0xffff;
	v27 =	vadd.s32 v0, v42;
	s13 =	sadd.s32 $0x40, s13  }
0x30d: {  	s21 =	sand.u32 $0x40, s13;
	p1 =	slt.u32 s15, $0x3C;
	v26 =	vor.u32 v41, v26;
	v27 =	vor.u32 v41, v27;
	v41 =	vor.u32 s17, v33  }
0x30e: {  	s20 =	sor.u32 $0x80, s21;
	v28 =	vshll.u32 v41, $0x8;
	s18 =	sor.u32 $0x90, s21;
	s19 =	sor.u32 $0xB0, s21  }
0x30f: {  	s17 =	sor.u32 $0xA0, s21;
	v28 =	vand.u32 $0x7800, v28;
	v29 =	vor.u32 s19, v33;
	[tilespmem:v10+s28+$0x0] =	vst.idx.msk $0xffff, v22  }
0x310: {  	v10 =	vor.u32 s20, v33;
	v44 =	vor.u32 v56, v28;
	v22 =	vand.u32 $0x7F, v29;
	v8 =	vld.idx.msk [tilespmem:v8+s14+$0x0], $0xffff;
	[tilespmem:v24+s28+$0x0] =	vst.idx.msk $0xffff, v11  }
0x311: {  	v11 =	vor.u32 s18, v33;
	v24 =	vor.u32 s17, v33;
	v22 =	vor.u32 v22, v44;
	[tilespmem:v4+s28+$0x0] =	vst.idx.msk $0xffff, v23  }
0x312: {  	v4 =	vand.u32 $0x4F, v10;
	v10 =	vand.u32 $0x5F, v11;
	v11 =	vand.u32 $0x6F, v24;
	v3 =	vld.idx.msk [tilespmem:v3+s14+$0x0], $0xffff;
	[tilespmem:v2+s28+$0x0] =	vst.idx.msk $0xffff, v9  }
0x313: {  	v2 =	vor.u32 v4, v44;
	v4 =	vor.u32 v10, v44;
	v1 =	vld.idx.msk [tilespmem:v1+s14+$0x0], $0xffff  }
0x314: {  	v9 =	vmov s20;
	v10 =	vor.u32 v11, v44;
	v11 =	vmov s19  }
0x315: {  	v23 =	vmov s18;
	v45 =	vshll.u32 v11, $0x7  }
0x316: {  	v28 =	vor.u32 s19, v35;
	v11 =	vmov s17;
	v24 =	vadd.s32 v57, v45;
	v22 =	vld.idx.msk [tilespmem:v22+s14+$0x0], $0xffff;
	[tilespmem:v25+s28+$0x0] =	vst.idx.msk $0xffff, v8  }
0x317: {  	v46 =	vshll.u32 v9, $0x7;
	v9 =	vand.u32 $0x7F, v28;
	v8 =	vor.u32 v41, v24  }
0x318: {  	v43 =	vshll.u32 v23, $0x7;
	v42 =	vshll.u32 v11, $0x7;
	v9 =	vor.u32 v9, v44;
	v2 =	vld.idx.msk [tilespmem:v2+s14+$0x0], $0xffff;
	[tilespmem:v26+s28+$0x0] =	vst.idx.msk $0xffff, v3  }
0x319: {  	v11 =	vadd.s32 v57, v43;
	v23 =	vadd.s32 v57, v42;
	v3 =	vadd.s32 v57, v46;
	v4 =	vld.idx.msk [tilespmem:v4+s14+$0x0], $0xffff  }
0x31a: {  	v24 =	vor.u32 s20, v35;
	v25 =	vor.u32 s18, v35;
	v26 =	vor.u32 s17, v35;
	v10 =	vld.idx.msk [tilespmem:v10+s14+$0x0], $0xffff  }
0x31b: {  	v11 =	vor.u32 v41, v11;
	v23 =	vor.u32 v41, v23;
	v3 =	vor.u32 v41, v3  }
0x31c: {  	v24 =	vand.u32 $0x4F, v24;
	v25 =	vand.u32 $0x5F, v25;
	v26 =	vand.u32 $0x6F, v26;
	[tilespmem:v8+s28+$0x0] =	vst.idx.msk $0xffff, v22  }
0x31d: {  	v8 =	vor.u32 v24, v44;
	v22 =	vadd.s32 v54, v45;
	v24 =	vor.u32 s19, v36;
	v9 =	vld.idx.msk [tilespmem:v9+s14+$0x0], $0xffff  }
0x31e: {  	v25 =	vor.u32 v25, v44;
	v22 =	vor.u32 v41, v22;
	v24 =	vand.u32 $0x7F, v24;
	[tilespmem:v27+s28+$0x0] =	vst.idx.msk $0xffff, v1  }
0x31f: {  	v26 =	vor.u32 v26, v44;
	v1 =	vadd.s32 v54, v46;
	v24 =	vor.u32 v24, v44  }
0x320: {  	v27 =	vadd.s32 v54, v42;
	[tilespmem:v3+s28+$0x0] =	vst.idx.msk $0xffff, v2;
	v2 =	vor.u32 s20, v36;
	v3 =	vadd.s32 v54, v43  }
0x321: {  	v1 =	vor.u32 v41, v1;
	[tilespmem:v11+s28+$0x0] =	vst.idx.msk $0xffff, v4;
	v4 =	vor.u32 s18, v36;
	v11 =	vor.u32 s17, v36  }
0x322: {  	v3 =	vor.u32 v41, v3;
	v8 =	vld.idx.msk [tilespmem:v8+s14+$0x0], $0xffff;
	[tilespmem:v23+s28+$0x0] =	vst.idx.msk $0xffff, v10;
	v10 =	vor.u32 v41, v27  }
0x323: {  	v2 =	vand.u32 $0x4F, v2;
	v4 =	vand.u32 $0x5F, v4;
	v11 =	vand.u32 $0x6F, v11;
	v23 =	vld.idx.msk [tilespmem:v25+s14+$0x0], $0xffff;
	[tilespmem:v22+s28+$0x0] =	vst.idx.msk $0xffff, v9  }
0x324: {  	v2 =	vor.u32 v2, v44;
	v22 =	vadd.s32 v53, v45;
	v9 =	vld.idx.msk [tilespmem:v24+s14+$0x0], $0xffff;
	v24 =	vor.u32 s19, v12  }
0x325: {  	v4 =	vor.u32 v4, v44;
	v22 =	vor.u32 v41, v22;
	v25 =	vld.idx.msk [tilespmem:v26+s14+$0x0], $0xffff;
	v24 =	vand.u32 $0x7F, v24  }
0x326: {  	v11 =	vor.u32 v11, v44;
	v26 =	vadd.s32 v53, v46;
	v24 =	vor.u32 v24, v44  }
0x327: {  	v28 =	vadd.s32 v53, v43;
	v29 =	vadd.s32 v53, v42;
	v27 =	vor.u32 s20, v12  }
0x328: {  	[tilespmem:v1+s28+$0x0] =	vst.idx.msk $0xffff, v8;
	v1 =	vor.u32 v41, v26;
	v8 =	vor.u32 s18, v12;
	v26 =	vor.u32 s17, v12  }
0x329: {  	v2 =	vld.idx.msk [tilespmem:v2+s14+$0x0], $0xffff;
	[tilespmem:v3+s28+$0x0] =	vst.idx.msk $0xffff, v23;
	v3 =	vor.u32 v41, v28;
	v23 =	vor.u32 v41, v29  }
0x32a: {  	v27 =	vand.u32 $0x4F, v27;
	v8 =	vand.u32 $0x5F, v8;
	v26 =	vand.u32 $0x6F, v26;
	v4 =	vld.idx.msk [tilespmem:v4+s14+$0x0], $0xffff;
	[tilespmem:v22+s28+$0x0] =	vst.idx.msk $0xffff, v9  }
0x32b: {  	v9 =	vor.u32 s20, v13;
	v22 =	vadd.s32 v52, v45;
	[tilespmem:v10+s28+$0x0] =	vst.idx.msk $0xffff, v25;
	v10 =	vld.idx.msk [tilespmem:v24+s14+$0x0], $0xffff;
	v24 =	vor.u32 s19, v13  }
0x32c: {  	v25 =	vor.u32 v27, v44;
	v22 =	vor.u32 v41, v22;
	v11 =	vld.idx.msk [tilespmem:v11+s14+$0x0], $0xffff;
	v24 =	vand.u32 $0x7F, v24  }
0x32d: {  	v8 =	vor.u32 v8, v44;
	v26 =	vor.u32 v26, v44;
	v24 =	vor.u32 v24, v44  }
0x32e: {  	v28 =	vadd.s32 v52, v43;
	v29 =	vadd.s32 v52, v42;
	v27 =	vadd.s32 v52, v46  }
0x32f: {  	[tilespmem:v1+s28+$0x0] =	vst.idx.msk $0xffff, v2;
	v1 =	vor.u32 v41, v27;
	v2 =	vor.u32 s18, v13;
	v27 =	vor.u32 s17, v13  }
0x330: {  	v9 =	vand.u32 $0x4F, v9;
	[tilespmem:v3+s28+$0x0] =	vst.idx.msk $0xffff, v4;
	v3 =	vor.u32 v41, v28;
	v4 =	vor.u32 v41, v29  }
0x331: {  	v9 =	vor.u32 v9, v44;
	v2 =	vand.u32 $0x5F, v2;
	v27 =	vand.u32 $0x6F, v27;
	v25 =	vld.idx.msk [tilespmem:v25+s14+$0x0], $0xffff;
	[tilespmem:v22+s28+$0x0] =	vst.idx.msk $0xffff, v10  }
0x332: {  	v10 =	vor.u32 s20, v14;
	v22 =	vadd.s32 v51, v45;
	[tilespmem:v23+s28+$0x0] =	vst.idx.msk $0xffff, v11;
	v11 =	vld.idx.msk [tilespmem:v24+s14+$0x0], $0xffff;
	v23 =	vor.u32 s19, v14  }
0x333: {  	v2 =	vor.u32 v2, v44;
	v22 =	vor.u32 v41, v22;
	v8 =	vld.idx.msk [tilespmem:v8+s14+$0x0], $0xffff;
	v23 =	vand.u32 $0x7F, v23  }
0x334: {  	v27 =	vor.u32 v27, v44;
	v24 =	vadd.s32 v51, v46;
	v26 =	vld.idx.msk [tilespmem:v26+s14+$0x0], $0xffff;
	v23 =	vor.u32 v23, v44  }
0x335: {  	v30 =	vadd.s32 v51, v42;
	v28 =	vadd.s32 v51, v43;
	v29 =	vor.u32 s18, v14  }
0x336: {  	v31 =	vor.u32 s17, v14;
	v28 =	vor.u32 v41, v28;
	v24 =	vor.u32 v41, v24  }
0x337: {  	[tilespmem:v1+s28+$0x0] =	vst.idx.msk $0xffff, v25;
	v1 =	vand.u32 $0x4F, v10;
	v10 =	vand.u32 $0x5F, v29;
	v25 =	vor.u32 v41, v30  }
0x338: {  	v29 =	vor.u32 s20, v15;
	v30 =	vand.u32 $0x6F, v31;
	v9 =	vld.idx.msk [tilespmem:v9+s14+$0x0], $0xffff;
	v1 =	vor.u32 v1, v44;
	[tilespmem:v22+s28+$0x0] =	vst.idx.msk $0xffff, v11  }
0x339: {  	v11 =	vadd.s32 v50, v45;
	v22 =	vor.u32 s19, v15;
	[tilespmem:v3+s28+$0x0] =	vst.idx.msk $0xffff, v8;
	v3 =	vor.u32 s18, v15;
	v8 =	vld.idx.msk [tilespmem:v23+s14+$0x0], $0xffff  }
0x33a: {  	v11 =	vor.u32 v41, v11;
	v22 =	vand.u32 $0x7F, v22;
	v2 =	vld.idx.msk [tilespmem:v2+s14+$0x0], $0xffff;
	[tilespmem:v4+s28+$0x0] =	vst.idx.msk $0xffff, v26;
	v4 =	vor.u32 s17, v15  }
0x33b: {  	v10 =	vor.u32 v10, v44;
	v26 =	vor.u32 v30, v44;
	v22 =	vor.u32 v22, v44;
	v23 =	vld.idx.msk [tilespmem:v27+s14+$0x0], $0xffff  }
0x33c: {  	v31 =	vadd.s32 v50, v42;
	v30 =	vadd.s32 v50, v43;
	v27 =	vadd.s32 v50, v46  }
0x33d: {  	v31 =	vor.u32 v41, v31;
	v30 =	vor.u32 v41, v30;
	v27 =	vor.u32 v41, v27  }
0x33e: {  	v3 =	vand.u32 $0x5F, v3;
	v4 =	vand.u32 $0x6F, v4;
	[tilespmem:v24+s28+$0x0] =	vst.idx.msk $0xffff, v9;
	v9 =	vand.u32 $0x4F, v29  }
0x33f: {  	v3 =	vor.u32 v3, v44;
	v1 =	vld.idx.msk [tilespmem:v1+s14+$0x0], $0xffff;
	v9 =	vor.u32 v9, v44;
	[tilespmem:v11+s28+$0x0] =	vst.idx.msk $0xffff, v8  }
0x340: {  	v8 =	vor.u32 s20, v16;
	v11 =	vadd.s32 v49, v45;
	[tilespmem:v28+s28+$0x0] =	vst.idx.msk $0xffff, v2;
	v2 =	vld.idx.msk [tilespmem:v22+s14+$0x0], $0xffff;
	v22 =	vor.u32 s19, v16  }
0x341: {  	v24 =	vor.u32 s18, v16;
	v11 =	vor.u32 v41, v11;
	v10 =	vld.idx.msk [tilespmem:v10+s14+$0x0], $0xffff;
	[tilespmem:v25+s28+$0x0] =	vst.idx.msk $0xffff, v23;
	v22 =	vand.u32 $0x7F, v22  }
0x342: {  	v4 =	vor.u32 v4, v44;
	v23 =	vadd.s32 v49, v46;
	v25 =	vld.idx.msk [tilespmem:v26+s14+$0x0], $0xffff;
	v22 =	vor.u32 v22, v44  }
0x343: {  	v29 =	vor.u32 s17, v16;
	v28 =	vadd.s32 v49, v42;
	v26 =	vadd.s32 v49, v43  }
0x344: {  	v28 =	vor.u32 v41, v28;
	v23 =	vor.u32 v41, v23;
	v26 =	vor.u32 v41, v26  }
0x345: {  	[tilespmem:v27+s28+$0x0] =	vst.idx.msk $0xffff, v1;
	v1 =	vand.u32 $0x4F, v8;
	v8 =	vand.u32 $0x5F, v24;
	v24 =	vand.u32 $0x6F, v29  }
0x346: {  	v9 =	vld.idx.msk [tilespmem:v9+s14+$0x0], $0xffff;
	v1 =	vor.u32 v1, v44;
	v8 =	vor.u32 v8, v44;
	[tilespmem:v11+s28+$0x0] =	vst.idx.msk $0xffff, v2  }
0x347: {  	v2 =	vor.u32 s20, v17;
	v11 =	vadd.s32 v48, v45;
	[tilespmem:v30+s28+$0x0] =	vst.idx.msk $0xffff, v10;
	v10 =	vld.idx.msk [tilespmem:v22+s14+$0x0], $0xffff;
	v22 =	vor.u32 s19, v17  }
0x348: {  	v27 =	vor.u32 s18, v17;
	v11 =	vor.u32 v41, v11;
	v3 =	vld.idx.msk [tilespmem:v3+s14+$0x0], $0xffff;
	[tilespmem:v31+s28+$0x0] =	vst.idx.msk $0xffff, v25;
	v22 =	vand.u32 $0x7F, v22  }
0x349: {  	v24 =	vor.u32 v24, v44;
	v25 =	vadd.s32 v48, v46;
	v4 =	vld.idx.msk [tilespmem:v4+s14+$0x0], $0xffff;
	v22 =	vor.u32 v22, v44  }
0x34a: {  	v29 =	vadd.s32 v48, v43;
	v30 =	vadd.s32 v48, v42;
	v31 =	vor.u32 s17, v17  }
0x34b: {  	v29 =	vor.u32 v41, v29;
	v30 =	vor.u32 v41, v30;
	v25 =	vor.u32 v41, v25  }
0x34c: {  	v2 =	vand.u32 $0x4F, v2;
	[tilespmem:v23+s28+$0x0] =	vst.idx.msk $0xffff, v9;
	v9 =	vand.u32 $0x5F, v27;
	v23 =	vand.u32 $0x6F, v31  }
0x34d: {  	v2 =	vor.u32 v2, v44;
	v1 =	vld.idx.msk [tilespmem:v1+s14+$0x0], $0xffff;
	v9 =	vor.u32 v9, v44;
	[tilespmem:v11+s28+$0x0] =	vst.idx.msk $0xffff, v10  }
0x34e: {  	v10 =	vor.u32 s20, v18;
	v11 =	vadd.s32 v47, v45;
	[tilespmem:v26+s28+$0x0] =	vst.idx.msk $0xffff, v3;
	v3 =	vld.idx.msk [tilespmem:v22+s14+$0x0], $0xffff;
	v22 =	vor.u32 s19, v18  }
0x34f: {  	v26 =	vor.u32 s18, v18;
	v8 =	vld.idx.msk [tilespmem:v8+s14+$0x0], $0xffff;
	[tilespmem:v28+s28+$0x0] =	vst.idx.msk $0xffff, v4;
	v4 =	vor.u32 v41, v11;
	v11 =	vand.u32 $0x7F, v22  }
0x350: {  	v23 =	vor.u32 v23, v44;
	v22 =	vadd.s32 v47, v46;
	v24 =	vld.idx.msk [tilespmem:v24+s14+$0x0], $0xffff;
	v11 =	vor.u32 v11, v44  }
0x351: {  	v27 =	vadd.s32 v47, v43;
	v31 =	vor.u32 s17, v18;
	v28 =	vadd.s32 v47, v42  }
0x352: {  	v27 =	vor.u32 v41, v27;
	v22 =	vor.u32 v41, v22;
	v28 =	vor.u32 v41, v28  }
0x353: {  	[tilespmem:v25+s28+$0x0] =	vst.idx.msk $0xffff, v1;
	v1 =	vand.u32 $0x4F, v10;
	v10 =	vand.u32 $0x5F, v26;
	v25 =	vand.u32 $0x6F, v31  }
0x354: {  	v2 =	vld.idx.msk [tilespmem:v2+s14+$0x0], $0xffff;
	v1 =	vor.u32 v1, v44;
	v10 =	vor.u32 v10, v44;
	[tilespmem:v4+s28+$0x0] =	vst.idx.msk $0xffff, v3  }
0x355: {  	v3 =	vor.u32 s20, v19;
	[tilespmem:v29+s28+$0x0] =	vst.idx.msk $0xffff, v8;
	v4 =	vld.idx.msk [tilespmem:v11+s14+$0x0], $0xffff;
	v8 =	vadd.s32 v40, v45;
	v11 =	vor.u32 s19, v19  }
0x356: {  	v26 =	vor.u32 s18, v19;
	v9 =	vld.idx.msk [tilespmem:v9+s14+$0x0], $0xffff;
	[tilespmem:v30+s28+$0x0] =	vst.idx.msk $0xffff, v24;
	v8 =	vor.u32 v41, v8;
	v11 =	vand.u32 $0x7F, v11  }
0x357: {  	v25 =	vor.u32 v25, v44;
	v24 =	vadd.s32 v40, v46;
	v23 =	vld.idx.msk [tilespmem:v23+s14+$0x0], $0xffff;
	v11 =	vor.u32 v11, v44  }
0x358: {  	v31 =	vor.u32 s17, v19;
	v29 =	vadd.s32 v40, v43;
	v30 =	vadd.s32 v40, v42  }
0x359: {  	v29 =	vor.u32 v41, v29;
	v24 =	vor.u32 v41, v24;
	v30 =	vor.u32 v41, v30  }
0x35a: {  	[tilespmem:v22+s28+$0x0] =	vst.idx.msk $0xffff, v2;
	v2 =	vand.u32 $0x4F, v3;
	v3 =	vand.u32 $0x5F, v26;
	v22 =	vand.u32 $0x6F, v31  }
0x35b: {  	v1 =	vld.idx.msk [tilespmem:v1+s14+$0x0], $0xffff;
	v2 =	vor.u32 v2, v44;
	v3 =	vor.u32 v3, v44;
	[tilespmem:v8+s28+$0x0] =	vst.idx.msk $0xffff, v4  }
0x35c: {  	v4 =	vor.u32 s20, v20;
	[tilespmem:v27+s28+$0x0] =	vst.idx.msk $0xffff, v9;
	v8 =	vld.idx.msk [tilespmem:v11+s14+$0x0], $0xffff;
	v9 =	vadd.s32 v39, v45;
	v11 =	vor.u32 s19, v20  }
0x35d: {  	v26 =	vor.u32 s18, v20;
	v10 =	vld.idx.msk [tilespmem:v10+s14+$0x0], $0xffff;
	[tilespmem:v28+s28+$0x0] =	vst.idx.msk $0xffff, v23;
	v9 =	vor.u32 v41, v9;
	v11 =	vand.u32 $0x7F, v11  }
0x35e: {  	v22 =	vor.u32 v22, v44;
	v23 =	vadd.s32 v39, v46;
	v25 =	vld.idx.msk [tilespmem:v25+s14+$0x0], $0xffff;
	v11 =	vor.u32 v11, v44  }
0x35f: {  	v31 =	vor.u32 s17, v20;
	v27 =	vadd.s32 v39, v43;
	v28 =	vadd.s32 v39, v42  }
0x360: {  	v27 =	vor.u32 v41, v27;
	v23 =	vor.u32 v41, v23;
	v28 =	vor.u32 v41, v28  }
0x361: {  	[tilespmem:v24+s28+$0x0] =	vst.idx.msk $0xffff, v1;
	v1 =	vand.u32 $0x4F, v4;
	v4 =	vand.u32 $0x5F, v26;
	v24 =	vand.u32 $0x6F, v31  }
0x362: {  	v2 =	vld.idx.msk [tilespmem:v2+s14+$0x0], $0xffff;
	v1 =	vor.u32 v1, v44;
	v4 =	vor.u32 v4, v44;
	[tilespmem:v9+s28+$0x0] =	vst.idx.msk $0xffff, v8  }
0x363: {  	v8 =	vor.u32 s20, v21;
	[tilespmem:v29+s28+$0x0] =	vst.idx.msk $0xffff, v10;
	v9 =	vld.idx.msk [tilespmem:v11+s14+$0x0], $0xffff;
	v10 =	vadd.s32 v38, v45;
	v11 =	vor.u32 s19, v21  }
0x364: {  	v26 =	vor.u32 s18, v21;
	v3 =	vld.idx.msk [tilespmem:v3+s14+$0x0], $0xffff;
	[tilespmem:v30+s28+$0x0] =	vst.idx.msk $0xffff, v25;
	v10 =	vor.u32 v41, v10;
	v11 =	vand.u32 $0x7F, v11  }
0x365: {  	v24 =	vor.u32 v24, v44;
	v25 =	vadd.s32 v38, v46;
	v22 =	vld.idx.msk [tilespmem:v22+s14+$0x0], $0xffff;
	v11 =	vor.u32 v11, v44  }
0x366: {  	v31 =	vor.u32 s17, v21;
	v29 =	vadd.s32 v38, v43;
	v30 =	vadd.s32 v38, v42  }
0x367: {  	v29 =	vor.u32 v41, v29;
	v25 =	vor.u32 v41, v25;
	v30 =	vor.u32 v41, v30  }
0x368: {  	[tilespmem:v23+s28+$0x0] =	vst.idx.msk $0xffff, v2;
	v2 =	vand.u32 $0x4F, v8;
	v8 =	vand.u32 $0x5F, v26;
	v23 =	vand.u32 $0x6F, v31  }
0x369: {  	v1 =	vld.idx.msk [tilespmem:v1+s14+$0x0], $0xffff;
	v2 =	vor.u32 v2, v44;
	v8 =	vor.u32 v8, v44;
	[tilespmem:v10+s28+$0x0] =	vst.idx.msk $0xffff, v9  }
0x36a: {  	v9 =	vor.u32 s20, v55;
	v10 =	vadd.s32 v37, v45;
	[tilespmem:v27+s28+$0x0] =	vst.idx.msk $0xffff, v3;
	v3 =	vld.idx.msk [tilespmem:v11+s14+$0x0], $0xffff;
	v11 =	vor.u32 s19, v55  }
0x36b: {  	v26 =	vor.u32 s18, v55;
	v10 =	vor.u32 v41, v10;
	v4 =	vld.idx.msk [tilespmem:v4+s14+$0x0], $0xffff;
	[tilespmem:v28+s28+$0x0] =	vst.idx.msk $0xffff, v22;
	v11 =	vand.u32 $0x7F, v11  }
0x36c: {  	v23 =	vor.u32 v23, v44;
	v22 =	vadd.s32 v37, v46;
	v24 =	vld.idx.msk [tilespmem:v24+s14+$0x0], $0xffff;
	v11 =	vor.u32 v11, v44  }
0x36d: {  	v31 =	vor.u32 s17, v55;
	v27 =	vadd.s32 v37, v43;
	v28 =	vadd.s32 v37, v42  }
0x36e: {  	v27 =	vor.u32 v41, v27;
	v22 =	vor.u32 v41, v22;
	v28 =	vor.u32 v41, v28  }
0x36f: {  	[tilespmem:v25+s28+$0x0] =	vst.idx.msk $0xffff, v1;
	v1 =	vand.u32 $0x4F, v9;
	v9 =	vand.u32 $0x5F, v26;
	v25 =	vand.u32 $0x6F, v31  }
0x370: {  	v2 =	vld.idx.msk [tilespmem:v2+s14+$0x0], $0xffff;
	v1 =	vor.u32 v1, v44;
	v9 =	vor.u32 v9, v44;
	[tilespmem:v10+s28+$0x0] =	vst.idx.msk $0xffff, v3  }
0x371: {  	v3 =	vor.u32 s20, v34;
	v10 =	vadd.s32 v6, v45;
	[tilespmem:v29+s28+$0x0] =	vst.idx.msk $0xffff, v4;
	v4 =	vld.idx.msk [tilespmem:v11+s14+$0x0], $0xffff;
	v11 =	vor.u32 s19, v34  }
0x372: {  	v26 =	vor.u32 s18, v34;
	v10 =	vor.u32 v41, v10;
	v8 =	vld.idx.msk [tilespmem:v8+s14+$0x0], $0xffff;
	[tilespmem:v30+s28+$0x0] =	vst.idx.msk $0xffff, v24;
	v11 =	vand.u32 $0x7F, v11  }
0x373: {  	v25 =	vor.u32 v25, v44;
	v24 =	vadd.s32 v6, v46;
	v23 =	vld.idx.msk [tilespmem:v23+s14+$0x0], $0xffff;
	v11 =	vor.u32 v11, v44  }
0x374: {  	v31 =	vor.u32 s17, v34;
	v29 =	vadd.s32 v6, v43;
	v30 =	vadd.s32 v6, v42  }
0x375: {  	v29 =	vor.u32 v41, v29;
	v24 =	vor.u32 v41, v24;
	v30 =	vor.u32 v41, v30  }
0x376: {  	[tilespmem:v22+s28+$0x0] =	vst.idx.msk $0xffff, v2;
	v2 =	vand.u32 $0x4F, v3;
	v3 =	vand.u32 $0x5F, v26;
	v22 =	vand.u32 $0x6F, v31  }
0x377: {  	v1 =	vld.idx.msk [tilespmem:v1+s14+$0x0], $0xffff;
	v26 =	vor.u32 v2, v44;
	v31 =	vor.u32 v3, v44;
	[tilespmem:v10+s28+$0x0] =	vst.idx.msk $0xffff, v4  }
0x378: {  	v3 =	vor.u32 s20, v7;
	v2 =	vadd.s32 v5, v45;
	v4 =	vor.u32 s19, v7;
	[tilespmem:v27+s28+$0x0] =	vst.idx.msk $0xffff, v8;
	v11 =	vld.idx.msk [tilespmem:v11+s14+$0x0], $0xffff  }
0x379: {  	v8 =	vor.u32 s18, v7;
	v27 =	vld.idx.msk [tilespmem:v9+s14+$0x0], $0xffff;
	[tilespmem:v28+s28+$0x0] =	vst.idx.msk $0xffff, v23;
	v23 =	vor.u32 v41, v2;
	v2 =	vand.u32 $0x7F, v4  }
0x37a: {  	v4 =	vadd.s32 v5, v46;
	v9 =	vor.u32 v22, v44;
	v28 =	vld.idx.msk [tilespmem:v25+s14+$0x0], $0xffff;
	v25 =	vor.u32 v2, v44  }
0x37b: {  	v32 =	vor.u32 s17, v7;
	v22 =	vadd.s32 v5, v42;
	v2 =	vadd.s32 v5, v43  }
.Ltmp1:
0x37c: {  	v10 =	vor.u32 v41, v4;
	v4 =	vor.u32 v41, v2;
	v2 =	vor.u32 v41, v22;
	(pc) =	sbr.rel @p1 .LBB2_5-.Ltmp1, $4  }
0x37d: {  	[tilespmem:v24+s28+$0x0] =	vst.idx.msk $0xffff, v1;
	v1 =	vand.u32 $0x4F, v3;
	v3 =	vand.u32 $0x5F, v8;
	v24 =	vand.u32 $0x6F, v32  }
0x37e: {  	v22 =	vld.idx.msk [tilespmem:v26+s14+$0x0], $0xffff;
	v8 =	vor.u32 v1, v44;
	v3 =	vor.u32 v3, v44;
	[tilespmem:v23+s28+$0x0] =	vst.idx.msk $0xffff, v11  }
0x37f: {  	v1 =	vor.u32 v24, v44;
	v24 =	vadd.s32 v0, v45;
	[tilespmem:v29+s28+$0x0] =	vst.idx.msk $0xffff, v27;
	v11 =	vld.idx.msk [tilespmem:v25+s14+$0x0], $0xffff  }
0x380: {  	s16 =	sadd.s32 $0x8, s16;
	v25 =	vadd.s32 v0, v46;
	v24 =	vor.u32 v41, v24;
	v23 =	vld.idx.msk [tilespmem:v31+s14+$0x0], $0xffff;
	[tilespmem:v30+s28+$0x0] =	vst.idx.msk $0xffff, v28  }
0x381: {  	_ =	sdelay $0x1  }
0x382: {  	[tilespmem:$0x1FE20] =	vst v57  }
0x383: {  	[tilespmem:$0x1FE30] =	vst v56  }
0x384: {  	v9 =	vld.idx.msk [tilespmem:v9+s14+$0x0], $0xffff;
	_ =	sdelay $0x2  }
0x385: {  	[tilespmem:v10+s28+$0x0] =	vst.idx.msk $0xffff, v22  }
0x386: {  	v62 =	vor.u32 v41, v25;
	v22 =	vadd.s32 v0, v43;
	v8 =	vld.idx.msk [tilespmem:v8+s14+$0x0], $0xffff;
	[tilespmem:v4+s28+$0x0] =	vst.idx.msk $0xffff, v23  }
0x387: {  	v22 =	vor.u32 v41, v22;
	v4 =	vadd.s32 v0, v42;
	v3 =	vld.idx.msk [tilespmem:v3+s14+$0x0], $0xffff;
	[tilespmem:v2+s28+$0x0] =	vst.idx.msk $0xffff, v9  }
0x388: {  	v63 =	vor.u32 v41, v4;
	v1 =	vld.idx.msk [tilespmem:v1+s14+$0x0], $0xffff;
	_ =	sdelay $0x1  }
0x389: {  	[tilespmem:v24+s28+$0x0] =	vst.idx.msk $0xffff, v11  }
0x38a: {  	s13 =	sadd.s32 @p0 s8, s10;
	s15 =	simm.s32 @p0 $0x400;
	[tilespmem:v62+s28+$0x0] =	vst.idx.msk $0xffff, v8  }
0x38b: {  	s16 =	simm.s32 @p0 $0x2000;
	s10 =	sadd.s32 @!p0 s10, s9;
	s13 =	sshrl.u32 @p0 s13, $0x3;
	[tilespmem:v22+s28+$0x0] =	vst.idx.msk $0xffff, v3  }
0x38c: {  	s17 =	simm.s32 @p0 $0x15C00;
	s10 =	sshrl.u32 @!p0 s10, $0x3;
	s13 =	sadd.s32 @p0 s1, s13;
	[tilespmem:v63+s28+$0x0] =	vst.idx.msk $0xffff, v1  }
0x38d: {  	[hbm4b:s13+s15] =	stream.strided.scatter @p0 [tilespmem:s17], [sflag:$0x4], $0x4000, s16, s15, $0x38;
	[tilespmem:$0x19C00] =	vst v63  }
0x38e: {  	p1 =	seq.s32 s2, $0x18;
	s10 =	sadd.s32 @!p0 s1, s10;
	s13 =	simm.s32 @!p0 $0x400  }
.Ltmp2:
0x38f: {  	s15 =	simm.s32 @!p0 $0x2000;
	s16 =	simm.s32 @!p0 $0x15C00;
	(pc) =	sbr.rel @p1 .LBB2_8-.Ltmp2, $4  }
0x390: {  	[hbm4b:s10+s13] =	stream.strided.scatter @!p0 [tilespmem:s16], [sflag:$0x4], $0x3400, s15, s13, $0x38;
	[tilespmem:$0x19C00] =	vst v63  }
0x391: {  	_ =	swait.ge [sflag:s29], $0x8000  }
0x392: {  	[sflag:s29] =	ssyncset.done $0x0  }
0x393: {  	[sflag:s29] =	ssyncadd.s32 $0xFFFF8000  }
0x394: {  	s10 =	sshll.u32 s2, $0x8  }
0x395: {  	s10 =	sand.u32 $0x3FFFFF00, s10  }
0x396: {  	v1 =	vld [tilespmem:s10+$0x100];
	_ =	sdelay $0x2  }
0x397: {  	v0 =	vld [tilespmem:$0x1FE60]  }
0x398: {  	v3 =	vld [tilespmem:$0x1FE40]  }
0x399: {  	v4 =	vld [tilespmem:$0x1FE50];
	v2 =	vshll.u32 v1, $0x3  }
0x39a: {  	v1 =	vand.u32 $0x7, v1;
	v2 =	vand.u32 $0xFFFFFFC0, v2  }
0x39b: {  	v1 =	vor.u32 v1, v2  }
0x39c: {  	v2 =	vperm.xlane v1, v0;
	_ =	sdelay $0x1  }
0x39d: {  	v1 =	vperm.xlane v1, v4;
	v2 =	vadd.s32 v3, v2;
	_ =	sdelay $0x1  }
0x39e: {  	v1 =	vadd.s32 v3, v1;
	_ =	sdelay $0x2  }
0x39f: {  	[tilespmem:s14], [sflag:$0x1] =	stream.indirect_vreg.gather [hbm4b:s6+s3], $0x80, v2, vm0, $0xb8;
	[tilespmem:$0x19C00] =	vst v63  }
0x3a0: {  	s13 =	simm.s32 $0x2400  }
0x3a1: {  	[tilespmem:s13], [sflag:$0x1] =	stream.indirect_vreg.gather [hbm4b:s6+s3], $0x80, v1, vm0, $0xb8;
	[tilespmem:$0x19C00] =	vst v63  }
0x3a2: {  	v1 =	vld [tilespmem:s10+$0x110];
	_ =	sdelay $0x4  }
0x3a3: {  	v57 =	vshll.u32 v1, $0x3  }
0x3a4: {  	v1 =	vand.u32 $0x7, v1;
	v2 =	vand.u32 $0xFFFFFFC0, v57  }
0x3a5: {  	v1 =	vor.u32 v1, v2  }
0x3a6: {  	v2 =	vperm.xlane v1, v0;
	_ =	sdelay $0x1  }
0x3a7: {  	v1 =	vperm.xlane v1, v4;
	v2 =	vadd.s32 v3, v2;
	_ =	sdelay $0x1  }
0x3a8: {  	v1 =	vadd.s32 v3, v1;
	_ =	sdelay $0x1  }
0x3a9: {  	s19 =	simm.s32 $0x2C00  }
0x3aa: {  	[tilespmem:s19], [sflag:$0x1] =	stream.indirect_vreg.gather [hbm4b:s6+s3], $0x80, v2, vm0, $0xb8;
	[tilespmem:$0x19C00] =	vst v63  }
0x3ab: {  	s20 =	simm.s32 $0x3400  }
0x3ac: {  	[tilespmem:s20], [sflag:$0x1] =	stream.indirect_vreg.gather [hbm4b:s6+s3], $0x80, v1, vm0, $0xb8;
	[tilespmem:$0x19C00] =	vst v63  }
0x3ad: {  	v1 =	vld [tilespmem:s10+$0x120];
	_ =	sdelay $0x4  }
0x3ae: {  	v58 =	vshll.u32 v1, $0x3  }
0x3af: {  	v1 =	vand.u32 $0x7, v1;
	v2 =	vand.u32 $0xFFFFFFC0, v58  }
0x3b0: {  	v1 =	vor.u32 v1, v2  }
0x3b1: {  	v2 =	vperm.xlane v1, v0;
	_ =	sdelay $0x1  }
0x3b2: {  	v1 =	vperm.xlane v1, v4;
	v2 =	vadd.s32 v3, v2;
	_ =	sdelay $0x1  }
0x3b3: {  	v1 =	vadd.s32 v3, v1;
	_ =	sdelay $0x1  }
0x3b4: {  	s21 =	simm.s32 $0x3C00  }
0x3b5: {  	[tilespmem:s21], [sflag:$0x1] =	stream.indirect_vreg.gather [hbm4b:s6+s3], $0x80, v2, vm0, $0xb8;
	[tilespmem:$0x19C00] =	vst v63  }
0x3b6: {  	s22 =	simm.s32 $0x4400  }
0x3b7: {  	[tilespmem:s22], [sflag:$0x1] =	stream.indirect_vreg.gather [hbm4b:s6+s3], $0x80, v1, vm0, $0xb8;
	[tilespmem:$0x19C00] =	vst v63  }
0x3b8: {  	v1 =	vld [tilespmem:s10+$0x130];
	_ =	sdelay $0x4  }
0x3b9: {  	v59 =	vshll.u32 v1, $0x3  }
0x3ba: {  	v1 =	vand.u32 $0x7, v1;
	v2 =	vand.u32 $0xFFFFFFC0, v59  }
0x3bb: {  	v1 =	vor.u32 v1, v2  }
0x3bc: {  	v2 =	vperm.xlane v1, v0;
	_ =	sdelay $0x1  }
0x3bd: {  	v1 =	vperm.xlane v1, v4;
	v2 =	vadd.s32 v3, v2;
	_ =	sdelay $0x1  }
0x3be: {  	v1 =	vadd.s32 v3, v1;
	_ =	sdelay $0x1  }
0x3bf: {  	s23 =	simm.s32 $0x4C00  }
0x3c0: {  	[tilespmem:s23], [sflag:$0x1] =	stream.indirect_vreg.gather [hbm4b:s6+s3], $0x80, v2, vm0, $0xb8;
	[tilespmem:$0x19C00] =	vst v63  }
0x3c1: {  	s15 =	simm.s32 $0x5400  }
0x3c2: {  	[tilespmem:s15], [sflag:$0x1] =	stream.indirect_vreg.gather [hbm4b:s6+s3], $0x80, v1, vm0, $0xb8;
	[tilespmem:$0x19C00] =	vst v63  }
0x3c3: {  	v1 =	vld [tilespmem:s10+$0x140];
	_ =	sdelay $0x4  }
0x3c4: {  	v60 =	vshll.u32 v1, $0x3  }
0x3c5: {  	v1 =	vand.u32 $0x7, v1;
	v2 =	vand.u32 $0xFFFFFFC0, v60  }
0x3c6: {  	v1 =	vor.u32 v1, v2  }
0x3c7: {  	v2 =	vperm.xlane v1, v0;
	_ =	sdelay $0x1  }
0x3c8: {  	v1 =	vperm.xlane v1, v4;
	v2 =	vadd.s32 v3, v2;
	_ =	sdelay $0x1  }
0x3c9: {  	v1 =	vadd.s32 v3, v1;
	_ =	sdelay $0x1  }
0x3ca: {  	s16 =	simm.s32 $0x5C00  }
0x3cb: {  	[tilespmem:s16], [sflag:$0x1] =	stream.indirect_vreg.gather [hbm4b:s6+s3], $0x80, v2, vm0, $0xb8;
	[tilespmem:$0x19C00] =	vst v63  }
0x3cc: {  	s17 =	simm.s32 $0x6400  }
0x3cd: {  	[tilespmem:s17], [sflag:$0x1] =	stream.indirect_vreg.gather [hbm4b:s6+s3], $0x80, v1, vm0, $0xb8;
	[tilespmem:$0x19C00] =	vst v63  }
0x3ce: {  	v1 =	vld [tilespmem:s10+$0x150];
	_ =	sdelay $0x4  }
0x3cf: {  	v61 =	vshll.u32 v1, $0x3  }
0x3d0: {  	v1 =	vand.u32 $0x7, v1;
	v2 =	vand.u32 $0xFFFFFFC0, v61  }
0x3d1: {  	v1 =	vor.u32 v1, v2  }
0x3d2: {  	v2 =	vperm.xlane v1, v0;
	_ =	sdelay $0x1  }
0x3d3: {  	v1 =	vperm.xlane v1, v4;
	v2 =	vadd.s32 v3, v2;
	_ =	sdelay $0x1  }
0x3d4: {  	v1 =	vadd.s32 v3, v1;
	_ =	sdelay $0x1  }
0x3d5: {  	s18 =	simm.s32 $0x6C00  }
0x3d6: {  	[tilespmem:s18], [sflag:$0x1] =	stream.indirect_vreg.gather [hbm4b:s6+s3], $0x80, v2, vm0, $0xb8;
	[tilespmem:$0x19C00] =	vst v63  }
0x3d7: {  	s19 =	simm.s32 $0x7400  }
0x3d8: {  	[tilespmem:s19], [sflag:$0x1] =	stream.indirect_vreg.gather [hbm4b:s6+s3], $0x80, v1, vm0, $0xb8;
	[tilespmem:$0x19C00] =	vst v63  }
0x3d9: {  	v1 =	vld [tilespmem:s10+$0x160];
	_ =	sdelay $0x4  }
0x3da: {  	v62 =	vshll.u32 v1, $0x3  }
0x3db: {  	v1 =	vand.u32 $0x7, v1;
	v2 =	vand.u32 $0xFFFFFFC0, v62  }
0x3dc: {  	v1 =	vor.u32 v1, v2  }
0x3dd: {  	v2 =	vperm.xlane v1, v0;
	_ =	sdelay $0x1  }
0x3de: {  	v1 =	vperm.xlane v1, v4;
	v2 =	vadd.s32 v3, v2;
	_ =	sdelay $0x1  }
0x3df: {  	v1 =	vadd.s32 v3, v1;
	_ =	sdelay $0x1  }
0x3e0: {  	s20 =	simm.s32 $0x7C00  }
0x3e1: {  	[tilespmem:s20], [sflag:$0x1] =	stream.indirect_vreg.gather [hbm4b:s6+s3], $0x80, v2, vm0, $0xb8;
	[tilespmem:$0x19C00] =	vst v63  }
0x3e2: {  	s21 =	simm.s32 $0x8400  }
0x3e3: {  	[tilespmem:s21], [sflag:$0x1] =	stream.indirect_vreg.gather [hbm4b:s6+s3], $0x80, v1, vm0, $0xb8;
	[tilespmem:$0x19C00] =	vst v63  }
0x3e4: {  	v1 =	vld [tilespmem:s10+$0x170];
	_ =	sdelay $0x4  }
0x3e5: {  	v63 =	vshll.u32 v1, $0x3  }
0x3e6: {  	v1 =	vand.u32 $0x7, v1;
	v2 =	vand.u32 $0xFFFFFFC0, v63  }
0x3e7: {  	v1 =	vor.u32 v1, v2  }
0x3e8: {  	v2 =	vperm.xlane v1, v0;
	_ =	sdelay $0x1  }
0x3e9: {  	v1 =	vperm.xlane v1, v4;
	v2 =	vadd.s32 v3, v2;
	_ =	sdelay $0x1  }
0x3ea: {  	v1 =	vadd.s32 v3, v1;
	_ =	sdelay $0x1  }
0x3eb: {  	s22 =	simm.s32 $0x8C00  }
0x3ec: {  	[tilespmem:s22], [sflag:$0x1] =	stream.indirect_vreg.gather [hbm4b:s6+s3], $0x80, v2, vm0, $0xb8;
	[tilespmem:$0x19C00] =	vst v63  }
0x3ed: {  	s23 =	simm.s32 $0x9400  }
0x3ee: {  	[tilespmem:s23], [sflag:$0x1] =	stream.indirect_vreg.gather [hbm4b:s6+s3], $0x80, v1, vm0, $0xb8;
	[tilespmem:$0x19C00] =	vst v63  }
.LBB2_8:
0x3ef: {  	s10 =	simm.s32 $0x0;
	v0 =	vld [tilespmem:$0x1FE70]  }
0x3f0: {  	s13 =	sand.u32 $0x70, s10  }
0x3f1: {  	v44 =	vor.u32 s13, v33  }
0x3f2: {  	s10 =	sand.u32 $0x40, s10;
	v1 =	vshll.u32 v44, $0x8  }
0x3f3: {  	s15 =	sor.u32 $0x30, s10;
	v1 =	vand.u32 $0x7800, v1  }
0x3f4: {  	v45 =	vor.u32 v0, v1;
	v1 =	vor.u32 s15, v33  }
0x3f5: {  	v2 =	vor.u32 s10, v33;
	v3 =	vor.u32 v1, v45  }
0x3f6: {  	v4 =	vor.u32 v2, v45  }
0x3f7: {  	_ =	swait.ge [sflag:s30], $0x4000;
	s16 =	sor.u32 $0x10, s10;
	s21 =	sor.u32 $0x20, s10;
	v8 =	vor.u32 s10, v35;
	v42 =	vor.u32 s10, v14;
	v57 =	vor.u32 s10, v15  }
0x3f8: {  	[sflag:s30] =	ssyncset.done $0x0;
	v49 =	vor.u32 s10, v17;
	v9 =	vor.u32 s16, v33;
	v10 =	vor.u32 s21, v33  }
0x3f9: {  	[sflag:s30] =	ssyncadd.s32 $0xFFFFC000;
	v23 =	vor.u32 s15, v35;
	v11 =	vor.u32 v9, v45;
	v1 =	vshll.u32 v1, $0x7  }
0x3fa: {  	v22 =	vor.u32 v10, v45;
	v2 =	vshll.u32 v2, $0x7;
	v1 =	vor.u32 v44, v1;
	v3 =	vld.idx.msk [tilespmem:v3+s0+$0x0], $0xffff  }
0x3fb: {  	v25 =	vor.u32 s16, v35;
	v24 =	vor.u32 v23, v45;
	v2 =	vor.u32 v44, v2;
	v4 =	vld.idx.msk [tilespmem:v4+s0+$0x0], $0xffff  }
0x3fc: {  	v26 =	vor.u32 s21, v35;
	v30 =	vor.u32 s16, v36;
	v27 =	vor.u32 v8, v45  }
0x3fd: {  	v41 =	vor.u32 s16, v14;
	v9 =	vshll.u32 v9, $0x7;
	v10 =	vshll.u32 v10, $0x7  }
0x3fe: {  	v28 =	vor.u32 v25, v45;
	v29 =	vor.u32 v26, v45;
	v9 =	vor.u32 v44, v9;
	v11 =	vld.idx.msk [tilespmem:v11+s0+$0x0], $0xffff  }
0x3ff: {  	v58 =	vor.u32 s21, v15;
	v10 =	vor.u32 v44, v10;
	v22 =	vld.idx.msk [tilespmem:v22+s0+$0x0], $0xffff;
	[tilespmem:v1+s26+$0x0] =	vst.idx.msk $0xffff, v3;
	v1 =	vshll.u32 v23, $0x7  }
0x400: {  	v26 =	vshll.u32 v26, $0x7;
	v8 =	vshll.u32 v8, $0x7;
	[tilespmem:v2+s26+$0x0] =	vst.idx.msk $0xffff, v4;
	v2 =	vld.idx.msk [tilespmem:v24+s0+$0x0], $0xffff;
	v1 =	vor.u32 v44, v1  }
0x401: {  	v8 =	vor.u32 v44, v8;
	v3 =	vor.u32 v44, v26;
	v26 =	vor.u32 s15, v36;
	v24 =	vld.idx.msk [tilespmem:v27+s0+$0x0], $0xffff  }
0x402: {  	v60 =	vor.u32 s16, v16;
	v4 =	vor.u32 s10, v36;
	v27 =	vor.u32 v26, v45  }
0x403: {  	v62 =	vor.u32 s21, v17;
	v25 =	vshll.u32 v25, $0x7;
	[tilespmem:v9+s26+$0x0] =	vst.idx.msk $0xffff, v11;
	v11 =	vor.u32 v4, v45  }
0x404: {  	v63 =	vshll.u32 v49, $0x7;
	v25 =	vor.u32 v44, v25;
	v23 =	vor.u32 s21, v36;
	[tilespmem:v10+s26+$0x0] =	vst.idx.msk $0xffff, v22  }
0x405: {  	v9 =	vshll.u32 v30, $0x7;
	v10 =	vshll.u32 v23, $0x7;
	v22 =	vor.u32 v23, v45;
	v23 =	vld.idx.msk [tilespmem:v28+s0+$0x0], $0xffff;
	[tilespmem:v1+s26+$0x0] =	vst.idx.msk $0xffff, v2  }
0x406: {  	v30 =	vor.u32 v30, v45;
	v4 =	vshll.u32 v4, $0x7;
	v2 =	vld.idx.msk [tilespmem:v29+s0+$0x0], $0xffff;
	[tilespmem:v8+s26+$0x0] =	vst.idx.msk $0xffff, v24;
	v24 =	vshll.u32 v26, $0x7  }
0x407: {  	v9 =	vor.u32 v44, v9;
	v29 =	vor.u32 s15, v12;
	v27 =	vld.idx.msk [tilespmem:v27+s0+$0x0], $0xffff;
	v24 =	vor.u32 v44, v24  }
0x408: {  	v4 =	vor.u32 v44, v4;
	v1 =	vor.u32 s10, v12;
	v11 =	vld.idx.msk [tilespmem:v11+s0+$0x0], $0xffff;
	v32 =	vor.u32 v29, v45  }
0x409: {  	v28 =	vor.u32 s16, v12;
	v10 =	vor.u32 v44, v10;
	v31 =	vor.u32 v1, v45  }
0x40a: {  	v8 =	vor.u32 s21, v12;
	v26 =	vshll.u32 v28, $0x7;
	v28 =	vor.u32 v28, v45;
	[tilespmem:v25+s26+$0x0] =	vst.idx.msk $0xffff, v23  }
0x40b: {  	v38 =	vor.u32 s16, v18;
	v39 =	vshll.u32 v8, $0x7;
	v8 =	vor.u32 v8, v45;
	v30 =	vld.idx.msk [tilespmem:v30+s0+$0x0], $0xffff;
	[tilespmem:v3+s26+$0x0] =	vst.idx.msk $0xffff, v2  }
0x40c: {  	v40 =	vor.u32 s21, v18;
	v23 =	vor.u32 v44, v26;
	v22 =	vld.idx.msk [tilespmem:v22+s0+$0x0], $0xffff;
	[tilespmem:v24+s26+$0x0] =	vst.idx.msk $0xffff, v27;
	v27 =	vshll.u32 v29, $0x7  }
0x40d: {  	v1 =	vshll.u32 v1, $0x7;
	[tilespmem:v4+s26+$0x0] =	vst.idx.msk $0xffff, v11;
	v11 =	vor.u32 s15, v13;
	v4 =	vor.u32 v44, v27;
	v27 =	vld.idx.msk [tilespmem:v32+s0+$0x0], $0xffff  }
0x40e: {  	v26 =	vor.u32 s10, v13;
	v1 =	vor.u32 v44, v1;
	v55 =	vor.u32 v11, v45;
	v31 =	vld.idx.msk [tilespmem:v31+s0+$0x0], $0xffff  }
0x40f: {  	v59 =	vshll.u32 v58, $0x7;
	v43 =	vor.u32 v41, v45;
	v54 =	vor.u32 v26, v45  }
0x410: {  	v46 =	vor.u32 v57, v45;
	v25 =	vor.u32 v44, v39;
	v2 =	vor.u32 s16, v13;
	[tilespmem:v9+s26+$0x0] =	vst.idx.msk $0xffff, v30  }
0x411: {  	v3 =	vor.u32 s21, v13;
	v24 =	vshll.u32 v2, $0x7;
	v2 =	vor.u32 v2, v45;
	v28 =	vld.idx.msk [tilespmem:v28+s0+$0x0], $0xffff;
	[tilespmem:v10+s26+$0x0] =	vst.idx.msk $0xffff, v22  }
0x412: {  	v29 =	vshll.u32 v3, $0x7;
	v3 =	vor.u32 v3, v45;
	v11 =	vshll.u32 v11, $0x7;
	v8 =	vld.idx.msk [tilespmem:v8+s0+$0x0], $0xffff;
	[tilespmem:v4+s26+$0x0] =	vst.idx.msk $0xffff, v27  }
0x413: {  	v26 =	vshll.u32 v26, $0x7;
	v11 =	vor.u32 v44, v11;
	[tilespmem:v1+s26+$0x0] =	vst.idx.msk $0xffff, v31;
	v1 =	vor.u32 s15, v14;
	v31 =	vld.idx.msk [tilespmem:v55+s0+$0x0], $0xffff  }
0x414: {  	v52 =	vor.u32 v40, v45;
	v26 =	vor.u32 v44, v26;
	v56 =	vor.u32 v1, v45;
	v39 =	vld.idx.msk [tilespmem:v54+s0+$0x0], $0xffff  }
0x415: {  	v9 =	vor.u32 s21, v14;
	v30 =	vor.u32 v42, v45;
	v24 =	vor.u32 v44, v24  }
0x416: {  	v41 =	vshll.u32 v41, $0x7;
	v29 =	vor.u32 v44, v29;
	v10 =	vor.u32 v9, v45;
	[tilespmem:v23+s26+$0x0] =	vst.idx.msk $0xffff, v28  }
0x417: {  	v22 =	vshll.u32 v42, $0x7;
	v4 =	vshll.u32 v9, $0x7;
	v27 =	vor.u32 v44, v41;
	v2 =	vld.idx.msk [tilespmem:v2+s0+$0x0], $0xffff;
	[tilespmem:v25+s26+$0x0] =	vst.idx.msk $0xffff, v8  }
0x418: {  	v9 =	vor.u32 s16, v15;
	v22 =	vor.u32 v44, v22;
	v1 =	vshll.u32 v1, $0x7;
	v3 =	vld.idx.msk [tilespmem:v3+s0+$0x0], $0xffff;
	[tilespmem:v11+s26+$0x0] =	vst.idx.msk $0xffff, v31  }
0x419: {  	v28 =	vshll.u32 v57, $0x7;
	v1 =	vor.u32 v44, v1;
	[tilespmem:v26+s26+$0x0] =	vst.idx.msk $0xffff, v39;
	v26 =	vor.u32 s15, v15;
	v32 =	vld.idx.msk [tilespmem:v56+s0+$0x0], $0xffff  }
0x41a: {  	v25 =	vor.u32 v44, v28;
	v28 =	vor.u32 s10, v16;
	v61 =	vor.u32 v26, v45;
	v30 =	vld.idx.msk [tilespmem:v30+s0+$0x0], $0xffff  }
0x41b: {  	v4 =	vor.u32 v44, v4;
	v11 =	vor.u32 s21, v16;
	v31 =	vor.u32 v28, v45  }
0x41c: {  	v28 =	vshll.u32 v28, $0x7;
	[tilespmem:v24+s26+$0x0] =	vst.idx.msk $0xffff, v2;
	v48 =	vor.u32 v11, v45;
	v11 =	vshll.u32 v11, $0x7  }
0x41d: {  	v2 =	vor.u32 v44, v11;
	v11 =	vor.u32 v44, v28;
	v28 =	vld.idx.msk [tilespmem:v43+s0+$0x0], $0xffff;
	[tilespmem:v29+s26+$0x0] =	vst.idx.msk $0xffff, v3  }
0x41e: {  	v47 =	vor.u32 v9, v45;
	v24 =	vor.u32 s16, v17;
	v26 =	vshll.u32 v26, $0x7;
	v10 =	vld.idx.msk [tilespmem:v10+s0+$0x0], $0xffff;
	[tilespmem:v1+s26+$0x0] =	vst.idx.msk $0xffff, v32  }
0x41f: {  	v42 =	vshll.u32 v60, $0x7;
	v26 =	vor.u32 v44, v26;
	v1 =	vshll.u32 v24, $0x7;
	[tilespmem:v22+s26+$0x0] =	vst.idx.msk $0xffff, v30;
	v22 =	vld.idx.msk [tilespmem:v61+s0+$0x0], $0xffff  }
0x420: {  	v23 =	vor.u32 v58, v45;
	v30 =	vor.u32 s15, v16;
	v41 =	vor.u32 v44, v1;
	v1 =	vld.idx.msk [tilespmem:v46+s0+$0x0], $0xffff  }
0x421: {  	v42 =	vor.u32 v44, v42;
	v9 =	vshll.u32 v9, $0x7;
	v37 =	vor.u32 v30, v45  }
0x422: {  	v54 =	vor.u32 s16, v19;
	v9 =	vor.u32 v44, v9;
	v8 =	vor.u32 v44, v59;
	[tilespmem:v27+s26+$0x0] =	vst.idx.msk $0xffff, v28  }
0x423: {  	v58 =	vor.u32 s15, v18;
	v59 =	vor.u32 v54, v45;
	v39 =	vor.u32 v60, v45;
	[tilespmem:v4+s26+$0x0] =	vst.idx.msk $0xffff, v10  }
0x424: {  	v50 =	vor.u32 v24, v45;
	v3 =	vor.u32 v62, v45;
	v47 =	vld.idx.msk [tilespmem:v47+s0+$0x0], $0xffff;
	[tilespmem:v26+s26+$0x0] =	vst.idx.msk $0xffff, v22  }
0x425: {  	v27 =	vor.u32 s10, v18;
	v30 =	vshll.u32 v30, $0x7;
	v10 =	vld.idx.msk [tilespmem:v23+s0+$0x0], $0xffff;
	v23 =	vshll.u32 v40, $0x7;
	[tilespmem:v25+s26+$0x0] =	vst.idx.msk $0xffff, v1  }
0x426: {  	v25 =	vor.u32 s15, v17;
	v26 =	vor.u32 v44, v23;
	v23 =	vor.u32 v44, v30;
	v1 =	vld.idx.msk [tilespmem:v37+s0+$0x0], $0xffff  }
0x427: {  	v29 =	vor.u32 v49, v45;
	v4 =	vshll.u32 v27, $0x7;
	v31 =	vld.idx.msk [tilespmem:v31+s0+$0x0], $0xffff;
	v55 =	vor.u32 v25, v45  }
0x428: {  	v24 =	vshll.u32 v62, $0x7;
	v30 =	vor.u32 v44, v4;
	v4 =	vor.u32 s10, v19  }
0x429: {  	v32 =	vor.u32 v44, v63;
	[tilespmem:v9+s26+$0x0] =	vst.idx.msk $0xffff, v47;
	v49 =	vor.u32 v4, v45;
	v4 =	vshll.u32 v4, $0x7  }
0x42a: {  	v24 =	vor.u32 v44, v24;
	v47 =	vor.u32 v44, v4;
	v4 =	vld.idx.msk [tilespmem:v39+s0+$0x0], $0xffff;
	[tilespmem:v8+s26+$0x0] =	vst.idx.msk $0xffff, v10  }
0x42b: {  	v28 =	vor.u32 v38, v45;
	v46 =	vshll.u32 v38, $0x7;
	[tilespmem:v23+s26+$0x0] =	vst.idx.msk $0xffff, v1;
	v1 =	vshll.u32 v25, $0x7;
	v25 =	vld.idx.msk [tilespmem:v48+s0+$0x0], $0xffff  }
0x42c: {  	v51 =	vor.u32 v27, v45;
	[tilespmem:v11+s26+$0x0] =	vst.idx.msk $0xffff, v31;
	v1 =	vor.u32 v44, v1;
	v31 =	vld.idx.msk [tilespmem:v55+s0+$0x0], $0xffff  }
0x42d: {  	v27 =	vor.u32 v44, v46;
	v46 =	vshll.u32 v54, $0x7;
	v22 =	vor.u32 s21, v19  }
0x42e: {  	v54 =	vor.u32 s10, v21;
	v61 =	vor.u32 v44, v46;
	v9 =	vshll.u32 v22, $0x7  }
0x42f: {  	v60 =	vor.u32 v22, v45;
	v39 =	vor.u32 v44, v9;
	v9 =	vor.u32 s16, v20;
	[tilespmem:v42+s26+$0x0] =	vst.idx.msk $0xffff, v4  }
0x430: {  	v63 =	vor.u32 v9, v45;
	v8 =	vor.u32 s10, v20;
	v10 =	vor.u32 s21, v20;
	[tilespmem:v2+s26+$0x0] =	vst.idx.msk $0xffff, v25  }
0x431: {  	v62 =	vor.u32 v8, v45;
	v11 =	vshll.u32 v9, $0x7;
	v22 =	vshll.u32 v10, $0x7;
	v9 =	vld.idx.msk [tilespmem:v29+s0+$0x0], $0xffff;
	[tilespmem:v1+s26+$0x0] =	vst.idx.msk $0xffff, v31  }
0x432: {  	v38 =	vmovc v21;
	v46 =	vor.u32 v10, v45;
	v10 =	vor.u32 s21, v21;
	v4 =	vor.u32 s16, v21;
	v21 =	vld [tilespmem:$0x1FFB0]  }
0x433: {  	v8 =	vshll.u32 v8, $0x7;
	v29 =	vor.u32 v58, v45;
	v48 =	vor.u32 v44, v11  }
0x434: {  	v23 =	vor.u32 v44, v22;
	v53 =	vor.u32 v44, v8;
	v11 =	vor.u32 v10, v45  }
0x435: {  	v22 =	vor.u32 v4, v45;
	v2 =	vshll.u32 v4, $0x7;
	v4 =	vshll.u32 v10, $0x7  }
0x436: {  	v55 =	vshll.u32 v58, $0x7;
	v8 =	vld.idx.msk [tilespmem:v50+s0+$0x0], $0xffff;
	v1 =	vor.u32 v44, v4;
	[tilespmem:v32+s26+$0x0] =	vst.idx.msk $0xffff, v9  }
0x437: {  	v42 =	vor.u32 v44, v55;
	v50 =	vld.idx.msk [tilespmem:v3+s0+$0x0], $0xffff;
	[tilespmem:$0x1FD80] =	vst v1;
	v31 =	vor.u32 s16, v21;
	v55 =	vor.u32 s21, v21  }
0x438: {  	v29 =	vld.idx.msk [tilespmem:v29+s0+$0x0], $0xffff;
	v58 =	vor.u32 v31, v45;
	v31 =	vshll.u32 v31, $0x7;
	v1 =	vor.u32 v55, v45  }
0x439: {  	v25 =	vor.u32 v54, v45;
	v10 =	vshll.u32 v54, $0x7;
	v51 =	vld.idx.msk [tilespmem:v51+s0+$0x0], $0xffff;
	[tilespmem:$0x1FD90] =	vst v1;
	v1 =	vor.u32 v44, v31  }
0x43a: {  	v57 =	vor.u32 v44, v2;
	v10 =	vor.u32 v44, v10;
	v32 =	vor.u32 s15, v19;
	[tilespmem:$0x1FDA0] =	vst v1  }
0x43b: {  	v43 =	vor.u32 v32, v45;
	v54 =	vor.u32 s10, v21;
	v31 =	vshll.u32 v55, $0x7;
	[tilespmem:v41+s26+$0x0] =	vst.idx.msk $0xffff, v8  }
0x43c: {  	v56 =	vor.u32 v54, v45;
	v55 =	vor.u32 v44, v31;
	[tilespmem:v24+s26+$0x0] =	vst.idx.msk $0xffff, v50  }
0x43d: {  	v5 =	vmovc v36;
	v31 =	vshll.u32 v32, $0x7;
	v41 =	vor.u32 s16, v34;
	v24 =	vor.u32 s10, v34;
	[tilespmem:v42+s26+$0x0] =	vst.idx.msk $0xffff, v29;
	v28 =	vld.idx.msk [tilespmem:v28+s0+$0x0], $0xffff  }
0x43e: {  	v29 =	vor.u32 s21, v34;
	v31 =	vor.u32 v44, v31;
	[tilespmem:v30+s26+$0x0] =	vst.idx.msk $0xffff, v51;
	v1 =	vor.u32 v41, v45  }
0x43f: {  	v6 =	vmovc v12;
	v50 =	vor.u32 s15, v20;
	v32 =	vld.idx.msk [tilespmem:v52+s0+$0x0], $0xffff;
	v42 =	vshll.u32 v41, $0x7;
	[tilespmem:$0x1FDB0] =	vst v1;
	v1 =	vor.u32 v29, v45  }
0x440: {  	v30 =	vor.u32 v24, v45;
	v24 =	vshll.u32 v24, $0x7;
	v41 =	vld.idx.msk [tilespmem:v43+s0+$0x0], $0xffff;
	[tilespmem:$0x1FDC0] =	vst v1;
	v1 =	vor.u32 v44, v42  }
0x441: {  	s13 =	simm.s32 $0x40;
	v51 =	vor.u32 s10, v7;
	v52 =	vor.u32 v44, v24;
	v43 =	vor.u32 v50, v45;
	v49 =	vld.idx.msk [tilespmem:v49+s0+$0x0], $0xffff;
	[tilespmem:$0x1FDE0] =	vst v1  }
0x442: {  	s23 =	sand.u32 $0x40, s13;
	v36 =	vmovc v18;
	v24 =	vor.u32 s16, v7;
	v1 =	vor.u32 v51, v45;
	[tilespmem:v27+s26+$0x0] =	vst.idx.msk $0xffff, v28;
	v28 =	vor.u32 s21, v7  }
0x443: {  	s22 =	simm.s32 $0x8;
	s18 =	sor.u32 $0x20, s23;
	v12 =	vmovc v13;
	v40 =	vor.u32 v24, v45;
	v50 =	vshll.u32 v50, $0x7;
	[tilespmem:$0x1FDD0] =	vst v1;
	v18 =	vor.u32 v28, v45  }
0x444: {  	v13 =	vmovc v14;
	s10 =	sand.u32 $0x70, s22;
	v28 =	vshll.u32 v28, $0x7;
	v1 =	vor.u32 s18, v33;
	v59 =	vld.idx.msk [tilespmem:v59+s0+$0x0], $0xffff;
	[tilespmem:v26+s26+$0x0] =	vst.idx.msk $0xffff, v32;
	v26 =	vshll.u32 v24, $0x7  }
0x445: {  	[tilespmem:v31+s26+$0x0] =	vst.idx.msk $0xffff, v41;
	v31 =	vshll.u32 v51, $0x7;
	v32 =	vor.u32 v44, v50;
	v41 =	vor.u32 s10, v33;
	v50 =	vld.idx.msk [tilespmem:v60+s0+$0x0], $0xffff  }
0x446: {  	v14 =	vmovc v15;
	v15 =	vmovc v16;
	v60 =	vor.u32 s15, v38;
	v16 =	vor.u32 v44, v26;
	v26 =	vld.idx.msk [tilespmem:v43+s0+$0x0], $0xffff;
	v51 =	vshll.u32 v41, $0x8  }
0x447: {  	s17 =	sor.u32 $0x10, s23;
	v42 =	vor.u32 v44, v28;
	[tilespmem:v47+s26+$0x0] =	vst.idx.msk $0xffff, v49;
	v49 =	vor.u32 v60, v45;
	v43 =	vand.u32 $0x7800, v51  }
0x448: {  	v28 =	vor.u32 s23, v33;
	s10 =	sor.u32 $0x30, s23;
	v47 =	vor.u32 s17, v33;
	v62 =	vld.idx.msk [tilespmem:v62+s0+$0x0], $0xffff;
	v43 =	vor.u32 v0, v43  }
0x449: {  	v2 =	vor.u32 s10, v33;
	v60 =	vshll.u32 v60, $0x7;
	v3 =	vor.u32 v28, v43;
	[tilespmem:v61+s26+$0x0] =	vst.idx.msk $0xffff, v59  }
0x44a: {  	v60 =	vor.u32 v44, v60;
	v28 =	vshll.u32 v28, $0x7;
	v59 =	vor.u32 s23, v35;
	[tilespmem:v39+s26+$0x0] =	vst.idx.msk $0xffff, v50  }
0x44b: {  	v28 =	vor.u32 v41, v28;
	v63 =	vld.idx.msk [tilespmem:v63+s0+$0x0], $0xffff;
	v39 =	vor.u32 v2, v43;
	[tilespmem:v32+s26+$0x0] =	vst.idx.msk $0xffff, v26  }
0x44c: {  	v50 =	vor.u32 v47, v43;
	v26 =	vor.u32 v1, v43;
	v32 =	vshll.u32 v47, $0x7;
	v49 =	vld.idx.msk [tilespmem:v49+s0+$0x0], $0xffff  }
0x44d: {  	v1 =	vshll.u32 v1, $0x7;
	v2 =	vshll.u32 v2, $0x7;
	[tilespmem:v53+s26+$0x0] =	vst.idx.msk $0xffff, v62;
	v53 =	vor.u32 s15, v21;
	v46 =	vld.idx.msk [tilespmem:v46+s0+$0x0], $0xffff  }
0x44e: {  	v4 =	vor.u32 v59, v43;
	v59 =	vshll.u32 v59, $0x7;
	v61 =	vor.u32 v53, v45;
	v3 =	vld.idx.msk [tilespmem:v3+s0+$0x0], $0xffff  }
0x44f: {  	v32 =	vor.u32 v41, v32;
	v9 =	vor.u32 v41, v1;
	v2 =	vor.u32 v41, v2  }
0x450: {  	v47 =	vor.u32 s18, v35;
	v59 =	vor.u32 v41, v59;
	[tilespmem:v48+s26+$0x0] =	vst.idx.msk $0xffff, v63;
	v39 =	vld.idx.msk [tilespmem:v39+s0+$0x0], $0xffff;
	v63 =	vor.u32 s10, v35  }
0x451: {  	v62 =	vor.u32 s17, v35;
	v53 =	vshll.u32 v53, $0x7;
	v50 =	vld.idx.msk [tilespmem:v50+s0+$0x0], $0xffff;
	v1 =	vor.u32 v63, v43;
	[tilespmem:v60+s26+$0x0] =	vst.idx.msk $0xffff, v49  }
0x452: {  	v8 =	vor.u32 v62, v43;
	v48 =	vor.u32 v44, v53;
	v26 =	vld.idx.msk [tilespmem:v26+s0+$0x0], $0xffff;
	[tilespmem:v23+s26+$0x0] =	vst.idx.msk $0xffff, v46  }
0x453: {  	v53 =	vor.u32 s15, v34;
	v49 =	vshll.u32 v62, $0x7;
	v60 =	vor.u32 v47, v43;
	v23 =	vld.idx.msk [tilespmem:v61+s0+$0x0], $0xffff;
	[tilespmem:v28+s26+$0x0] =	vst.idx.msk $0xffff, v3  }
0x454: {  	v46 =	vshll.u32 v47, $0x7;
	v49 =	vor.u32 v41, v49;
	v61 =	vor.u32 v53, v45;
	v4 =	vld.idx.msk [tilespmem:v4+s0+$0x0], $0xffff  }
0x455: {  	v46 =	vor.u32 v41, v46;
	v28 =	vshll.u32 v63, $0x7;
	[tilespmem:v2+s26+$0x0] =	vst.idx.msk $0xffff, v39;
	v2 =	vld.idx.msk [tilespmem:v22+s0+$0x0], $0xffff  }
0x456: {  	v28 =	vor.u32 v41, v28;
	[tilespmem:v32+s26+$0x0] =	vst.idx.msk $0xffff, v50;
	v39 =	vor.u32 s10, v5;
	v1 =	vld.idx.msk [tilespmem:v1+s0+$0x0], $0xffff  }
0x457: {  	v62 =	vor.u32 s17, v5;
	v3 =	vor.u32 s23, v5;
	[tilespmem:v9+s26+$0x0] =	vst.idx.msk $0xffff, v26;
	v63 =	vor.u32 v39, v43;
	v8 =	vld.idx.msk [tilespmem:v8+s0+$0x0], $0xffff  }
0x458: {  	v47 =	vshll.u32 v53, $0x7;
	v22 =	vor.u32 s18, v5;
	v50 =	vor.u32 v3, v43;
	v53 =	vld.idx.msk [tilespmem:v60+s0+$0x0], $0xffff;
	[tilespmem:v48+s26+$0x0] =	vst.idx.msk $0xffff, v23  }
0x459: {  	v32 =	vshll.u32 v62, $0x7;
	v62 =	vor.u32 v62, v43;
	v26 =	vor.u32 v44, v47;
	v9 =	vld.idx.msk [tilespmem:v61+s0+$0x0], $0xffff  }
0x45a: {  	v25 =	vld.idx.msk [tilespmem:v25+s0+$0x0], $0xffff;
	v3 =	vshll.u32 v3, $0x7;
	v23 =	vshll.u32 v22, $0x7;
	v22 =	vor.u32 v22, v43;
	[tilespmem:v59+s26+$0x0] =	vst.idx.msk $0xffff, v4  }
0x45b: {  	v32 =	vor.u32 v41, v32;
	v3 =	vor.u32 v41, v3;
	[tilespmem:v28+s26+$0x0] =	vst.idx.msk $0xffff, v1;
	v28 =	vshll.u32 v39, $0x7  }
0x45c: {  	v59 =	vor.u32 s10, v6;
	[tilespmem:v49+s26+$0x0] =	vst.idx.msk $0xffff, v8;
	v39 =	vld.idx.msk [tilespmem:v63+s0+$0x0], $0xffff;
	v28 =	vor.u32 v41, v28  }
0x45d: {  	v60 =	vor.u32 s18, v6;
	v4 =	vor.u32 s23, v6;
	v50 =	vld.idx.msk [tilespmem:v50+s0+$0x0], $0xffff;
	v49 =	vor.u32 v59, v43;
	[tilespmem:v46+s26+$0x0] =	vst.idx.msk $0xffff, v53  }
0x45e: {  	v48 =	vor.u32 s15, v7;
	v1 =	vor.u32 s17, v6;
	v61 =	vld.idx.msk [tilespmem:v62+s0+$0x0], $0xffff;
	[tilespmem:v26+s26+$0x0] =	vst.idx.msk $0xffff, v9;
	v9 =	vor.u32 v4, v43  }
0x45f: {  	v23 =	vor.u32 v41, v23;
	v8 =	vshll.u32 v1, $0x7;
	v1 =	vor.u32 v1, v43;
	v22 =	vld.idx.msk [tilespmem:v22+s0+$0x0], $0xffff  }
0x460: {  	[tilespmem:v10+s26+$0x0] =	vst.idx.msk $0xffff, v25;
	v45 =	vor.u32 v48, v45;
	v53 =	vshll.u32 v48, $0x7;
	v48 =	vor.u32 v60, v43  }
0x461: {  	v62 =	vshll.u32 v59, $0x7;
	[tilespmem:v28+s26+$0x0] =	vst.idx.msk $0xffff, v39  }
0x462: {  	v4 =	vshll.u32 v4, $0x7;
	v25 =	vor.u32 v41, v62;
	[tilespmem:v3+s26+$0x0] =	vst.idx.msk $0xffff, v50;
	v39 =	vld.idx.msk [tilespmem:v49+s0+$0x0], $0xffff  }
0x463: {  	v4 =	vor.u32 v41, v4;
	[tilespmem:v32+s26+$0x0] =	vst.idx.msk $0xffff, v61;
	v9 =	vld.idx.msk [tilespmem:v9+s0+$0x0], $0xffff  }
0x464: {  	v26 =	vshll.u32 v60, $0x7;
	v8 =	vor.u32 v41, v8;
	[tilespmem:v23+s26+$0x0] =	vst.idx.msk $0xffff, v22;
	v1 =	vld.idx.msk [tilespmem:v1+s0+$0x0], $0xffff  }
0x465: {  	v54 =	vshll.u32 v54, $0x7;
	[tilespmem:v57+s26+$0x0] =	vst.idx.msk $0xffff, v2;
	v26 =	vor.u32 v41, v26;
	v2 =	vld.idx.msk [tilespmem:v48+s0+$0x0], $0xffff  }
0x466: {  	v37 =	vmov v19;
	v54 =	vor.u32 v44, v54;
	v29 =	vshll.u32 v29, $0x7  }
0x467: {  	v19 =	vor.u32 v44, v29;
	v24 =	vor.u32 v44, v31;
	v49 =	vor.u32 s10, v12;
	[tilespmem:v25+s26+$0x0] =	vst.idx.msk $0xffff, v39  }
0x468: {  	v44 =	vor.u32 v44, v53;
	v53 =	vor.u32 v49, v43;
	[tilespmem:v4+s26+$0x0] =	vst.idx.msk $0xffff, v9  }
0x469: {  	v46 =	vor.u32 s23, v12;
	[tilespmem:v8+s26+$0x0] =	vst.idx.msk $0xffff, v1  }
0x46a: {  	v60 =	vor.u32 s17, v12;
	v3 =	vor.u32 v46, v43;
	[tilespmem:v26+s26+$0x0] =	vst.idx.msk $0xffff, v2  }
0x46b: {  	v50 =	vor.u32 v60, v43;
	v0 =	vld [tilespmem:$0x1FD80]  }
0x46c: {  	v57 =	vshll.u32 v49, $0x7  }
0x46d: {  	v10 =	vshll.u32 v60, $0x7;
	v28 =	vor.u32 s18, v12;
	v8 =	vor.u32 v41, v57;
	v61 =	vld.idx.msk [tilespmem:v53+s0+$0x0], $0xffff  }
0x46e: {  	v11 =	vld.idx.msk [tilespmem:v11+s0+$0x0], $0xffff;
	v46 =	vshll.u32 v46, $0x7;
	v63 =	vshll.u32 v28, $0x7;
	v28 =	vor.u32 v28, v43  }
0x46f: {  	v62 =	vor.u32 s10, v13;
	v10 =	vor.u32 v41, v10;
	v22 =	vor.u32 v41, v46;
	v3 =	vld.idx.msk [tilespmem:v3+s0+$0x0], $0xffff  }
0x470: {  	v46 =	vor.u32 s23, v13;
	v32 =	vor.u32 v41, v63;
	v63 =	vor.u32 v62, v43;
	v50 =	vld.idx.msk [tilespmem:v50+s0+$0x0], $0xffff  }
0x471: {  	v45 =	vld.idx.msk [tilespmem:v45+s0+$0x0], $0xffff;
	v23 =	vor.u32 s17, v13;
	v59 =	vor.u32 v46, v43  }
0x472: {  	v51 =	vor.u32 s18, v13;
	v47 =	vor.u32 s23, v14;
	v48 =	vor.u32 v23, v43;
	v25 =	vld.idx.msk [tilespmem:v56+s0+$0x0], $0xffff;
	[tilespmem:v8+s26+$0x0] =	vst.idx.msk $0xffff, v61  }
0x473: {  	v60 =	vor.u32 v51, v43;
	v23 =	vshll.u32 v23, $0x7;
	[tilespmem:v0+s26+$0x0] =	vst.idx.msk $0xffff, v11;
	v11 =	vld.idx.msk [tilespmem:v28+s0+$0x0], $0xffff;
	v28 =	vshll.u32 v47, $0x7  }
0x474: {  	v23 =	vor.u32 v41, v23;
	v0 =	vld [tilespmem:$0x1FD90];
	[tilespmem:v22+s26+$0x0] =	vst.idx.msk $0xffff, v3;
	v3 =	vor.u32 v41, v28;
	v28 =	vshll.u32 v62, $0x7  }
0x475: {  	v4 =	vshll.u32 v46, $0x7;
	v39 =	vld.idx.msk [tilespmem:v63+s0+$0x0], $0xffff;
	[tilespmem:v10+s26+$0x0] =	vst.idx.msk $0xffff, v50;
	v10 =	vor.u32 v41, v28;
	v28 =	vor.u32 s10, v14  }
0x476: {  	v9 =	vshll.u32 v51, $0x7;
	v4 =	vor.u32 v41, v4;
	v49 =	vld.idx.msk [tilespmem:v59+s0+$0x0], $0xffff;
	v61 =	vor.u32 v28, v43  }
0x477: {  	v1 =	vor.u32 s17, v14;
	v56 =	vor.u32 v47, v43;
	v22 =	vor.u32 s18, v15;
	[tilespmem:v44+s26+$0x0] =	vst.idx.msk $0xffff, v45;
	v44 =	vld.idx.msk [tilespmem:v48+s0+$0x0], $0xffff  }
0x478: {  	v57 =	vor.u32 v1, v43;
	v48 =	vor.u32 v22, v43;
	v22 =	vshll.u32 v22, $0x7;
	[tilespmem:v32+s26+$0x0] =	vst.idx.msk $0xffff, v11  }
0x479: {  	v9 =	vor.u32 v41, v9;
	[tilespmem:v54+s26+$0x0] =	vst.idx.msk $0xffff, v25;
	v45 =	vor.u32 v41, v22;
	v22 =	vld.idx.msk [tilespmem:v60+s0+$0x0], $0xffff  }
0x47a: {  	v26 =	vld.idx.msk [tilespmem:v58+s0+$0x0], $0xffff;
	v25 =	vor.u32 s17, v17;
	[tilespmem:v10+s26+$0x0] =	vst.idx.msk $0xffff, v39  }
0x47b: {  	v2 =	vor.u32 s18, v14;
	v54 =	vor.u32 v25, v43;
	[tilespmem:v4+s26+$0x0] =	vst.idx.msk $0xffff, v49;
	v10 =	vshll.u32 v25, $0x7;
	v25 =	vld.idx.msk [tilespmem:v61+s0+$0x0], $0xffff  }
0x47c: {  	v58 =	vor.u32 v2, v43;
	v28 =	vshll.u32 v28, $0x7;
	[tilespmem:v23+s26+$0x0] =	vst.idx.msk $0xffff, v44;
	v39 =	vld.idx.msk [tilespmem:v56+s0+$0x0], $0xffff  }
0x47d: {  	v28 =	vor.u32 v41, v28;
	v63 =	vld.idx.msk [tilespmem:v57+s0+$0x0], $0xffff  }
0x47e: {  	v1 =	vshll.u32 v1, $0x7;
	v8 =	vld.idx.msk [tilespmem:v0+s0+$0x0], $0xffff;
	[tilespmem:v9+s26+$0x0] =	vst.idx.msk $0xffff, v22  }
0x47f: {  	v1 =	vor.u32 v41, v1;
	v0 =	vld [tilespmem:$0x1FDA0]  }
0x480: {  	v2 =	vshll.u32 v2, $0x7  }
0x481: {  	v2 =	vor.u32 v41, v2;
	v22 =	vld.idx.msk [tilespmem:v58+s0+$0x0], $0xffff  }
0x482: {  	[tilespmem:v28+s26+$0x0] =	vst.idx.msk $0xffff, v25  }
0x483: {  	[tilespmem:v3+s26+$0x0] =	vst.idx.msk $0xffff, v39  }
0x484: {  	v53 =	vor.u32 s17, v15;
	[tilespmem:v1+s26+$0x0] =	vst.idx.msk $0xffff, v63  }
0x485: {  	v59 =	vor.u32 v53, v43;
	v53 =	vshll.u32 v53, $0x7;
	[tilespmem:v55+s26+$0x0] =	vst.idx.msk $0xffff, v8  }
0x486: {  	v32 =	vor.u32 v41, v53;
	v53 =	vor.u32 s23, v17;
	[tilespmem:v2+s26+$0x0] =	vst.idx.msk $0xffff, v22  }
0x487: {  	v46 =	vor.u32 s23, v15;
	v62 =	vshll.u32 v53, $0x7;
	v61 =	vor.u32 s10, v15;
	[tilespmem:v0+s26+$0x0] =	vst.idx.msk $0xffff, v26  }
0x488: {  	v4 =	vor.u32 v53, v43;
	v53 =	vor.u32 v41, v10;
	v10 =	vor.u32 v61, v43;
	v0 =	vld [tilespmem:$0x1FDB0]  }
0x489: {  	v50 =	vor.u32 v46, v43;
	v11 =	vshll.u32 v46, $0x7;
	v46 =	vor.u32 s18, v17  }
0x48a: {  	v51 =	vor.u32 s17, v36;
	v23 =	vshll.u32 v46, $0x7  }
0x48b: {  	v57 =	vor.u32 v41, v23;
	v23 =	vor.u32 s18, v36;
	v8 =	vshll.u32 v51, $0x7  }
0x48c: {  	v30 =	vld.idx.msk [tilespmem:v30+s0+$0x0], $0xffff;
	v29 =	vor.u32 v41, v8;
	v8 =	vshll.u32 v23, $0x7  }
0x48d: {  	v13 =	vor.u32 v41, v8;
	v8 =	vld.idx.msk [tilespmem:v10+s0+$0x0], $0xffff;
	v10 =	vshll.u32 v61, $0x7  }
0x48e: {  	v10 =	vor.u32 v41, v10  }
0x48f: {  	v56 =	vor.u32 v23, v43;
	v1 =	vor.u32 s18, v37;
	v23 =	vld.idx.msk [tilespmem:v50+s0+$0x0], $0xffff  }
0x490: {  	v2 =	vld.idx.msk [tilespmem:v0+s0+$0x0], $0xffff;
	v0 =	vor.u32 v1, v43  }
0x491: {  	v61 =	vld.idx.msk [tilespmem:v59+s0+$0x0], $0xffff;
	[tilespmem:$0x1FE00] =	vst v0  }
0x492: {  	[tilespmem:v52+s26+$0x0] =	vst.idx.msk $0xffff, v30  }
0x493: {  	[tilespmem:v10+s26+$0x0] =	vst.idx.msk $0xffff, v8  }
0x494: {  	v0 =	vld [tilespmem:$0x1FDC0];
	_ =	sdelay $0x1  }
0x495: {  	v11 =	vor.u32 v41, v11;
	_ =	sdelay $0x4  }
0x496: {  	v60 =	vor.u32 v46, v43;
	v28 =	vor.u32 s10, v17;
	[tilespmem:v11+s26+$0x0] =	vst.idx.msk $0xffff, v23  }
0x497: {  	v46 =	vor.u32 v41, v62;
	v62 =	vor.u32 v28, v43;
	[tilespmem:v32+s26+$0x0] =	vst.idx.msk $0xffff, v61;
	v52 =	vld.idx.msk [tilespmem:v0+s0+$0x0], $0xffff  }
0x498: {  	v0 =	vld [tilespmem:$0x1FDD0]  }
0x499: {  	v30 =	vld.idx.msk [tilespmem:v48+s0+$0x0], $0xffff;
	_ =	sdelay $0x1  }
0x49a: {  	v10 =	vshll.u32 v28, $0x7  }
0x49b: {  	v49 =	vor.u32 s10, v36;
	v28 =	vld.idx.msk [tilespmem:v62+s0+$0x0], $0xffff;
	v32 =	vor.u32 v41, v10  }
0x49c: {  	v9 =	vor.u32 s23, v36;
	v63 =	vor.u32 s17, v20;
	v48 =	vor.u32 v49, v43;
	v58 =	vld.idx.msk [tilespmem:v4+s0+$0x0], $0xffff  }
0x49d: {  	v47 =	vor.u32 s18, v20;
	v55 =	vor.u32 v9, v43;
	v8 =	vshll.u32 v63, $0x7;
	v50 =	vld.idx.msk [tilespmem:v54+s0+$0x0], $0xffff;
	[tilespmem:v45+s26+$0x0] =	vst.idx.msk $0xffff, v30  }
0x49e: {  	v11 =	vshll.u32 v47, $0x7;
	v10 =	vor.u32 v41, v8;
	v30 =	vor.u32 s17, v38;
	v61 =	vld.idx.msk [tilespmem:v60+s0+$0x0], $0xffff  }
0x49f: {  	v8 =	vor.u32 v41, v11;
	v11 =	vor.u32 v30, v43;
	v30 =	vshll.u32 v30, $0x7;
	v54 =	vld.idx.msk [tilespmem:v0+s0+$0x0], $0xffff  }
0x4a0: {  	v26 =	vor.u32 v51, v43;
	v62 =	vor.u32 v41, v30;
	v30 =	vshll.u32 v49, $0x7;
	v0 =	vld [tilespmem:$0x1FDE0];
	[tilespmem:v32+s26+$0x0] =	vst.idx.msk $0xffff, v28  }
0x4a1: {  	v9 =	vshll.u32 v9, $0x7;
	v30 =	vor.u32 v41, v30;
	[tilespmem:v46+s26+$0x0] =	vst.idx.msk $0xffff, v58;
	v32 =	vld.idx.msk [tilespmem:v48+s0+$0x0], $0xffff  }
0x4a2: {  	v44 =	vor.u32 v41, v9;
	v9 =	vor.u32 s23, v37;
	[tilespmem:v53+s26+$0x0] =	vst.idx.msk $0xffff, v50;
	v49 =	vld.idx.msk [tilespmem:v55+s0+$0x0], $0xffff  }
0x4a3: {  	v27 =	vor.u32 v9, v43;
	v9 =	vshll.u32 v9, $0x7;
	[tilespmem:v19+s26+$0x0] =	vst.idx.msk $0xffff, v52  }
0x4a4: {  	v3 =	vor.u32 s17, v37;
	v17 =	vor.u32 v41, v9;
	[tilespmem:v57+s26+$0x0] =	vst.idx.msk $0xffff, v61  }
0x4a5: {  	v59 =	vor.u32 s18, v38;
	v51 =	vor.u32 v3, v43;
	v3 =	vshll.u32 v3, $0x7;
	v26 =	vld.idx.msk [tilespmem:v26+s0+$0x0], $0xffff;
	[tilespmem:v24+s26+$0x0] =	vst.idx.msk $0xffff, v54  }
0x4a6: {  	v22 =	vshll.u32 v1, $0x7;
	v1 =	vor.u32 v41, v3;
	v3 =	vor.u32 s23, v20;
	v55 =	vld.idx.msk [tilespmem:v56+s0+$0x0], $0xffff;
	[tilespmem:v30+s26+$0x0] =	vst.idx.msk $0xffff, v32  }
0x4a7: {  	v9 =	vor.u32 v41, v22;
	v22 =	vor.u32 v3, v43;
	v3 =	vshll.u32 v3, $0x7;
	[tilespmem:v44+s26+$0x0] =	vst.idx.msk $0xffff, v49  }
0x4a8: {  	v3 =	vor.u32 v41, v3;
	v23 =	vor.u32 v63, v43;
	v24 =	vld.idx.msk [tilespmem:v18+s0+$0x0], $0xffff;
	[tilespmem:v0+s26+$0x0] =	vst.idx.msk $0xffff, v2  }
0x4a9: {  	v63 =	vor.u32 v59, v43;
	v4 =	vor.u32 v47, v43;
	v45 =	vshll.u32 v59, $0x7;
	v47 =	vld.idx.msk [tilespmem:v40+s0+$0x0], $0xffff;
	[tilespmem:$0x1FDF0] =	vst v34  }
0x4aa: {  	v59 =	vor.u32 v41, v45;
	v46 =	vor.u32 s17, v21;
	v48 =	vor.u32 s10, v37;
	[tilespmem:v29+s26+$0x0] =	vst.idx.msk $0xffff, v26  }
0x4ab: {  	v60 =	vor.u32 v46, v43;
	v46 =	vshll.u32 v46, $0x7;
	v45 =	vor.u32 v48, v43;
	[tilespmem:v13+s26+$0x0] =	vst.idx.msk $0xffff, v55  }
0x4ac: {  	v52 =	vor.u32 v41, v46;
	v54 =	vor.u32 s23, v7;
	v30 =	vor.u32 s23, v34;
	v0 =	vld [tilespmem:$0x1FE00]  }
0x4ad: {  	v49 =	vor.u32 s18, v34;
	v2 =	vor.u32 s23, v38;
	v38 =	vor.u32 s23, v21  }
0x4ae: {  	v39 =	vor.u32 v2, v43;
	v2 =	vshll.u32 v2, $0x7;
	v40 =	vor.u32 s18, v21  }
0x4af: {  	v61 =	vor.u32 v38, v43;
	v50 =	vshll.u32 v38, $0x7;
	v57 =	vor.u32 v40, v43  }
0x4b0: {  	v38 =	vshll.u32 v40, $0x7;
	v40 =	vor.u32 s17, v34;
	v34 =	vshll.u32 v48, $0x7  }
0x4b1: {  	v56 =	vor.u32 v30, v43;
	v2 =	vor.u32 v41, v2;
	v31 =	vld.idx.msk [tilespmem:v45+s0+$0x0], $0xffff;
	v44 =	vor.u32 v41, v34  }
0x4b2: {  	v18 =	vmovc v15;
	v58 =	vor.u32 v41, v50;
	v29 =	vor.u32 s10, v20;
	v25 =	vld.idx.msk [tilespmem:v27+s0+$0x0], $0xffff;
	v27 =	vshll.u32 v30, $0x7  }
0x4b3: {  	v15 =	vmovc v12;
	v55 =	vor.u32 v49, v43;
	v30 =	vshll.u32 v49, $0x7;
	v28 =	vor.u32 v29, v43;
	v26 =	vld.idx.msk [tilespmem:v51+s0+$0x0], $0xffff  }
0x4b4: {  	v13 =	vmov v5;
	v50 =	vor.u32 v41, v38;
	v49 =	vor.u32 v41, v27;
	v27 =	vld.idx.msk [tilespmem:v0+s0+$0x0], $0xffff;
	[tilespmem:$0x1FE10] =	vst v7  }
0x4b5: {  	v38 =	vshll.u32 v40, $0x7;
	v53 =	vor.u32 v40, v43;
	v45 =	vor.u32 v41, v30;
	[tilespmem:v16+s26+$0x0] =	vst.idx.msk $0xffff, v47  }
0x4b6: {  	v20 =	vmovc v36;
	v30 =	vor.u32 s17, v7;
	v40 =	vor.u32 s18, v7;
	v51 =	vor.u32 v54, v43;
	[tilespmem:v44+s26+$0x0] =	vst.idx.msk $0xffff, v31  }
0x4b7: {  	v29 =	vshll.u32 v29, $0x7;
	v46 =	vor.u32 v41, v38;
	v47 =	vor.u32 v30, v43;
	[tilespmem:v17+s26+$0x0] =	vst.idx.msk $0xffff, v25  }
0x4b8: {  	s16 =	simm.s32 $0x10;
	s15 =	simm.s32 $0x4;
	v48 =	vshll.u32 v30, $0x7;
	v44 =	vor.u32 v40, v43;
	v25 =	vshll.u32 v40, $0x7;
	v17 =	vmovc v14;
	v14 =	vmovc v6;
	v28 =	vld.idx.msk [tilespmem:v28+s0+$0x0], $0xffff  }
.LBB2_9:
0x4b9: {  	v16 =	vld [tilespmem:$0x1FFD0]  }
0x4ba: {  	v22 =	vld.idx.msk [tilespmem:v22+s0+$0x0], $0xffff;
	v30 =	vshll.u32 v54, $0x7;
	s13 =	sadd.s32 $0x40, s13  }
0x4bb: {  	v48 =	vor.u32 v41, v48;
	v0 =	vld [tilespmem:$0x1FE70];
	s23 =	sand.u32 $0x40, s13;
	v54 =	vor.u32 v41, v30  }
0x4bc: {  	s17 =	sand.u32 $0x70, s16;
	v30 =	vor.u32 s23, v35;
	s18 =	sor.u32 $0x10, s23;
	[tilespmem:v9+s26+$0x0] =	vst.idx.msk $0xffff, v27;
	v9 =	vor.u32 v41, v25;
	v25 =	vor.u32 s23, v33  }
0x4bd: {  	v40 =	vor.u32 s18, v13;
	[tilespmem:v1+s26+$0x0] =	vst.idx.msk $0xffff, v26;
	v26 =	vor.u32 v41, v29;
	v1 =	vor.u32 s17, v33  }
0x4be: {  	v4 =	vld.idx.msk [tilespmem:v4+s0+$0x0], $0xffff;
	[tilespmem:v42+s26+$0x0] =	vst.idx.msk $0xffff, v24;
	v24 =	vor.u32 s18, v33;
	v29 =	vor.u32 s10, v16;
	v32 =	vshll.u32 v1, $0x8  }
0x4bf: {  	s20 =	sor.u32 $0x30, s23;
	[tilespmem:v3+s26+$0x0] =	vst.idx.msk $0xffff, v22;
	v22 =	vor.u32 s10, v21;
	v31 =	vor.u32 v29, v43;
	v27 =	vand.u32 $0x7800, v32  }
0x4c0: {  	s19 =	sor.u32 $0x20, s23;
	v42 =	vmovc v9;
	v23 =	vld.idx.msk [tilespmem:v23+s0+$0x0], $0xffff;
	v29 =	vshll.u32 v29, $0x7;
	v9 =	vor.u32 v0, v27;
	v27 =	vor.u32 s20, v33  }
0x4c1: {  	v0 =	vlaneseq.u32;
	v3 =	vor.u32 v41, v29;
	v33 =	vld.idx.msk [tilespmem:v39+s0+$0x0], $0xffff;
	v39 =	vor.u32 s19, v35  }
0x4c2: {  	v32 =	vor.u32 v25, v9;
	v38 =	vor.u32 s19, v0;
	v34 =	vor.u32 v27, v9  }
0x4c3: {  	v19 =	vld [tilespmem:$0x1FDF0];
	v25 =	vshll.u32 v25, $0x7;
	v27 =	vshll.u32 v27, $0x7;
	[tilespmem:v26+s26+$0x0] =	vst.idx.msk $0xffff, v28;
	v26 =	vor.u32 v24, v9  }
0x4c4: {  	v7 =	vld [tilespmem:$0x1FE10];
	v28 =	vor.u32 v38, v9;
	v24 =	vshll.u32 v24, $0x7;
	v29 =	vshll.u32 v38, $0x7;
	[tilespmem:v8+s26+$0x0] =	vst.idx.msk $0xffff, v4  }
0x4c5: {  	v8 =	vor.u32 v30, v9;
	v27 =	vor.u32 v1, v27;
	[tilespmem:v10+s26+$0x0] =	vst.idx.msk $0xffff, v23;
	v31 =	vld.idx.msk [tilespmem:v31+s0+$0x0], $0xffff  }
0x4c6: {  	v30 =	vshll.u32 v30, $0x7;
	v10 =	vor.u32 v22, v43;
	v23 =	vor.u32 v1, v25;
	v11 =	vld.idx.msk [tilespmem:v11+s0+$0x0], $0xffff  }
0x4c7: {  	v24 =	vor.u32 v1, v24;
	v25 =	vor.u32 v1, v29;
	v29 =	vor.u32 s18, v35;
	v34 =	vld.idx.msk [tilespmem:v34+s0+$0x0], $0xffff  }
0x4c8: {  	v12 =	vmovc v35;
	v22 =	vshll.u32 v22, $0x7;
	v30 =	vor.u32 v1, v30;
	v4 =	vld.idx.msk [tilespmem:v32+s0+$0x0], $0xffff;
	v32 =	vor.u32 s20, v35  }
0x4c9: {  	v35 =	vor.u32 v29, v9;
	[tilespmem:v2+s26+$0x0] =	vst.idx.msk $0xffff, v33;
	v26 =	vld.idx.msk [tilespmem:v26+s0+$0x0], $0xffff;
	v36 =	vor.u32 v32, v9  }
0x4ca: {  	v2 =	vor.u32 v41, v22;
	v22 =	vor.u32 s10, v19;
	v33 =	vld.idx.msk [tilespmem:v63+s0+$0x0], $0xffff;
	[tilespmem:v3+s26+$0x0] =	vst.idx.msk $0xffff, v31;
	v3 =	vshll.u32 v29, $0x7  }
0x4cb: {  	v28 =	vld.idx.msk [tilespmem:v28+s0+$0x0], $0xffff;
	v29 =	vor.u32 v39, v9;
	v31 =	vshll.u32 v39, $0x7;
	v39 =	vor.u32 v22, v43  }
0x4cc: {  	v32 =	vshll.u32 v32, $0x7;
	v22 =	vshll.u32 v22, $0x7;
	v10 =	vld.idx.msk [tilespmem:v10+s0+$0x0], $0xffff;
	v3 =	vor.u32 v1, v3;
	[tilespmem:v27+s26+$0x0] =	vst.idx.msk $0xffff, v34  }
0x4cd: {  	v31 =	vor.u32 v1, v31;
	v22 =	vor.u32 v41, v22;
	[tilespmem:v23+s26+$0x0] =	vst.idx.msk $0xffff, v4;
	v4 =	vor.u32 s23, v13  }
0x4ce: {  	v27 =	vld.idx.msk [tilespmem:v36+s0+$0x0], $0xffff;
	[tilespmem:v24+s26+$0x0] =	vst.idx.msk $0xffff, v26;
	v24 =	vshll.u32 v40, $0x7;
	v26 =	vor.u32 v1, v32;
	v32 =	vor.u32 s20, v13  }
0x4cf: {  	v8 =	vld.idx.msk [tilespmem:v8+s0+$0x0], $0xffff;
	v34 =	vor.u32 v4, v9;
	v4 =	vshll.u32 v4, $0x7;
	v36 =	vor.u32 v32, v9  }
0x4d0: {  	[tilespmem:v25+s26+$0x0] =	vst.idx.msk $0xffff, v28;
	v35 =	vld.idx.msk [tilespmem:v35+s0+$0x0], $0xffff;
	v24 =	vor.u32 v1, v24;
	v4 =	vor.u32 v1, v4  }
0x4d1: {  	v23 =	vor.u32 s19, v13;
	v28 =	vld.idx.msk [tilespmem:v29+s0+$0x0], $0xffff;
	v29 =	vor.u32 s10, v7;
	[tilespmem:v2+s26+$0x0] =	vst.idx.msk $0xffff, v10;
	v2 =	vor.u32 v40, v9  }
0x4d2: {  	v0 =	vld [tilespmem:$0x1FFF0];
	[tilespmem:v62+s26+$0x0] =	vst.idx.msk $0xffff, v11;
	v10 =	vshll.u32 v23, $0x7;
	v23 =	vor.u32 v23, v9;
	v11 =	vor.u32 v29, v43  }
0x4d3: {  	v40 =	vor.u32 s19, v15;
	v25 =	vld.idx.msk [tilespmem:v39+s0+$0x0], $0xffff;
	v39 =	vor.u32 s18, v14;
	v10 =	vor.u32 v1, v10;
	[tilespmem:v26+s26+$0x0] =	vst.idx.msk $0xffff, v27  }
0x4d4: {  	s10 =	smov.u32 s20;
	v43 =	vmovc v9;
	[tilespmem:v30+s26+$0x0] =	vst.idx.msk $0xffff, v8;
	v8 =	vor.u32 s23, v14;
	v26 =	vor.u32 s19, v14;
	v30 =	vshll.u32 v32, $0x7;
	v27 =	vld.idx.msk [tilespmem:v36+s0+$0x0], $0xffff  }
0x4d5: {  	v32 =	vor.u32 s10, v14;
	v9 =	vld.idx.msk [tilespmem:v34+s0+$0x0], $0xffff;
	[tilespmem:v3+s26+$0x0] =	vst.idx.msk $0xffff, v35;
	v3 =	vshll.u32 v39, $0x7;
	v30 =	vor.u32 v1, v30  }
0x4d6: {  	v62 =	vor.u32 v8, v43;
	v63 =	vor.u32 v32, v43;
	[tilespmem:v31+s26+$0x0] =	vst.idx.msk $0xffff, v28;
	v28 =	vshll.u32 v29, $0x7  }
0x4d7: {  	v8 =	vshll.u32 v8, $0x7;
	v29 =	vor.u32 s23, v15;
	v2 =	vld.idx.msk [tilespmem:v2+s0+$0x0], $0xffff;
	v28 =	vor.u32 v41, v28  }
0x4d8: {  	v23 =	vld.idx.msk [tilespmem:v23+s0+$0x0], $0xffff;
	v41 =	vmov v1;
	[tilespmem:v22+s26+$0x0] =	vst.idx.msk $0xffff, v25;
	v22 =	vor.u32 v39, v43;
	v25 =	vshll.u32 v26, $0x7  }
0x4d9: {  	v26 =	vor.u32 v26, v43;
	v1 =	vor.u32 v41, v8;
	v3 =	vor.u32 v41, v3;
	v11 =	vld.idx.msk [tilespmem:v11+s0+$0x0], $0xffff  }
0x4da: {  	v31 =	vor.u32 s18, v15;
	v8 =	vor.u32 v41, v25;
	v25 =	vld.idx.msk [tilespmem:v61+s0+$0x0], $0xffff;
	v61 =	vor.u32 s19, v0;
	[tilespmem:v30+s26+$0x0] =	vst.idx.msk $0xffff, v27  }
0x4db: {  	[tilespmem:v4+s26+$0x0] =	vst.idx.msk $0xffff, v9;
	v4 =	vor.u32 v29, v43;
	v9 =	vshll.u32 v31, $0x7;
	v30 =	vshll.u32 v32, $0x7;
	v27 =	vld.idx.msk [tilespmem:v63+s0+$0x0], $0xffff  }
0x4dc: {  	v31 =	vor.u32 v31, v43;
	v32 =	vld.idx.msk [tilespmem:v62+s0+$0x0], $0xffff;
	v9 =	vor.u32 v41, v9;
	v63 =	vor.u32 v61, v43  }
0x4dd: {  	[tilespmem:v24+s26+$0x0] =	vst.idx.msk $0xffff, v2;
	v2 =	vshll.u32 v40, $0x7;
	v24 =	vor.u32 v41, v30;
	v30 =	vor.u32 s10, v15  }
0x4de: {  	[tilespmem:v10+s26+$0x0] =	vst.idx.msk $0xffff, v23;
	v10 =	vor.u32 v40, v43;
	v23 =	vor.u32 s18, v0;
	v40 =	vor.u32 s23, v17;
	v22 =	vld.idx.msk [tilespmem:v22+s0+$0x0], $0xffff  }
0x4df: {  	v34 =	vor.u32 v30, v43;
	v26 =	vld.idx.msk [tilespmem:v26+s0+$0x0], $0xffff;
	v2 =	vor.u32 v41, v2;
	[tilespmem:v59+s26+$0x0] =	vst.idx.msk $0xffff, v33  }
0x4e0: {  	v36 =	vld.idx.msk [tilespmem:v60+s0+$0x0], $0xffff;
	v60 =	vor.u32 v40, v43;
	[tilespmem:v28+s26+$0x0] =	vst.idx.msk $0xffff, v11;
	v11 =	vshll.u32 v29, $0x7;
	v28 =	vor.u32 s23, v0  }
0x4e1: {  	v29 =	vor.u32 v23, v43;
	v23 =	vshll.u32 v23, $0x7;
	v11 =	vor.u32 v41, v11;
	[tilespmem:v1+s26+$0x0] =	vst.idx.msk $0xffff, v32  }
0x4e2: {  	v62 =	vor.u32 v28, v43;
	v23 =	vor.u32 v41, v23;
	[tilespmem:v24+s26+$0x0] =	vst.idx.msk $0xffff, v27  }
0x4e3: {  	v1 =	vshll.u32 v28, $0x7;
	v28 =	vshll.u32 v30, $0x7;
	v32 =	vshll.u32 v40, $0x7;
	v4 =	vld.idx.msk [tilespmem:v4+s0+$0x0], $0xffff;
	[tilespmem:v58+s26+$0x0] =	vst.idx.msk $0xffff, v25  }
0x4e4: {  	v24 =	vshll.u32 v61, $0x7;
	v1 =	vor.u32 v41, v1;
	v25 =	vor.u32 s18, v18;
	v27 =	vld.idx.msk [tilespmem:v34+s0+$0x0], $0xffff;
	[tilespmem:v3+s26+$0x0] =	vst.idx.msk $0xffff, v22  }
0x4e5: {  	v3 =	vor.u32 s18, v17;
	v22 =	vor.u32 v41, v28;
	v28 =	vor.u32 s10, v0;
	[tilespmem:v8+s26+$0x0] =	vst.idx.msk $0xffff, v26;
	v30 =	vld.idx.msk [tilespmem:v31+s0+$0x0], $0xffff  }
0x4e6: {  	v8 =	vor.u32 s19, v17;
	v31 =	vor.u32 v28, v43;
	v26 =	vld.idx.msk [tilespmem:v57+s0+$0x0], $0xffff;
	v61 =	vor.u32 v3, v43  }
0x4e7: {  	v10 =	vld.idx.msk [tilespmem:v10+s0+$0x0], $0xffff;
	v57 =	vor.u32 v8, v43;
	v3 =	vshll.u32 v3, $0x7;
	v8 =	vshll.u32 v8, $0x7  }
0x4e8: {  	v24 =	vor.u32 v41, v24;
	v0 =	vld [tilespmem:$0x1FFE0];
	v3 =	vor.u32 v41, v3;
	v8 =	vor.u32 v41, v8  }
0x4e9: {  	[tilespmem:v11+s26+$0x0] =	vst.idx.msk $0xffff, v4;
	v4 =	vor.u32 v41, v32;
	v32 =	vor.u32 v25, v43;
	v25 =	vshll.u32 v25, $0x7  }
0x4ea: {  	[tilespmem:v22+s26+$0x0] =	vst.idx.msk $0xffff, v27;
	v27 =	vshll.u32 v28, $0x7;
	v28 =	vld.idx.msk [tilespmem:v62+s0+$0x0], $0xffff;
	v25 =	vor.u32 v41, v25  }
0x4eb: {  	v11 =	vor.u32 s19, v18;
	v22 =	vld.idx.msk [tilespmem:v31+s0+$0x0], $0xffff;
	v31 =	vor.u32 s23, v18;
	[tilespmem:v9+s26+$0x0] =	vst.idx.msk $0xffff, v30;
	v9 =	vor.u32 v41, v27  }
0x4ec: {  	v27 =	vor.u32 s10, v17;
	[tilespmem:v2+s26+$0x0] =	vst.idx.msk $0xffff, v10;
	v2 =	vor.u32 v11, v43;
	v10 =	vshll.u32 v11, $0x7;
	v11 =	vld.idx.msk [tilespmem:v56+s0+$0x0], $0xffff  }
0x4ed: {  	v40 =	vor.u32 s23, v0;
	v30 =	vor.u32 v31, v43;
	v29 =	vld.idx.msk [tilespmem:v29+s0+$0x0], $0xffff;
	v62 =	vor.u32 v27, v43  }
0x4ee: {  	v31 =	vshll.u32 v31, $0x7;
	v39 =	vld.idx.msk [tilespmem:v63+s0+$0x0], $0xffff;
	v56 =	vor.u32 v41, v10;
	v63 =	vor.u32 s19, v0  }
0x4ef: {  	[tilespmem:v52+s26+$0x0] =	vst.idx.msk $0xffff, v36;
	v10 =	vor.u32 v41, v31;
	v31 =	vor.u32 s18, v0;
	v59 =	vor.u32 v63, v43  }
0x4f0: {  	v52 =	vor.u32 v31, v43;
	[tilespmem:v1+s26+$0x0] =	vst.idx.msk $0xffff, v28;
	v28 =	vor.u32 v40, v43  }
0x4f1: {  	v38 =	vld [tilespmem:$0x1FFC0];
	v1 =	vshll.u32 v31, $0x7;
	v31 =	vshll.u32 v40, $0x7;
	[tilespmem:v9+s26+$0x0] =	vst.idx.msk $0xffff, v22;
	v22 =	vshll.u32 v27, $0x7  }
0x4f2: {  	v27 =	vld.idx.msk [tilespmem:v60+s0+$0x0], $0xffff;
	v34 =	vor.u32 v41, v1;
	v31 =	vor.u32 v41, v31;
	[tilespmem:v23+s26+$0x0] =	vst.idx.msk $0xffff, v29  }
0x4f3: {  	v9 =	vld.idx.msk [tilespmem:v62+s0+$0x0], $0xffff;
	v23 =	vshll.u32 v63, $0x7;
	v22 =	vor.u32 v41, v22;
	v29 =	vor.u32 s10, v18;
	[tilespmem:v24+s26+$0x0] =	vst.idx.msk $0xffff, v39  }
0x4f4: {  	v62 =	vor.u32 s19, v20;
	v60 =	vld.idx.msk [tilespmem:v61+s0+$0x0], $0xffff;
	v1 =	vor.u32 v29, v43;
	v24 =	vor.u32 v41, v23  }
0x4f5: {  	v61 =	vor.u32 s18, v20;
	v23 =	vor.u32 s23, v20;
	v39 =	vld.idx.msk [tilespmem:v57+s0+$0x0], $0xffff;
	[tilespmem:v50+s26+$0x0] =	vst.idx.msk $0xffff, v26;
	v50 =	vor.u32 v62, v43  }
0x4f6: {  	v53 =	vld.idx.msk [tilespmem:v53+s0+$0x0], $0xffff;
	v57 =	vshll.u32 v62, $0x7;
	v36 =	vor.u32 v61, v43;
	v26 =	vor.u32 v23, v43  }
0x4f7: {  	v35 =	vshll.u32 v61, $0x7;
	v23 =	vshll.u32 v23, $0x7;
	v58 =	vld.idx.msk [tilespmem:v55+s0+$0x0], $0xffff;
	v55 =	vor.u32 v41, v57  }
0x4f8: {  	v35 =	vor.u32 v41, v35;
	v33 =	vor.u32 v41, v23;
	[tilespmem:v4+s26+$0x0] =	vst.idx.msk $0xffff, v27;
	v4 =	vor.u32 s18, v37  }
0x4f9: {  	v57 =	vor.u32 s19, v16;
	[tilespmem:v22+s26+$0x0] =	vst.idx.msk $0xffff, v9;
	v27 =	vld.idx.msk [tilespmem:v30+s0+$0x0], $0xffff;
	v30 =	vor.u32 s10, v0;
	v40 =	vor.u32 v4, v43  }
0x4fa: {  	v4 =	vshll.u32 v4, $0x7;
	v22 =	vld.idx.msk [tilespmem:v1+s0+$0x0], $0xffff;
	v1 =	vshll.u32 v29, $0x7;
	[tilespmem:v3+s26+$0x0] =	vst.idx.msk $0xffff, v60;
	v3 =	vor.u32 s19, v37  }
0x4fb: {  	v63 =	vor.u32 v30, v43;
	[tilespmem:v8+s26+$0x0] =	vst.idx.msk $0xffff, v39;
	v8 =	vor.u32 s19, v38;
	v29 =	vor.u32 v41, v1  }
0x4fc: {  	[tilespmem:v49+s26+$0x0] =	vst.idx.msk $0xffff, v11;
	v11 =	vshll.u32 v30, $0x7;
	v30 =	vor.u32 s10, v20;
	v1 =	vor.u32 s23, v37;
	v23 =	vld.idx.msk [tilespmem:v32+s0+$0x0], $0xffff  }
0x4fd: {  	v49 =	vld.idx.msk [tilespmem:v51+s0+$0x0], $0xffff;
	v5 =	vor.u32 v3, v43;
	v3 =	vshll.u32 v3, $0x7;
	v51 =	vor.u32 v30, v43  }
0x4fe: {  	v2 =	vld.idx.msk [tilespmem:v2+s0+$0x0], $0xffff;
	v0 =	vor.u32 v1, v43;
	v1 =	vshll.u32 v1, $0x7;
	v9 =	vor.u32 v41, v3  }
0x4ff: {  	v6 =	vor.u32 v41, v1;
	v1 =	vor.u32 v41, v4;
	v4 =	vor.u32 s18, v38;
	[tilespmem:v10+s26+$0x0] =	vst.idx.msk $0xffff, v27  }
0x500: {  	v3 =	vor.u32 s23, v38;
	v38 =	vor.u32 s10, v38;
	v10 =	vshll.u32 v4, $0x7;
	[tilespmem:v29+s26+$0x0] =	vst.idx.msk $0xffff, v22  }
0x501: {  	v28 =	vld.idx.msk [tilespmem:v28+s0+$0x0], $0xffff;
	v10 =	vor.u32 v41, v10;
	v22 =	vor.u32 v3, v43;
	[tilespmem:v25+s26+$0x0] =	vst.idx.msk $0xffff, v23  }
0x502: {  	v25 =	vshll.u32 v8, $0x7;
	v29 =	vor.u32 v41, v11;
	v23 =	vor.u32 v4, v43;
	v27 =	vld.idx.msk [tilespmem:v63+s0+$0x0], $0xffff  }
0x503: {  	v4 =	vor.u32 v8, v43;
	v3 =	vshll.u32 v3, $0x7;
	[tilespmem:v56+s26+$0x0] =	vst.idx.msk $0xffff, v2;
	v2 =	vor.u32 s18, v16;
	v32 =	vld.idx.msk [tilespmem:v52+s0+$0x0], $0xffff  }
0x504: {  	v8 =	vor.u32 v41, v25;
	v3 =	vor.u32 v41, v3;
	v25 =	vld.idx.msk [tilespmem:v59+s0+$0x0], $0xffff;
	v59 =	vor.u32 s23, v16  }
0x505: {  	[tilespmem:v46+s26+$0x0] =	vst.idx.msk $0xffff, v53;
	v11 =	vor.u32 v2, v43;
	v63 =	vor.u32 v57, v43;
	v2 =	vshll.u32 v2, $0x7  }
0x506: {  	v52 =	vshll.u32 v57, $0x7;
	v53 =	vor.u32 s23, v21;
	v39 =	vor.u32 v59, v43;
	[tilespmem:v31+s26+$0x0] =	vst.idx.msk $0xffff, v28  }
0x507: {  	[tilespmem:v45+s26+$0x0] =	vst.idx.msk $0xffff, v58;
	v62 =	vor.u32 v41, v2;
	v2 =	vshll.u32 v30, $0x7;
	v30 =	vor.u32 s18, v21;
	v26 =	vld.idx.msk [tilespmem:v26+s0+$0x0], $0xffff  }
0x508: {  	v61 =	vor.u32 v53, v43;
	v60 =	vor.u32 v30, v43;
	[tilespmem:v29+s26+$0x0] =	vst.idx.msk $0xffff, v27;
	v29 =	vld.idx.msk [tilespmem:v47+s0+$0x0], $0xffff  }
0x509: {  	v30 =	vshll.u32 v30, $0x7;
	v31 =	vor.u32 v41, v2;
	[tilespmem:v34+s26+$0x0] =	vst.idx.msk $0xffff, v32;
	v32 =	vor.u32 s10, v37;
	v28 =	vld.idx.msk [tilespmem:v51+s0+$0x0], $0xffff  }
0x50a: {  	[tilespmem:v54+s26+$0x0] =	vst.idx.msk $0xffff, v49;
	v27 =	vshll.u32 v59, $0x7;
	v59 =	vor.u32 v41, v52;
	v34 =	vor.u32 v32, v43  }
0x50b: {  	v54 =	vor.u32 s23, v7;
	[tilespmem:v24+s26+$0x0] =	vst.idx.msk $0xffff, v25;
	v25 =	vor.u32 s19, v21;
	v2 =	vor.u32 v41, v27;
	v27 =	vld.idx.msk [tilespmem:v36+s0+$0x0], $0xffff  }
0x50c: {  	v52 =	vor.u32 v41, v30;
	v30 =	vor.u32 s18, v19;
	v24 =	vld.idx.msk [tilespmem:v44+s0+$0x0], $0xffff;
	v57 =	vor.u32 v25, v43  }
0x50d: {  	v44 =	vld.idx.msk [tilespmem:v50+s0+$0x0], $0xffff;
	v36 =	vshll.u32 v53, $0x7;
	v25 =	vshll.u32 v25, $0x7;
	v53 =	vor.u32 v30, v43;
	[tilespmem:v33+s26+$0x0] =	vst.idx.msk $0xffff, v26  }
0x50e: {  	v50 =	vor.u32 v41, v25;
	v25 =	vor.u32 s23, v19;
	v26 =	vshll.u32 v32, $0x7;
	[tilespmem:v31+s26+$0x0] =	vst.idx.msk $0xffff, v28  }
0x50f: {  	s15 =	sadd.s32 $0x4, s15;
	v51 =	vor.u32 v54, v43;
	v56 =	vor.u32 v25, v43;
	v32 =	vor.u32 v41, v26;
	v31 =	vld.idx.msk [tilespmem:v34+s0+$0x0], $0xffff  }
0x510: {  	p1 =	slt.u32 s15, $0x3C;
	v25 =	vshll.u32 v25, $0x7;
	v0 =	vld.idx.msk [tilespmem:v0+s0+$0x0], $0xffff;
	[tilespmem:v35+s26+$0x0] =	vst.idx.msk $0xffff, v27;
	v27 =	vshll.u32 v30, $0x7;
	v30 =	vor.u32 v38, v43  }
.Ltmp3:
0x511: {  	v58 =	vor.u32 v41, v36;
	v49 =	vor.u32 v41, v25;
	v25 =	vor.u32 s19, v7;
	(pc) =	sbr.rel @p1 .LBB2_9-.Ltmp3, $4  }
0x512: {  	v33 =	vlaneseq.u32;
	v28 =	vor.u32 s19, v19;
	v35 =	vmovc v12;
	[tilespmem:v55+s26+$0x0] =	vst.idx.msk $0xffff, v44;
	v44 =	vor.u32 v25, v43;
	v26 =	vld.idx.msk [tilespmem:v40+s0+$0x0], $0xffff  }
0x513: {  	v55 =	vor.u32 v28, v43;
	v28 =	vshll.u32 v28, $0x7;
	v46 =	vor.u32 v41, v27;
	[tilespmem:v48+s26+$0x0] =	vst.idx.msk $0xffff, v29  }
0x514: {  	v25 =	vshll.u32 v25, $0x7;
	v27 =	vld.idx.msk [tilespmem:v5+s0+$0x0], $0xffff;
	v5 =	vor.u32 s18, v7;
	v45 =	vor.u32 v41, v28;
	[tilespmem:v32+s26+$0x0] =	vst.idx.msk $0xffff, v31  }
0x515: {  	s16 =	sadd.s32 $0x8, s16;
	v29 =	vshll.u32 v38, $0x7;
	v47 =	vor.u32 v5, v43;
	v48 =	vshll.u32 v5, $0x7;
	[tilespmem:v6+s26+$0x0] =	vst.idx.msk $0xffff, v0;
	v28 =	vld.idx.msk [tilespmem:v30+s0+$0x0], $0xffff  }
0x516: {  	v38 =	vld [tilespmem:$0x1FFD0];
	_ =	sdelay $0x4  }
0x517: {  	v0 =	vor.u32 v41, v29;
	v5 =	vor.u32 s10, v38  }
0x518: {  	[tilespmem:v1+s26+$0x0] =	vst.idx.msk $0xffff, v26;
	v1 =	vld.idx.msk [tilespmem:v22+s0+$0x0], $0xffff;
	v6 =	vor.u32 v5, v43;
	_ =	sdelay $0x1  }
0x519: {  	[tilespmem:v9+s26+$0x0] =	vst.idx.msk $0xffff, v27;
	v9 =	vld.idx.msk [tilespmem:v23+s0+$0x0], $0xffff  }
0x51a: {  	v4 =	vld.idx.msk [tilespmem:v4+s0+$0x0], $0xffff  }
0x51b: {  	[tilespmem:v0+s26+$0x0] =	vst.idx.msk $0xffff, v28;
	v0 =	vshll.u32 v5, $0x7  }
0x51c: {  	[tilespmem:v3+s26+$0x0] =	vst.idx.msk $0xffff, v1;
	v3 =	vor.u32 s10, v21;
	v0 =	vor.u32 v41, v0;
	v1 =	vld.idx.msk [tilespmem:v6+s0+$0x0], $0xffff  }
0x51d: {  	v5 =	vld.idx.msk [tilespmem:v39+s0+$0x0], $0xffff;
	v6 =	vor.u32 v3, v43  }
0x51e: {  	[tilespmem:v10+s26+$0x0] =	vst.idx.msk $0xffff, v9  }
0x51f: {  	[tilespmem:v8+s26+$0x0] =	vst.idx.msk $0xffff, v4;
	v4 =	vld.idx.msk [tilespmem:v11+s0+$0x0], $0xffff;
	_ =	sdelay $0x1  }
0x520: {  	v8 =	vld.idx.msk [tilespmem:v63+s0+$0x0], $0xffff;
	[tilespmem:v0+s26+$0x0] =	vst.idx.msk $0xffff, v1  }
0x521: {  	[tilespmem:v2+s26+$0x0] =	vst.idx.msk $0xffff, v5;
	v0 =	vshll.u32 v3, $0x7;
	v1 =	vld.idx.msk [tilespmem:v6+s0+$0x0], $0xffff  }
0x522: {  	v0 =	vor.u32 v41, v0;
	v34 =	vld [tilespmem:$0x1FDF0]  }
0x523: {  	[tilespmem:v62+s26+$0x0] =	vst.idx.msk $0xffff, v4;
	v4 =	vld.idx.msk [tilespmem:v61+s0+$0x0], $0xffff;
	_ =	sdelay $0x2  }
0x524: {  	[tilespmem:v59+s26+$0x0] =	vst.idx.msk $0xffff, v8;
	v5 =	vld.idx.msk [tilespmem:v60+s0+$0x0], $0xffff  }
0x525: {  	v6 =	vld.idx.msk [tilespmem:v57+s0+$0x0], $0xffff;
	[tilespmem:v0+s26+$0x0] =	vst.idx.msk $0xffff, v1  }
0x526: {  	v2 =	vor.u32 s10, v34;
	[tilespmem:v58+s26+$0x0] =	vst.idx.msk $0xffff, v4  }
0x527: {  	v3 =	vor.u32 v2, v43;
	v19 =	vld [tilespmem:$0x1FE10];
	_ =	sdelay $0x1  }
0x528: {  	[tilespmem:v52+s26+$0x0] =	vst.idx.msk $0xffff, v5;
	v4 =	vld.idx.msk [tilespmem:v56+s0+$0x0], $0xffff  }
0x529: {  	[tilespmem:v50+s26+$0x0] =	vst.idx.msk $0xffff, v6;
	v5 =	vld.idx.msk [tilespmem:v53+s0+$0x0], $0xffff  }
0x52a: {  	v0 =	vshll.u32 v2, $0x7;
	v6 =	vld.idx.msk [tilespmem:v55+s0+$0x0], $0xffff  }
0x52b: {  	v0 =	vor.u32 v41, v0;
	v1 =	vld.idx.msk [tilespmem:v3+s0+$0x0], $0xffff;
	v2 =	vor.u32 s10, v19  }
0x52c: {  	v3 =	vor.u32 v2, v43  }
0x52d: {  	[tilespmem:v49+s26+$0x0] =	vst.idx.msk $0xffff, v4  }
0x52e: {  	[tilespmem:v46+s26+$0x0] =	vst.idx.msk $0xffff, v5  }
0x52f: {  	v4 =	vor.u32 v41, v48;
	[tilespmem:v45+s26+$0x0] =	vst.idx.msk $0xffff, v6;
	v5 =	vld.idx.msk [tilespmem:v47+s0+$0x0], $0xffff  }
0x530: {  	v6 =	vor.u32 v41, v25;
	v8 =	vld.idx.msk [tilespmem:v44+s0+$0x0], $0xffff;
	[tilespmem:v0+s26+$0x0] =	vst.idx.msk $0xffff, v1;
	v0 =	vshll.u32 v2, $0x7  }
0x531: {  	v1 =	vshll.u32 v54, $0x7;
	v2 =	vld.idx.msk [tilespmem:v3+s0+$0x0], $0xffff;
	v0 =	vor.u32 v41, v0  }
0x532: {  	v1 =	vor.u32 v41, v1;
	v3 =	vld.idx.msk [tilespmem:v51+s0+$0x0], $0xffff  }
0x533: {  	s5 =	smul.u32 $0xFA000, s5;
	[tilespmem:v42+s26+$0x0] =	vst.idx.msk $0xffff, v24  }
0x534: {  	[tilespmem:v4+s26+$0x0] =	vst.idx.msk $0xffff, v5  }
0x535: {  	s21 =	sadd.s32 s7, s5;
	[tilespmem:v6+s26+$0x0] =	vst.idx.msk $0xffff, v8  }
0x536: {  	s13 =	sshrl.u32 s21, $0x3;
	[tilespmem:v0+s26+$0x0] =	vst.idx.msk $0xffff, v2  }
0x537: {  	s18 =	simm.s32 @p0 $0x4;
	s13 =	sadd.s32 s1, s13;
	s10 =	simm.s32 $0x0;
	[tilespmem:v1+s26+$0x0] =	vst.idx.msk $0xffff, v3  }
0x538: {  	[hbm4b:s13+s11] =	stream.strided.scatter [tilespmem:s26], [sflag:$0x3], $0x4000, s12, s11, $0x38;
	v7 =	vld [tilespmem:$0x1FE30]  }
0x539: {  	s15 =	sand.u32 $0x70, s10;
	_ =	swait.ge @p0 [sflag:s18], $0x4000  }
0x53a: {  	s16 =	sand.u32 $0x40, s10;
	v41 =	vor.u32 s15, v33;
	[sflag:s18] =	ssyncset.done @p0 $0x0  }
0x53b: {  	s17 =	sor.u32 $0xB0, s16;
	v0 =	vshll.u32 v41, $0x8;
	[sflag:s18] =	ssyncadd.s32 @p0 $0xFFFFC000;
	s18 =	simm.s32 @!p0 $0x4  }
0x53c: {  	v2 =	vor.u32 s17, v33;
	v0 =	vand.u32 $0x7800, v0;
	_ =	swait.ge @!p0 [sflag:s18], $0x3400  }
0x53d: {  	v2 =	vand.u32 $0x7F, v2;
	v45 =	vor.u32 v7, v0;
	v62 =	vld [tilespmem:$0x1FE20]  }
0x53e: {  	v2 =	vor.u32 v2, v45;
	_ =	sdelay $0x1  }
0x53f: {  	s22 =	sor.u32 $0x80, s16;
	v8 =	vmov s17  }
0x540: {  	v4 =	vmov s22;
	v46 =	vshll.u32 v8, $0x7;
	[sflag:s18] =	ssyncset.done @!p0 $0x0  }
0x541: {  	v44 =	vshll.u32 v4, $0x7;
	[sflag:s18] =	ssyncadd.s32 @!p0 $0xFFFFCC00;
	v4 =	vadd.s32 v62, v46  }
0x542: {  	s23 =	sor.u32 $0x90, s16;
	v2 =	vld.idx.msk [tilespmem:v2+s0+$0x0], $0xffff;
	v4 =	vor.u32 v41, v4  }
0x543: {  	s16 =	sor.u32 $0xA0, s16;
	v5 =	vmov s23;
	v1 =	vor.u32 s22, v33  }
0x544: {  	v43 =	vshll.u32 v5, $0x7;
	v3 =	vor.u32 s16, v33;
	v1 =	vand.u32 $0x4F, v1  }
0x545: {  	v3 =	vand.u32 $0x6F, v3;
	v0 =	vor.u32 s23, v33;
	v1 =	vor.u32 v1, v45  }
0x546: {  	v5 =	vor.u32 s17, v35;
	v0 =	vand.u32 $0x5F, v0;
	v3 =	vor.u32 v3, v45  }
0x547: {  	v5 =	vand.u32 $0x7F, v5;
	v0 =	vor.u32 v0, v45;
	[tilespmem:v4+s28+$0x0] =	vst.idx.msk $0xffff, v2  }
0x548: {  	v10 =	vor.u32 s22, v35;
	v11 =	vor.u32 s23, v35;
	v5 =	vor.u32 v5, v45;
	v55 =	vld [tilespmem:$0x1FFA0]  }
0x549: {  	v22 =	vor.u32 s16, v35;
	v10 =	vand.u32 $0x4F, v10;
	v6 =	vmov s16  }
0x54a: {  	v11 =	vand.u32 $0x5F, v11;
	v42 =	vshll.u32 v6, $0x7;
	v6 =	vadd.s32 v62, v44;
	v1 =	vld.idx.msk [tilespmem:v1+s0+$0x0], $0xffff  }
0x54b: {  	v22 =	vand.u32 $0x6F, v22;
	v8 =	vadd.s32 v62, v43;
	v6 =	vor.u32 v41, v6;
	v3 =	vld.idx.msk [tilespmem:v3+s0+$0x0], $0xffff  }
0x54c: {  	v10 =	vor.u32 v10, v45;
	v9 =	vadd.s32 v62, v42;
	v8 =	vor.u32 v41, v8;
	v0 =	vld.idx.msk [tilespmem:v0+s0+$0x0], $0xffff  }
0x54d: {  	v11 =	vor.u32 v11, v45;
	v9 =	vor.u32 v41, v9;
	v4 =	vld.idx.msk [tilespmem:v5+s0+$0x0], $0xffff;
	v5 =	vadd.s32 v55, v46  }
0x54e: {  	v2 =	vor.u32 v22, v45;
	v5 =	vor.u32 v41, v5;
	_ =	sdelay $0x1  }
0x54f: {  	v22 =	vor.u32 s17, v13;
	[tilespmem:v6+s28+$0x0] =	vst.idx.msk $0xffff, v1  }
0x550: {  	v22 =	vand.u32 $0x7F, v22;
	[tilespmem:v8+s28+$0x0] =	vst.idx.msk $0xffff, v0;
	v8 =	vld.idx.msk [tilespmem:v10+s0+$0x0], $0xffff;
	v24 =	vadd.s32 v55, v44  }
0x551: {  	[tilespmem:v9+s28+$0x0] =	vst.idx.msk $0xffff, v3;
	v3 =	vld.idx.msk [tilespmem:v11+s0+$0x0], $0xffff;
	v1 =	vadd.s32 v55, v43;
	v24 =	vor.u32 v41, v24  }
0x552: {  	v2 =	vld.idx.msk [tilespmem:v2+s0+$0x0], $0xffff;
	v0 =	vadd.s32 v55, v42;
	v1 =	vor.u32 v41, v1;
	[tilespmem:v5+s28+$0x0] =	vst.idx.msk $0xffff, v4  }
0x553: {  	v22 =	vor.u32 v22, v45;
	v0 =	vor.u32 v41, v0;
	v54 =	vld [tilespmem:$0x1FF90]  }
0x554: {  	v23 =	vor.u32 s22, v13  }
0x555: {  	v6 =	vor.u32 s23, v13;
	v10 =	vand.u32 $0x4F, v23;
	v23 =	vor.u32 s16, v13  }
0x556: {  	v6 =	vand.u32 $0x5F, v6;
	v9 =	vor.u32 v10, v45;
	v10 =	vand.u32 $0x6F, v23;
	[tilespmem:v24+s28+$0x0] =	vst.idx.msk $0xffff, v8  }
0x557: {  	v6 =	vor.u32 v6, v45;
	v4 =	vor.u32 v10, v45;
	v10 =	vor.u32 s17, v14;
	[tilespmem:v1+s28+$0x0] =	vst.idx.msk $0xffff, v3  }
0x558: {  	v11 =	vld.idx.msk [tilespmem:v22+s0+$0x0], $0xffff;
	v10 =	vand.u32 $0x7F, v10;
	[tilespmem:v0+s28+$0x0] =	vst.idx.msk $0xffff, v2;
	v5 =	vadd.s32 v54, v46  }
0x559: {  	v8 =	vor.u32 s22, v14;
	v24 =	vor.u32 s23, v14;
	v53 =	vld [tilespmem:$0x1FF80];
	v5 =	vor.u32 v41, v5  }
0x55a: {  	v10 =	vor.u32 v10, v45;
	v8 =	vand.u32 $0x4F, v8;
	v22 =	vadd.s32 v54, v44  }
0x55b: {  	v3 =	vld.idx.msk [tilespmem:v9+s0+$0x0], $0xffff;
	v2 =	vor.u32 v8, v45;
	v23 =	vadd.s32 v54, v43;
	v9 =	vor.u32 v41, v22  }
0x55c: {  	v6 =	vld.idx.msk [tilespmem:v6+s0+$0x0], $0xffff;
	v25 =	vadd.s32 v54, v42;
	v22 =	vor.u32 v41, v23;
	v23 =	vand.u32 $0x5F, v24  }
0x55d: {  	v1 =	vor.u32 s16, v14;
	v4 =	vld.idx.msk [tilespmem:v4+s0+$0x0], $0xffff;
	v0 =	vor.u32 v41, v25;
	v8 =	vor.u32 v23, v45  }
0x55e: {  	v1 =	vand.u32 $0x6F, v1;
	v23 =	vadd.s32 v53, v46;
	[tilespmem:v5+s28+$0x0] =	vst.idx.msk $0xffff, v11  }
0x55f: {  	v1 =	vor.u32 v1, v45;
	v11 =	vor.u32 v41, v23;
	v10 =	vld.idx.msk [tilespmem:v10+s0+$0x0], $0xffff  }
0x560: {  	[tilespmem:v9+s28+$0x0] =	vst.idx.msk $0xffff, v3  }
0x561: {  	v24 =	vadd.s32 v53, v43;
	[tilespmem:v22+s28+$0x0] =	vst.idx.msk $0xffff, v6;
	v2 =	vld.idx.msk [tilespmem:v2+s0+$0x0], $0xffff  }
0x562: {  	v25 =	vor.u32 s22, v15;
	v5 =	vor.u32 s17, v15;
	v23 =	vadd.s32 v53, v44;
	[tilespmem:v0+s28+$0x0] =	vst.idx.msk $0xffff, v4;
	v8 =	vld.idx.msk [tilespmem:v8+s0+$0x0], $0xffff  }
0x563: {  	v3 =	vadd.s32 v53, v42;
	v5 =	vand.u32 $0x7F, v5;
	v22 =	vor.u32 v41, v23;
	v12 =	vld [tilespmem:$0x1FFF0]  }
0x564: {  	v23 =	vor.u32 v41, v24;
	v1 =	vld.idx.msk [tilespmem:v1+s0+$0x0], $0xffff;
	v5 =	vor.u32 v5, v45;
	[tilespmem:v11+s28+$0x0] =	vst.idx.msk $0xffff, v10  }
0x565: {  	v24 =	vand.u32 $0x4F, v25;
	v0 =	vor.u32 v41, v3;
	v52 =	vld [tilespmem:$0x1FF70]  }
0x566: {  	v9 =	vor.u32 s23, v15;
	v3 =	vor.u32 v24, v45  }
0x567: {  	v6 =	vor.u32 s16, v15;
	v9 =	vand.u32 $0x5F, v9  }
0x568: {  	v6 =	vand.u32 $0x6F, v6;
	v9 =	vor.u32 v9, v45;
	v11 =	vor.u32 s17, v12;
	[tilespmem:v22+s28+$0x0] =	vst.idx.msk $0xffff, v2  }
0x569: {  	v6 =	vor.u32 v6, v45;
	v4 =	vor.u32 s22, v12;
	v5 =	vld.idx.msk [tilespmem:v5+s0+$0x0], $0xffff;
	v11 =	vand.u32 $0x7F, v11;
	[tilespmem:v23+s28+$0x0] =	vst.idx.msk $0xffff, v8  }
0x56a: {  	v4 =	vand.u32 $0x4F, v4;
	[tilespmem:v0+s28+$0x0] =	vst.idx.msk $0xffff, v1;
	v2 =	vor.u32 v11, v45;
	v10 =	vadd.s32 v52, v46  }
0x56b: {  	v11 =	vor.u32 s23, v12;
	v3 =	vld.idx.msk [tilespmem:v3+s0+$0x0], $0xffff;
	v24 =	vadd.s32 v52, v44;
	v10 =	vor.u32 v41, v10  }
0x56c: {  	v0 =	vor.u32 v4, v45;
	v51 =	vld [tilespmem:$0x1FF60];
	v25 =	vadd.s32 v52, v43;
	v23 =	vor.u32 v41, v24  }
0x56d: {  	v9 =	vld.idx.msk [tilespmem:v9+s0+$0x0], $0xffff;
	v11 =	vand.u32 $0x5F, v11;
	v22 =	vadd.s32 v52, v42;
	v24 =	vor.u32 v41, v25  }
0x56e: {  	v8 =	vor.u32 s16, v12;
	v6 =	vld.idx.msk [tilespmem:v6+s0+$0x0], $0xffff;
	v4 =	vor.u32 v11, v45;
	v22 =	vor.u32 v41, v22  }
0x56f: {  	v1 =	vand.u32 $0x6F, v8  }
0x570: {  	v1 =	vor.u32 v1, v45;
	[tilespmem:v10+s28+$0x0] =	vst.idx.msk $0xffff, v5  }
0x571: {  	v11 =	vor.u32 s17, v17;
	v8 =	vadd.s32 v51, v46;
	[tilespmem:v23+s28+$0x0] =	vst.idx.msk $0xffff, v3;
	v2 =	vld.idx.msk [tilespmem:v2+s0+$0x0], $0xffff  }
0x572: {  	v5 =	vor.u32 v41, v8;
	v10 =	vadd.s32 v51, v44;
	[tilespmem:v24+s28+$0x0] =	vst.idx.msk $0xffff, v9;
	v0 =	vld.idx.msk [tilespmem:v0+s0+$0x0], $0xffff  }
0x573: {  	v25 =	vadd.s32 v51, v43;
	[tilespmem:v22+s28+$0x0] =	vst.idx.msk $0xffff, v6;
	v10 =	vor.u32 v41, v10;
	v4 =	vld.idx.msk [tilespmem:v4+s0+$0x0], $0xffff  }
0x574: {  	v8 =	vand.u32 $0x7F, v11;
	v23 =	vadd.s32 v51, v42;
	v24 =	vor.u32 v41, v25;
	v50 =	vld [tilespmem:$0x1FF50]  }
0x575: {  	v8 =	vor.u32 v8, v45;
	v23 =	vor.u32 v41, v23;
	v1 =	vld.idx.msk [tilespmem:v1+s0+$0x0], $0xffff  }
0x576: {  	v11 =	vor.u32 s22, v17;
	v3 =	vor.u32 s23, v17  }
0x577: {  	v9 =	vor.u32 s16, v17;
	v6 =	vor.u32 s22, v18;
	v11 =	vand.u32 $0x4F, v11;
	[tilespmem:v5+s28+$0x0] =	vst.idx.msk $0xffff, v2  }
0x578: {  	v25 =	vor.u32 s17, v18;
	v3 =	vand.u32 $0x5F, v3;
	v11 =	vor.u32 v11, v45;
	[tilespmem:v10+s28+$0x0] =	vst.idx.msk $0xffff, v0  }
0x579: {  	v9 =	vand.u32 $0x6F, v9;
	v3 =	vor.u32 v3, v45;
	v22 =	vadd.s32 v50, v46;
	[tilespmem:v24+s28+$0x0] =	vst.idx.msk $0xffff, v4  }
0x57a: {  	v9 =	vor.u32 v9, v45;
	[tilespmem:v23+s28+$0x0] =	vst.idx.msk $0xffff, v1;
	v2 =	vor.u32 v41, v22;
	v8 =	vld.idx.msk [tilespmem:v8+s0+$0x0], $0xffff  }
0x57b: {  	v6 =	vand.u32 $0x4F, v6;
	v5 =	vand.u32 $0x7F, v25;
	v49 =	vld [tilespmem:$0x1FF40]  }
0x57c: {  	v6 =	vor.u32 v6, v45;
	v5 =	vor.u32 v5, v45  }
0x57d: {  	v25 =	vadd.s32 v50, v43;
	v0 =	vor.u32 s23, v18;
	v22 =	vadd.s32 v50, v44;
	v11 =	vld.idx.msk [tilespmem:v11+s0+$0x0], $0xffff  }
0x57e: {  	v10 =	vadd.s32 v50, v42;
	v24 =	vor.u32 v41, v25;
	v3 =	vld.idx.msk [tilespmem:v3+s0+$0x0], $0xffff;
	v22 =	vor.u32 v41, v22  }
0x57f: {  	v4 =	vor.u32 s16, v18;
	v0 =	vand.u32 $0x5F, v0;
	v1 =	vor.u32 v41, v10;
	v9 =	vld.idx.msk [tilespmem:v9+s0+$0x0], $0xffff;
	[tilespmem:v2+s28+$0x0] =	vst.idx.msk $0xffff, v8  }
0x580: {  	v4 =	vand.u32 $0x6F, v4;
	v0 =	vor.u32 v0, v45;
	v10 =	vadd.s32 v49, v46;
	v56 =	vld [tilespmem:$0x1FFE0]  }
0x581: {  	v4 =	vor.u32 v4, v45;
	v8 =	vor.u32 v41, v10;
	v5 =	vld.idx.msk [tilespmem:v5+s0+$0x0], $0xffff;
	_ =	sdelay $0x1  }
0x582: {  	v10 =	vadd.s32 v49, v44;
	[tilespmem:v22+s28+$0x0] =	vst.idx.msk $0xffff, v11  }
0x583: {  	v23 =	vadd.s32 v49, v43;
	[tilespmem:v24+s28+$0x0] =	vst.idx.msk $0xffff, v3;
	v6 =	vld.idx.msk [tilespmem:v6+s0+$0x0], $0xffff;
	v10 =	vor.u32 v41, v10  }
0x584: {  	v11 =	vadd.s32 v49, v42;
	v23 =	vor.u32 v41, v23;
	[tilespmem:v1+s28+$0x0] =	vst.idx.msk $0xffff, v9;
	v0 =	vld.idx.msk [tilespmem:v0+s0+$0x0], $0xffff  }
0x585: {  	v1 =	vor.u32 v41, v11;
	v4 =	vld.idx.msk [tilespmem:v4+s0+$0x0], $0xffff;
	v2 =	vor.u32 s17, v56;
	[tilespmem:v8+s28+$0x0] =	vst.idx.msk $0xffff, v5  }
0x586: {  	v25 =	vor.u32 s22, v56;
	v2 =	vand.u32 $0x7F, v2;
	v48 =	vld [tilespmem:$0x1FF30]  }
0x587: {  	v22 =	vor.u32 s23, v56;
	v24 =	vand.u32 $0x4F, v25;
	v2 =	vor.u32 v2, v45  }
0x588: {  	v3 =	vor.u32 s16, v56;
	v22 =	vand.u32 $0x5F, v22;
	[tilespmem:v10+s28+$0x0] =	vst.idx.msk $0xffff, v6;
	v9 =	vor.u32 v24, v45  }
0x589: {  	v3 =	vand.u32 $0x6F, v3;
	[tilespmem:v23+s28+$0x0] =	vst.idx.msk $0xffff, v0;
	v5 =	vor.u32 v22, v45  }
0x58a: {  	[tilespmem:v1+s28+$0x0] =	vst.idx.msk $0xffff, v4;
	v3 =	vor.u32 v3, v45  }
0x58b: {  	v47 =	vld [tilespmem:$0x1FF20];
	v8 =	vadd.s32 v48, v46  }
0x58c: {  	v22 =	vor.u32 s17, v20;
	v24 =	vadd.s32 v48, v44;
	v2 =	vld.idx.msk [tilespmem:v2+s0+$0x0], $0xffff;
	v8 =	vor.u32 v41, v8  }
0x58d: {  	v22 =	vand.u32 $0x7F, v22;
	v25 =	vadd.s32 v48, v43;
	v9 =	vld.idx.msk [tilespmem:v9+s0+$0x0], $0xffff;
	v23 =	vor.u32 v41, v24  }
0x58e: {  	v6 =	vor.u32 v22, v45;
	v22 =	vadd.s32 v48, v42;
	v24 =	vor.u32 v41, v25;
	v5 =	vld.idx.msk [tilespmem:v5+s0+$0x0], $0xffff  }
0x58f: {  	v22 =	vor.u32 v41, v22;
	v3 =	vld.idx.msk [tilespmem:v3+s0+$0x0], $0xffff  }
0x590: {  	v11 =	vor.u32 s22, v20  }
0x591: {  	v11 =	vand.u32 $0x4F, v11;
	v10 =	vor.u32 s23, v20;
	[tilespmem:v8+s28+$0x0] =	vst.idx.msk $0xffff, v2  }
0x592: {  	v1 =	vor.u32 v11, v45;
	v10 =	vand.u32 $0x5F, v10;
	[tilespmem:v23+s28+$0x0] =	vst.idx.msk $0xffff, v9  }
0x593: {  	v0 =	vor.u32 s16, v20;
	v4 =	vor.u32 v10, v45;
	[tilespmem:v24+s28+$0x0] =	vst.idx.msk $0xffff, v5  }
0x594: {  	v11 =	vor.u32 s17, v37;
	v0 =	vand.u32 $0x6F, v0;
	v10 =	vadd.s32 v47, v46;
	[tilespmem:v22+s28+$0x0] =	vst.idx.msk $0xffff, v3;
	v6 =	vld.idx.msk [tilespmem:v6+s0+$0x0], $0xffff  }
0x595: {  	v0 =	vor.u32 v0, v45;
	v2 =	vor.u32 v41, v10;
	v8 =	vand.u32 $0x7F, v11;
	v40 =	vld [tilespmem:$0x1FF10]  }
0x596: {  	v8 =	vor.u32 v8, v45  }
0x597: {  	v10 =	vadd.s32 v47, v44;
	v1 =	vld.idx.msk [tilespmem:v1+s0+$0x0], $0xffff  }
0x598: {  	v25 =	vadd.s32 v47, v43;
	v10 =	vor.u32 v41, v10;
	v4 =	vld.idx.msk [tilespmem:v4+s0+$0x0], $0xffff  }
0x599: {  	v23 =	vadd.s32 v47, v42;
	v24 =	vor.u32 v41, v25;
	v59 =	vld [tilespmem:$0x1FFC0]  }
0x59a: {  	v23 =	vor.u32 v41, v23;
	v0 =	vld.idx.msk [tilespmem:v0+s0+$0x0], $0xffff;
	v22 =	vadd.s32 v40, v46;
	[tilespmem:v2+s28+$0x0] =	vst.idx.msk $0xffff, v6  }
0x59b: {  	v2 =	vor.u32 v41, v22;
	v8 =	vld.idx.msk [tilespmem:v8+s0+$0x0], $0xffff;
	_ =	sdelay $0x1  }
0x59c: {  	v11 =	vor.u32 s22, v37;
	[tilespmem:v10+s28+$0x0] =	vst.idx.msk $0xffff, v1  }
0x59d: {  	v9 =	vor.u32 s23, v37;
	v11 =	vand.u32 $0x4F, v11;
	[tilespmem:v24+s28+$0x0] =	vst.idx.msk $0xffff, v4  }
0x59e: {  	v5 =	vor.u32 s16, v37;
	v9 =	vand.u32 $0x5F, v9;
	v11 =	vor.u32 v11, v45;
	[tilespmem:v23+s28+$0x0] =	vst.idx.msk $0xffff, v0  }
0x59f: {  	v5 =	vand.u32 $0x6F, v5;
	v9 =	vor.u32 v9, v45;
	v25 =	vor.u32 s17, v59;
	[tilespmem:v2+s28+$0x0] =	vst.idx.msk $0xffff, v8  }
0x5a0: {  	v5 =	vor.u32 v5, v45;
	v6 =	vand.u32 $0x7F, v25;
	v39 =	vld [tilespmem:$0x1FF00]  }
0x5a1: {  	v6 =	vor.u32 v6, v45  }
0x5a2: {  	v22 =	vadd.s32 v40, v44  }
0x5a3: {  	v1 =	vadd.s32 v40, v43;
	v11 =	vld.idx.msk [tilespmem:v11+s0+$0x0], $0xffff;
	v22 =	vor.u32 v41, v22  }
0x5a4: {  	v4 =	vadd.s32 v40, v42;
	v1 =	vor.u32 v41, v1;
	v9 =	vld.idx.msk [tilespmem:v9+s0+$0x0], $0xffff  }
0x5a5: {  	v0 =	vor.u32 v41, v4;
	v5 =	vld.idx.msk [tilespmem:v5+s0+$0x0], $0xffff;
	v2 =	vadd.s32 v39, v46  }
0x5a6: {  	v6 =	vld.idx.msk [tilespmem:v6+s0+$0x0], $0xffff;
	v2 =	vor.u32 v41, v2  }
0x5a7: {  	v3 =	vor.u32 s22, v59  }
0x5a8: {  	v10 =	vor.u32 s23, v59;
	v3 =	vand.u32 $0x4F, v3;
	[tilespmem:v22+s28+$0x0] =	vst.idx.msk $0xffff, v11  }
0x5a9: {  	v24 =	vor.u32 s16, v59;
	v10 =	vand.u32 $0x5F, v10;
	v3 =	vor.u32 v3, v45;
	[tilespmem:v1+s28+$0x0] =	vst.idx.msk $0xffff, v9  }
0x5aa: {  	v23 =	vand.u32 $0x6F, v24;
	v10 =	vor.u32 v10, v45;
	v8 =	vor.u32 s17, v38;
	[tilespmem:v0+s28+$0x0] =	vst.idx.msk $0xffff, v5  }
0x5ab: {  	v23 =	vor.u32 v23, v45;
	v8 =	vand.u32 $0x7F, v8;
	[tilespmem:v2+s28+$0x0] =	vst.idx.msk $0xffff, v6  }
0x5ac: {  	v8 =	vor.u32 v8, v45;
	v32 =	vld [tilespmem:$0x1FEF0];
	_ =	sdelay $0x1  }
0x5ad: {  	v3 =	vld.idx.msk [tilespmem:v3+s0+$0x0], $0xffff;
	v24 =	vadd.s32 v39, v44  }
0x5ae: {  	v10 =	vld.idx.msk [tilespmem:v10+s0+$0x0], $0xffff;
	v11 =	vadd.s32 v39, v43;
	v9 =	vor.u32 v41, v24  }
0x5af: {  	v5 =	vld.idx.msk [tilespmem:v23+s0+$0x0], $0xffff;
	v1 =	vadd.s32 v39, v42;
	v11 =	vor.u32 v41, v11  }
0x5b0: {  	v0 =	vor.u32 v41, v1;
	v6 =	vld.idx.msk [tilespmem:v8+s0+$0x0], $0xffff;
	v8 =	vadd.s32 v32, v46  }
0x5b1: {  	v8 =	vor.u32 v41, v8;
	_ =	sdelay $0x1  }
0x5b2: {  	v4 =	vor.u32 s22, v38;
	[tilespmem:v9+s28+$0x0] =	vst.idx.msk $0xffff, v3  }
0x5b3: {  	v4 =	vand.u32 $0x4F, v4;
	v22 =	vor.u32 s23, v38;
	[tilespmem:v11+s28+$0x0] =	vst.idx.msk $0xffff, v10  }
0x5b4: {  	v22 =	vand.u32 $0x5F, v22;
	v24 =	vor.u32 s16, v38;
	v1 =	vor.u32 v4, v45;
	[tilespmem:v0+s28+$0x0] =	vst.idx.msk $0xffff, v5  }
0x5b5: {  	v23 =	vand.u32 $0x6F, v24;
	v2 =	vor.u32 v22, v45;
	v22 =	vor.u32 s17, v21;
	[tilespmem:v8+s28+$0x0] =	vst.idx.msk $0xffff, v6  }
0x5b6: {  	v23 =	vor.u32 v23, v45;
	v22 =	vand.u32 $0x7F, v22;
	v31 =	vld [tilespmem:$0x1FEE0]  }
0x5b7: {  	v9 =	vor.u32 v22, v45  }
0x5b8: {  	v24 =	vadd.s32 v32, v44  }
0x5b9: {  	v1 =	vld.idx.msk [tilespmem:v1+s0+$0x0], $0xffff;
	v3 =	vadd.s32 v32, v43;
	v24 =	vor.u32 v41, v24  }
0x5ba: {  	v2 =	vld.idx.msk [tilespmem:v2+s0+$0x0], $0xffff;
	v10 =	vadd.s32 v32, v42;
	v0 =	vor.u32 v41, v3  }
0x5bb: {  	v5 =	vor.u32 v41, v10;
	v10 =	vld.idx.msk [tilespmem:v23+s0+$0x0], $0xffff;
	v6 =	vadd.s32 v31, v46  }
0x5bc: {  	v9 =	vld.idx.msk [tilespmem:v9+s0+$0x0], $0xffff;
	v6 =	vor.u32 v41, v6;
	_ =	sdelay $0x1  }
0x5bd: {  	v4 =	vor.u32 s22, v21;
	[tilespmem:v24+s28+$0x0] =	vst.idx.msk $0xffff, v1  }
0x5be: {  	v22 =	vor.u32 s23, v21;
	v3 =	vand.u32 $0x4F, v4;
	[tilespmem:v0+s28+$0x0] =	vst.idx.msk $0xffff, v2  }
0x5bf: {  	v11 =	vor.u32 s16, v21;
	v4 =	vand.u32 $0x5F, v22;
	v3 =	vor.u32 v3, v45;
	[tilespmem:v5+s28+$0x0] =	vst.idx.msk $0xffff, v10  }
0x5c0: {  	v11 =	vand.u32 $0x6F, v11;
	v4 =	vor.u32 v4, v45;
	v8 =	vor.u32 s17, v34;
	[tilespmem:v6+s28+$0x0] =	vst.idx.msk $0xffff, v9  }
0x5c1: {  	v11 =	vor.u32 v11, v45;
	v8 =	vand.u32 $0x7F, v8;
	v30 =	vld [tilespmem:$0x1FED0]  }
0x5c2: {  	v8 =	vor.u32 v8, v45  }
0x5c3: {  	v22 =	vadd.s32 v31, v44  }
0x5c4: {  	v3 =	vld.idx.msk [tilespmem:v3+s0+$0x0], $0xffff;
	v23 =	vadd.s32 v31, v43;
	v22 =	vor.u32 v41, v22  }
0x5c5: {  	v4 =	vld.idx.msk [tilespmem:v4+s0+$0x0], $0xffff;
	v2 =	vadd.s32 v31, v42;
	v10 =	vor.u32 v41, v23  }
0x5c6: {  	v11 =	vld.idx.msk [tilespmem:v11+s0+$0x0], $0xffff;
	v2 =	vor.u32 v41, v2;
	v6 =	vadd.s32 v30, v46  }
0x5c7: {  	v1 =	vor.u32 s22, v34;
	v8 =	vld.idx.msk [tilespmem:v8+s0+$0x0], $0xffff;
	v6 =	vor.u32 v41, v6  }
0x5c8: {  	v1 =	vand.u32 $0x4F, v1  }
0x5c9: {  	v0 =	vor.u32 s23, v34;
	v1 =	vor.u32 v1, v45;
	[tilespmem:v22+s28+$0x0] =	vst.idx.msk $0xffff, v3  }
0x5ca: {  	v5 =	vor.u32 s16, v34;
	v0 =	vand.u32 $0x5F, v0;
	[tilespmem:v10+s28+$0x0] =	vst.idx.msk $0xffff, v4  }
0x5cb: {  	v5 =	vand.u32 $0x6F, v5;
	v0 =	vor.u32 v0, v45;
	v9 =	vor.u32 s17, v19;
	[tilespmem:v2+s28+$0x0] =	vst.idx.msk $0xffff, v11  }
0x5cc: {  	v36 =	vmovc v13;
	v63 =	vmov v15;
	v3 =	vor.u32 v5, v45;
	v5 =	vand.u32 $0x7F, v9;
	[tilespmem:v6+s28+$0x0] =	vst.idx.msk $0xffff, v8  }
0x5cd: {  	v57 =	vmovc v20;
	v60 =	vmovc v38;
	v4 =	vor.u32 s22, v19;
	v2 =	vor.u32 s23, v19;
	v5 =	vor.u32 v5, v45;
	v29 =	vld [tilespmem:$0x1FEC0]  }
0x5ce: {  	v58 =	vmovc v37;
	v13 =	vmovc v17;
	v15 =	vmov v7;
	v9 =	vld.idx.msk [tilespmem:v1+s0+$0x0], $0xffff;
	v1 =	vand.u32 $0x4F, v4;
	v4 =	vand.u32 $0x5F, v2  }
0x5cf: {  	v7 =	vmovc v19;
	v17 =	vmovc v56;
	v22 =	vor.u32 v1, v45;
	v23 =	vadd.s32 v30, v44;
	v6 =	vor.u32 s16, v19  }
0x5d0: {  	v20 =	vmovc v59;
	v2 =	vld.idx.msk [tilespmem:v0+s0+$0x0], $0xffff;
	v11 =	vadd.s32 v30, v43;
	v23 =	vor.u32 v41, v23;
	v0 =	vand.u32 $0x6F, v6  }
0x5d1: {  	v3 =	vld.idx.msk [tilespmem:v3+s0+$0x0], $0xffff;
	v11 =	vor.u32 v41, v11;
	v1 =	vor.u32 v0, v45;
	v0 =	vadd.s32 v30, v42  }
0x5d2: {  	s15 =	simm.s32 $0x8;
	s13 =	simm.s32 $0x0;
	v10 =	vor.u32 v4, v45;
	v8 =	vld.idx.msk [tilespmem:v5+s0+$0x0], $0xffff;
	v4 =	vor.u32 v41, v0;
	v24 =	vadd.s32 v29, v46  }
.LBB2_11:
0x5d3: {  	s16 =	sand.u32 $0x70, s15;
	s13 =	sadd.s32 $0x4, s13;
	v0 =	vadd.s32 v29, v44;
	v5 =	vadd.s32 v29, v43;
	v6 =	vor.u32 v41, v24;
	s10 =	sadd.s32 $0x40, s10  }
0x5d4: {  	v25 =	vadd.s32 v29, v42;
	v24 =	vor.u32 s16, v33;
	s17 =	sand.u32 $0x40, s10;
	p1 =	slt.u32 s13, $0x3C;
	v0 =	vor.u32 v41, v0  }
0x5d5: {  	v5 =	vor.u32 v41, v5;
	s19 =	sor.u32 $0x80, s17;
	v26 =	vshll.u32 v24, $0x8;
	s16 =	sor.u32 $0x90, s17;
	s18 =	sor.u32 $0xB0, s17;
	[tilespmem:v23+s28+$0x0] =	vst.idx.msk $0xffff, v9;
	v9 =	vor.u32 v41, v25  }
0x5d6: {  	s17 =	sor.u32 $0xA0, s17;
	v41 =	vmovc v24;
	v23 =	vor.u32 s19, v33;
	v25 =	vand.u32 $0x7800, v26;
	v26 =	vor.u32 s18, v33;
	v22 =	vld.idx.msk [tilespmem:v22+s0+$0x0], $0xffff;
	[tilespmem:v11+s28+$0x0] =	vst.idx.msk $0xffff, v2  }
0x5d7: {  	v2 =	vor.u32 s16, v33;
	v45 =	vor.u32 v15, v25;
	v11 =	vand.u32 $0x7F, v26;
	v10 =	vld.idx.msk [tilespmem:v10+s0+$0x0], $0xffff;
	[tilespmem:v4+s28+$0x0] =	vst.idx.msk $0xffff, v3  }
0x5d8: {  	v3 =	vand.u32 $0x4F, v23;
	v4 =	vor.u32 s17, v33;
	v11 =	vor.u32 v11, v45;
	v1 =	vld.idx.msk [tilespmem:v1+s0+$0x0], $0xffff;
	[tilespmem:v6+s28+$0x0] =	vst.idx.msk $0xffff, v8  }
0x5d9: {  	v2 =	vand.u32 $0x5F, v2;
	v3 =	vor.u32 v3, v45;
	v4 =	vand.u32 $0x6F, v4  }
0x5da: {  	v6 =	vmov s19;
	v2 =	vor.u32 v2, v45;
	v4 =	vor.u32 v4, v45  }
0x5db: {  	v24 =	vmov s18;
	v23 =	vmov s17;
	v8 =	vmov s16  }
0x5dc: {  	v46 =	vshll.u32 v24, $0x7;
	v44 =	vshll.u32 v6, $0x7;
	v43 =	vshll.u32 v8, $0x7;
	[tilespmem:v0+s28+$0x0] =	vst.idx.msk $0xffff, v22  }
0x5dd: {  	v42 =	vshll.u32 v23, $0x7;
	v6 =	vadd.s32 v62, v46;
	v8 =	vor.u32 s18, v35;
	v0 =	vld.idx.msk [tilespmem:v11+s0+$0x0], $0xffff;
	[tilespmem:v5+s28+$0x0] =	vst.idx.msk $0xffff, v10  }
0x5de: {  	v6 =	vor.u32 v41, v6;
	v8 =	vand.u32 $0x7F, v8;
	v5 =	vadd.s32 v62, v44;
	v3 =	vld.idx.msk [tilespmem:v3+s0+$0x0], $0xffff  }
0x5df: {  	v8 =	vor.u32 v8, v45;
	v10 =	vadd.s32 v62, v43;
	v11 =	vadd.s32 v62, v42;
	v2 =	vld.idx.msk [tilespmem:v2+s0+$0x0], $0xffff  }
0x5e0: {  	v24 =	vor.u32 s17, v35;
	v23 =	vor.u32 s16, v35;
	v22 =	vor.u32 s19, v35;
	v4 =	vld.idx.msk [tilespmem:v4+s0+$0x0], $0xffff  }
0x5e1: {  	v5 =	vor.u32 v41, v5;
	v10 =	vor.u32 v41, v10;
	v11 =	vor.u32 v41, v11  }
0x5e2: {  	v24 =	vand.u32 $0x6F, v24;
	v23 =	vand.u32 $0x5F, v23;
	v22 =	vand.u32 $0x4F, v22;
	[tilespmem:v9+s28+$0x0] =	vst.idx.msk $0xffff, v1  }
0x5e3: {  	v1 =	vor.u32 v22, v45;
	v9 =	vor.u32 s19, v36;
	v22 =	vor.u32 v23, v45;
	[tilespmem:v6+s28+$0x0] =	vst.idx.msk $0xffff, v0  }
0x5e4: {  	v23 =	vor.u32 s18, v36;
	v0 =	vor.u32 v24, v45;
	v6 =	vld.idx.msk [tilespmem:v8+s0+$0x0], $0xffff;
	v8 =	vadd.s32 v55, v46  }
0x5e5: {  	v24 =	vadd.s32 v55, v44;
	v23 =	vand.u32 $0x7F, v23;
	v8 =	vor.u32 v41, v8  }
0x5e6: {  	v23 =	vor.u32 v23, v45;
	[tilespmem:v5+s28+$0x0] =	vst.idx.msk $0xffff, v3;
	v3 =	vadd.s32 v55, v43;
	v5 =	vor.u32 s16, v36  }
0x5e7: {  	v24 =	vor.u32 v41, v24;
	[tilespmem:v10+s28+$0x0] =	vst.idx.msk $0xffff, v2;
	v2 =	vadd.s32 v55, v42;
	v10 =	vor.u32 s17, v36  }
0x5e8: {  	v3 =	vor.u32 v41, v3;
	v1 =	vld.idx.msk [tilespmem:v1+s0+$0x0], $0xffff;
	[tilespmem:v11+s28+$0x0] =	vst.idx.msk $0xffff, v4;
	v2 =	vor.u32 v41, v2  }
0x5e9: {  	v5 =	vand.u32 $0x5F, v5;
	v4 =	vand.u32 $0x4F, v9;
	v10 =	vand.u32 $0x6F, v10;
	v9 =	vld.idx.msk [tilespmem:v22+s0+$0x0], $0xffff  }
0x5ea: {  	v5 =	vor.u32 v5, v45;
	v4 =	vor.u32 v4, v45;
	v0 =	vld.idx.msk [tilespmem:v0+s0+$0x0], $0xffff;
	[tilespmem:v8+s28+$0x0] =	vst.idx.msk $0xffff, v6  }
0x5eb: {  	v11 =	vor.u32 s18, v14;
	v6 =	vor.u32 v10, v45;
	v10 =	vadd.s32 v54, v46;
	v8 =	vld.idx.msk [tilespmem:v23+s0+$0x0], $0xffff  }
0x5ec: {  	v22 =	vadd.s32 v54, v44;
	v11 =	vand.u32 $0x7F, v11;
	v10 =	vor.u32 v41, v10  }
0x5ed: {  	v25 =	vadd.s32 v54, v42;
	v11 =	vor.u32 v11, v45;
	v23 =	vadd.s32 v54, v43  }
0x5ee: {  	v26 =	vor.u32 s17, v14;
	[tilespmem:v24+s28+$0x0] =	vst.idx.msk $0xffff, v1;
	v1 =	vor.u32 s19, v14;
	v24 =	vor.u32 s16, v14  }
0x5ef: {  	v22 =	vor.u32 v41, v22;
	v4 =	vld.idx.msk [tilespmem:v4+s0+$0x0], $0xffff;
	[tilespmem:v3+s28+$0x0] =	vst.idx.msk $0xffff, v9;
	v3 =	vor.u32 v41, v23  }
0x5f0: {  	v1 =	vand.u32 $0x4F, v1;
	v9 =	vand.u32 $0x5F, v24;
	v5 =	vld.idx.msk [tilespmem:v5+s0+$0x0], $0xffff;
	[tilespmem:v2+s28+$0x0] =	vst.idx.msk $0xffff, v0;
	v0 =	vor.u32 v41, v25  }
0x5f1: {  	v23 =	vand.u32 $0x6F, v26;
	v1 =	vor.u32 v1, v45;
	v2 =	vor.u32 s19, v63;
	v6 =	vld.idx.msk [tilespmem:v6+s0+$0x0], $0xffff;
	[tilespmem:v10+s28+$0x0] =	vst.idx.msk $0xffff, v8  }
0x5f2: {  	v8 =	vor.u32 v9, v45;
	v10 =	vadd.s32 v53, v46;
	v9 =	vld.idx.msk [tilespmem:v11+s0+$0x0], $0xffff;
	v11 =	vor.u32 s18, v63  }
0x5f3: {  	v23 =	vor.u32 v23, v45;
	v10 =	vor.u32 v41, v10;
	v11 =	vand.u32 $0x7F, v11  }
0x5f4: {  	v24 =	vadd.s32 v53, v44;
	v25 =	vadd.s32 v53, v43;
	v11 =	vor.u32 v11, v45  }
0x5f5: {  	v26 =	vor.u32 s17, v63;
	[tilespmem:v22+s28+$0x0] =	vst.idx.msk $0xffff, v4;
	v4 =	vor.u32 s16, v63;
	v22 =	vadd.s32 v53, v42  }
0x5f6: {  	v24 =	vor.u32 v41, v24;
	v1 =	vld.idx.msk [tilespmem:v1+s0+$0x0], $0xffff;
	[tilespmem:v3+s28+$0x0] =	vst.idx.msk $0xffff, v5;
	v3 =	vor.u32 v41, v25  }
0x5f7: {  	v2 =	vand.u32 $0x4F, v2;
	v4 =	vand.u32 $0x5F, v4;
	v5 =	vld.idx.msk [tilespmem:v8+s0+$0x0], $0xffff;
	[tilespmem:v0+s28+$0x0] =	vst.idx.msk $0xffff, v6;
	v0 =	vor.u32 v41, v22  }
0x5f8: {  	v2 =	vor.u32 v2, v45;
	v6 =	vor.u32 s19, v12;
	v22 =	vand.u32 $0x6F, v26;
	v8 =	vld.idx.msk [tilespmem:v23+s0+$0x0], $0xffff;
	[tilespmem:v10+s28+$0x0] =	vst.idx.msk $0xffff, v9  }
0x5f9: {  	v4 =	vor.u32 v4, v45;
	v10 =	vadd.s32 v52, v46;
	v9 =	vld.idx.msk [tilespmem:v11+s0+$0x0], $0xffff;
	v11 =	vor.u32 s18, v12  }
0x5fa: {  	v22 =	vor.u32 v22, v45;
	v10 =	vor.u32 v41, v10;
	v11 =	vand.u32 $0x7F, v11  }
0x5fb: {  	v25 =	vadd.s32 v52, v43;
	v23 =	vadd.s32 v52, v44;
	v11 =	vor.u32 v11, v45  }
0x5fc: {  	v26 =	vor.u32 s17, v12;
	[tilespmem:v24+s28+$0x0] =	vst.idx.msk $0xffff, v1;
	v1 =	vor.u32 s16, v12;
	v24 =	vadd.s32 v52, v42  }
0x5fd: {  	v23 =	vor.u32 v41, v23;
	v2 =	vld.idx.msk [tilespmem:v2+s0+$0x0], $0xffff;
	[tilespmem:v3+s28+$0x0] =	vst.idx.msk $0xffff, v5;
	v3 =	vor.u32 v41, v25  }
0x5fe: {  	v5 =	vand.u32 $0x4F, v6;
	v1 =	vand.u32 $0x5F, v1;
	v4 =	vld.idx.msk [tilespmem:v4+s0+$0x0], $0xffff;
	[tilespmem:v0+s28+$0x0] =	vst.idx.msk $0xffff, v8;
	v0 =	vor.u32 v41, v24  }
0x5ff: {  	v6 =	vor.u32 s19, v13;
	v5 =	vor.u32 v5, v45;
	v8 =	vld.idx.msk [tilespmem:v22+s0+$0x0], $0xffff;
	v22 =	vand.u32 $0x6F, v26;
	[tilespmem:v10+s28+$0x0] =	vst.idx.msk $0xffff, v9  }
0x600: {  	v1 =	vor.u32 v1, v45;
	v10 =	vadd.s32 v51, v46;
	v9 =	vld.idx.msk [tilespmem:v11+s0+$0x0], $0xffff;
	v11 =	vor.u32 s18, v13  }
0x601: {  	v22 =	vor.u32 v22, v45;
	v10 =	vor.u32 v41, v10;
	v11 =	vand.u32 $0x7F, v11  }
0x602: {  	v25 =	vadd.s32 v51, v43;
	v24 =	vadd.s32 v51, v44;
	v11 =	vor.u32 v11, v45  }
0x603: {  	v26 =	vor.u32 s17, v13;
	[tilespmem:v23+s28+$0x0] =	vst.idx.msk $0xffff, v2;
	v2 =	vor.u32 s16, v13;
	v23 =	vadd.s32 v51, v42  }
0x604: {  	v24 =	vor.u32 v41, v24;
	v5 =	vld.idx.msk [tilespmem:v5+s0+$0x0], $0xffff;
	[tilespmem:v3+s28+$0x0] =	vst.idx.msk $0xffff, v4;
	v3 =	vor.u32 v41, v25  }
0x605: {  	v4 =	vand.u32 $0x4F, v6;
	v2 =	vand.u32 $0x5F, v2;
	v1 =	vld.idx.msk [tilespmem:v1+s0+$0x0], $0xffff;
	[tilespmem:v0+s28+$0x0] =	vst.idx.msk $0xffff, v8;
	v0 =	vor.u32 v41, v23  }
0x606: {  	v6 =	vor.u32 s19, v18;
	v4 =	vor.u32 v4, v45;
	v8 =	vld.idx.msk [tilespmem:v22+s0+$0x0], $0xffff;
	v22 =	vand.u32 $0x6F, v26;
	[tilespmem:v10+s28+$0x0] =	vst.idx.msk $0xffff, v9  }
0x607: {  	v2 =	vor.u32 v2, v45;
	v10 =	vadd.s32 v50, v46;
	v9 =	vld.idx.msk [tilespmem:v11+s0+$0x0], $0xffff;
	v11 =	vor.u32 s18, v18  }
0x608: {  	v22 =	vor.u32 v22, v45;
	v10 =	vor.u32 v41, v10;
	v11 =	vand.u32 $0x7F, v11  }
0x609: {  	v25 =	vadd.s32 v50, v43;
	v23 =	vadd.s32 v50, v44;
	v11 =	vor.u32 v11, v45  }
0x60a: {  	v26 =	vor.u32 s17, v18;
	[tilespmem:v24+s28+$0x0] =	vst.idx.msk $0xffff, v5;
	v5 =	vor.u32 s16, v18;
	v24 =	vadd.s32 v50, v42  }
0x60b: {  	v23 =	vor.u32 v41, v23;
	v4 =	vld.idx.msk [tilespmem:v4+s0+$0x0], $0xffff;
	[tilespmem:v3+s28+$0x0] =	vst.idx.msk $0xffff, v1;
	v1 =	vor.u32 v41, v25  }
0x60c: {  	v3 =	vand.u32 $0x4F, v6;
	v5 =	vand.u32 $0x5F, v5;
	v2 =	vld.idx.msk [tilespmem:v2+s0+$0x0], $0xffff;
	[tilespmem:v0+s28+$0x0] =	vst.idx.msk $0xffff, v8;
	v0 =	vor.u32 v41, v24  }
0x60d: {  	v6 =	vor.u32 s19, v17;
	v3 =	vor.u32 v3, v45;
	v8 =	vld.idx.msk [tilespmem:v22+s0+$0x0], $0xffff;
	v22 =	vand.u32 $0x6F, v26;
	[tilespmem:v10+s28+$0x0] =	vst.idx.msk $0xffff, v9  }
0x60e: {  	v5 =	vor.u32 v5, v45;
	v10 =	vadd.s32 v49, v46;
	v9 =	vld.idx.msk [tilespmem:v11+s0+$0x0], $0xffff;
	v11 =	vor.u32 s18, v17  }
0x60f: {  	v22 =	vor.u32 v22, v45;
	v10 =	vor.u32 v41, v10;
	v11 =	vand.u32 $0x7F, v11  }
0x610: {  	v25 =	vadd.s32 v49, v43;
	v24 =	vadd.s32 v49, v44;
	v11 =	vor.u32 v11, v45  }
0x611: {  	v26 =	vor.u32 s17, v17;
	[tilespmem:v23+s28+$0x0] =	vst.idx.msk $0xffff, v4;
	v4 =	vor.u32 s16, v17;
	v23 =	vadd.s32 v49, v42  }
0x612: {  	v24 =	vor.u32 v41, v24;
	v3 =	vld.idx.msk [tilespmem:v3+s0+$0x0], $0xffff;
	[tilespmem:v1+s28+$0x0] =	vst.idx.msk $0xffff, v2;
	v1 =	vor.u32 v41, v25  }
0x613: {  	v2 =	vand.u32 $0x4F, v6;
	v4 =	vand.u32 $0x5F, v4;
	v5 =	vld.idx.msk [tilespmem:v5+s0+$0x0], $0xffff;
	[tilespmem:v0+s28+$0x0] =	vst.idx.msk $0xffff, v8;
	v0 =	vor.u32 v41, v23  }
0x614: {  	v6 =	vor.u32 s19, v57;
	v2 =	vor.u32 v2, v45;
	v8 =	vld.idx.msk [tilespmem:v22+s0+$0x0], $0xffff;
	v22 =	vand.u32 $0x6F, v26;
	[tilespmem:v10+s28+$0x0] =	vst.idx.msk $0xffff, v9  }
0x615: {  	v4 =	vor.u32 v4, v45;
	v10 =	vadd.s32 v48, v46;
	v9 =	vld.idx.msk [tilespmem:v11+s0+$0x0], $0xffff;
	v11 =	vor.u32 s18, v57  }
0x616: {  	v22 =	vor.u32 v22, v45;
	v10 =	vor.u32 v41, v10;
	v11 =	vand.u32 $0x7F, v11  }
0x617: {  	v25 =	vadd.s32 v48, v43;
	v23 =	vadd.s32 v48, v44;
	v11 =	vor.u32 v11, v45  }
0x618: {  	v26 =	vor.u32 s17, v57;
	[tilespmem:v24+s28+$0x0] =	vst.idx.msk $0xffff, v3;
	v3 =	vor.u32 s16, v57;
	v24 =	vadd.s32 v48, v42  }
0x619: {  	v23 =	vor.u32 v41, v23;
	v2 =	vld.idx.msk [tilespmem:v2+s0+$0x0], $0xffff;
	[tilespmem:v1+s28+$0x0] =	vst.idx.msk $0xffff, v5;
	v1 =	vor.u32 v41, v25  }
0x61a: {  	v5 =	vand.u32 $0x4F, v6;
	v3 =	vand.u32 $0x5F, v3;
	v4 =	vld.idx.msk [tilespmem:v4+s0+$0x0], $0xffff;
	[tilespmem:v0+s28+$0x0] =	vst.idx.msk $0xffff, v8;
	v0 =	vor.u32 v41, v24  }
0x61b: {  	v6 =	vor.u32 s19, v58;
	v5 =	vor.u32 v5, v45;
	v8 =	vld.idx.msk [tilespmem:v22+s0+$0x0], $0xffff;
	v22 =	vand.u32 $0x6F, v26;
	[tilespmem:v10+s28+$0x0] =	vst.idx.msk $0xffff, v9  }
0x61c: {  	v3 =	vor.u32 v3, v45;
	v10 =	vadd.s32 v47, v46;
	v9 =	vld.idx.msk [tilespmem:v11+s0+$0x0], $0xffff;
	v11 =	vor.u32 s18, v58  }
0x61d: {  	v22 =	vor.u32 v22, v45;
	v10 =	vor.u32 v41, v10;
	v11 =	vand.u32 $0x7F, v11  }
0x61e: {  	v25 =	vadd.s32 v47, v43;
	v24 =	vadd.s32 v47, v44;
	v11 =	vor.u32 v11, v45  }
0x61f: {  	v26 =	vor.u32 s17, v58;
	[tilespmem:v23+s28+$0x0] =	vst.idx.msk $0xffff, v2;
	v2 =	vor.u32 s16, v58;
	v23 =	vadd.s32 v47, v42  }
0x620: {  	v24 =	vor.u32 v41, v24;
	v5 =	vld.idx.msk [tilespmem:v5+s0+$0x0], $0xffff;
	[tilespmem:v1+s28+$0x0] =	vst.idx.msk $0xffff, v4;
	v1 =	vor.u32 v41, v25  }
0x621: {  	v4 =	vand.u32 $0x4F, v6;
	v2 =	vand.u32 $0x5F, v2;
	v3 =	vld.idx.msk [tilespmem:v3+s0+$0x0], $0xffff;
	[tilespmem:v0+s28+$0x0] =	vst.idx.msk $0xffff, v8;
	v0 =	vor.u32 v41, v23  }
0x622: {  	v6 =	vor.u32 s19, v20;
	v4 =	vor.u32 v4, v45;
	v8 =	vld.idx.msk [tilespmem:v22+s0+$0x0], $0xffff;
	v22 =	vand.u32 $0x6F, v26;
	[tilespmem:v10+s28+$0x0] =	vst.idx.msk $0xffff, v9  }
0x623: {  	v2 =	vor.u32 v2, v45;
	v10 =	vadd.s32 v40, v46;
	v9 =	vld.idx.msk [tilespmem:v11+s0+$0x0], $0xffff;
	v11 =	vor.u32 s18, v20  }
0x624: {  	v22 =	vor.u32 v22, v45;
	v10 =	vor.u32 v41, v10;
	v11 =	vand.u32 $0x7F, v11  }
0x625: {  	v25 =	vadd.s32 v40, v43;
	v23 =	vadd.s32 v40, v44;
	v11 =	vor.u32 v11, v45  }
0x626: {  	v26 =	vor.u32 s17, v20;
	[tilespmem:v24+s28+$0x0] =	vst.idx.msk $0xffff, v5;
	v5 =	vor.u32 s16, v20;
	v24 =	vadd.s32 v40, v42  }
0x627: {  	v23 =	vor.u32 v41, v23;
	v4 =	vld.idx.msk [tilespmem:v4+s0+$0x0], $0xffff;
	[tilespmem:v1+s28+$0x0] =	vst.idx.msk $0xffff, v3;
	v1 =	vor.u32 v41, v25  }
0x628: {  	v3 =	vand.u32 $0x4F, v6;
	v5 =	vand.u32 $0x5F, v5;
	v2 =	vld.idx.msk [tilespmem:v2+s0+$0x0], $0xffff;
	[tilespmem:v0+s28+$0x0] =	vst.idx.msk $0xffff, v8;
	v0 =	vor.u32 v41, v24  }
0x629: {  	v6 =	vor.u32 s19, v60;
	v3 =	vor.u32 v3, v45;
	v8 =	vld.idx.msk [tilespmem:v22+s0+$0x0], $0xffff;
	v22 =	vand.u32 $0x6F, v26;
	[tilespmem:v10+s28+$0x0] =	vst.idx.msk $0xffff, v9  }
0x62a: {  	v5 =	vor.u32 v5, v45;
	v10 =	vadd.s32 v39, v46;
	v9 =	vld.idx.msk [tilespmem:v11+s0+$0x0], $0xffff;
	v11 =	vor.u32 s18, v60  }
0x62b: {  	v22 =	vor.u32 v22, v45;
	v10 =	vor.u32 v41, v10;
	v11 =	vand.u32 $0x7F, v11  }
0x62c: {  	v25 =	vadd.s32 v39, v43;
	v24 =	vadd.s32 v39, v44;
	v11 =	vor.u32 v11, v45  }
0x62d: {  	v26 =	vor.u32 s17, v60;
	[tilespmem:v23+s28+$0x0] =	vst.idx.msk $0xffff, v4;
	v4 =	vor.u32 s16, v60;
	v23 =	vadd.s32 v39, v42  }
0x62e: {  	v24 =	vor.u32 v41, v24;
	v3 =	vld.idx.msk [tilespmem:v3+s0+$0x0], $0xffff;
	[tilespmem:v1+s28+$0x0] =	vst.idx.msk $0xffff, v2;
	v1 =	vor.u32 v41, v25  }
0x62f: {  	v2 =	vand.u32 $0x4F, v6;
	v4 =	vand.u32 $0x5F, v4;
	v5 =	vld.idx.msk [tilespmem:v5+s0+$0x0], $0xffff;
	[tilespmem:v0+s28+$0x0] =	vst.idx.msk $0xffff, v8;
	v0 =	vor.u32 v41, v23  }
0x630: {  	v6 =	vor.u32 s19, v21;
	v2 =	vor.u32 v2, v45;
	v8 =	vld.idx.msk [tilespmem:v22+s0+$0x0], $0xffff;
	v22 =	vand.u32 $0x6F, v26;
	[tilespmem:v10+s28+$0x0] =	vst.idx.msk $0xffff, v9  }
0x631: {  	v4 =	vor.u32 v4, v45;
	v10 =	vadd.s32 v32, v46;
	v9 =	vld.idx.msk [tilespmem:v11+s0+$0x0], $0xffff;
	v11 =	vor.u32 s18, v21  }
0x632: {  	v22 =	vor.u32 v22, v45;
	v10 =	vor.u32 v41, v10;
	v11 =	vand.u32 $0x7F, v11  }
0x633: {  	v25 =	vadd.s32 v32, v43;
	v23 =	vadd.s32 v32, v44;
	v11 =	vor.u32 v11, v45  }
0x634: {  	v26 =	vor.u32 s17, v21;
	[tilespmem:v24+s28+$0x0] =	vst.idx.msk $0xffff, v3;
	v3 =	vor.u32 s16, v21;
	v24 =	vadd.s32 v32, v42  }
0x635: {  	v23 =	vor.u32 v41, v23;
	v2 =	vld.idx.msk [tilespmem:v2+s0+$0x0], $0xffff;
	[tilespmem:v1+s28+$0x0] =	vst.idx.msk $0xffff, v5;
	v1 =	vor.u32 v41, v25  }
0x636: {  	v5 =	vand.u32 $0x4F, v6;
	v3 =	vand.u32 $0x5F, v3;
	v4 =	vld.idx.msk [tilespmem:v4+s0+$0x0], $0xffff;
	[tilespmem:v0+s28+$0x0] =	vst.idx.msk $0xffff, v8;
	v0 =	vor.u32 v41, v24  }
0x637: {  	v6 =	vor.u32 s19, v34;
	v5 =	vor.u32 v5, v45;
	v8 =	vld.idx.msk [tilespmem:v22+s0+$0x0], $0xffff;
	v22 =	vand.u32 $0x6F, v26;
	[tilespmem:v10+s28+$0x0] =	vst.idx.msk $0xffff, v9  }
0x638: {  	v3 =	vor.u32 v3, v45;
	v10 =	vadd.s32 v31, v46;
	v9 =	vld.idx.msk [tilespmem:v11+s0+$0x0], $0xffff;
	v11 =	vor.u32 s18, v34  }
0x639: {  	v22 =	vor.u32 v22, v45;
	v10 =	vor.u32 v41, v10;
	v11 =	vand.u32 $0x7F, v11  }
0x63a: {  	v25 =	vadd.s32 v31, v43;
	v24 =	vadd.s32 v31, v44;
	v11 =	vor.u32 v11, v45  }
0x63b: {  	v26 =	vor.u32 s17, v34;
	[tilespmem:v23+s28+$0x0] =	vst.idx.msk $0xffff, v2;
	v2 =	vor.u32 s16, v34;
	v23 =	vadd.s32 v31, v42  }
0x63c: {  	v24 =	vor.u32 v41, v24;
	v5 =	vld.idx.msk [tilespmem:v5+s0+$0x0], $0xffff;
	[tilespmem:v1+s28+$0x0] =	vst.idx.msk $0xffff, v4;
	v1 =	vor.u32 v41, v25  }
0x63d: {  	v4 =	vand.u32 $0x4F, v6;
	v2 =	vand.u32 $0x5F, v2;
	v3 =	vld.idx.msk [tilespmem:v3+s0+$0x0], $0xffff;
	[tilespmem:v0+s28+$0x0] =	vst.idx.msk $0xffff, v8;
	v0 =	vor.u32 v41, v23  }
0x63e: {  	v6 =	vor.u32 s19, v7;
	v4 =	vor.u32 v4, v45;
	v8 =	vld.idx.msk [tilespmem:v22+s0+$0x0], $0xffff;
	v22 =	vand.u32 $0x6F, v26;
	[tilespmem:v10+s28+$0x0] =	vst.idx.msk $0xffff, v9  }
0x63f: {  	v2 =	vor.u32 v2, v45;
	v9 =	vadd.s32 v30, v46;
	v10 =	vld.idx.msk [tilespmem:v11+s0+$0x0], $0xffff;
	v11 =	vor.u32 s18, v7  }
0x640: {  	v25 =	vor.u32 v22, v45;
	v26 =	vor.u32 v41, v9;
	v9 =	vand.u32 $0x7F, v11  }
0x641: {  	v22 =	vadd.s32 v30, v43;
	v11 =	vadd.s32 v30, v44;
	v27 =	vor.u32 v9, v45  }
.Ltmp4:
0x642: {  	v28 =	vor.u32 s17, v7;
	[tilespmem:v24+s28+$0x0] =	vst.idx.msk $0xffff, v5;
	v5 =	vor.u32 s16, v7;
	v24 =	vadd.s32 v30, v42;
	(pc) =	sbr.rel @p1 .LBB2_11-.Ltmp4, $4  }
0x643: {  	v23 =	vor.u32 v41, v11;
	v11 =	vor.u32 v41, v22;
	v9 =	vld.idx.msk [tilespmem:v4+s0+$0x0], $0xffff;
	[tilespmem:v1+s28+$0x0] =	vst.idx.msk $0xffff, v3  }
0x644: {  	v1 =	vand.u32 $0x4F, v6;
	v5 =	vand.u32 $0x5F, v5;
	v4 =	vor.u32 v41, v24;
	v2 =	vld.idx.msk [tilespmem:v2+s0+$0x0], $0xffff;
	[tilespmem:v0+s28+$0x0] =	vst.idx.msk $0xffff, v8  }
0x645: {  	v22 =	vor.u32 v1, v45;
	v0 =	vand.u32 $0x6F, v28;
	v3 =	vld.idx.msk [tilespmem:v25+s0+$0x0], $0xffff;
	[tilespmem:v26+s28+$0x0] =	vst.idx.msk $0xffff, v10  }
0x646: {  	s15 =	sadd.s32 $0x8, s15;
	v24 =	vadd.s32 v29, v46;
	v10 =	vor.u32 v5, v45;
	v1 =	vor.u32 v0, v45;
	v8 =	vld.idx.msk [tilespmem:v27+s0+$0x0], $0xffff  }
0x647: {  	_ =	sdelay $0x3  }
0x648: {  	v0 =	vadd.s32 v29, v44;
	v5 =	vor.u32 v41, v24;
	[tilespmem:v23+s28+$0x0] =	vst.idx.msk $0xffff, v9  }
0x649: {  	v6 =	vadd.s32 v29, v43;
	v0 =	vor.u32 v41, v0;
	v9 =	vld.idx.msk [tilespmem:v22+s0+$0x0], $0xffff;
	[tilespmem:v11+s28+$0x0] =	vst.idx.msk $0xffff, v2  }
0x64a: {  	v62 =	vadd.s32 v29, v42;
	v6 =	vor.u32 v41, v6;
	v10 =	vld.idx.msk [tilespmem:v10+s0+$0x0], $0xffff;
	[tilespmem:v4+s28+$0x0] =	vst.idx.msk $0xffff, v3  }
0x64b: {  	v2 =	vor.u32 v41, v62;
	v1 =	vld.idx.msk [tilespmem:v1+s0+$0x0], $0xffff;
	_ =	sdelay $0x1  }
0x64c: {  	s10 =	sadd.s32 @p0 s8, s5;
	s13 =	simm.s32 @p0 $0x400;
	s2 =	sadd.s32 $0x1, s2;
	[tilespmem:v5+s28+$0x0] =	vst.idx.msk $0xffff, v8  }
0x64d: {  	s15 =	simm.s32 @p0 $0x2000;
	s5 =	sadd.s32 @!p0 s5, s9;
	p1 =	sne.s32 s2, $0x19;
	[tilespmem:v0+s28+$0x0] =	vst.idx.msk $0xffff, v9  }
.Ltmp5:
0x64e: {  	s10 =	sshrl.u32 @p0 s10, $0x3;
	s5 =	sshrl.u32 @!p0 s5, $0x3;
	[tilespmem:v6+s28+$0x0] =	vst.idx.msk $0xffff, v10;
	(pc) =	sbr.rel @p1 .LBB2_2-.Ltmp5, $4  }
0x64f: {  	s16 =	simm.s32 @p0 $0x15C00;
	s10 =	sadd.s32 @p0 s1, s10;
	s5 =	sadd.s32 @!p0 s1, s5;
	[tilespmem:v2+s28+$0x0] =	vst.idx.msk $0xffff, v1  }
0x650: {  	[hbm4b:s10+s13] =	stream.strided.scatter @p0 [tilespmem:s16], [sflag:$0x4], $0x4000, s15, s13, $0x38;
	[tilespmem:$0x19C00] =	vst v63  }
0x651: {  	s10 =	simm.s32 @!p0 $0x400;
	s13 =	simm.s32 @!p0 $0x2000;
	s15 =	simm.s32 @!p0 $0x15C00  }
0x652: {  	[hbm4b:s5+s10] =	stream.strided.scatter @!p0 [tilespmem:s15], [sflag:$0x4], $0x3400, s13, s10, $0x38;
	[tilespmem:$0x19C00] =	vst v63  }
0x653: {  	_ =	swait.ge [sflag:s30], $0x4000  }
0x654: {  	[sflag:s30] =	ssyncset.done $0x0  }
0x655: {  	s2 =	simm.s32 @p0 $0x4;
	[sflag:s30] =	ssyncadd.s32 $0xFFFFC000  }
0x656: {  	_ =	swait.ge @p0 [sflag:s2], $0x4000  }
0x657: {  	[sflag:s2] =	ssyncset.done @p0 $0x0  }
0x658: {  	[sflag:s2] =	ssyncadd.s32 @p0 $0xFFFFC000;
	s2 =	simm.s32 @!p0 $0x4  }
0x659: {  	_ =	swait.ge @!p0 [sflag:s2], $0x3400  }
0x65a: {  	s10 =	rddreg [dreg:$0x5]  }
0x65b: {  	s5 =	rddreg [dreg:$0x4];
	s10 =	sadd.s32 $0x1, s10  }
0x65c: {  	p1 =	sne.s32 s10, s5  }
.Ltmp6:
0x65d: {  	_ = 	snop;
	(pc) =	sbr.rel @p1 .LBB2_1-.Ltmp6, $3  }
0x65e: {  	_ =	sdelay $0x1  }
0x65f: {  	[sflag:s2] =	ssyncset.done @!p0 $0x0  }
0x660: {  	[sflag:s2] =	ssyncadd.s32 @!p0 $0xFFFFCC00  }
0x661: {  	_ =	sfence.sel $0x180000  }
0x662: {  	[bflag:$0x0] =	sbarrier.arrive $0xFFFF  }
0x663: {  	_ =	strace $0x90000047  }
0x664: {  	s0 =	stileid.u32;
	[bflag:$0x2] =	sbarrier.arrive $0xFFFF  }
0x665: {  	p0 =	sne.s32 s0, $0x0;
	s0 =	rddreg [dreg:$0x2]  }
0x666: {  	s0 =	sadd.s32 @!p0 $0x100000, s0  }
0x667: {  	[sflag:s0] =	ssyncadd.tile.s32 @!p0 $0x1;
	_ =	shalt  }
.Lfunc_end2:
_tile_overlayer_lowered:
.L_overlay_start_2:
0x668: {  	(tag) =	ssettag $0x2  }
0x669: {  	s0 =	rddreg [dreg:$0x0];
	s2 =	stileid.u32  }
0x66a: {  	s1 =	rddreg [dreg:$0x1];
	p0 =	sne.s32 s2, $0x0  }
0x66b: {  	s3 =	rddreg [dreg:$0x2];
	[bflag:$0x3] =	sbarrier.arrive $0xFFFF;
	s2 =	simm.s32 @!p0 $0x1C05  }
0x66c: {  	[timem:s3], [sflag:s2] =	dma.local @!p0 [hbm:s0], s1  }
0x66d: {  	s0 =	simm.s32 @!p0 $0x5  }
0x66e: {  	_ =	swait.ge @!p0 [sflag:s0], s1  }
0x66f: {  	s1 =	ssub.s32 @!p0 $0x0, s1;
	[sflag:s0] =	ssyncset.done @!p0 $0x0  }
0x670: {  	[sflag:s0] =	ssyncadd.s32 @!p0 s1  }
0x671: {  	[bflag:$0x3] =	sbarrier.arrive $0xFFFF  }
0x672: {  	_ =	shalt  }

</sc_bundles>
